<compile_context>
chip_gen: v7x
topology: tpu7x:2x2x1
jax: 0.10.2.dev20260603
libtpu: 0.0.44.dev20260713+nightly
codegen_flags: <defaults>
</compile_context>

<pallas_src>
import jax
import jax.numpy as jnp
from jax import lax
from jax.experimental import pallas as pl
from jax.experimental.pallas import tpu as pltpu
from jax.experimental.pallas import tpu_sc as plsc

B, S, D = 2, 2048, 768
E, K, H = 64, 2, 512
T = B * S
NA = T * K
BS = 256
NB = NA // BS + E
NPAD = NB * BS

_F32 = jnp.float32
_I32 = jnp.int32


_TB = 512
_NTB = T // _TB


def _softplus(z):
    return jnp.maximum(z, 0.0) + jnp.log1p(jnp.exp(-jnp.abs(z)))


def _gating_body(x_ref, nz_ref, wgn_ref, bgn_ref,
                 w0_ref, w1_ref, s0_ref, s1_ref, be_ref, loss_ref,
                 cnt_ref, gp_ref, i0s, i1s, r0s, r1s):
    b = pl.program_id(0)
    x = x_ref[...]
    lg = jnp.dot(x, wgn_ref[...], preferred_element_type=_F32) + bgn_ref[...]
    logits = lg[:, :E]
    sp = _softplus(lg[:, E:])
    noisy = logits + nz_ref[...] * sp

    ie = lax.broadcasted_iota(_I32, (_TB, E), 1)
    m1 = jnp.max(noisy, axis=1, keepdims=True)
    i0 = jnp.min(jnp.where(noisy == m1, ie, E), axis=1, keepdims=True)
    noisy2 = jnp.where(ie == i0, -jnp.inf, noisy)
    m2 = jnp.max(noisy2, axis=1, keepdims=True)
    i1 = jnp.min(jnp.where(noisy2 == m2, ie, E), axis=1, keepdims=True)

    d = jnp.exp(m2 - m1)
    w0 = 1.0 / (1.0 + d)
    w1 = 1.0 - w0

    a0 = (ie == i0).astype(_F32)
    a1 = (ie == i1).astype(_F32)
    s = a0 + a1

    gmax = jnp.max(logits, axis=1, keepdims=True)
    ge = jnp.exp(logits - gmax)
    gp = ge / jnp.sum(ge, axis=1, keepdims=True)

    @pl.when(b == 0)
    def _():
        cnt_ref[...] = jnp.zeros_like(cnt_ref)
        gp_ref[...] = jnp.zeros_like(gp_ref)

    carry = cnt_ref[...]
    it = lax.broadcasted_iota(_I32, (_TB, _TB), 0)
    iu = lax.broadcasted_iota(_I32, (_TB, _TB), 1)
    lstrict = (iu < it).astype(_F32)
    p = jnp.dot(lstrict, s, preferred_element_type=_F32,
                precision=lax.Precision.HIGHEST) + carry
    r0 = jnp.sum(p * a0, axis=1, keepdims=True)
    r1 = jnp.sum(p * a1, axis=1, keepdims=True)

    cnt = carry + jnp.sum(s, axis=0, keepdims=True)
    cnt_ref[...] = cnt
    gp_ref[...] += jnp.sum(gp, axis=0, keepdims=True)
    tb = pl.ds(b * _TB, _TB)
    i0s[tb, :] = i0
    i1s[tb, :] = i1
    r0s[tb, :] = r0.astype(_I32)
    r1s[tb, :] = r1.astype(_I32)
    w0_ref[...] = w0
    w1_ref[...] = w1

    @pl.when(b == _NTB - 1)
    def _():
        nbk = jnp.floor((cnt + (BS - 1)) * (1.0 / BS))
        ie1 = lax.broadcasted_iota(_I32, (E, E), 0)
        ie2 = lax.broadcasted_iota(_I32, (E, E), 1)
        ltri = (ie1 < ie2).astype(_F32)
        blkbase = jnp.dot(nbk, ltri, preferred_element_type=_F32,
                          precision=lax.Precision.HIGHEST)
        padbase = blkbase * float(BS)

        iet = lax.broadcasted_iota(_I32, (T, E), 1)
        a0t = (iet == i0s[...]).astype(_F32)
        a1t = (iet == i1s[...]).astype(_F32)
        pb0 = jnp.sum(a0t * padbase, axis=1, keepdims=True)
        pb1 = jnp.sum(a1t * padbase, axis=1, keepdims=True)
        s0_ref[...] = r0s[...] + pb0.astype(_I32)
        s1_ref[...] = r1s[...] + pb1.astype(_I32)

        used = jnp.sum(nbk)
        ib = lax.broadcasted_iota(_I32, (1, NB), 1).astype(_F32)
        ibc = jnp.minimum(ib, used - 1.0)
        owns = (jnp.broadcast_to(blkbase.reshape(E, 1), (E, NB))
                <= jnp.broadcast_to(ibc, (E, NB)))
        bex = jnp.sum(owns.astype(_F32), axis=0, keepdims=True) - 1.0
        flag = (ib < used)
        be_ref[...] = jnp.concatenate(
            [bex.astype(_I32), flag.astype(_I32), ibc.astype(_I32)], axis=0)
        loss_ref[...] = jnp.sum(cnt * gp_ref[...]).reshape(1, 1) * (
            float(E) / (float(NA) * float(T)))


def _gating(xf, nz, Wg, bg, Wn, bn, interpret=False):
    v1 = pl.BlockSpec((T // _NTB, 1), lambda i: (i, 0))
    full = pl.BlockSpec((T, 1), lambda i: (0, 0))
    out = pl.pallas_call(
        _gating_body,
        grid=(_NTB,),
        in_specs=[
            pl.BlockSpec((_TB, D), lambda i: (i, 0)),
            pl.BlockSpec((_TB, E), lambda i: (i, 0)),
            pl.BlockSpec((D, 2 * E), lambda i: (0, 0)),
            pl.BlockSpec((1, 2 * E), lambda i: (0, 0)),
        ],
        out_specs=[v1, v1, full, full,
                   pl.BlockSpec((3, NB), lambda i: (0, 0)),
                   pl.BlockSpec((1, 1), lambda i: (0, 0)),
                   pl.BlockSpec((1, E), lambda i: (0, 0)),
                   pl.BlockSpec((1, E), lambda i: (0, 0))],
        out_shape=[
            jax.ShapeDtypeStruct((T, 1), _F32),
            jax.ShapeDtypeStruct((T, 1), _F32),
            jax.ShapeDtypeStruct((T, 1), _I32),
            jax.ShapeDtypeStruct((T, 1), _I32),
            jax.ShapeDtypeStruct((3, NB), _I32),
            jax.ShapeDtypeStruct((1, 1), _F32),
            jax.ShapeDtypeStruct((1, E), _F32),
            jax.ShapeDtypeStruct((1, E), _F32),
        ],
        scratch_shapes=[
            pltpu.VMEM((T, 1), _I32),
            pltpu.VMEM((T, 1), _I32),
            pltpu.VMEM((T, 1), _I32),
            pltpu.VMEM((T, 1), _I32),
        ],
        interpret=interpret,
    )(xf, nz, jnp.concatenate([Wg, Wn], axis=1),
      jnp.concatenate([bg, bn]).reshape(1, 2 * E))
    return out[:6]


def _ffn_body(be_ref, xs_ref, ws_ref, w1_ref, b1_ref, w2_ref, b2_ref,
              ys_ref):
    @pl.when(be_ref[1, pl.program_id(0)] == 1)
    def _():
        xb = xs_ref[...]
        h = jnp.dot(xb, w1_ref[0], preferred_element_type=_F32) + b1_ref[0]
        h = 0.5 * h * (1.0 + lax.erf(h * 0.7071067811865476))
        y = jnp.dot(h, w2_ref[0], preferred_element_type=_F32) + b2_ref[0]
        ys_ref[...] = y * ws_ref[...]


def _ffn(be, xs, ws, W1, b1, W2, b2, interpret=False):
    grid_spec = pltpu.PrefetchScalarGridSpec(
        num_scalar_prefetch=1,
        grid=(NB,),
    in_specs=[
            pl.BlockSpec((BS, D), lambda b, be: (be[2, b], 0)),
            pl.BlockSpec((BS, 1), lambda b, be: (be[2, b], 0)),
            pl.BlockSpec((1, D, H), lambda b, be: (be[0, b], 0, 0)),
            pl.BlockSpec((1, 1, H), lambda b, be: (be[0, b], 0, 0)),
            pl.BlockSpec((1, H, D), lambda b, be: (be[0, b], 0, 0)),
            pl.BlockSpec((1, 1, D), lambda b, be: (be[0, b], 0, 0)),
        ],
        out_specs=pl.BlockSpec((BS, D), lambda b, be: (be[2, b], 0)),
    )
    return pl.pallas_call(
        _ffn_body,
        grid_spec=grid_spec,
        out_shape=jax.ShapeDtypeStruct((NPAD, D), _F32),
        interpret=interpret,
    )(be, xs, ws, W1, b1.reshape(E, 1, H), W2, b2.reshape(E, 1, D))


_NW = 32
_CHUNK = 64


_TPW = T // _NW


def _dispatch_body(xf_h, s0_h, s1_h, w0_h, w1_h, xs_h, ws_h,
                   i0_v, i1_v, wv0, wv1, rows_v,
                   sem_m, sem_r, sem_s):
    wid = lax.axis_index("s") * 2 + lax.axis_index("c")
    base = wid * _TPW
    sl = pl.ds(base, _TPW)
    meta = [pltpu.async_copy(s0_h.at[sl], i0_v.at[0], sem_m),
            pltpu.async_copy(s1_h.at[sl], i1_v.at[0], sem_m),
            pltpu.async_copy(w0_h.at[sl], wv0.at[0], sem_m),
            pltpu.async_copy(w1_h.at[sl], wv1.at[0], sem_m)]
    r0 = pltpu.async_copy(xf_h.at[sl], rows_v, sem_r)
    for m in meta:
        m.wait()
    r0.wait()
    scat = [pltpu.async_copy(rows_v, xs_h.at[i0_v.at[0]], sem_s),
            pltpu.async_copy(rows_v, xs_h.at[i1_v.at[0]], sem_s),
            pltpu.async_copy(wv0.at[0], ws_h.at[i0_v.at[0]], sem_s),
            pltpu.async_copy(wv1.at[0], ws_h.at[i1_v.at[0]], sem_s)]
    for s in scat:
        s.wait()


def _dispatch():
    return pl.kernel(
        _dispatch_body,
        out_type=[
            jax.ShapeDtypeStruct((NPAD, D), _F32),
            jax.ShapeDtypeStruct((NPAD,), _F32),
        ],
        mesh=plsc.VectorSubcoreMesh(core_axis_name="c",
                                    subcore_axis_name="s"),
        scratch_types=[
            pltpu.VMEM((1, _TPW), _I32),
            pltpu.VMEM((1, _TPW), _I32),
            pltpu.VMEM((1, _TPW), _F32),
            pltpu.VMEM((1, _TPW), _F32),
            pltpu.VMEM((_TPW, D), _F32),
            pltpu.SemaphoreType.DMA,
            pltpu.SemaphoreType.DMA,
            pltpu.SemaphoreType.DMA,
        ],
    )


def _combine_body(s0_h, s1_h, ys_h, out_h, i0_v, i1_v, acc_v, r1_v,
                  sem_m, sem_g, sem_o):
    wid = lax.axis_index("s") * 2 + lax.axis_index("c")
    base = wid * (T // _NW)
    nc = T // (_NW * _CHUNK)
    meta = []
    for c in range(nc):
        sl = pl.ds(base + c * _CHUNK, _CHUNK)
        meta += [pltpu.async_copy(s0_h.at[sl], i0_v.at[c], sem_m),
                 pltpu.async_copy(s1_h.at[sl], i1_v.at[c], sem_m)]
    for m in meta:
        m.wait()

    def _addrows(lo):
        def _addrow(j, carry):
            for dd in range(D // 16):
                sl = pl.ds(dd * 16, 16)
                acc_v[j, sl] = acc_v[j, sl] + r1_v[j, sl]
            return carry
        lax.fori_loop(lo, lo + _CHUNK // 2, _addrow, 0)

    for c in range(nc):
        g0 = pltpu.async_copy(ys_h.at[i0_v.at[c]], acc_v, sem_g)
        g1 = pltpu.async_copy(ys_h.at[i1_v.at[c]], r1_v, sem_g)
        g0.wait()
        g1.wait()
        _addrows(0)
        _addrows(_CHUNK // 2)
        pltpu.async_copy(acc_v, out_h.at[pl.ds(base + c * _CHUNK,
                                               _CHUNK)], sem_o).wait()


def _combine():
    return pl.kernel(
        _combine_body,
        out_type=jax.ShapeDtypeStruct((T, D), _F32),
        mesh=plsc.VectorSubcoreMesh(core_axis_name="c",
                                    subcore_axis_name="s"),
        scratch_types=[
            pltpu.VMEM((2, _CHUNK), _I32),
            pltpu.VMEM((2, _CHUNK), _I32),
            pltpu.VMEM((_CHUNK, D), _F32),
            pltpu.VMEM((_CHUNK, D), _F32),
            pltpu.SemaphoreType.DMA,
            pltpu.SemaphoreType.DMA,
            pltpu.SemaphoreType.DMA,
        ],
    )


def kernel(x, Wg, bg, Wn, bn, W1, b1, W2, b2):
    xf = x.reshape(T, D)
    nz = jax.random.normal(jax.random.key(42), (B, S, E),
                           dtype=_F32).reshape(T, E)
    w0, w1, s0, s1, be, loss = _gating(xf, nz, Wg, bg, Wn, bn)
    s0f = s0.reshape(T)
    s1f = s1.reshape(T)
    xs, ws = _dispatch()(xf, s0f, s1f, w0.reshape(T), w1.reshape(T))
    ys = _ffn(be, xs, ws.reshape(NPAD, 1), W1, b1, W2, b2)
    outf = _combine()(s0f, s1f, ys)
    return outf.reshape(B, S, D), loss.reshape(())

# --- scband reference (transcript-rebuilt; emitter-appended) ---
"""Pipeline reference for scband-mo-e-22436909154698 (READ-ONLY COPY).

The authoritative reference and input builder live on the scoring server;
editing this copy changes nothing except your own understanding.
"""

import jax, jax.numpy as jnp
import numpy as np

B, S, D = 2, 2048, 768
E, K, H = 64, 2, 512


def setup_inputs(seed: int = 0):
    key = jax.random.key(seed)
    ks = jax.random.split(key, 8)
    x = jax.random.normal(ks[0], (B, S, D), dtype=jnp.float32)
    Wg = jax.random.normal(ks[1], (D, E), dtype=jnp.float32) / np.sqrt(D)
    bg = jnp.zeros((E,), dtype=jnp.float32)
    Wn = jax.random.normal(ks[2], (D, E), dtype=jnp.float32) / np.sqrt(D)
    bn = jnp.zeros((E,), dtype=jnp.float32)
    W1 = jax.random.normal(ks[3], (E, D, H), dtype=jnp.float32) / np.sqrt(D)
    b1 = jnp.zeros((E, H), dtype=jnp.float32)
    W2 = jax.random.normal(ks[4], (E, H, D), dtype=jnp.float32) / np.sqrt(H)
    b2 = jnp.zeros((E, D), dtype=jnp.float32)
    return {"x": x, "Wg": Wg, "bg": bg, "Wn": Wn, "bn": bn, "W1": W1, "b1": b1, "W2": W2, "b2": b2}


def reference(x, Wg, bg, Wn, bn, W1, b1, W2, b2):
    Bs, Ss, Ds = x.shape
    nE = Wg.shape[1]
    # NoisyGating
    logits = x @ Wg + bg
    noise = jax.random.normal(jax.random.key(42), logits.shape, dtype=logits.dtype)
    noisy = logits + noise * jax.nn.softplus(x @ Wn + bn)
    topk_vals, topk_idx = jax.lax.top_k(noisy, K)
    mask = jnp.sum(jax.nn.one_hot(topk_idx, nE, dtype=noisy.dtype), axis=-2)
    weights = jax.nn.softmax(topk_vals, axis=-1)
    # Expert dispatch (fixed-shape masked per-expert gather/compute/scatter)
    flat = x.reshape(-1, Ds)
    idx_flat = topk_idx.reshape(-1, K)

    def expert_step(out, inputs):
        W1e, b1e, W2e, b2e, e = inputs
        h = jax.nn.gelu(flat @ W1e + b1e, approximate=False)
        y = h @ W2e + b2e
        sel = (idx_flat == e)[:, :, None]
        out = jnp.where(sel, y[:, None, :], out)
        return out, None

    out0 = jnp.zeros((flat.shape[0], K, Ds), dtype=flat.dtype)
    out_all, _ = jax.lax.scan(
        expert_step, out0, (W1, b1, W2, b2, jnp.arange(nE, dtype=idx_flat.dtype))
    )
    outs = [out_all[:, i, :].reshape(Bs, Ss, Ds) for i in range(K)]
    combined = sum(weights[..., i:i + 1] * outs[i] for i in range(K))
    # load balancing loss
    gate_probs = jax.nn.softmax(x @ Wg + bg, axis=-1)
    expert_count = mask.sum(axis=(0, 1))
    total_tokens = mask.sum()
    expert_util = expert_count / total_tokens
    gate_mean = gate_probs.mean(axis=(0, 1))
    load_loss = jnp.sum(expert_util * gate_mean) * nE
    return (combined, load_loss)

if __name__ == "__main__":
    import jax
    _d = setup_inputs()
    print(jax.jit(kernel)(*tuple(_d.values())))

</pallas_src>

<mosaic_0001>
#map = affine_map<(d0, d1) -> (0)>
#map1 = affine_map<(d0, d1) -> (0, 0)>
module attributes {stable_mosaic.version = 14 : i64} {
  func.func @_combine_body(%arg0: i32, %arg1: i32, %arg2: memref<4096xi32, #tpu.memory_space<hbm>>, %arg3: memref<4096xi32, #tpu.memory_space<hbm>>, %arg4: memref<24576x768xf32, #tpu.memory_space<hbm>>, %arg5: memref<4096x768xf32, #tpu.memory_space<hbm>>, %arg6: memref<2x64xi32, #tpu.memory_space<vmem>>, %arg7: memref<2x64xi32, #tpu.memory_space<vmem>>, %arg8: memref<64x768xf32, #tpu.memory_space<vmem>>, %arg9: memref<64x768xf32, #tpu.memory_space<vmem>>, %arg10: memref<!tpu.dma_semaphore, #tpu.memory_space<semaphore_mem>>, %arg11: memref<!tpu.dma_semaphore, #tpu.memory_space<semaphore_mem>>, %arg12: memref<!tpu.dma_semaphore, #tpu.memory_space<semaphore_mem>>) attributes {dimension_semantics = [#tpu.dimension_semantics<core_parallel>, #tpu.dimension_semantics<subcore_parallel>], iteration_bounds = array<i64: 2, 16>, scalar_prefetch = 0 : i64, scratch_operands = 7 : i64, tpu.core_type = #tpu.core_type<sc_vector_subcore>, window_params = [{transform_indices = #map}, {transform_indices = #map}, {transform_indices = #map1}, {transform_indices = #map1}]} {
    %mul3A = arith.constant 2 : i32
    %mul3A_0 = arith.muli %arg1, %mul3A : i32
    %add3A = arith.addi %mul3A_0, %arg0 : i32
    %mul3A_1 = arith.constant 128 : i32
    %mul3A_2 = arith.muli %add3A, %mul3A_1 : i32
    %add3A_3 = arith.constant 0 : i32
    %add3A_4 = arith.addi %mul3A_2, %add3A_3 : i32
    %dma_start3A = arith.constant 0 : i32
    %dma_start3A_5 = arith.constant 0 : i32
    %dma_start3A_6 = tpu.memref_slice %arg6[%dma_start3A, %dma_start3A_5] : memref<2x64xi32, #tpu.memory_space<vmem>> -> memref<1x64xi32, #tpu.memory_space<vmem>>
    %dma_start3A_7 = tpu.memref_squeeze %dma_start3A_6 : memref<1x64xi32, #tpu.memory_space<vmem>> -> memref<64xi32, #tpu.memory_space<vmem>>
    %dma_start3A_8 = tpu.memref_slice %arg2[%add3A_4] : memref<4096xi32, #tpu.memory_space<hbm>> -> memref<64xi32, #tpu.memory_space<hbm>>
    %dma_start3A_9 = arith.constant 0 : i32
    %dma_start3A_10 = tpu.memref_slice %arg6[%dma_start3A, %dma_start3A_9] : memref<2x64xi32, #tpu.memory_space<vmem>> -> memref<1x64xi32, #tpu.memory_space<vmem>>
    %dma_start3A_11 = tpu.memref_squeeze %dma_start3A_10 : memref<1x64xi32, #tpu.memory_space<vmem>> -> memref<64xi32, #tpu.memory_space<vmem>>
    %dma_start3A_12 = tpu.memref_slice %arg2[%add3A_4] : memref<4096xi32, #tpu.memory_space<hbm>> -> memref<64xi32, #tpu.memory_space<hbm>>
    tpu.enqueue_dma source(%dma_start3A_12 : memref<64xi32, #tpu.memory_space<hbm>>) target(%dma_start3A_11 : memref<64xi32, #tpu.memory_space<vmem>>) target_semaphore(%arg10 : memref<!tpu.dma_semaphore, #tpu.memory_space<semaphore_mem>>)
    %dma_start3A_13 = arith.constant 0 : i32
    %dma_start3A_14 = arith.constant 0 : i32
    %dma_start3A_15 = tpu.memref_slice %arg7[%dma_start3A_13, %dma_start3A_14] : memref<2x64xi32, #tpu.memory_space<vmem>> -> memref<1x64xi32, #tpu.memory_space<vmem>>
    %dma_start3A_16 = tpu.memref_squeeze %dma_start3A_15 : memref<1x64xi32, #tpu.memory_space<vmem>> -> memref<64xi32, #tpu.memory_space<vmem>>
    %dma_start3A_17 = tpu.memref_slice %arg3[%add3A_4] : memref<4096xi32, #tpu.memory_space<hbm>> -> memref<64xi32, #tpu.memory_space<hbm>>
    %dma_start3A_18 = arith.constant 0 : i32
    %dma_start3A_19 = tpu.memref_slice %arg7[%dma_start3A_13, %dma_start3A_18] : memref<2x64xi32, #tpu.memory_space<vmem>> -> memref<1x64xi32, #tpu.memory_space<vmem>>
    %dma_start3A_20 = tpu.memref_squeeze %dma_start3A_19 : memref<1x64xi32, #tpu.memory_space<vmem>> -> memref<64xi32, #tpu.memory_space<vmem>>
    %dma_start3A_21 = tpu.memref_slice %arg3[%add3A_4] : memref<4096xi32, #tpu.memory_space<hbm>> -> memref<64xi32, #tpu.memory_space<hbm>>
    tpu.enqueue_dma source(%dma_start3A_21 : memref<64xi32, #tpu.memory_space<hbm>>) target(%dma_start3A_20 : memref<64xi32, #tpu.memory_space<vmem>>) target_semaphore(%arg10 : memref<!tpu.dma_semaphore, #tpu.memory_space<semaphore_mem>>)
    %add3A_22 = arith.constant 64 : i32
    %add3A_23 = arith.addi %mul3A_2, %add3A_22 : i32
    %dma_start3A_24 = arith.constant 1 : i32
    %dma_start3A_25 = arith.constant 0 : i32
    %dma_start3A_26 = tpu.memref_slice %arg6[%dma_start3A_24, %dma_start3A_25] : memref<2x64xi32, #tpu.memory_space<vmem>> -> memref<1x64xi32, #tpu.memory_space<vmem>>
    %dma_start3A_27 = tpu.memref_squeeze %dma_start3A_26 : memref<1x64xi32, #tpu.memory_space<vmem>> -> memref<64xi32, #tpu.memory_space<vmem>>
    %dma_start3A_28 = tpu.memref_slice %arg2[%add3A_23] : memref<4096xi32, #tpu.memory_space<hbm>> -> memref<64xi32, #tpu.memory_space<hbm>>
    %dma_start3A_29 = arith.constant 0 : i32
    %dma_start3A_30 = tpu.memref_slice %arg6[%dma_start3A_24, %dma_start3A_29] : memref<2x64xi32, #tpu.memory_space<vmem>> -> memref<1x64xi32, #tpu.memory_space<vmem>>
    %dma_start3A_31 = tpu.memref_squeeze %dma_start3A_30 : memref<1x64xi32, #tpu.memory_space<vmem>> -> memref<64xi32, #tpu.memory_space<vmem>>
    %dma_start3A_32 = tpu.memref_slice %arg2[%add3A_23] : memref<4096xi32, #tpu.memory_space<hbm>> -> memref<64xi32, #tpu.memory_space<hbm>>
    tpu.enqueue_dma source(%dma_start3A_32 : memref<64xi32, #tpu.memory_space<hbm>>) target(%dma_start3A_31 : memref<64xi32, #tpu.memory_space<vmem>>) target_semaphore(%arg10 : memref<!tpu.dma_semaphore, #tpu.memory_space<semaphore_mem>>)
    %dma_start3A_33 = arith.constant 1 : i32
    %dma_start3A_34 = arith.constant 0 : i32
    %dma_start3A_35 = tpu.memref_slice %arg7[%dma_start3A_33, %dma_start3A_34] : memref<2x64xi32, #tpu.memory_space<vmem>> -> memref<1x64xi32, #tpu.memory_space<vmem>>
    %dma_start3A_36 = tpu.memref_squeeze %dma_start3A_35 : memref<1x64xi32, #tpu.memory_space<vmem>> -> memref<64xi32, #tpu.memory_space<vmem>>
    %dma_start3A_37 = tpu.memref_slice %arg3[%add3A_23] : memref<4096xi32, #tpu.memory_space<hbm>> -> memref<64xi32, #tpu.memory_space<hbm>>
    %dma_start3A_38 = arith.constant 0 : i32
    %dma_start3A_39 = tpu.memref_slice %arg7[%dma_start3A_33, %dma_start3A_38] : memref<2x64xi32, #tpu.memory_space<vmem>> -> memref<1x64xi32, #tpu.memory_space<vmem>>
    %dma_start3A_40 = tpu.memref_squeeze %dma_start3A_39 : memref<1x64xi32, #tpu.memory_space<vmem>> -> memref<64xi32, #tpu.memory_space<vmem>>
    %dma_start3A_41 = tpu.memref_slice %arg3[%add3A_23] : memref<4096xi32, #tpu.memory_space<hbm>> -> memref<64xi32, #tpu.memory_space<hbm>>
    tpu.enqueue_dma source(%dma_start3A_41 : memref<64xi32, #tpu.memory_space<hbm>>) target(%dma_start3A_40 : memref<64xi32, #tpu.memory_space<vmem>>) target_semaphore(%arg10 : memref<!tpu.dma_semaphore, #tpu.memory_space<semaphore_mem>>)
    %dma_wait3A = arith.constant 0 : i32
    %dma_wait3A_42 = arith.constant 0 : i32
    %dma_wait3A_43 = tpu.memref_slice %arg6[%dma_wait3A, %dma_wait3A_42] : memref<2x64xi32, #tpu.memory_space<vmem>> -> memref<1x64xi32, #tpu.memory_space<vmem>>
    %dma_wait3A_44 = tpu.memref_squeeze %dma_wait3A_43 : memref<1x64xi32, #tpu.memory_space<vmem>> -> memref<64xi32, #tpu.memory_space<vmem>>
    %dma_wait3A_45 = tpu.memref_slice %arg2[%add3A_4] : memref<4096xi32, #tpu.memory_space<hbm>> -> memref<64xi32, #tpu.memory_space<hbm>>
    %dma_wait3A_46 = arith.constant 0 : i32
    %dma_wait3A_47 = tpu.memref_slice %arg6[%dma_wait3A, %dma_wait3A_46] : memref<2x64xi32, #tpu.memory_space<vmem>> -> memref<1x64xi32, #tpu.memory_space<vmem>>
    %dma_wait3A_48 = tpu.memref_squeeze %dma_wait3A_47 : memref<1x64xi32, #tpu.memory_space<vmem>> -> memref<64xi32, #tpu.memory_space<vmem>>
    %dma_wait3A_49 = tpu.memref_slice %arg2[%add3A_4] : memref<4096xi32, #tpu.memory_space<hbm>> -> memref<64xi32, #tpu.memory_space<hbm>>
    tpu.wait_dma2 semaphore(%arg10 : memref<!tpu.dma_semaphore, #tpu.memory_space<semaphore_mem>>) src(%dma_wait3A_49 : memref<64xi32, #tpu.memory_space<hbm>>) dst(%dma_wait3A_48 : memref<64xi32, #tpu.memory_space<vmem>>)
    %dma_wait3A_50 = arith.constant 0 : i32
    %dma_wait3A_51 = arith.constant 0 : i32
    %dma_wait3A_52 = tpu.memref_slice %arg7[%dma_wait3A_50, %dma_wait3A_51] : memref<2x64xi32, #tpu.memory_space<vmem>> -> memref<1x64xi32, #tpu.memory_space<vmem>>
    %dma_wait3A_53 = tpu.memref_squeeze %dma_wait3A_52 : memref<1x64xi32, #tpu.memory_space<vmem>> -> memref<64xi32, #tpu.memory_space<vmem>>
    %dma_wait3A_54 = tpu.memref_slice %arg3[%add3A_4] : memref<4096xi32, #tpu.memory_space<hbm>> -> memref<64xi32, #tpu.memory_space<hbm>>
    %dma_wait3A_55 = arith.constant 0 : i32
    %dma_wait3A_56 = tpu.memref_slice %arg7[%dma_wait3A_50, %dma_wait3A_55] : memref<2x64xi32, #tpu.memory_space<vmem>> -> memref<1x64xi32, #tpu.memory_space<vmem>>
    %dma_wait3A_57 = tpu.memref_squeeze %dma_wait3A_56 : memref<1x64xi32, #tpu.memory_space<vmem>> -> memref<64xi32, #tpu.memory_space<vmem>>
    %dma_wait3A_58 = tpu.memref_slice %arg3[%add3A_4] : memref<4096xi32, #tpu.memory_space<hbm>> -> memref<64xi32, #tpu.memory_space<hbm>>
    tpu.wait_dma2 semaphore(%arg10 : memref<!tpu.dma_semaphore, #tpu.memory_space<semaphore_mem>>) src(%dma_wait3A_58 : memref<64xi32, #tpu.memory_space<hbm>>) dst(%dma_wait3A_57 : memref<64xi32, #tpu.memory_space<vmem>>)
    %dma_wait3A_59 = arith.constant 1 : i32
    %dma_wait3A_60 = arith.constant 0 : i32
    %dma_wait3A_61 = tpu.memref_slice %arg6[%dma_wait3A_59, %dma_wait3A_60] : memref<2x64xi32, #tpu.memory_space<vmem>> -> memref<1x64xi32, #tpu.memory_space<vmem>>
    %dma_wait3A_62 = tpu.memref_squeeze %dma_wait3A_61 : memref<1x64xi32, #tpu.memory_space<vmem>> -> memref<64xi32, #tpu.memory_space<vmem>>
    %dma_wait3A_63 = tpu.memref_slice %arg2[%add3A_23] : memref<4096xi32, #tpu.memory_space<hbm>> -> memref<64xi32, #tpu.memory_space<hbm>>
    %dma_wait3A_64 = arith.constant 0 : i32
    %dma_wait3A_65 = tpu.memref_slice %arg6[%dma_wait3A_59, %dma_wait3A_64] : memref<2x64xi32, #tpu.memory_space<vmem>> -> memref<1x64xi32, #tpu.memory_space<vmem>>
    %dma_wait3A_66 = tpu.memref_squeeze %dma_wait3A_65 : memref<1x64xi32, #tpu.memory_space<vmem>> -> memref<64xi32, #tpu.memory_space<vmem>>
    %dma_wait3A_67 = tpu.memref_slice %arg2[%add3A_23] : memref<4096xi32, #tpu.memory_space<hbm>> -> memref<64xi32, #tpu.memory_space<hbm>>
    tpu.wait_dma2 semaphore(%arg10 : memref<!tpu.dma_semaphore, #tpu.memory_space<semaphore_mem>>) src(%dma_wait3A_67 : memref<64xi32, #tpu.memory_space<hbm>>) dst(%dma_wait3A_66 : memref<64xi32, #tpu.memory_space<vmem>>)
    %dma_wait3A_68 = arith.constant 1 : i32
    %dma_wait3A_69 = arith.constant 0 : i32
    %dma_wait3A_70 = tpu.memref_slice %arg7[%dma_wait3A_68, %dma_wait3A_69] : memref<2x64xi32, #tpu.memory_space<vmem>> -> memref<1x64xi32, #tpu.memory_space<vmem>>
    %dma_wait3A_71 = tpu.memref_squeeze %dma_wait3A_70 : memref<1x64xi32, #tpu.memory_space<vmem>> -> memref<64xi32, #tpu.memory_space<vmem>>
    %dma_wait3A_72 = tpu.memref_slice %arg3[%add3A_23] : memref<4096xi32, #tpu.memory_space<hbm>> -> memref<64xi32, #tpu.memory_space<hbm>>
    %dma_wait3A_73 = arith.constant 0 : i32
    %dma_wait3A_74 = tpu.memref_slice %arg7[%dma_wait3A_68, %dma_wait3A_73] : memref<2x64xi32, #tpu.memory_space<vmem>> -> memref<1x64xi32, #tpu.memory_space<vmem>>
    %dma_wait3A_75 = tpu.memref_squeeze %dma_wait3A_74 : memref<1x64xi32, #tpu.memory_space<vmem>> -> memref<64xi32, #tpu.memory_space<vmem>>
    %dma_wait3A_76 = tpu.memref_slice %arg3[%add3A_23] : memref<4096xi32, #tpu.memory_space<hbm>> -> memref<64xi32, #tpu.memory_space<hbm>>
    tpu.wait_dma2 semaphore(%arg10 : memref<!tpu.dma_semaphore, #tpu.memory_space<semaphore_mem>>) src(%dma_wait3A_76 : memref<64xi32, #tpu.memory_space<hbm>>) dst(%dma_wait3A_75 : memref<64xi32, #tpu.memory_space<vmem>>)
    %dma_start3A_77 = arith.constant 0 : i32
    %dma_start3A_78 = arith.constant 0 : i32
    %dma_start3A_79 = tpu.memref_slice %arg6[%dma_start3A_77, %dma_start3A_78] : memref<2x64xi32, #tpu.memory_space<vmem>> -> memref<1x64xi32, #tpu.memory_space<vmem>>
    %dma_start3A_80 = tpu.memref_squeeze %dma_start3A_79 : memref<1x64xi32, #tpu.memory_space<vmem>> -> memref<64xi32, #tpu.memory_space<vmem>>
    %dma_start3A_81 = arith.constant 0 : i32
    %dma_start3A_82 = arith.constant 0 : i32
    %dma_start3A_83 = tpu.memref_slice %arg4[%dma_start3A_81, %dma_start3A_82] : memref<24576x768xf32, #tpu.memory_space<hbm>> -> memref<24576x768xf32, #tpu.memory_space<hbm>>
    tpu.enqueue_indirect_dma source(%dma_start3A_83 : memref<24576x768xf32, #tpu.memory_space<hbm>>) target(%arg8 : memref<64x768xf32, #tpu.memory_space<vmem>>) offsets(%dma_start3A_80 : memref<64xi32, #tpu.memory_space<vmem>>) semaphore(%arg11 : memref<!tpu.dma_semaphore, #tpu.memory_space<semaphore_mem>>)
    %dma_start3A_84 = arith.constant 0 : i32
    %dma_start3A_85 = arith.constant 0 : i32
    %dma_start3A_86 = tpu.memref_slice %arg7[%dma_start3A_84, %dma_start3A_85] : memref<2x64xi32, #tpu.memory_space<vmem>> -> memref<1x64xi32, #tpu.memory_space<vmem>>
    %dma_start3A_87 = tpu.memref_squeeze %dma_start3A_86 : memref<1x64xi32, #tpu.memory_space<vmem>> -> memref<64xi32, #tpu.memory_space<vmem>>
    %dma_start3A_88 = arith.constant 0 : i32
    %dma_start3A_89 = arith.constant 0 : i32
    %dma_start3A_90 = tpu.memref_slice %arg4[%dma_start3A_88, %dma_start3A_89] : memref<24576x768xf32, #tpu.memory_space<hbm>> -> memref<24576x768xf32, #tpu.memory_space<hbm>>
    tpu.enqueue_indirect_dma source(%dma_start3A_90 : memref<24576x768xf32, #tpu.memory_space<hbm>>) target(%arg9 : memref<64x768xf32, #tpu.memory_space<vmem>>) offsets(%dma_start3A_87 : memref<64xi32, #tpu.memory_space<vmem>>) semaphore(%arg11 : memref<!tpu.dma_semaphore, #tpu.memory_space<semaphore_mem>>)
    %dma_wait3A_91 = arith.constant 0 : i32
    %dma_wait3A_92 = arith.constant 0 : i32
    %dma_wait3A_93 = tpu.memref_slice %arg6[%dma_wait3A_91, %dma_wait3A_92] : memref<2x64xi32, #tpu.memory_space<vmem>> -> memref<1x64xi32, #tpu.memory_space<vmem>>
    %dma_wait3A_94 = tpu.memref_squeeze %dma_wait3A_93 : memref<1x64xi32, #tpu.memory_space<vmem>> -> memref<64xi32, #tpu.memory_space<vmem>>
    %dma_wait3A_95 = arith.constant 0 : i32
    %dma_wait3A_96 = arith.constant 0 : i32
    %dma_wait3A_97 = tpu.memref_slice %arg4[%dma_wait3A_95, %dma_wait3A_96] : memref<24576x768xf32, #tpu.memory_space<hbm>> -> memref<24576x768xf32, #tpu.memory_space<hbm>>
    tpu.wait_indirect_dma semaphore(%arg11 : memref<!tpu.dma_semaphore, #tpu.memory_space<semaphore_mem>>) src(%dma_wait3A_97 : memref<24576x768xf32, #tpu.memory_space<hbm>>) dst(%arg8 : memref<64x768xf32, #tpu.memory_space<vmem>>)
    %dma_wait3A_98 = arith.constant 0 : i32
    %dma_wait3A_99 = arith.constant 0 : i32
    %dma_wait3A_100 = tpu.memref_slice %arg7[%dma_wait3A_98, %dma_wait3A_99] : memref<2x64xi32, #tpu.memory_space<vmem>> -> memref<1x64xi32, #tpu.memory_space<vmem>>
    %dma_wait3A_101 = tpu.memref_squeeze %dma_wait3A_100 : memref<1x64xi32, #tpu.memory_space<vmem>> -> memref<64xi32, #tpu.memory_space<vmem>>
    %dma_wait3A_102 = arith.constant 0 : i32
    %dma_wait3A_103 = arith.constant 0 : i32
    %dma_wait3A_104 = tpu.memref_slice %arg4[%dma_wait3A_102, %dma_wait3A_103] : memref<24576x768xf32, #tpu.memory_space<hbm>> -> memref<24576x768xf32, #tpu.memory_space<hbm>>
    tpu.wait_indirect_dma semaphore(%arg11 : memref<!tpu.dma_semaphore, #tpu.memory_space<semaphore_mem>>) src(%dma_wait3A_104 : memref<24576x768xf32, #tpu.memory_space<hbm>>) dst(%arg9 : memref<64x768xf32, #tpu.memory_space<vmem>>)
    %scan3A = arith.constant 0 : i32
    %scan3A_105 = arith.constant 0 : i32
    %scan3A_106 = arith.constant 32 : i32
    %scan3A_107 = arith.addi %scan3A_105, %scan3A_106 : i32
    %scan3A_108 = arith.constant 1 : i32
    scf.for %scan3A_176 = %scan3A_105 to %scan3A_107 step %scan3A_108  : i32 {
      %get3A = arith.index_cast %scan3A_176 : i32 to index
      %get3A_177 = arith.constant 0 : index
      %get3A_178 = tpu.vector_load %arg8[%get3A, %get3A_177] {strides = array<i32>} : memref<64x768xf32, #tpu.memory_space<vmem>>, vector<1x16xf32>,
      %get3A_179 = vector.shape_cast %get3A_178 : vector<1x16xf32> to vector<16xf32>
      %get3A_180 = arith.index_cast %scan3A_176 : i32 to index
      %get3A_181 = arith.constant 0 : index
      %get3A_182 = tpu.vector_load %arg9[%get3A_180, %get3A_181] {strides = array<i32>} : memref<64x768xf32, #tpu.memory_space<vmem>>, vector<1x16xf32>,
      %get3A_183 = vector.shape_cast %get3A_182 : vector<1x16xf32> to vector<16xf32>
      %add3A_184 = arith.addf %get3A_179, %get3A_183 : vector<16xf32>
      %swap3A = arith.index_cast %scan3A_176 : i32 to index
      %swap3A_185 = arith.constant 0 : index
      %swap3A_186 = tpu.vector_load %arg8[%swap3A, %swap3A_185] {strides = array<i32>} : memref<64x768xf32, #tpu.memory_space<vmem>>, vector<1x16xf32>,
      %swap3A_187 = vector.shape_cast %swap3A_186 : vector<1x16xf32> to vector<16xf32>
      %swap3A_188 = vector.shape_cast %add3A_184 : vector<16xf32> to vector<1x16xf32>
      tpu.vector_store %arg8[%swap3A, %swap3A_185], %swap3A_188 {strides = array<i32>} : memref<64x768xf32, #tpu.memory_space<vmem>>, vector<1x16xf32>,
      %get3A_189 = arith.index_cast %scan3A_176 : i32 to index
      %get3A_190 = arith.constant 16 : index
      %get3A_191 = tpu.vector_load %arg8[%get3A_189, %get3A_190] {strides = array<i32>} : memref<64x768xf32, #tpu.memory_space<vmem>>, vector<1x16xf32>,
      %get3A_192 = vector.shape_cast %get3A_191 : vector<1x16xf32> to vector<16xf32>
      %get3A_193 = arith.index_cast %scan3A_176 : i32 to index
      %get3A_194 = arith.constant 16 : index
      %get3A_195 = tpu.vector_load %arg9[%get3A_193, %get3A_194] {strides = array<i32>} : memref<64x768xf32, #tpu.memory_space<vmem>>, vector<1x16xf32>,
      %get3A_196 = vector.shape_cast %get3A_195 : vector<1x16xf32> to vector<16xf32>
      %add3A_197 = arith.addf %get3A_192, %get3A_196 : vector<16xf32>
      %swap3A_198 = arith.index_cast %scan3A_176 : i32 to index
      %swap3A_199 = arith.constant 16 : index
      %swap3A_200 = tpu.vector_load %arg8[%swap3A_198, %swap3A_199] {strides = array<i32>} : memref<64x768xf32, #tpu.memory_space<vmem>>, vector<1x16xf32>,
      %swap3A_201 = vector.shape_cast %swap3A_200 : vector<1x16xf32> to vector<16xf32>
      %swap3A_202 = vector.shape_cast %add3A_197 : vector<16xf32> to vector<1x16xf32>
      tpu.vector_store %arg8[%swap3A_198, %swap3A_199], %swap3A_202 {strides = array<i32>} : memref<64x768xf32, #tpu.memory_space<vmem>>, vector<1x16xf32>,
      %get3A_203 = arith.index_cast %scan3A_176 : i32 to index
      %get3A_204 = arith.constant 32 : index
      %get3A_205 = tpu.vector_load %arg8[%get3A_203, %get3A_204] {strides = array<i32>} : memref<64x768xf32, #tpu.memory_space<vmem>>, vector<1x16xf32>,
      %get3A_206 = vector.shape_cast %get3A_205 : vector<1x16xf32> to vector<16xf32>
      %get3A_207 = arith.index_cast %scan3A_176 : i32 to index
      %get3A_208 = arith.constant 32 : index
      %get3A_209 = tpu.vector_load %arg9[%get3A_207, %get3A_208] {strides = array<i32>} : memref<64x768xf32, #tpu.memory_space<vmem>>, vector<1x16xf32>,
      %get3A_210 = vector.shape_cast %get3A_209 : vector<1x16xf32> to vector<16xf32>
      %add3A_211 = arith.addf %get3A_206, %get3A_210 : vector<16xf32>
      %swap3A_212 = arith.index_cast %scan3A_176 : i32 to index
      %swap3A_213 = arith.constant 32 : index
      %swap3A_214 = tpu.vector_load %arg8[%swap3A_212, %swap3A_213] {strides = array<i32>} : memref<64x768xf32, #tpu.memory_space<vmem>>, vector<1x16xf32>,
      %swap3A_215 = vector.shape_cast %swap3A_214 : vector<1x16xf32> to vector<16xf32>
      %swap3A_216 = vector.shape_cast %add3A_211 : vector<16xf32> to vector<1x16xf32>
      tpu.vector_store %arg8[%swap3A_212, %swap3A_213], %swap3A_216 {strides = array<i32>} : memref<64x768xf32, #tpu.memory_space<vmem>>, vector<1x16xf32>,
      %get3A_217 = arith.index_cast %scan3A_176 : i32 to index
      %get3A_218 = arith.constant 48 : index
      %get3A_219 = tpu.vector_load %arg8[%get3A_217, %get3A_218] {strides = array<i32>} : memref<64x768xf32, #tpu.memory_space<vmem>>, vector<1x16xf32>,
      %get3A_220 = vector.shape_cast %get3A_219 : vector<1x16xf32> to vector<16xf32>
      %get3A_221 = arith.index_cast %scan3A_176 : i32 to index
      %get3A_222 = arith.constant 48 : index
      %get3A_223 = tpu.vector_load %arg9[%get3A_221, %get3A_222] {strides = array<i32>} : memref<64x768xf32, #tpu.memory_space<vmem>>, vector<1x16xf32>,
      %get3A_224 = vector.shape_cast %get3A_223 : vector<1x16xf32> to vector<16xf32>
      %add3A_225 = arith.addf %get3A_220, %get3A_224 : vector<16xf32>
      %swap3A_226 = arith.index_cast %scan3A_176 : i32 to index
      %swap3A_227 = arith.constant 48 : index
      %swap3A_228 = tpu.vector_load %arg8[%swap3A_226, %swap3A_227] {strides = array<i32>} : memref<64x768xf32, #tpu.memory_space<vmem>>, vector<1x16xf32>,
      %swap3A_229 = vector.shape_cast %swap3A_228 : vector<1x16xf32> to vector<16xf32>
      %swap3A_230 = vector.shape_cast %add3A_225 : vector<16xf32> to vector<1x16xf32>
      tpu.vector_store %arg8[%swap3A_226, %swap3A_227], %swap3A_230 {strides = array<i32>} : memref<64x768xf32, #tpu.memory_space<vmem>>, vector<1x16xf32>,
      %get3A_231 = arith.index_cast %scan3A_176 : i32 to index
      %get3A_232 = arith.constant 64 : index
      %get3A_233 = tpu.vector_load %arg8[%get3A_231, %get3A_232] {strides = array<i32>} : memref<64x768xf32, #tpu.memory_space<vmem>>, vector<1x16xf32>,
      %get3A_234 = vector.shape_cast %get3A_233 : vector<1x16xf32> to vector<16xf32>
      %get3A_235 = arith.index_cast %scan3A_176 : i32 to index
      %get3A_236 = arith.constant 64 : index
      %get3A_237 = tpu.vector_load %arg9[%get3A_235, %get3A_236] {strides = array<i32>} : memref<64x768xf32, #tpu.memory_space<vmem>>, vector<1x16xf32>,
      %get3A_238 = vector.shape_cast %get3A_237 : vector<1x16xf32> to vector<16xf32>
      %add3A_239 = arith.addf %get3A_234, %get3A_238 : vector<16xf32>
      %swap3A_240 = arith.index_cast %scan3A_176 : i32 to index
      %swap3A_241 = arith.constant 64 : index
      %swap3A_242 = tpu.vector_load %arg8[%swap3A_240, %swap3A_241] {strides = array<i32>} : memref<64x768xf32, #tpu.memory_space<vmem>>, vector<1x16xf32>,
      %swap3A_243 = vector.shape_cast %swap3A_242 : vector<1x16xf32> to vector<16xf32>
      %swap3A_244 = vector.shape_cast %add3A_239 : vector<16xf32> to vector<1x16xf32>
      tpu.vector_store %arg8[%swap3A_240, %swap3A_241], %swap3A_244 {strides = array<i32>} : memref<64x768xf32, #tpu.memory_space<vmem>>, vector<1x16xf32>,
      %get3A_245 = arith.index_cast %scan3A_176 : i32 to index
      %get3A_246 = arith.constant 80 : index
      %get3A_247 = tpu.vector_load %arg8[%get3A_245, %get3A_246] {strides = array<i32>} : memref<64x768xf32, #tpu.memory_space<vmem>>, vector<1x16xf32>,
      %get3A_248 = vector.shape_cast %get3A_247 : vector<1x16xf32> to vector<16xf32>
      %get3A_249 = arith.index_cast %scan3A_176 : i32 to index
      %get3A_250 = arith.constant 80 : index
      %get3A_251 = tpu.vector_load %arg9[%get3A_249, %get3A_250] {strides = array<i32>} : memref<64x768xf32, #tpu.memory_space<vmem>>, vector<1x16xf32>,
      %get3A_252 = vector.shape_cast %get3A_251 : vector<1x16xf32> to vector<16xf32>
      %add3A_253 = arith.addf %get3A_248, %get3A_252 : vector<16xf32>
      %swap3A_254 = arith.index_cast %scan3A_176 : i32 to index
      %swap3A_255 = arith.constant 80 : index
      %swap3A_256 = tpu.vector_load %arg8[%swap3A_254, %swap3A_255] {strides = array<i32>} : memref<64x768xf32, #tpu.memory_space<vmem>>, vector<1x16xf32>,
      %swap3A_257 = vector.shape_cast %swap3A_256 : vector<1x16xf32> to vector<16xf32>
      %swap3A_258 = vector.shape_cast %add3A_253 : vector<16xf32> to vector<1x16xf32>
      tpu.vector_store %arg8[%swap3A_254, %swap3A_255], %swap3A_258 {strides = array<i32>} : memref<64x768xf32, #tpu.memory_space<vmem>>, vector<1x16xf32>,
      %get3A_259 = arith.index_cast %scan3A_176 : i32 to index
      %get3A_260 = arith.constant 96 : index
      %get3A_261 = tpu.vector_load %arg8[%get3A_259, %get3A_260] {strides = array<i32>} : memref<64x768xf32, #tpu.memory_space<vmem>>, vector<1x16xf32>,
      %get3A_262 = vector.shape_cast %get3A_261 : vector<1x16xf32> to vector<16xf32>
      %get3A_263 = arith.index_cast %scan3A_176 : i32 to index
      %get3A_264 = arith.constant 96 : index
      %get3A_265 = tpu.vector_load %arg9[%get3A_263, %get3A_264] {strides = array<i32>} : memref<64x768xf32, #tpu.memory_space<vmem>>, vector<1x16xf32>,
      %get3A_266 = vector.shape_cast %get3A_265 : vector<1x16xf32> to vector<16xf32>
      %add3A_267 = arith.addf %get3A_262, %get3A_266 : vector<16xf32>
      %swap3A_268 = arith.index_cast %scan3A_176 : i32 to index
      %swap3A_269 = arith.constant 96 : index
      %swap3A_270 = tpu.vector_load %arg8[%swap3A_268, %swap3A_269] {strides = array<i32>} : memref<64x768xf32, #tpu.memory_space<vmem>>, vector<1x16xf32>,
      %swap3A_271 = vector.shape_cast %swap3A_270 : vector<1x16xf32> to vector<16xf32>
      %swap3A_272 = vector.shape_cast %add3A_267 : vector<16xf32> to vector<1x16xf32>
      tpu.vector_store %arg8[%swap3A_268, %swap3A_269], %swap3A_272 {strides = array<i32>} : memref<64x768xf32, #tpu.memory_space<vmem>>, vector<1x16xf32>,
      %get3A_273 = arith.index_cast %scan3A_176 : i32 to index
      %get3A_274 = arith.constant 112 : index
      %get3A_275 = tpu.vector_load %arg8[%get3A_273, %get3A_274] {strides = array<i32>} : memref<64x768xf32, #tpu.memory_space<vmem>>, vector<1x16xf32>,
      %get3A_276 = vector.shape_cast %get3A_275 : vector<1x16xf32> to vector<16xf32>
      %get3A_277 = arith.index_cast %scan3A_176 : i32 to index
      %get3A_278 = arith.constant 112 : index
      %get3A_279 = tpu.vector_load %arg9[%get3A_277, %get3A_278] {strides = array<i32>} : memref<64x768xf32, #tpu.memory_space<vmem>>, vector<1x16xf32>,
      %get3A_280 = vector.shape_cast %get3A_279 : vector<1x16xf32> to vector<16xf32>
      %add3A_281 = arith.addf %get3A_276, %get3A_280 : vector<16xf32>
      %swap3A_282 = arith.index_cast %scan3A_176 : i32 to index
      %swap3A_283 = arith.constant 112 : index
      %swap3A_284 = tpu.vector_load %arg8[%swap3A_282, %swap3A_283] {strides = array<i32>} : memref<64x768xf32, #tpu.memory_space<vmem>>, vector<1x16xf32>,
      %swap3A_285 = vector.shape_cast %swap3A_284 : vector<1x16xf32> to vector<16xf32>
      %swap3A_286 = vector.shape_cast %add3A_281 : vector<16xf32> to vector<1x16xf32>
      tpu.vector_store %arg8[%swap3A_282, %swap3A_283], %swap3A_286 {strides = array<i32>} : memref<64x768xf32, #tpu.memory_space<vmem>>, vector<1x16xf32>,
      %get3A_287 = arith.index_cast %scan3A_176 : i32 to index
      %get3A_288 = arith.constant 128 : index
      %get3A_289 = tpu.vector_load %arg8[%get3A_287, %get3A_288] {strides = array<i32>} : memref<64x768xf32, #tpu.memory_space<vmem>>, vector<1x16xf32>,
      %get3A_290 = vector.shape_cast %get3A_289 : vector<1x16xf32> to vector<16xf32>
      %get3A_291 = arith.index_cast %scan3A_176 : i32 to index
      %get3A_292 = arith.constant 128 : index
      %get3A_293 = tpu.vector_load %arg9[%get3A_291, %get3A_292] {strides = array<i32>} : memref<64x768xf32, #tpu.memory_space<vmem>>, vector<1x16xf32>,
      %get3A_294 = vector.shape_cast %get3A_293 : vector<1x16xf32> to vector<16xf32>
      %add3A_295 = arith.addf %get3A_290, %get3A_294 : vector<16xf32>
      %swap3A_296 = arith.index_cast %scan3A_176 : i32 to index
      %swap3A_297 = arith.constant 128 : index
      %swap3A_298 = tpu.vector_load %arg8[%swap3A_296, %swap3A_297] {strides = array<i32>} : memref<64x768xf32, #tpu.memory_space<vmem>>, vector<1x16xf32>,
      %swap3A_299 = vector.shape_cast %swap3A_298 : vector<1x16xf32> to vector<16xf32>
      %swap3A_300 = vector.shape_cast %add3A_295 : vector<16xf32> to vector<1x16xf32>
      tpu.vector_store %arg8[%swap3A_296, %swap3A_297], %swap3A_300 {strides = array<i32>} : memref<64x768xf32, #tpu.memory_space<vmem>>, vector<1x16xf32>,
      %get3A_301 = arith.index_cast %scan3A_176 : i32 to index
      %get3A_302 = arith.constant 144 : index
      %get3A_303 = tpu.vector_load %arg8[%get3A_301, %get3A_302] {strides = array<i32>} : memref<64x768xf32, #tpu.memory_space<vmem>>, vector<1x16xf32>,
      %get3A_304 = vector.shape_cast %get3A_303 : vector<1x16xf32> to vector<16xf32>
      %get3A_305 = arith.index_cast %scan3A_176 : i32 to index
      %get3A_306 = arith.constant 144 : index
      %get3A_307 = tpu.vector_load %arg9[%get3A_305, %get3A_306] {strides = array<i32>} : memref<64x768xf32, #tpu.memory_space<vmem>>, vector<1x16xf32>,
      %get3A_308 = vector.shape_cast %get3A_307 : vector<1x16xf32> to vector<16xf32>
      %add3A_309 = arith.addf %get3A_304, %get3A_308 : vector<16xf32>
      %swap3A_310 = arith.index_cast %scan3A_176 : i32 to index
      %swap3A_311 = arith.constant 144 : index
      %swap3A_312 = tpu.vector_load %arg8[%swap3A_310, %swap3A_311] {strides = array<i32>} : memref<64x768xf32, #tpu.memory_space<vmem>>, vector<1x16xf32>,
      %swap3A_313 = vector.shape_cast %swap3A_312 : vector<1x16xf32> to vector<16xf32>
      %swap3A_314 = vector.shape_cast %add3A_309 : vector<16xf32> to vector<1x16xf32>
      tpu.vector_store %arg8[%swap3A_310, %swap3A_311], %swap3A_314 {strides = array<i32>} : memref<64x768xf32, #tpu.memory_space<vmem>>, vector<1x16xf32>,
      %get3A_315 = arith.index_cast %scan3A_176 : i32 to index
      %get3A_316 = arith.constant 160 : index
      %get3A_317 = tpu.vector_load %arg8[%get3A_315, %get3A_316] {strides = array<i32>} : memref<64x768xf32, #tpu.memory_space<vmem>>, vector<1x16xf32>,
      %get3A_318 = vector.shape_cast %get3A_317 : vector<1x16xf32> to vector<16xf32>
      %get3A_319 = arith.index_cast %scan3A_176 : i32 to index
      %get3A_320 = arith.constant 160 : index
      %get3A_321 = tpu.vector_load %arg9[%get3A_319, %get3A_320] {strides = array<i32>} : memref<64x768xf32, #tpu.memory_space<vmem>>, vector<1x16xf32>,
      %get3A_322 = vector.shape_cast %get3A_321 : vector<1x16xf32> to vector<16xf32>
      %add3A_323 = arith.addf %get3A_318, %get3A_322 : vector<16xf32>
      %swap3A_324 = arith.index_cast %scan3A_176 : i32 to index
      %swap3A_325 = arith.constant 160 : index
      %swap3A_326 = tpu.vector_load %arg8[%swap3A_324, %swap3A_325] {strides = array<i32>} : memref<64x768xf32, #tpu.memory_space<vmem>>, vector<1x16xf32>,
      %swap3A_327 = vector.shape_cast %swap3A_326 : vector<1x16xf32> to vector<16xf32>
      %swap3A_328 = vector.shape_cast %add3A_323 : vector<16xf32> to vector<1x16xf32>
      tpu.vector_store %arg8[%swap3A_324, %swap3A_325], %swap3A_328 {strides = array<i32>} : memref<64x768xf32, #tpu.memory_space<vmem>>, vector<1x16xf32>,
      %get3A_329 = arith.index_cast %scan3A_176 : i32 to index
      %get3A_330 = arith.constant 176 : index
      %get3A_331 = tpu.vector_load %arg8[%get3A_329, %get3A_330] {strides = array<i32>} : memref<64x768xf32, #tpu.memory_space<vmem>>, vector<1x16xf32>,
      %get3A_332 = vector.shape_cast %get3A_331 : vector<1x16xf32> to vector<16xf32>
      %get3A_333 = arith.index_cast %scan3A_176 : i32 to index
      %get3A_334 = arith.constant 176 : index
      %get3A_335 = tpu.vector_load %arg9[%get3A_333, %get3A_334] {strides = array<i32>} : memref<64x768xf32, #tpu.memory_space<vmem>>, vector<1x16xf32>,
      %get3A_336 = vector.shape_cast %get3A_335 : vector<1x16xf32> to vector<16xf32>
      %add3A_337 = arith.addf %get3A_332, %get3A_336 : vector<16xf32>
      %swap3A_338 = arith.index_cast %scan3A_176 : i32 to index
      %swap3A_339 = arith.constant 176 : index
      %swap3A_340 = tpu.vector_load %arg8[%swap3A_338, %swap3A_339] {strides = array<i32>} : memref<64x768xf32, #tpu.memory_space<vmem>>, vector<1x16xf32>,
      %swap3A_341 = vector.shape_cast %swap3A_340 : vector<1x16xf32> to vector<16xf32>
      %swap3A_342 = vector.shape_cast %add3A_337 : vector<16xf32> to vector<1x16xf32>
      tpu.vector_store %arg8[%swap3A_338, %swap3A_339], %swap3A_342 {strides = array<i32>} : memref<64x768xf32, #tpu.memory_space<vmem>>, vector<1x16xf32>,
      %get3A_343 = arith.index_cast %scan3A_176 : i32 to index
      %get3A_344 = arith.constant 192 : index
      %get3A_345 = tpu.vector_load %arg8[%get3A_343, %get3A_344] {strides = array<i32>} : memref<64x768xf32, #tpu.memory_space<vmem>>, vector<1x16xf32>,
      %get3A_346 = vector.shape_cast %get3A_345 : vector<1x16xf32> to vector<16xf32>
      %get3A_347 = arith.index_cast %scan3A_176 : i32 to index
      %get3A_348 = arith.constant 192 : index
      %get3A_349 = tpu.vector_load %arg9[%get3A_347, %get3A_348] {strides = array<i32>} : memref<64x768xf32, #tpu.memory_space<vmem>>, vector<1x16xf32>,
      %get3A_350 = vector.shape_cast %get3A_349 : vector<1x16xf32> to vector<16xf32>
      %add3A_351 = arith.addf %get3A_346, %get3A_350 : vector<16xf32>
      %swap3A_352 = arith.index_cast %scan3A_176 : i32 to index
      %swap3A_353 = arith.constant 192 : index
      %swap3A_354 = tpu.vector_load %arg8[%swap3A_352, %swap3A_353] {strides = array<i32>} : memref<64x768xf32, #tpu.memory_space<vmem>>, vector<1x16xf32>,
      %swap3A_355 = vector.shape_cast %swap3A_354 : vector<1x16xf32> to vector<16xf32>
      %swap3A_356 = vector.shape_cast %add3A_351 : vector<16xf32> to vector<1x16xf32>
      tpu.vector_store %arg8[%swap3A_352, %swap3A_353], %swap3A_356 {strides = array<i32>} : memref<64x768xf32, #tpu.memory_space<vmem>>, vector<1x16xf32>,
      %get3A_357 = arith.index_cast %scan3A_176 : i32 to index
      %get3A_358 = arith.constant 208 : index
      %get3A_359 = tpu.vector_load %arg8[%get3A_357, %get3A_358] {strides = array<i32>} : memref<64x768xf32, #tpu.memory_space<vmem>>, vector<1x16xf32>,
      %get3A_360 = vector.shape_cast %get3A_359 : vector<1x16xf32> to vector<16xf32>
      %get3A_361 = arith.index_cast %scan3A_176 : i32 to index
      %get3A_362 = arith.constant 208 : index
      %get3A_363 = tpu.vector_load %arg9[%get3A_361, %get3A_362] {strides = array<i32>} : memref<64x768xf32, #tpu.memory_space<vmem>>, vector<1x16xf32>,
      %get3A_364 = vector.shape_cast %get3A_363 : vector<1x16xf32> to vector<16xf32>
      %add3A_365 = arith.addf %get3A_360, %get3A_364 : vector<16xf32>
      %swap3A_366 = arith.index_cast %scan3A_176 : i32 to index
      %swap3A_367 = arith.constant 208 : index
      %swap3A_368 = tpu.vector_load %arg8[%swap3A_366, %swap3A_367] {strides = array<i32>} : memref<64x768xf32, #tpu.memory_space<vmem>>, vector<1x16xf32>,
      %swap3A_369 = vector.shape_cast %swap3A_368 : vector<1x16xf32> to vector<16xf32>
      %swap3A_370 = vector.shape_cast %add3A_365 : vector<16xf32> to vector<1x16xf32>
      tpu.vector_store %arg8[%swap3A_366, %swap3A_367], %swap3A_370 {strides = array<i32>} : memref<64x768xf32, #tpu.memory_space<vmem>>, vector<1x16xf32>,
      %get3A_371 = arith.index_cast %scan3A_176 : i32 to index
      %get3A_372 = arith.constant 224 : index
      %get3A_373 = tpu.vector_load %arg8[%get3A_371, %get3A_372] {strides = array<i32>} : memref<64x768xf32, #tpu.memory_space<vmem>>, vector<1x16xf32>,
      %get3A_374 = vector.shape_cast %get3A_373 : vector<1x16xf32> to vector<16xf32>
      %get3A_375 = arith.index_cast %scan3A_176 : i32 to index
      %get3A_376 = arith.constant 224 : index
      %get3A_377 = tpu.vector_load %arg9[%get3A_375, %get3A_376] {strides = array<i32>} : memref<64x768xf32, #tpu.memory_space<vmem>>, vector<1x16xf32>,
      %get3A_378 = vector.shape_cast %get3A_377 : vector<1x16xf32> to vector<16xf32>
      %add3A_379 = arith.addf %get3A_374, %get3A_378 : vector<16xf32>
      %swap3A_380 = arith.index_cast %scan3A_176 : i32 to index
      %swap3A_381 = arith.constant 224 : index
      %swap3A_382 = tpu.vector_load %arg8[%swap3A_380, %swap3A_381] {strides = array<i32>} : memref<64x768xf32, #tpu.memory_space<vmem>>, vector<1x16xf32>,
      %swap3A_383 = vector.shape_cast %swap3A_382 : vector<1x16xf32> to vector<16xf32>
      %swap3A_384 = vector.shape_cast %add3A_379 : vector<16xf32> to vector<1x16xf32>
      tpu.vector_store %arg8[%swap3A_380, %swap3A_381], %swap3A_384 {strides = array<i32>} : memref<64x768xf32, #tpu.memory_space<vmem>>, vector<1x16xf32>,
      %get3A_385 = arith.index_cast %scan3A_176 : i32 to index
      %get3A_386 = arith.constant 240 : index
      %get3A_387 = tpu.vector_load %arg8[%get3A_385, %get3A_386] {strides = array<i32>} : memref<64x768xf32, #tpu.memory_space<vmem>>, vector<1x16xf32>,
      %get3A_388 = vector.shape_cast %get3A_387 : vector<1x16xf32> to vector<16xf32>
      %get3A_389 = arith.index_cast %scan3A_176 : i32 to index
      %get3A_390 = arith.constant 240 : index
      %get3A_391 = tpu.vector_load %arg9[%get3A_389, %get3A_390] {strides = array<i32>} : memref<64x768xf32, #tpu.memory_space<vmem>>, vector<1x16xf32>,
      %get3A_392 = vector.shape_cast %get3A_391 : vector<1x16xf32> to vector<16xf32>
      %add3A_393 = arith.addf %get3A_388, %get3A_392 : vector<16xf32>
      %swap3A_394 = arith.index_cast %scan3A_176 : i32 to index
      %swap3A_395 = arith.constant 240 : index
      %swap3A_396 = tpu.vector_load %arg8[%swap3A_394, %swap3A_395] {strides = array<i32>} : memref<64x768xf32, #tpu.memory_space<vmem>>, vector<1x16xf32>,
      %swap3A_397 = vector.shape_cast %swap3A_396 : vector<1x16xf32> to vector<16xf32>
      %swap3A_398 = vector.shape_cast %add3A_393 : vector<16xf32> to vector<1x16xf32>
      tpu.vector_store %arg8[%swap3A_394, %swap3A_395], %swap3A_398 {strides = array<i32>} : memref<64x768xf32, #tpu.memory_space<vmem>>, vector<1x16xf32>,
      %get3A_399 = arith.index_cast %scan3A_176 : i32 to index
      %get3A_400 = arith.constant 256 : index
      %get3A_401 = tpu.vector_load %arg8[%get3A_399, %get3A_400] {strides = array<i32>} : memref<64x768xf32, #tpu.memory_space<vmem>>, vector<1x16xf32>,
      %get3A_402 = vector.shape_cast %get3A_401 : vector<1x16xf32> to vector<16xf32>
      %get3A_403 = arith.index_cast %scan3A_176 : i32 to index
      %get3A_404 = arith.constant 256 : index
      %get3A_405 = tpu.vector_load %arg9[%get3A_403, %get3A_404] {strides = array<i32>} : memref<64x768xf32, #tpu.memory_space<vmem>>, vector<1x16xf32>,
      %get3A_406 = vector.shape_cast %get3A_405 : vector<1x16xf32> to vector<16xf32>
      %add3A_407 = arith.addf %get3A_402, %get3A_406 : vector<16xf32>
      %swap3A_408 = arith.index_cast %scan3A_176 : i32 to index
      %swap3A_409 = arith.constant 256 : index
      %swap3A_410 = tpu.vector_load %arg8[%swap3A_408, %swap3A_409] {strides = array<i32>} : memref<64x768xf32, #tpu.memory_space<vmem>>, vector<1x16xf32>,
      %swap3A_411 = vector.shape_cast %swap3A_410 : vector<1x16xf32> to vector<16xf32>
      %swap3A_412 = vector.shape_cast %add3A_407 : vector<16xf32> to vector<1x16xf32>
      tpu.vector_store %arg8[%swap3A_408, %swap3A_409], %swap3A_412 {strides = array<i32>} : memref<64x768xf32, #tpu.memory_space<vmem>>, vector<1x16xf32>,
      %get3A_413 = arith.index_cast %scan3A_176 : i32 to index
      %get3A_414 = arith.constant 272 : index
      %get3A_415 = tpu.vector_load %arg8[%get3A_413, %get3A_414] {strides = array<i32>} : memref<64x768xf32, #tpu.memory_space<vmem>>, vector<1x16xf32>,
      %get3A_416 = vector.shape_cast %get3A_415 : vector<1x16xf32> to vector<16xf32>
      %get3A_417 = arith.index_cast %scan3A_176 : i32 to index
      %get3A_418 = arith.constant 272 : index
      %get3A_419 = tpu.vector_load %arg9[%get3A_417, %get3A_418] {strides = array<i32>} : memref<64x768xf32, #tpu.memory_space<vmem>>, vector<1x16xf32>,
      %get3A_420 = vector.shape_cast %get3A_419 : vector<1x16xf32> to vector<16xf32>
      %add3A_421 = arith.addf %get3A_416, %get3A_420 : vector<16xf32>
      %swap3A_422 = arith.index_cast %scan3A_176 : i32 to index
      %swap3A_423 = arith.constant 272 : index
      %swap3A_424 = tpu.vector_load %arg8[%swap3A_422, %swap3A_423] {strides = array<i32>} : memref<64x768xf32, #tpu.memory_space<vmem>>, vector<1x16xf32>,
      %swap3A_425 = vector.shape_cast %swap3A_424 : vector<1x16xf32> to vector<16xf32>
      %swap3A_426 = vector.shape_cast %add3A_421 : vector<16xf32> to vector<1x16xf32>
      tpu.vector_store %arg8[%swap3A_422, %swap3A_423], %swap3A_426 {strides = array<i32>} : memref<64x768xf32, #tpu.memory_space<vmem>>, vector<1x16xf32>,
      %get3A_427 = arith.index_cast %scan3A_176 : i32 to index
      %get3A_428 = arith.constant 288 : index
      %get3A_429 = tpu.vector_load %arg8[%get3A_427, %get3A_428] {strides = array<i32>} : memref<64x768xf32, #tpu.memory_space<vmem>>, vector<1x16xf32>,
      %get3A_430 = vector.shape_cast %get3A_429 : vector<1x16xf32> to vector<16xf32>
      %get3A_431 = arith.index_cast %scan3A_176 : i32 to index
      %get3A_432 = arith.constant 288 : index
      %get3A_433 = tpu.vector_load %arg9[%get3A_431, %get3A_432] {strides = array<i32>} : memref<64x768xf32, #tpu.memory_space<vmem>>, vector<1x16xf32>,
      %get3A_434 = vector.shape_cast %get3A_433 : vector<1x16xf32> to vector<16xf32>
      %add3A_435 = arith.addf %get3A_430, %get3A_434 : vector<16xf32>
      %swap3A_436 = arith.index_cast %scan3A_176 : i32 to index
      %swap3A_437 = arith.constant 288 : index
      %swap3A_438 = tpu.vector_load %arg8[%swap3A_436, %swap3A_437] {strides = array<i32>} : memref<64x768xf32, #tpu.memory_space<vmem>>, vector<1x16xf32>,
      %swap3A_439 = vector.shape_cast %swap3A_438 : vector<1x16xf32> to vector<16xf32>
      %swap3A_440 = vector.shape_cast %add3A_435 : vector<16xf32> to vector<1x16xf32>
      tpu.vector_store %arg8[%swap3A_436, %swap3A_437], %swap3A_440 {strides = array<i32>} : memref<64x768xf32, #tpu.memory_space<vmem>>, vector<1x16xf32>,
      %get3A_441 = arith.index_cast %scan3A_176 : i32 to index
      %get3A_442 = arith.constant 304 : index
      %get3A_443 = tpu.vector_load %arg8[%get3A_441, %get3A_442] {strides = array<i32>} : memref<64x768xf32, #tpu.memory_space<vmem>>, vector<1x16xf32>,
      %get3A_444 = vector.shape_cast %get3A_443 : vector<1x16xf32> to vector<16xf32>
      %get3A_445 = arith.index_cast %scan3A_176 : i32 to index
      %get3A_446 = arith.constant 304 : index
      %get3A_447 = tpu.vector_load %arg9[%get3A_445, %get3A_446] {strides = array<i32>} : memref<64x768xf32, #tpu.memory_space<vmem>>, vector<1x16xf32>,
      %get3A_448 = vector.shape_cast %get3A_447 : vector<1x16xf32> to vector<16xf32>
      %add3A_449 = arith.addf %get3A_444, %get3A_448 : vector<16xf32>
      %swap3A_450 = arith.index_cast %scan3A_176 : i32 to index
      %swap3A_451 = arith.constant 304 : index
      %swap3A_452 = tpu.vector_load %arg8[%swap3A_450, %swap3A_451] {strides = array<i32>} : memref<64x768xf32, #tpu.memory_space<vmem>>, vector<1x16xf32>,
      %swap3A_453 = vector.shape_cast %swap3A_452 : vector<1x16xf32> to vector<16xf32>
      %swap3A_454 = vector.shape_cast %add3A_449 : vector<16xf32> to vector<1x16xf32>
      tpu.vector_store %arg8[%swap3A_450, %swap3A_451], %swap3A_454 {strides = array<i32>} : memref<64x768xf32, #tpu.memory_space<vmem>>, vector<1x16xf32>,
      %get3A_455 = arith.index_cast %scan3A_176 : i32 to index
      %get3A_456 = arith.constant 320 : index
      %get3A_457 = tpu.vector_load %arg8[%get3A_455, %get3A_456] {strides = array<i32>} : memref<64x768xf32, #tpu.memory_space<vmem>>, vector<1x16xf32>,
      %get3A_458 = vector.shape_cast %get3A_457 : vector<1x16xf32> to vector<16xf32>
      %get3A_459 = arith.index_cast %scan3A_176 : i32 to index
      %get3A_460 = arith.constant 320 : index
      %get3A_461 = tpu.vector_load %arg9[%get3A_459, %get3A_460] {strides = array<i32>} : memref<64x768xf32, #tpu.memory_space<vmem>>, vector<1x16xf32>,
      %get3A_462 = vector.shape_cast %get3A_461 : vector<1x16xf32> to vector<16xf32>
      %add3A_463 = arith.addf %get3A_458, %get3A_462 : vector<16xf32>
      %swap3A_464 = arith.index_cast %scan3A_176 : i32 to index
      %swap3A_465 = arith.constant 320 : index
      %swap3A_466 = tpu.vector_load %arg8[%swap3A_464, %swap3A_465] {strides = array<i32>} : memref<64x768xf32, #tpu.memory_space<vmem>>, vector<1x16xf32>,
      %swap3A_467 = vector.shape_cast %swap3A_466 : vector<1x16xf32> to vector<16xf32>
      %swap3A_468 = vector.shape_cast %add3A_463 : vector<16xf32> to vector<1x16xf32>
      tpu.vector_store %arg8[%swap3A_464, %swap3A_465], %swap3A_468 {strides = array<i32>} : memref<64x768xf32, #tpu.memory_space<vmem>>, vector<1x16xf32>,
      %get3A_469 = arith.index_cast %scan3A_176 : i32 to index
      %get3A_470 = arith.constant 336 : index
      %get3A_471 = tpu.vector_load %arg8[%get3A_469, %get3A_470] {strides = array<i32>} : memref<64x768xf32, #tpu.memory_space<vmem>>, vector<1x16xf32>,
      %get3A_472 = vector.shape_cast %get3A_471 : vector<1x16xf32> to vector<16xf32>
      %get3A_473 = arith.index_cast %scan3A_176 : i32 to index
      %get3A_474 = arith.constant 336 : index
      %get3A_475 = tpu.vector_load %arg9[%get3A_473, %get3A_474] {strides = array<i32>} : memref<64x768xf32, #tpu.memory_space<vmem>>, vector<1x16xf32>,
      %get3A_476 = vector.shape_cast %get3A_475 : vector<1x16xf32> to vector<16xf32>
      %add3A_477 = arith.addf %get3A_472, %get3A_476 : vector<16xf32>
      %swap3A_478 = arith.index_cast %scan3A_176 : i32 to index
      %swap3A_479 = arith.constant 336 : index
      %swap3A_480 = tpu.vector_load %arg8[%swap3A_478, %swap3A_479] {strides = array<i32>} : memref<64x768xf32, #tpu.memory_space<vmem>>, vector<1x16xf32>,
      %swap3A_481 = vector.shape_cast %swap3A_480 : vector<1x16xf32> to vector<16xf32>
      %swap3A_482 = vector.shape_cast %add3A_477 : vector<16xf32> to vector<1x16xf32>
      tpu.vector_store %arg8[%swap3A_478, %swap3A_479], %swap3A_482 {strides = array<i32>} : memref<64x768xf32, #tpu.memory_space<vmem>>, vector<1x16xf32>,
      %get3A_483 = arith.index_cast %scan3A_176 : i32 to index
      %get3A_484 = arith.constant 352 : index
      %get3A_485 = tpu.vector_load %arg8[%get3A_483, %get3A_484] {strides = array<i32>} : memref<64x768xf32, #tpu.memory_space<vmem>>, vector<1x16xf32>,
      %get3A_486 = vector.shape_cast %get3A_485 : vector<1x16xf32> to vector<16xf32>
      %get3A_487 = arith.index_cast %scan3A_176 : i32 to index
      %get3A_488 = arith.constant 352 : index
      %get3A_489 = tpu.vector_load %arg9[%get3A_487, %get3A_488] {strides = array<i32>} : memref<64x768xf32, #tpu.memory_space<vmem>>, vector<1x16xf32>,
      %get3A_490 = vector.shape_cast %get3A_489 : vector<1x16xf32> to vector<16xf32>
      %add3A_491 = arith.addf %get3A_486, %get3A_490 : vector<16xf32>
      %swap3A_492 = arith.index_cast %scan3A_176 : i32 to index
      %swap3A_493 = arith.constant 352 : index
      %swap3A_494 = tpu.vector_load %arg8[%swap3A_492, %swap3A_493] {strides = array<i32>} : memref<64x768xf32, #tpu.memory_space<vmem>>, vector<1x16xf32>,
      %swap3A_495 = vector.shape_cast %swap3A_494 : vector<1x16xf32> to vector<16xf32>
      %swap3A_496 = vector.shape_cast %add3A_491 : vector<16xf32> to vector<1x16xf32>
      tpu.vector_store %arg8[%swap3A_492, %swap3A_493], %swap3A_496 {strides = array<i32>} : memref<64x768xf32, #tpu.memory_space<vmem>>, vector<1x16xf32>,
      %get3A_497 = arith.index_cast %scan3A_176 : i32 to index
      %get3A_498 = arith.constant 368 : index
      %get3A_499 = tpu.vector_load %arg8[%get3A_497, %get3A_498] {strides = array<i32>} : memref<64x768xf32, #tpu.memory_space<vmem>>, vector<1x16xf32>,
      %get3A_500 = vector.shape_cast %get3A_499 : vector<1x16xf32> to vector<16xf32>
      %get3A_501 = arith.index_cast %scan3A_176 : i32 to index
      %get3A_502 = arith.constant 368 : index
      %get3A_503 = tpu.vector_load %arg9[%get3A_501, %get3A_502] {strides = array<i32>} : memref<64x768xf32, #tpu.memory_space<vmem>>, vector<1x16xf32>,
      %get3A_504 = vector.shape_cast %get3A_503 : vector<1x16xf32> to vector<16xf32>
      %add3A_505 = arith.addf %get3A_500, %get3A_504 : vector<16xf32>
      %swap3A_506 = arith.index_cast %scan3A_176 : i32 to index
      %swap3A_507 = arith.constant 368 : index
      %swap3A_508 = tpu.vector_load %arg8[%swap3A_506, %swap3A_507] {strides = array<i32>} : memref<64x768xf32, #tpu.memory_space<vmem>>, vector<1x16xf32>,
      %swap3A_509 = vector.shape_cast %swap3A_508 : vector<1x16xf32> to vector<16xf32>
      %swap3A_510 = vector.shape_cast %add3A_505 : vector<16xf32> to vector<1x16xf32>
      tpu.vector_store %arg8[%swap3A_506, %swap3A_507], %swap3A_510 {strides = array<i32>} : memref<64x768xf32, #tpu.memory_space<vmem>>, vector<1x16xf32>,
      %get3A_511 = arith.index_cast %scan3A_176 : i32 to index
      %get3A_512 = arith.constant 384 : index
      %get3A_513 = tpu.vector_load %arg8[%get3A_511, %get3A_512] {strides = array<i32>} : memref<64x768xf32, #tpu.memory_space<vmem>>, vector<1x16xf32>,
      %get3A_514 = vector.shape_cast %get3A_513 : vector<1x16xf32> to vector<16xf32>
      %get3A_515 = arith.index_cast %scan3A_176 : i32 to index
      %get3A_516 = arith.constant 384 : index
      %get3A_517 = tpu.vector_load %arg9[%get3A_515, %get3A_516] {strides = array<i32>} : memref<64x768xf32, #tpu.memory_space<vmem>>, vector<1x16xf32>,
      %get3A_518 = vector.shape_cast %get3A_517 : vector<1x16xf32> to vector<16xf32>
      %add3A_519 = arith.addf %get3A_514, %get3A_518 : vector<16xf32>
      %swap3A_520 = arith.index_cast %scan3A_176 : i32 to index
      %swap3A_521 = arith.constant 384 : index
      %swap3A_522 = tpu.vector_load %arg8[%swap3A_520, %swap3A_521] {strides = array<i32>} : memref<64x768xf32, #tpu.memory_space<vmem>>, vector<1x16xf32>,
      %swap3A_523 = vector.shape_cast %swap3A_522 : vector<1x16xf32> to vector<16xf32>
      %swap3A_524 = vector.shape_cast %add3A_519 : vector<16xf32> to vector<1x16xf32>
      tpu.vector_store %arg8[%swap3A_520, %swap3A_521], %swap3A_524 {strides = array<i32>} : memref<64x768xf32, #tpu.memory_space<vmem>>, vector<1x16xf32>,
      %get3A_525 = arith.index_cast %scan3A_176 : i32 to index
      %get3A_526 = arith.constant 400 : index
      %get3A_527 = tpu.vector_load %arg8[%get3A_525, %get3A_526] {strides = array<i32>} : memref<64x768xf32, #tpu.memory_space<vmem>>, vector<1x16xf32>,
      %get3A_528 = vector.shape_cast %get3A_527 : vector<1x16xf32> to vector<16xf32>
      %get3A_529 = arith.index_cast %scan3A_176 : i32 to index
      %get3A_530 = arith.constant 400 : index
      %get3A_531 = tpu.vector_load %arg9[%get3A_529, %get3A_530] {strides = array<i32>} : memref<64x768xf32, #tpu.memory_space<vmem>>, vector<1x16xf32>,
      %get3A_532 = vector.shape_cast %get3A_531 : vector<1x16xf32> to vector<16xf32>
      %add3A_533 = arith.addf %get3A_528, %get3A_532 : vector<16xf32>
      %swap3A_534 = arith.index_cast %scan3A_176 : i32 to index
      %swap3A_535 = arith.constant 400 : index
      %swap3A_536 = tpu.vector_load %arg8[%swap3A_534, %swap3A_535] {strides = array<i32>} : memref<64x768xf32, #tpu.memory_space<vmem>>, vector<1x16xf32>,
      %swap3A_537 = vector.shape_cast %swap3A_536 : vector<1x16xf32> to vector<16xf32>
      %swap3A_538 = vector.shape_cast %add3A_533 : vector<16xf32> to vector<1x16xf32>
      tpu.vector_store %arg8[%swap3A_534, %swap3A_535], %swap3A_538 {strides = array<i32>} : memref<64x768xf32, #tpu.memory_space<vmem>>, vector<1x16xf32>,
      %get3A_539 = arith.index_cast %scan3A_176 : i32 to index
      %get3A_540 = arith.constant 416 : index
      %get3A_541 = tpu.vector_load %arg8[%get3A_539, %get3A_540] {strides = array<i32>} : memref<64x768xf32, #tpu.memory_space<vmem>>, vector<1x16xf32>,
      %get3A_542 = vector.shape_cast %get3A_541 : vector<1x16xf32> to vector<16xf32>
      %get3A_543 = arith.index_cast %scan3A_176 : i32 to index
      %get3A_544 = arith.constant 416 : index
      %get3A_545 = tpu.vector_load %arg9[%get3A_543, %get3A_544] {strides = array<i32>} : memref<64x768xf32, #tpu.memory_space<vmem>>, vector<1x16xf32>,
      %get3A_546 = vector.shape_cast %get3A_545 : vector<1x16xf32> to vector<16xf32>
      %add3A_547 = arith.addf %get3A_542, %get3A_546 : vector<16xf32>
      %swap3A_548 = arith.index_cast %scan3A_176 : i32 to index
      %swap3A_549 = arith.constant 416 : index
      %swap3A_550 = tpu.vector_load %arg8[%swap3A_548, %swap3A_549] {strides = array<i32>} : memref<64x768xf32, #tpu.memory_space<vmem>>, vector<1x16xf32>,
      %swap3A_551 = vector.shape_cast %swap3A_550 : vector<1x16xf32> to vector<16xf32>
      %swap3A_552 = vector.shape_cast %add3A_547 : vector<16xf32> to vector<1x16xf32>
      tpu.vector_store %arg8[%swap3A_548, %swap3A_549], %swap3A_552 {strides = array<i32>} : memref<64x768xf32, #tpu.memory_space<vmem>>, vector<1x16xf32>,
      %get3A_553 = arith.index_cast %scan3A_176 : i32 to index
      %get3A_554 = arith.constant 432 : index
      %get3A_555 = tpu.vector_load %arg8[%get3A_553, %get3A_554] {strides = array<i32>} : memref<64x768xf32, #tpu.memory_space<vmem>>, vector<1x16xf32>,
      %get3A_556 = vector.shape_cast %get3A_555 : vector<1x16xf32> to vector<16xf32>
      %get3A_557 = arith.index_cast %scan3A_176 : i32 to index
      %get3A_558 = arith.constant 432 : index
      %get3A_559 = tpu.vector_load %arg9[%get3A_557, %get3A_558] {strides = array<i32>} : memref<64x768xf32, #tpu.memory_space<vmem>>, vector<1x16xf32>,
      %get3A_560 = vector.shape_cast %get3A_559 : vector<1x16xf32> to vector<16xf32>
      %add3A_561 = arith.addf %get3A_556, %get3A_560 : vector<16xf32>
      %swap3A_562 = arith.index_cast %scan3A_176 : i32 to index
      %swap3A_563 = arith.constant 432 : index
      %swap3A_564 = tpu.vector_load %arg8[%swap3A_562, %swap3A_563] {strides = array<i32>} : memref<64x768xf32, #tpu.memory_space<vmem>>, vector<1x16xf32>,
      %swap3A_565 = vector.shape_cast %swap3A_564 : vector<1x16xf32> to vector<16xf32>
      %swap3A_566 = vector.shape_cast %add3A_561 : vector<16xf32> to vector<1x16xf32>
      tpu.vector_store %arg8[%swap3A_562, %swap3A_563], %swap3A_566 {strides = array<i32>} : memref<64x768xf32, #tpu.memory_space<vmem>>, vector<1x16xf32>,
      %get3A_567 = arith.index_cast %scan3A_176 : i32 to index
      %get3A_568 = arith.constant 448 : index
      %get3A_569 = tpu.vector_load %arg8[%get3A_567, %get3A_568] {strides = array<i32>} : memref<64x768xf32, #tpu.memory_space<vmem>>, vector<1x16xf32>,
      %get3A_570 = vector.shape_cast %get3A_569 : vector<1x16xf32> to vector<16xf32>
      %get3A_571 = arith.index_cast %scan3A_176 : i32 to index
      %get3A_572 = arith.constant 448 : index
      %get3A_573 = tpu.vector_load %arg9[%get3A_571, %get3A_572] {strides = array<i32>} : memref<64x768xf32, #tpu.memory_space<vmem>>, vector<1x16xf32>,
      %get3A_574 = vector.shape_cast %get3A_573 : vector<1x16xf32> to vector<16xf32>
      %add3A_575 = arith.addf %get3A_570, %get3A_574 : vector<16xf32>
      %swap3A_576 = arith.index_cast %scan3A_176 : i32 to index
      %swap3A_577 = arith.constant 448 : index
      %swap3A_578 = tpu.vector_load %arg8[%swap3A_576, %swap3A_577] {strides = array<i32>} : memref<64x768xf32, #tpu.memory_space<vmem>>, vector<1x16xf32>,
      %swap3A_579 = vector.shape_cast %swap3A_578 : vector<1x16xf32> to vector<16xf32>
      %swap3A_580 = vector.shape_cast %add3A_575 : vector<16xf32> to vector<1x16xf32>
      tpu.vector_store %arg8[%swap3A_576, %swap3A_577], %swap3A_580 {strides = array<i32>} : memref<64x768xf32, #tpu.memory_space<vmem>>, vector<1x16xf32>,
      %get3A_581 = arith.index_cast %scan3A_176 : i32 to index
      %get3A_582 = arith.constant 464 : index
      %get3A_583 = tpu.vector_load %arg8[%get3A_581, %get3A_582] {strides = array<i32>} : memref<64x768xf32, #tpu.memory_space<vmem>>, vector<1x16xf32>,
      %get3A_584 = vector.shape_cast %get3A_583 : vector<1x16xf32> to vector<16xf32>
      %get3A_585 = arith.index_cast %scan3A_176 : i32 to index
      %get3A_586 = arith.constant 464 : index
      %get3A_587 = tpu.vector_load %arg9[%get3A_585, %get3A_586] {strides = array<i32>} : memref<64x768xf32, #tpu.memory_space<vmem>>, vector<1x16xf32>,
      %get3A_588 = vector.shape_cast %get3A_587 : vector<1x16xf32> to vector<16xf32>
      %add3A_589 = arith.addf %get3A_584, %get3A_588 : vector<16xf32>
      %swap3A_590 = arith.index_cast %scan3A_176 : i32 to index
      %swap3A_591 = arith.constant 464 : index
      %swap3A_592 = tpu.vector_load %arg8[%swap3A_590, %swap3A_591] {strides = array<i32>} : memref<64x768xf32, #tpu.memory_space<vmem>>, vector<1x16xf32>,
      %swap3A_593 = vector.shape_cast %swap3A_592 : vector<1x16xf32> to vector<16xf32>
      %swap3A_594 = vector.shape_cast %add3A_589 : vector<16xf32> to vector<1x16xf32>
      tpu.vector_store %arg8[%swap3A_590, %swap3A_591], %swap3A_594 {strides = array<i32>} : memref<64x768xf32, #tpu.memory_space<vmem>>, vector<1x16xf32>,
      %get3A_595 = arith.index_cast %scan3A_176 : i32 to index
      %get3A_596 = arith.constant 480 : index
      %get3A_597 = tpu.vector_load %arg8[%get3A_595, %get3A_596] {strides = array<i32>} : memref<64x768xf32, #tpu.memory_space<vmem>>, vector<1x16xf32>,
      %get3A_598 = vector.shape_cast %get3A_597 : vector<1x16xf32> to vector<16xf32>
      %get3A_599 = arith.index_cast %scan3A_176 : i32 to index
      %get3A_600 = arith.constant 480 : index
      %get3A_601 = tpu.vector_load %arg9[%get3A_599, %get3A_600] {strides = array<i32>} : memref<64x768xf32, #tpu.memory_space<vmem>>, vector<1x16xf32>,
      %get3A_602 = vector.shape_cast %get3A_601 : vector<1x16xf32> to vector<16xf32>
      %add3A_603 = arith.addf %get3A_598, %get3A_602 : vector<16xf32>
      %swap3A_604 = arith.index_cast %scan3A_176 : i32 to index
      %swap3A_605 = arith.constant 480 : index
      %swap3A_606 = tpu.vector_load %arg8[%swap3A_604, %swap3A_605] {strides = array<i32>} : memref<64x768xf32, #tpu.memory_space<vmem>>, vector<1x16xf32>,
      %swap3A_607 = vector.shape_cast %swap3A_606 : vector<1x16xf32> to vector<16xf32>
      %swap3A_608 = vector.shape_cast %add3A_603 : vector<16xf32> to vector<1x16xf32>
      tpu.vector_store %arg8[%swap3A_604, %swap3A_605], %swap3A_608 {strides = array<i32>} : memref<64x768xf32, #tpu.memory_space<vmem>>, vector<1x16xf32>,
      %get3A_609 = arith.index_cast %scan3A_176 : i32 to index
      %get3A_610 = arith.constant 496 : index
      %get3A_611 = tpu.vector_load %arg8[%get3A_609, %get3A_610] {strides = array<i32>} : memref<64x768xf32, #tpu.memory_space<vmem>>, vector<1x16xf32>,
      %get3A_612 = vector.shape_cast %get3A_611 : vector<1x16xf32> to vector<16xf32>
      %get3A_613 = arith.index_cast %scan3A_176 : i32 to index
      %get3A_614 = arith.constant 496 : index
      %get3A_615 = tpu.vector_load %arg9[%get3A_613, %get3A_614] {strides = array<i32>} : memref<64x768xf32, #tpu.memory_space<vmem>>, vector<1x16xf32>,
      %get3A_616 = vector.shape_cast %get3A_615 : vector<1x16xf32> to vector<16xf32>
      %add3A_617 = arith.addf %get3A_612, %get3A_616 : vector<16xf32>
      %swap3A_618 = arith.index_cast %scan3A_176 : i32 to index
      %swap3A_619 = arith.constant 496 : index
      %swap3A_620 = tpu.vector_load %arg8[%swap3A_618, %swap3A_619] {strides = array<i32>} : memref<64x768xf32, #tpu.memory_space<vmem>>, vector<1x16xf32>,
      %swap3A_621 = vector.shape_cast %swap3A_620 : vector<1x16xf32> to vector<16xf32>
      %swap3A_622 = vector.shape_cast %add3A_617 : vector<16xf32> to vector<1x16xf32>
      tpu.vector_store %arg8[%swap3A_618, %swap3A_619], %swap3A_622 {strides = array<i32>} : memref<64x768xf32, #tpu.memory_space<vmem>>, vector<1x16xf32>,
      %get3A_623 = arith.index_cast %scan3A_176 : i32 to index
      %get3A_624 = arith.constant 512 : index
      %get3A_625 = tpu.vector_load %arg8[%get3A_623, %get3A_624] {strides = array<i32>} : memref<64x768xf32, #tpu.memory_space<vmem>>, vector<1x16xf32>,
      %get3A_626 = vector.shape_cast %get3A_625 : vector<1x16xf32> to vector<16xf32>
      %get3A_627 = arith.index_cast %scan3A_176 : i32 to index
      %get3A_628 = arith.constant 512 : index
      %get3A_629 = tpu.vector_load %arg9[%get3A_627, %get3A_628] {strides = array<i32>} : memref<64x768xf32, #tpu.memory_space<vmem>>, vector<1x16xf32>,
      %get3A_630 = vector.shape_cast %get3A_629 : vector<1x16xf32> to vector<16xf32>
      %add3A_631 = arith.addf %get3A_626, %get3A_630 : vector<16xf32>
      %swap3A_632 = arith.index_cast %scan3A_176 : i32 to index
      %swap3A_633 = arith.constant 512 : index
      %swap3A_634 = tpu.vector_load %arg8[%swap3A_632, %swap3A_633] {strides = array<i32>} : memref<64x768xf32, #tpu.memory_space<vmem>>, vector<1x16xf32>,
      %swap3A_635 = vector.shape_cast %swap3A_634 : vector<1x16xf32> to vector<16xf32>
      %swap3A_636 = vector.shape_cast %add3A_631 : vector<16xf32> to vector<1x16xf32>
      tpu.vector_store %arg8[%swap3A_632, %swap3A_633], %swap3A_636 {strides = array<i32>} : memref<64x768xf32, #tpu.memory_space<vmem>>, vector<1x16xf32>,
      %get3A_637 = arith.index_cast %scan3A_176 : i32 to index
      %get3A_638 = arith.constant 528 : index
      %get3A_639 = tpu.vector_load %arg8[%get3A_637, %get3A_638] {strides = array<i32>} : memref<64x768xf32, #tpu.memory_space<vmem>>, vector<1x16xf32>,
      %get3A_640 = vector.shape_cast %get3A_639 : vector<1x16xf32> to vector<16xf32>
      %get3A_641 = arith.index_cast %scan3A_176 : i32 to index
      %get3A_642 = arith.constant 528 : index
      %get3A_643 = tpu.vector_load %arg9[%get3A_641, %get3A_642] {strides = array<i32>} : memref<64x768xf32, #tpu.memory_space<vmem>>, vector<1x16xf32>,
      %get3A_644 = vector.shape_cast %get3A_643 : vector<1x16xf32> to vector<16xf32>
      %add3A_645 = arith.addf %get3A_640, %get3A_644 : vector<16xf32>
      %swap3A_646 = arith.index_cast %scan3A_176 : i32 to index
      %swap3A_647 = arith.constant 528 : index
      %swap3A_648 = tpu.vector_load %arg8[%swap3A_646, %swap3A_647] {strides = array<i32>} : memref<64x768xf32, #tpu.memory_space<vmem>>, vector<1x16xf32>,
      %swap3A_649 = vector.shape_cast %swap3A_648 : vector<1x16xf32> to vector<16xf32>
      %swap3A_650 = vector.shape_cast %add3A_645 : vector<16xf32> to vector<1x16xf32>
      tpu.vector_store %arg8[%swap3A_646, %swap3A_647], %swap3A_650 {strides = array<i32>} : memref<64x768xf32, #tpu.memory_space<vmem>>, vector<1x16xf32>,
      %get3A_651 = arith.index_cast %scan3A_176 : i32 to index
      %get3A_652 = arith.constant 544 : index
      %get3A_653 = tpu.vector_load %arg8[%get3A_651, %get3A_652] {strides = array<i32>} : memref<64x768xf32, #tpu.memory_space<vmem>>, vector<1x16xf32>,
      %get3A_654 = vector.shape_cast %get3A_653 : vector<1x16xf32> to vector<16xf32>
      %get3A_655 = arith.index_cast %scan3A_176 : i32 to index
      %get3A_656 = arith.constant 544 : index
      %get3A_657 = tpu.vector_load %arg9[%get3A_655, %get3A_656] {strides = array<i32>} : memref<64x768xf32, #tpu.memory_space<vmem>>, vector<1x16xf32>,
      %get3A_658 = vector.shape_cast %get3A_657 : vector<1x16xf32> to vector<16xf32>
      %add3A_659 = arith.addf %get3A_654, %get3A_658 : vector<16xf32>
      %swap3A_660 = arith.index_cast %scan3A_176 : i32 to index
      %swap3A_661 = arith.constant 544 : index
      %swap3A_662 = tpu.vector_load %arg8[%swap3A_660, %swap3A_661] {strides = array<i32>} : memref<64x768xf32, #tpu.memory_space<vmem>>, vector<1x16xf32>,
      %swap3A_663 = vector.shape_cast %swap3A_662 : vector<1x16xf32> to vector<16xf32>
      %swap3A_664 = vector.shape_cast %add3A_659 : vector<16xf32> to vector<1x16xf32>
      tpu.vector_store %arg8[%swap3A_660, %swap3A_661], %swap3A_664 {strides = array<i32>} : memref<64x768xf32, #tpu.memory_space<vmem>>, vector<1x16xf32>,
      %get3A_665 = arith.index_cast %scan3A_176 : i32 to index
      %get3A_666 = arith.constant 560 : index
      %get3A_667 = tpu.vector_load %arg8[%get3A_665, %get3A_666] {strides = array<i32>} : memref<64x768xf32, #tpu.memory_space<vmem>>, vector<1x16xf32>,
      %get3A_668 = vector.shape_cast %get3A_667 : vector<1x16xf32> to vector<16xf32>
      %get3A_669 = arith.index_cast %scan3A_176 : i32 to index
      %get3A_670 = arith.constant 560 : index
      %get3A_671 = tpu.vector_load %arg9[%get3A_669, %get3A_670] {strides = array<i32>} : memref<64x768xf32, #tpu.memory_space<vmem>>, vector<1x16xf32>,
      %get3A_672 = vector.shape_cast %get3A_671 : vector<1x16xf32> to vector<16xf32>
      %add3A_673 = arith.addf %get3A_668, %get3A_672 : vector<16xf32>
      %swap3A_674 = arith.index_cast %scan3A_176 : i32 to index
      %swap3A_675 = arith.constant 560 : index
      %swap3A_676 = tpu.vector_load %arg8[%swap3A_674, %swap3A_675] {strides = array<i32>} : memref<64x768xf32, #tpu.memory_space<vmem>>, vector<1x16xf32>,
      %swap3A_677 = vector.shape_cast %swap3A_676 : vector<1x16xf32> to vector<16xf32>
      %swap3A_678 = vector.shape_cast %add3A_673 : vector<16xf32> to vector<1x16xf32>
      tpu.vector_store %arg8[%swap3A_674, %swap3A_675], %swap3A_678 {strides = array<i32>} : memref<64x768xf32, #tpu.memory_space<vmem>>, vector<1x16xf32>,
      %get3A_679 = arith.index_cast %scan3A_176 : i32 to index
      %get3A_680 = arith.constant 576 : index
      %get3A_681 = tpu.vector_load %arg8[%get3A_679, %get3A_680] {strides = array<i32>} : memref<64x768xf32, #tpu.memory_space<vmem>>, vector<1x16xf32>,
      %get3A_682 = vector.shape_cast %get3A_681 : vector<1x16xf32> to vector<16xf32>
      %get3A_683 = arith.index_cast %scan3A_176 : i32 to index
      %get3A_684 = arith.constant 576 : index
      %get3A_685 = tpu.vector_load %arg9[%get3A_683, %get3A_684] {strides = array<i32>} : memref<64x768xf32, #tpu.memory_space<vmem>>, vector<1x16xf32>,
      %get3A_686 = vector.shape_cast %get3A_685 : vector<1x16xf32> to vector<16xf32>
      %add3A_687 = arith.addf %get3A_682, %get3A_686 : vector<16xf32>
      %swap3A_688 = arith.index_cast %scan3A_176 : i32 to index
      %swap3A_689 = arith.constant 576 : index
      %swap3A_690 = tpu.vector_load %arg8[%swap3A_688, %swap3A_689] {strides = array<i32>} : memref<64x768xf32, #tpu.memory_space<vmem>>, vector<1x16xf32>,
      %swap3A_691 = vector.shape_cast %swap3A_690 : vector<1x16xf32> to vector<16xf32>
      %swap3A_692 = vector.shape_cast %add3A_687 : vector<16xf32> to vector<1x16xf32>
      tpu.vector_store %arg8[%swap3A_688, %swap3A_689], %swap3A_692 {strides = array<i32>} : memref<64x768xf32, #tpu.memory_space<vmem>>, vector<1x16xf32>,
      %get3A_693 = arith.index_cast %scan3A_176 : i32 to index
      %get3A_694 = arith.constant 592 : index
      %get3A_695 = tpu.vector_load %arg8[%get3A_693, %get3A_694] {strides = array<i32>} : memref<64x768xf32, #tpu.memory_space<vmem>>, vector<1x16xf32>,
      %get3A_696 = vector.shape_cast %get3A_695 : vector<1x16xf32> to vector<16xf32>
      %get3A_697 = arith.index_cast %scan3A_176 : i32 to index
      %get3A_698 = arith.constant 592 : index
      %get3A_699 = tpu.vector_load %arg9[%get3A_697, %get3A_698] {strides = array<i32>} : memref<64x768xf32, #tpu.memory_space<vmem>>, vector<1x16xf32>,
      %get3A_700 = vector.shape_cast %get3A_699 : vector<1x16xf32> to vector<16xf32>
      %add3A_701 = arith.addf %get3A_696, %get3A_700 : vector<16xf32>
      %swap3A_702 = arith.index_cast %scan3A_176 : i32 to index
      %swap3A_703 = arith.constant 592 : index
      %swap3A_704 = tpu.vector_load %arg8[%swap3A_702, %swap3A_703] {strides = array<i32>} : memref<64x768xf32, #tpu.memory_space<vmem>>, vector<1x16xf32>,
      %swap3A_705 = vector.shape_cast %swap3A_704 : vector<1x16xf32> to vector<16xf32>
      %swap3A_706 = vector.shape_cast %add3A_701 : vector<16xf32> to vector<1x16xf32>
      tpu.vector_store %arg8[%swap3A_702, %swap3A_703], %swap3A_706 {strides = array<i32>} : memref<64x768xf32, #tpu.memory_space<vmem>>, vector<1x16xf32>,
      %get3A_707 = arith.index_cast %scan3A_176 : i32 to index
      %get3A_708 = arith.constant 608 : index
      %get3A_709 = tpu.vector_load %arg8[%get3A_707, %get3A_708] {strides = array<i32>} : memref<64x768xf32, #tpu.memory_space<vmem>>, vector<1x16xf32>,
      %get3A_710 = vector.shape_cast %get3A_709 : vector<1x16xf32> to vector<16xf32>
      %get3A_711 = arith.index_cast %scan3A_176 : i32 to index
      %get3A_712 = arith.constant 608 : index
      %get3A_713 = tpu.vector_load %arg9[%get3A_711, %get3A_712] {strides = array<i32>} : memref<64x768xf32, #tpu.memory_space<vmem>>, vector<1x16xf32>,
      %get3A_714 = vector.shape_cast %get3A_713 : vector<1x16xf32> to vector<16xf32>
      %add3A_715 = arith.addf %get3A_710, %get3A_714 : vector<16xf32>
      %swap3A_716 = arith.index_cast %scan3A_176 : i32 to index
      %swap3A_717 = arith.constant 608 : index
      %swap3A_718 = tpu.vector_load %arg8[%swap3A_716, %swap3A_717] {strides = array<i32>} : memref<64x768xf32, #tpu.memory_space<vmem>>, vector<1x16xf32>,
      %swap3A_719 = vector.shape_cast %swap3A_718 : vector<1x16xf32> to vector<16xf32>
      %swap3A_720 = vector.shape_cast %add3A_715 : vector<16xf32> to vector<1x16xf32>
      tpu.vector_store %arg8[%swap3A_716, %swap3A_717], %swap3A_720 {strides = array<i32>} : memref<64x768xf32, #tpu.memory_space<vmem>>, vector<1x16xf32>,
      %get3A_721 = arith.index_cast %scan3A_176 : i32 to index
      %get3A_722 = arith.constant 624 : index
      %get3A_723 = tpu.vector_load %arg8[%get3A_721, %get3A_722] {strides = array<i32>} : memref<64x768xf32, #tpu.memory_space<vmem>>, vector<1x16xf32>,
      %get3A_724 = vector.shape_cast %get3A_723 : vector<1x16xf32> to vector<16xf32>
      %get3A_725 = arith.index_cast %scan3A_176 : i32 to index
      %get3A_726 = arith.constant 624 : index
      %get3A_727 = tpu.vector_load %arg9[%get3A_725, %get3A_726] {strides = array<i32>} : memref<64x768xf32, #tpu.memory_space<vmem>>, vector<1x16xf32>,
      %get3A_728 = vector.shape_cast %get3A_727 : vector<1x16xf32> to vector<16xf32>
      %add3A_729 = arith.addf %get3A_724, %get3A_728 : vector<16xf32>
      %swap3A_730 = arith.index_cast %scan3A_176 : i32 to index
      %swap3A_731 = arith.constant 624 : index
      %swap3A_732 = tpu.vector_load %arg8[%swap3A_730, %swap3A_731] {strides = array<i32>} : memref<64x768xf32, #tpu.memory_space<vmem>>, vector<1x16xf32>,
      %swap3A_733 = vector.shape_cast %swap3A_732 : vector<1x16xf32> to vector<16xf32>
      %swap3A_734 = vector.shape_cast %add3A_729 : vector<16xf32> to vector<1x16xf32>
      tpu.vector_store %arg8[%swap3A_730, %swap3A_731], %swap3A_734 {strides = array<i32>} : memref<64x768xf32, #tpu.memory_space<vmem>>, vector<1x16xf32>,
      %get3A_735 = arith.index_cast %scan3A_176 : i32 to index
      %get3A_736 = arith.constant 640 : index
      %get3A_737 = tpu.vector_load %arg8[%get3A_735, %get3A_736] {strides = array<i32>} : memref<64x768xf32, #tpu.memory_space<vmem>>, vector<1x16xf32>,
      %get3A_738 = vector.shape_cast %get3A_737 : vector<1x16xf32> to vector<16xf32>
      %get3A_739 = arith.index_cast %scan3A_176 : i32 to index
      %get3A_740 = arith.constant 640 : index
      %get3A_741 = tpu.vector_load %arg9[%get3A_739, %get3A_740] {strides = array<i32>} : memref<64x768xf32, #tpu.memory_space<vmem>>, vector<1x16xf32>,
      %get3A_742 = vector.shape_cast %get3A_741 : vector<1x16xf32> to vector<16xf32>
      %add3A_743 = arith.addf %get3A_738, %get3A_742 : vector<16xf32>
      %swap3A_744 = arith.index_cast %scan3A_176 : i32 to index
      %swap3A_745 = arith.constant 640 : index
      %swap3A_746 = tpu.vector_load %arg8[%swap3A_744, %swap3A_745] {strides = array<i32>} : memref<64x768xf32, #tpu.memory_space<vmem>>, vector<1x16xf32>,
      %swap3A_747 = vector.shape_cast %swap3A_746 : vector<1x16xf32> to vector<16xf32>
      %swap3A_748 = vector.shape_cast %add3A_743 : vector<16xf32> to vector<1x16xf32>
      tpu.vector_store %arg8[%swap3A_744, %swap3A_745], %swap3A_748 {strides = array<i32>} : memref<64x768xf32, #tpu.memory_space<vmem>>, vector<1x16xf32>,
      %get3A_749 = arith.index_cast %scan3A_176 : i32 to index
      %get3A_750 = arith.constant 656 : index
      %get3A_751 = tpu.vector_load %arg8[%get3A_749, %get3A_750] {strides = array<i32>} : memref<64x768xf32, #tpu.memory_space<vmem>>, vector<1x16xf32>,
      %get3A_752 = vector.shape_cast %get3A_751 : vector<1x16xf32> to vector<16xf32>
      %get3A_753 = arith.index_cast %scan3A_176 : i32 to index
      %get3A_754 = arith.constant 656 : index
      %get3A_755 = tpu.vector_load %arg9[%get3A_753, %get3A_754] {strides = array<i32>} : memref<64x768xf32, #tpu.memory_space<vmem>>, vector<1x16xf32>,
      %get3A_756 = vector.shape_cast %get3A_755 : vector<1x16xf32> to vector<16xf32>
      %add3A_757 = arith.addf %get3A_752, %get3A_756 : vector<16xf32>
      %swap3A_758 = arith.index_cast %scan3A_176 : i32 to index
      %swap3A_759 = arith.constant 656 : index
      %swap3A_760 = tpu.vector_load %arg8[%swap3A_758, %swap3A_759] {strides = array<i32>} : memref<64x768xf32, #tpu.memory_space<vmem>>, vector<1x16xf32>,
      %swap3A_761 = vector.shape_cast %swap3A_760 : vector<1x16xf32> to vector<16xf32>
      %swap3A_762 = vector.shape_cast %add3A_757 : vector<16xf32> to vector<1x16xf32>
      tpu.vector_store %arg8[%swap3A_758, %swap3A_759], %swap3A_762 {strides = array<i32>} : memref<64x768xf32, #tpu.memory_space<vmem>>, vector<1x16xf32>,
      %get3A_763 = arith.index_cast %scan3A_176 : i32 to index
      %get3A_764 = arith.constant 672 : index
      %get3A_765 = tpu.vector_load %arg8[%get3A_763, %get3A_764] {strides = array<i32>} : memref<64x768xf32, #tpu.memory_space<vmem>>, vector<1x16xf32>,
      %get3A_766 = vector.shape_cast %get3A_765 : vector<1x16xf32> to vector<16xf32>
      %get3A_767 = arith.index_cast %scan3A_176 : i32 to index
      %get3A_768 = arith.constant 672 : index
      %get3A_769 = tpu.vector_load %arg9[%get3A_767, %get3A_768] {strides = array<i32>} : memref<64x768xf32, #tpu.memory_space<vmem>>, vector<1x16xf32>,
      %get3A_770 = vector.shape_cast %get3A_769 : vector<1x16xf32> to vector<16xf32>
      %add3A_771 = arith.addf %get3A_766, %get3A_770 : vector<16xf32>
      %swap3A_772 = arith.index_cast %scan3A_176 : i32 to index
      %swap3A_773 = arith.constant 672 : index
      %swap3A_774 = tpu.vector_load %arg8[%swap3A_772, %swap3A_773] {strides = array<i32>} : memref<64x768xf32, #tpu.memory_space<vmem>>, vector<1x16xf32>,
      %swap3A_775 = vector.shape_cast %swap3A_774 : vector<1x16xf32> to vector<16xf32>
      %swap3A_776 = vector.shape_cast %add3A_771 : vector<16xf32> to vector<1x16xf32>
      tpu.vector_store %arg8[%swap3A_772, %swap3A_773], %swap3A_776 {strides = array<i32>} : memref<64x768xf32, #tpu.memory_space<vmem>>, vector<1x16xf32>,
      %get3A_777 = arith.index_cast %scan3A_176 : i32 to index
      %get3A_778 = arith.constant 688 : index
      %get3A_779 = tpu.vector_load %arg8[%get3A_777, %get3A_778] {strides = array<i32>} : memref<64x768xf32, #tpu.memory_space<vmem>>, vector<1x16xf32>,
      %get3A_780 = vector.shape_cast %get3A_779 : vector<1x16xf32> to vector<16xf32>
      %get3A_781 = arith.index_cast %scan3A_176 : i32 to index
      %get3A_782 = arith.constant 688 : index
      %get3A_783 = tpu.vector_load %arg9[%get3A_781, %get3A_782] {strides = array<i32>} : memref<64x768xf32, #tpu.memory_space<vmem>>, vector<1x16xf32>,
      %get3A_784 = vector.shape_cast %get3A_783 : vector<1x16xf32> to vector<16xf32>
      %add3A_785 = arith.addf %get3A_780, %get3A_784 : vector<16xf32>
      %swap3A_786 = arith.index_cast %scan3A_176 : i32 to index
      %swap3A_787 = arith.constant 688 : index
      %swap3A_788 = tpu.vector_load %arg8[%swap3A_786, %swap3A_787] {strides = array<i32>} : memref<64x768xf32, #tpu.memory_space<vmem>>, vector<1x16xf32>,
      %swap3A_789 = vector.shape_cast %swap3A_788 : vector<1x16xf32> to vector<16xf32>
      %swap3A_790 = vector.shape_cast %add3A_785 : vector<16xf32> to vector<1x16xf32>
      tpu.vector_store %arg8[%swap3A_786, %swap3A_787], %swap3A_790 {strides = array<i32>} : memref<64x768xf32, #tpu.memory_space<vmem>>, vector<1x16xf32>,
      %get3A_791 = arith.index_cast %scan3A_176 : i32 to index
      %get3A_792 = arith.constant 704 : index
      %get3A_793 = tpu.vector_load %arg8[%get3A_791, %get3A_792] {strides = array<i32>} : memref<64x768xf32, #tpu.memory_space<vmem>>, vector<1x16xf32>,
      %get3A_794 = vector.shape_cast %get3A_793 : vector<1x16xf32> to vector<16xf32>
      %get3A_795 = arith.index_cast %scan3A_176 : i32 to index
      %get3A_796 = arith.constant 704 : index
      %get3A_797 = tpu.vector_load %arg9[%get3A_795, %get3A_796] {strides = array<i32>} : memref<64x768xf32, #tpu.memory_space<vmem>>, vector<1x16xf32>,
      %get3A_798 = vector.shape_cast %get3A_797 : vector<1x16xf32> to vector<16xf32>
      %add3A_799 = arith.addf %get3A_794, %get3A_798 : vector<16xf32>
      %swap3A_800 = arith.index_cast %scan3A_176 : i32 to index
      %swap3A_801 = arith.constant 704 : index
      %swap3A_802 = tpu.vector_load %arg8[%swap3A_800, %swap3A_801] {strides = array<i32>} : memref<64x768xf32, #tpu.memory_space<vmem>>, vector<1x16xf32>,
      %swap3A_803 = vector.shape_cast %swap3A_802 : vector<1x16xf32> to vector<16xf32>
      %swap3A_804 = vector.shape_cast %add3A_799 : vector<16xf32> to vector<1x16xf32>
      tpu.vector_store %arg8[%swap3A_800, %swap3A_801], %swap3A_804 {strides = array<i32>} : memref<64x768xf32, #tpu.memory_space<vmem>>, vector<1x16xf32>,
      %get3A_805 = arith.index_cast %scan3A_176 : i32 to index
      %get3A_806 = arith.constant 720 : index
      %get3A_807 = tpu.vector_load %arg8[%get3A_805, %get3A_806] {strides = array<i32>} : memref<64x768xf32, #tpu.memory_space<vmem>>, vector<1x16xf32>,
      %get3A_808 = vector.shape_cast %get3A_807 : vector<1x16xf32> to vector<16xf32>
      %get3A_809 = arith.index_cast %scan3A_176 : i32 to index
      %get3A_810 = arith.constant 720 : index
      %get3A_811 = tpu.vector_load %arg9[%get3A_809, %get3A_810] {strides = array<i32>} : memref<64x768xf32, #tpu.memory_space<vmem>>, vector<1x16xf32>,
      %get3A_812 = vector.shape_cast %get3A_811 : vector<1x16xf32> to vector<16xf32>
      %add3A_813 = arith.addf %get3A_808, %get3A_812 : vector<16xf32>
      %swap3A_814 = arith.index_cast %scan3A_176 : i32 to index
      %swap3A_815 = arith.constant 720 : index
      %swap3A_816 = tpu.vector_load %arg8[%swap3A_814, %swap3A_815] {strides = array<i32>} : memref<64x768xf32, #tpu.memory_space<vmem>>, vector<1x16xf32>,
      %swap3A_817 = vector.shape_cast %swap3A_816 : vector<1x16xf32> to vector<16xf32>
      %swap3A_818 = vector.shape_cast %add3A_813 : vector<16xf32> to vector<1x16xf32>
      tpu.vector_store %arg8[%swap3A_814, %swap3A_815], %swap3A_818 {strides = array<i32>} : memref<64x768xf32, #tpu.memory_space<vmem>>, vector<1x16xf32>,
      %get3A_819 = arith.index_cast %scan3A_176 : i32 to index
      %get3A_820 = arith.constant 736 : index
      %get3A_821 = tpu.vector_load %arg8[%get3A_819, %get3A_820] {strides = array<i32>} : memref<64x768xf32, #tpu.memory_space<vmem>>, vector<1x16xf32>,
      %get3A_822 = vector.shape_cast %get3A_821 : vector<1x16xf32> to vector<16xf32>
      %get3A_823 = arith.index_cast %scan3A_176 : i32 to index
      %get3A_824 = arith.constant 736 : index
      %get3A_825 = tpu.vector_load %arg9[%get3A_823, %get3A_824] {strides = array<i32>} : memref<64x768xf32, #tpu.memory_space<vmem>>, vector<1x16xf32>,
      %get3A_826 = vector.shape_cast %get3A_825 : vector<1x16xf32> to vector<16xf32>
      %add3A_827 = arith.addf %get3A_822, %get3A_826 : vector<16xf32>
      %swap3A_828 = arith.index_cast %scan3A_176 : i32 to index
      %swap3A_829 = arith.constant 736 : index
      %swap3A_830 = tpu.vector_load %arg8[%swap3A_828, %swap3A_829] {strides = array<i32>} : memref<64x768xf32, #tpu.memory_space<vmem>>, vector<1x16xf32>,
      %swap3A_831 = vector.shape_cast %swap3A_830 : vector<1x16xf32> to vector<16xf32>
      %swap3A_832 = vector.shape_cast %add3A_827 : vector<16xf32> to vector<1x16xf32>
      tpu.vector_store %arg8[%swap3A_828, %swap3A_829], %swap3A_832 {strides = array<i32>} : memref<64x768xf32, #tpu.memory_space<vmem>>, vector<1x16xf32>,
      %get3A_833 = arith.index_cast %scan3A_176 : i32 to index
      %get3A_834 = arith.constant 752 : index
      %get3A_835 = tpu.vector_load %arg8[%get3A_833, %get3A_834] {strides = array<i32>} : memref<64x768xf32, #tpu.memory_space<vmem>>, vector<1x16xf32>,
      %get3A_836 = vector.shape_cast %get3A_835 : vector<1x16xf32> to vector<16xf32>
      %get3A_837 = arith.index_cast %scan3A_176 : i32 to index
      %get3A_838 = arith.constant 752 : index
      %get3A_839 = tpu.vector_load %arg9[%get3A_837, %get3A_838] {strides = array<i32>} : memref<64x768xf32, #tpu.memory_space<vmem>>, vector<1x16xf32>,
      %get3A_840 = vector.shape_cast %get3A_839 : vector<1x16xf32> to vector<16xf32>
      %add3A_841 = arith.addf %get3A_836, %get3A_840 : vector<16xf32>
      %swap3A_842 = arith.index_cast %scan3A_176 : i32 to index
      %swap3A_843 = arith.constant 752 : index
      %swap3A_844 = tpu.vector_load %arg8[%swap3A_842, %swap3A_843] {strides = array<i32>} : memref<64x768xf32, #tpu.memory_space<vmem>>, vector<1x16xf32>,
      %swap3A_845 = vector.shape_cast %swap3A_844 : vector<1x16xf32> to vector<16xf32>
      %swap3A_846 = vector.shape_cast %add3A_841 : vector<16xf32> to vector<1x16xf32>
      tpu.vector_store %arg8[%swap3A_842, %swap3A_843], %swap3A_846 {strides = array<i32>} : memref<64x768xf32, #tpu.memory_space<vmem>>, vector<1x16xf32>,
    }
    %scan3A_109 = arith.constant 32 : i32
    %scan3A_110 = arith.constant 0 : i32
    %scan3A_111 = arith.constant 32 : i32
    %scan3A_112 = arith.constant 32 : i32
    %scan3A_113 = arith.addi %scan3A_111, %scan3A_112 : i32
    %scan3A_114 = arith.constant 1 : i32
    scf.for %scan3A_176 = %scan3A_111 to %scan3A_113 step %scan3A_114  : i32 {
      %get3A = arith.index_cast %scan3A_176 : i32 to index
      %get3A_177 = arith.constant 0 : index
      %get3A_178 = tpu.vector_load %arg8[%get3A, %get3A_177] {strides = array<i32>} : memref<64x768xf32, #tpu.memory_space<vmem>>, vector<1x16xf32>,
      %get3A_179 = vector.shape_cast %get3A_178 : vector<1x16xf32> to vector<16xf32>
      %get3A_180 = arith.index_cast %scan3A_176 : i32 to index
      %get3A_181 = arith.constant 0 : index
      %get3A_182 = tpu.vector_load %arg9[%get3A_180, %get3A_181] {strides = array<i32>} : memref<64x768xf32, #tpu.memory_space<vmem>>, vector<1x16xf32>,
      %get3A_183 = vector.shape_cast %get3A_182 : vector<1x16xf32> to vector<16xf32>
      %add3A_184 = arith.addf %get3A_179, %get3A_183 : vector<16xf32>
      %swap3A = arith.index_cast %scan3A_176 : i32 to index
      %swap3A_185 = arith.constant 0 : index
      %swap3A_186 = tpu.vector_load %arg8[%swap3A, %swap3A_185] {strides = array<i32>} : memref<64x768xf32, #tpu.memory_space<vmem>>, vector<1x16xf32>,
      %swap3A_187 = vector.shape_cast %swap3A_186 : vector<1x16xf32> to vector<16xf32>
      %swap3A_188 = vector.shape_cast %add3A_184 : vector<16xf32> to vector<1x16xf32>
      tpu.vector_store %arg8[%swap3A, %swap3A_185], %swap3A_188 {strides = array<i32>} : memref<64x768xf32, #tpu.memory_space<vmem>>, vector<1x16xf32>,
      %get3A_189 = arith.index_cast %scan3A_176 : i32 to index
      %get3A_190 = arith.constant 16 : index
      %get3A_191 = tpu.vector_load %arg8[%get3A_189, %get3A_190] {strides = array<i32>} : memref<64x768xf32, #tpu.memory_space<vmem>>, vector<1x16xf32>,
      %get3A_192 = vector.shape_cast %get3A_191 : vector<1x16xf32> to vector<16xf32>
      %get3A_193 = arith.index_cast %scan3A_176 : i32 to index
      %get3A_194 = arith.constant 16 : index
      %get3A_195 = tpu.vector_load %arg9[%get3A_193, %get3A_194] {strides = array<i32>} : memref<64x768xf32, #tpu.memory_space<vmem>>, vector<1x16xf32>,
      %get3A_196 = vector.shape_cast %get3A_195 : vector<1x16xf32> to vector<16xf32>
      %add3A_197 = arith.addf %get3A_192, %get3A_196 : vector<16xf32>
      %swap3A_198 = arith.index_cast %scan3A_176 : i32 to index
      %swap3A_199 = arith.constant 16 : index
      %swap3A_200 = tpu.vector_load %arg8[%swap3A_198, %swap3A_199] {strides = array<i32>} : memref<64x768xf32, #tpu.memory_space<vmem>>, vector<1x16xf32>,
      %swap3A_201 = vector.shape_cast %swap3A_200 : vector<1x16xf32> to vector<16xf32>
      %swap3A_202 = vector.shape_cast %add3A_197 : vector<16xf32> to vector<1x16xf32>
      tpu.vector_store %arg8[%swap3A_198, %swap3A_199], %swap3A_202 {strides = array<i32>} : memref<64x768xf32, #tpu.memory_space<vmem>>, vector<1x16xf32>,
      %get3A_203 = arith.index_cast %scan3A_176 : i32 to index
      %get3A_204 = arith.constant 32 : index
      %get3A_205 = tpu.vector_load %arg8[%get3A_203, %get3A_204] {strides = array<i32>} : memref<64x768xf32, #tpu.memory_space<vmem>>, vector<1x16xf32>,
      %get3A_206 = vector.shape_cast %get3A_205 : vector<1x16xf32> to vector<16xf32>
      %get3A_207 = arith.index_cast %scan3A_176 : i32 to index
      %get3A_208 = arith.constant 32 : index
      %get3A_209 = tpu.vector_load %arg9[%get3A_207, %get3A_208] {strides = array<i32>} : memref<64x768xf32, #tpu.memory_space<vmem>>, vector<1x16xf32>,
      %get3A_210 = vector.shape_cast %get3A_209 : vector<1x16xf32> to vector<16xf32>
      %add3A_211 = arith.addf %get3A_206, %get3A_210 : vector<16xf32>
      %swap3A_212 = arith.index_cast %scan3A_176 : i32 to index
      %swap3A_213 = arith.constant 32 : index
      %swap3A_214 = tpu.vector_load %arg8[%swap3A_212, %swap3A_213] {strides = array<i32>} : memref<64x768xf32, #tpu.memory_space<vmem>>, vector<1x16xf32>,
      %swap3A_215 = vector.shape_cast %swap3A_214 : vector<1x16xf32> to vector<16xf32>
      %swap3A_216 = vector.shape_cast %add3A_211 : vector<16xf32> to vector<1x16xf32>
      tpu.vector_store %arg8[%swap3A_212, %swap3A_213], %swap3A_216 {strides = array<i32>} : memref<64x768xf32, #tpu.memory_space<vmem>>, vector<1x16xf32>,
      %get3A_217 = arith.index_cast %scan3A_176 : i32 to index
      %get3A_218 = arith.constant 48 : index
      %get3A_219 = tpu.vector_load %arg8[%get3A_217, %get3A_218] {strides = array<i32>} : memref<64x768xf32, #tpu.memory_space<vmem>>, vector<1x16xf32>,
      %get3A_220 = vector.shape_cast %get3A_219 : vector<1x16xf32> to vector<16xf32>
      %get3A_221 = arith.index_cast %scan3A_176 : i32 to index
      %get3A_222 = arith.constant 48 : index
      %get3A_223 = tpu.vector_load %arg9[%get3A_221, %get3A_222] {strides = array<i32>} : memref<64x768xf32, #tpu.memory_space<vmem>>, vector<1x16xf32>,
      %get3A_224 = vector.shape_cast %get3A_223 : vector<1x16xf32> to vector<16xf32>
      %add3A_225 = arith.addf %get3A_220, %get3A_224 : vector<16xf32>
      %swap3A_226 = arith.index_cast %scan3A_176 : i32 to index
      %swap3A_227 = arith.constant 48 : index
      %swap3A_228 = tpu.vector_load %arg8[%swap3A_226, %swap3A_227] {strides = array<i32>} : memref<64x768xf32, #tpu.memory_space<vmem>>, vector<1x16xf32>,
      %swap3A_229 = vector.shape_cast %swap3A_228 : vector<1x16xf32> to vector<16xf32>
      %swap3A_230 = vector.shape_cast %add3A_225 : vector<16xf32> to vector<1x16xf32>
      tpu.vector_store %arg8[%swap3A_226, %swap3A_227], %swap3A_230 {strides = array<i32>} : memref<64x768xf32, #tpu.memory_space<vmem>>, vector<1x16xf32>,
      %get3A_231 = arith.index_cast %scan3A_176 : i32 to index
      %get3A_232 = arith.constant 64 : index
      %get3A_233 = tpu.vector_load %arg8[%get3A_231, %get3A_232] {strides = array<i32>} : memref<64x768xf32, #tpu.memory_space<vmem>>, vector<1x16xf32>,
      %get3A_234 = vector.shape_cast %get3A_233 : vector<1x16xf32> to vector<16xf32>
      %get3A_235 = arith.index_cast %scan3A_176 : i32 to index
      %get3A_236 = arith.constant 64 : index
      %get3A_237 = tpu.vector_load %arg9[%get3A_235, %get3A_236] {strides = array<i32>} : memref<64x768xf32, #tpu.memory_space<vmem>>, vector<1x16xf32>,
      %get3A_238 = vector.shape_cast %get3A_237 : vector<1x16xf32> to vector<16xf32>
      %add3A_239 = arith.addf %get3A_234, %get3A_238 : vector<16xf32>
      %swap3A_240 = arith.index_cast %scan3A_176 : i32 to index
      %swap3A_241 = arith.constant 64 : index
      %swap3A_242 = tpu.vector_load %arg8[%swap3A_240, %swap3A_241] {strides = array<i32>} : memref<64x768xf32, #tpu.memory_space<vmem>>, vector<1x16xf32>,
      %swap3A_243 = vector.shape_cast %swap3A_242 : vector<1x16xf32> to vector<16xf32>
      %swap3A_244 = vector.shape_cast %add3A_239 : vector<16xf32> to vector<1x16xf32>
      tpu.vector_store %arg8[%swap3A_240, %swap3A_241], %swap3A_244 {strides = array<i32>} : memref<64x768xf32, #tpu.memory_space<vmem>>, vector<1x16xf32>,
      %get3A_245 = arith.index_cast %scan3A_176 : i32 to index
      %get3A_246 = arith.constant 80 : index
      %get3A_247 = tpu.vector_load %arg8[%get3A_245, %get3A_246] {strides = array<i32>} : memref<64x768xf32, #tpu.memory_space<vmem>>, vector<1x16xf32>,
      %get3A_248 = vector.shape_cast %get3A_247 : vector<1x16xf32> to vector<16xf32>
      %get3A_249 = arith.index_cast %scan3A_176 : i32 to index
      %get3A_250 = arith.constant 80 : index
      %get3A_251 = tpu.vector_load %arg9[%get3A_249, %get3A_250] {strides = array<i32>} : memref<64x768xf32, #tpu.memory_space<vmem>>, vector<1x16xf32>,
      %get3A_252 = vector.shape_cast %get3A_251 : vector<1x16xf32> to vector<16xf32>
      %add3A_253 = arith.addf %get3A_248, %get3A_252 : vector<16xf32>
      %swap3A_254 = arith.index_cast %scan3A_176 : i32 to index
      %swap3A_255 = arith.constant 80 : index
      %swap3A_256 = tpu.vector_load %arg8[%swap3A_254, %swap3A_255] {strides = array<i32>} : memref<64x768xf32, #tpu.memory_space<vmem>>, vector<1x16xf32>,
      %swap3A_257 = vector.shape_cast %swap3A_256 : vector<1x16xf32> to vector<16xf32>
      %swap3A_258 = vector.shape_cast %add3A_253 : vector<16xf32> to vector<1x16xf32>
      tpu.vector_store %arg8[%swap3A_254, %swap3A_255], %swap3A_258 {strides = array<i32>} : memref<64x768xf32, #tpu.memory_space<vmem>>, vector<1x16xf32>,
      %get3A_259 = arith.index_cast %scan3A_176 : i32 to index
      %get3A_260 = arith.constant 96 : index
      %get3A_261 = tpu.vector_load %arg8[%get3A_259, %get3A_260] {strides = array<i32>} : memref<64x768xf32, #tpu.memory_space<vmem>>, vector<1x16xf32>,
      %get3A_262 = vector.shape_cast %get3A_261 : vector<1x16xf32> to vector<16xf32>
      %get3A_263 = arith.index_cast %scan3A_176 : i32 to index
      %get3A_264 = arith.constant 96 : index
      %get3A_265 = tpu.vector_load %arg9[%get3A_263, %get3A_264] {strides = array<i32>} : memref<64x768xf32, #tpu.memory_space<vmem>>, vector<1x16xf32>,
      %get3A_266 = vector.shape_cast %get3A_265 : vector<1x16xf32> to vector<16xf32>
      %add3A_267 = arith.addf %get3A_262, %get3A_266 : vector<16xf32>
      %swap3A_268 = arith.index_cast %scan3A_176 : i32 to index
      %swap3A_269 = arith.constant 96 : index
      %swap3A_270 = tpu.vector_load %arg8[%swap3A_268, %swap3A_269] {strides = array<i32>} : memref<64x768xf32, #tpu.memory_space<vmem>>, vector<1x16xf32>,
      %swap3A_271 = vector.shape_cast %swap3A_270 : vector<1x16xf32> to vector<16xf32>
      %swap3A_272 = vector.shape_cast %add3A_267 : vector<16xf32> to vector<1x16xf32>
      tpu.vector_store %arg8[%swap3A_268, %swap3A_269], %swap3A_272 {strides = array<i32>} : memref<64x768xf32, #tpu.memory_space<vmem>>, vector<1x16xf32>,
      %get3A_273 = arith.index_cast %scan3A_176 : i32 to index
      %get3A_274 = arith.constant 112 : index
      %get3A_275 = tpu.vector_load %arg8[%get3A_273, %get3A_274] {strides = array<i32>} : memref<64x768xf32, #tpu.memory_space<vmem>>, vector<1x16xf32>,
      %get3A_276 = vector.shape_cast %get3A_275 : vector<1x16xf32> to vector<16xf32>
      %get3A_277 = arith.index_cast %scan3A_176 : i32 to index
      %get3A_278 = arith.constant 112 : index
      %get3A_279 = tpu.vector_load %arg9[%get3A_277, %get3A_278] {strides = array<i32>} : memref<64x768xf32, #tpu.memory_space<vmem>>, vector<1x16xf32>,
      %get3A_280 = vector.shape_cast %get3A_279 : vector<1x16xf32> to vector<16xf32>
      %add3A_281 = arith.addf %get3A_276, %get3A_280 : vector<16xf32>
      %swap3A_282 = arith.index_cast %scan3A_176 : i32 to index
      %swap3A_283 = arith.constant 112 : index
      %swap3A_284 = tpu.vector_load %arg8[%swap3A_282, %swap3A_283] {strides = array<i32>} : memref<64x768xf32, #tpu.memory_space<vmem>>, vector<1x16xf32>,
      %swap3A_285 = vector.shape_cast %swap3A_284 : vector<1x16xf32> to vector<16xf32>
      %swap3A_286 = vector.shape_cast %add3A_281 : vector<16xf32> to vector<1x16xf32>
      tpu.vector_store %arg8[%swap3A_282, %swap3A_283], %swap3A_286 {strides = array<i32>} : memref<64x768xf32, #tpu.memory_space<vmem>>, vector<1x16xf32>,
      %get3A_287 = arith.index_cast %scan3A_176 : i32 to index
      %get3A_288 = arith.constant 128 : index
      %get3A_289 = tpu.vector_load %arg8[%get3A_287, %get3A_288] {strides = array<i32>} : memref<64x768xf32, #tpu.memory_space<vmem>>, vector<1x16xf32>,
      %get3A_290 = vector.shape_cast %get3A_289 : vector<1x16xf32> to vector<16xf32>
      %get3A_291 = arith.index_cast %scan3A_176 : i32 to index
      %get3A_292 = arith.constant 128 : index
      %get3A_293 = tpu.vector_load %arg9[%get3A_291, %get3A_292] {strides = array<i32>} : memref<64x768xf32, #tpu.memory_space<vmem>>, vector<1x16xf32>,
      %get3A_294 = vector.shape_cast %get3A_293 : vector<1x16xf32> to vector<16xf32>
      %add3A_295 = arith.addf %get3A_290, %get3A_294 : vector<16xf32>
      %swap3A_296 = arith.index_cast %scan3A_176 : i32 to index
      %swap3A_297 = arith.constant 128 : index
      %swap3A_298 = tpu.vector_load %arg8[%swap3A_296, %swap3A_297] {strides = array<i32>} : memref<64x768xf32, #tpu.memory_space<vmem>>, vector<1x16xf32>,
      %swap3A_299 = vector.shape_cast %swap3A_298 : vector<1x16xf32> to vector<16xf32>
      %swap3A_300 = vector.shape_cast %add3A_295 : vector<16xf32> to vector<1x16xf32>
      tpu.vector_store %arg8[%swap3A_296, %swap3A_297], %swap3A_300 {strides = array<i32>} : memref<64x768xf32, #tpu.memory_space<vmem>>, vector<1x16xf32>,
      %get3A_301 = arith.index_cast %scan3A_176 : i32 to index
      %get3A_302 = arith.constant 144 : index
      %get3A_303 = tpu.vector_load %arg8[%get3A_301, %get3A_302] {strides = array<i32>} : memref<64x768xf32, #tpu.memory_space<vmem>>, vector<1x16xf32>,
      %get3A_304 = vector.shape_cast %get3A_303 : vector<1x16xf32> to vector<16xf32>
      %get3A_305 = arith.index_cast %scan3A_176 : i32 to index
      %get3A_306 = arith.constant 144 : index
      %get3A_307 = tpu.vector_load %arg9[%get3A_305, %get3A_306] {strides = array<i32>} : memref<64x768xf32, #tpu.memory_space<vmem>>, vector<1x16xf32>,
      %get3A_308 = vector.shape_cast %get3A_307 : vector<1x16xf32> to vector<16xf32>
      %add3A_309 = arith.addf %get3A_304, %get3A_308 : vector<16xf32>
      %swap3A_310 = arith.index_cast %scan3A_176 : i32 to index
      %swap3A_311 = arith.constant 144 : index
      %swap3A_312 = tpu.vector_load %arg8[%swap3A_310, %swap3A_311] {strides = array<i32>} : memref<64x768xf32, #tpu.memory_space<vmem>>, vector<1x16xf32>,
      %swap3A_313 = vector.shape_cast %swap3A_312 : vector<1x16xf32> to vector<16xf32>
      %swap3A_314 = vector.shape_cast %add3A_309 : vector<16xf32> to vector<1x16xf32>
      tpu.vector_store %arg8[%swap3A_310, %swap3A_311], %swap3A_314 {strides = array<i32>} : memref<64x768xf32, #tpu.memory_space<vmem>>, vector<1x16xf32>,
      %get3A_315 = arith.index_cast %scan3A_176 : i32 to index
      %get3A_316 = arith.constant 160 : index
      %get3A_317 = tpu.vector_load %arg8[%get3A_315, %get3A_316] {strides = array<i32>} : memref<64x768xf32, #tpu.memory_space<vmem>>, vector<1x16xf32>,
      %get3A_318 = vector.shape_cast %get3A_317 : vector<1x16xf32> to vector<16xf32>
      %get3A_319 = arith.index_cast %scan3A_176 : i32 to index
      %get3A_320 = arith.constant 160 : index
      %get3A_321 = tpu.vector_load %arg9[%get3A_319, %get3A_320] {strides = array<i32>} : memref<64x768xf32, #tpu.memory_space<vmem>>, vector<1x16xf32>,
      %get3A_322 = vector.shape_cast %get3A_321 : vector<1x16xf32> to vector<16xf32>
      %add3A_323 = arith.addf %get3A_318, %get3A_322 : vector<16xf32>
      %swap3A_324 = arith.index_cast %scan3A_176 : i32 to index
      %swap3A_325 = arith.constant 160 : index
      %swap3A_326 = tpu.vector_load %arg8[%swap3A_324, %swap3A_325] {strides = array<i32>} : memref<64x768xf32, #tpu.memory_space<vmem>>, vector<1x16xf32>,
      %swap3A_327 = vector.shape_cast %swap3A_326 : vector<1x16xf32> to vector<16xf32>
      %swap3A_328 = vector.shape_cast %add3A_323 : vector<16xf32> to vector<1x16xf32>
      tpu.vector_store %arg8[%swap3A_324, %swap3A_325], %swap3A_328 {strides = array<i32>} : memref<64x768xf32, #tpu.memory_space<vmem>>, vector<1x16xf32>,
      %get3A_329 = arith.index_cast %scan3A_176 : i32 to index
      %get3A_330 = arith.constant 176 : index
      %get3A_331 = tpu.vector_load %arg8[%get3A_329, %get3A_330] {strides = array<i32>} : memref<64x768xf32, #tpu.memory_space<vmem>>, vector<1x16xf32>,
      %get3A_332 = vector.shape_cast %get3A_331 : vector<1x16xf32> to vector<16xf32>
      %get3A_333 = arith.index_cast %scan3A_176 : i32 to index
      %get3A_334 = arith.constant 176 : index
      %get3A_335 = tpu.vector_load %arg9[%get3A_333, %get3A_334] {strides = array<i32>} : memref<64x768xf32, #tpu.memory_space<vmem>>, vector<1x16xf32>,
      %get3A_336 = vector.shape_cast %get3A_335 : vector<1x16xf32> to vector<16xf32>
      %add3A_337 = arith.addf %get3A_332, %get3A_336 : vector<16xf32>
      %swap3A_338 = arith.index_cast %scan3A_176 : i32 to index
      %swap3A_339 = arith.constant 176 : index
      %swap3A_340 = tpu.vector_load %arg8[%swap3A_338, %swap3A_339] {strides = array<i32>} : memref<64x768xf32, #tpu.memory_space<vmem>>, vector<1x16xf32>,
      %swap3A_341 = vector.shape_cast %swap3A_340 : vector<1x16xf32> to vector<16xf32>
      %swap3A_342 = vector.shape_cast %add3A_337 : vector<16xf32> to vector<1x16xf32>
      tpu.vector_store %arg8[%swap3A_338, %swap3A_339], %swap3A_342 {strides = array<i32>} : memref<64x768xf32, #tpu.memory_space<vmem>>, vector<1x16xf32>,
      %get3A_343 = arith.index_cast %scan3A_176 : i32 to index
      %get3A_344 = arith.constant 192 : index
      %get3A_345 = tpu.vector_load %arg8[%get3A_343, %get3A_344] {strides = array<i32>} : memref<64x768xf32, #tpu.memory_space<vmem>>, vector<1x16xf32>,
      %get3A_346 = vector.shape_cast %get3A_345 : vector<1x16xf32> to vector<16xf32>
      %get3A_347 = arith.index_cast %scan3A_176 : i32 to index
      %get3A_348 = arith.constant 192 : index
      %get3A_349 = tpu.vector_load %arg9[%get3A_347, %get3A_348] {strides = array<i32>} : memref<64x768xf32, #tpu.memory_space<vmem>>, vector<1x16xf32>,
      %get3A_350 = vector.shape_cast %get3A_349 : vector<1x16xf32> to vector<16xf32>
      %add3A_351 = arith.addf %get3A_346, %get3A_350 : vector<16xf32>
      %swap3A_352 = arith.index_cast %scan3A_176 : i32 to index
      %swap3A_353 = arith.constant 192 : index
      %swap3A_354 = tpu.vector_load %arg8[%swap3A_352, %swap3A_353] {strides = array<i32>} : memref<64x768xf32, #tpu.memory_space<vmem>>, vector<1x16xf32>,
      %swap3A_355 = vector.shape_cast %swap3A_354 : vector<1x16xf32> to vector<16xf32>
      %swap3A_356 = vector.shape_cast %add3A_351 : vector<16xf32> to vector<1x16xf32>
      tpu.vector_store %arg8[%swap3A_352, %swap3A_353], %swap3A_356 {strides = array<i32>} : memref<64x768xf32, #tpu.memory_space<vmem>>, vector<1x16xf32>,
      %get3A_357 = arith.index_cast %scan3A_176 : i32 to index
      %get3A_358 = arith.constant 208 : index
      %get3A_359 = tpu.vector_load %arg8[%get3A_357, %get3A_358] {strides = array<i32>} : memref<64x768xf32, #tpu.memory_space<vmem>>, vector<1x16xf32>,
      %get3A_360 = vector.shape_cast %get3A_359 : vector<1x16xf32> to vector<16xf32>
      %get3A_361 = arith.index_cast %scan3A_176 : i32 to index
      %get3A_362 = arith.constant 208 : index
      %get3A_363 = tpu.vector_load %arg9[%get3A_361, %get3A_362] {strides = array<i32>} : memref<64x768xf32, #tpu.memory_space<vmem>>, vector<1x16xf32>,
      %get3A_364 = vector.shape_cast %get3A_363 : vector<1x16xf32> to vector<16xf32>
      %add3A_365 = arith.addf %get3A_360, %get3A_364 : vector<16xf32>
      %swap3A_366 = arith.index_cast %scan3A_176 : i32 to index
      %swap3A_367 = arith.constant 208 : index
      %swap3A_368 = tpu.vector_load %arg8[%swap3A_366, %swap3A_367] {strides = array<i32>} : memref<64x768xf32, #tpu.memory_space<vmem>>, vector<1x16xf32>,
      %swap3A_369 = vector.shape_cast %swap3A_368 : vector<1x16xf32> to vector<16xf32>
      %swap3A_370 = vector.shape_cast %add3A_365 : vector<16xf32> to vector<1x16xf32>
      tpu.vector_store %arg8[%swap3A_366, %swap3A_367], %swap3A_370 {strides = array<i32>} : memref<64x768xf32, #tpu.memory_space<vmem>>, vector<1x16xf32>,
      %get3A_371 = arith.index_cast %scan3A_176 : i32 to index
      %get3A_372 = arith.constant 224 : index
      %get3A_373 = tpu.vector_load %arg8[%get3A_371, %get3A_372] {strides = array<i32>} : memref<64x768xf32, #tpu.memory_space<vmem>>, vector<1x16xf32>,
      %get3A_374 = vector.shape_cast %get3A_373 : vector<1x16xf32> to vector<16xf32>
      %get3A_375 = arith.index_cast %scan3A_176 : i32 to index
      %get3A_376 = arith.constant 224 : index
      %get3A_377 = tpu.vector_load %arg9[%get3A_375, %get3A_376] {strides = array<i32>} : memref<64x768xf32, #tpu.memory_space<vmem>>, vector<1x16xf32>,
      %get3A_378 = vector.shape_cast %get3A_377 : vector<1x16xf32> to vector<16xf32>
      %add3A_379 = arith.addf %get3A_374, %get3A_378 : vector<16xf32>
      %swap3A_380 = arith.index_cast %scan3A_176 : i32 to index
      %swap3A_381 = arith.constant 224 : index
      %swap3A_382 = tpu.vector_load %arg8[%swap3A_380, %swap3A_381] {strides = array<i32>} : memref<64x768xf32, #tpu.memory_space<vmem>>, vector<1x16xf32>,
      %swap3A_383 = vector.shape_cast %swap3A_382 : vector<1x16xf32> to vector<16xf32>
      %swap3A_384 = vector.shape_cast %add3A_379 : vector<16xf32> to vector<1x16xf32>
      tpu.vector_store %arg8[%swap3A_380, %swap3A_381], %swap3A_384 {strides = array<i32>} : memref<64x768xf32, #tpu.memory_space<vmem>>, vector<1x16xf32>,
      %get3A_385 = arith.index_cast %scan3A_176 : i32 to index
      %get3A_386 = arith.constant 240 : index
      %get3A_387 = tpu.vector_load %arg8[%get3A_385, %get3A_386] {strides = array<i32>} : memref<64x768xf32, #tpu.memory_space<vmem>>, vector<1x16xf32>,
      %get3A_388 = vector.shape_cast %get3A_387 : vector<1x16xf32> to vector<16xf32>
      %get3A_389 = arith.index_cast %scan3A_176 : i32 to index
      %get3A_390 = arith.constant 240 : index
      %get3A_391 = tpu.vector_load %arg9[%get3A_389, %get3A_390] {strides = array<i32>} : memref<64x768xf32, #tpu.memory_space<vmem>>, vector<1x16xf32>,
      %get3A_392 = vector.shape_cast %get3A_391 : vector<1x16xf32> to vector<16xf32>
      %add3A_393 = arith.addf %get3A_388, %get3A_392 : vector<16xf32>
      %swap3A_394 = arith.index_cast %scan3A_176 : i32 to index
      %swap3A_395 = arith.constant 240 : index
      %swap3A_396 = tpu.vector_load %arg8[%swap3A_394, %swap3A_395] {strides = array<i32>} : memref<64x768xf32, #tpu.memory_space<vmem>>, vector<1x16xf32>,
      %swap3A_397 = vector.shape_cast %swap3A_396 : vector<1x16xf32> to vector<16xf32>
      %swap3A_398 = vector.shape_cast %add3A_393 : vector<16xf32> to vector<1x16xf32>
      tpu.vector_store %arg8[%swap3A_394, %swap3A_395], %swap3A_398 {strides = array<i32>} : memref<64x768xf32, #tpu.memory_space<vmem>>, vector<1x16xf32>,
      %get3A_399 = arith.index_cast %scan3A_176 : i32 to index
      %get3A_400 = arith.constant 256 : index
      %get3A_401 = tpu.vector_load %arg8[%get3A_399, %get3A_400] {strides = array<i32>} : memref<64x768xf32, #tpu.memory_space<vmem>>, vector<1x16xf32>,
      %get3A_402 = vector.shape_cast %get3A_401 : vector<1x16xf32> to vector<16xf32>
      %get3A_403 = arith.index_cast %scan3A_176 : i32 to index
      %get3A_404 = arith.constant 256 : index
      %get3A_405 = tpu.vector_load %arg9[%get3A_403, %get3A_404] {strides = array<i32>} : memref<64x768xf32, #tpu.memory_space<vmem>>, vector<1x16xf32>,
      %get3A_406 = vector.shape_cast %get3A_405 : vector<1x16xf32> to vector<16xf32>
      %add3A_407 = arith.addf %get3A_402, %get3A_406 : vector<16xf32>
      %swap3A_408 = arith.index_cast %scan3A_176 : i32 to index
      %swap3A_409 = arith.constant 256 : index
      %swap3A_410 = tpu.vector_load %arg8[%swap3A_408, %swap3A_409] {strides = array<i32>} : memref<64x768xf32, #tpu.memory_space<vmem>>, vector<1x16xf32>,
      %swap3A_411 = vector.shape_cast %swap3A_410 : vector<1x16xf32> to vector<16xf32>
      %swap3A_412 = vector.shape_cast %add3A_407 : vector<16xf32> to vector<1x16xf32>
      tpu.vector_store %arg8[%swap3A_408, %swap3A_409], %swap3A_412 {strides = array<i32>} : memref<64x768xf32, #tpu.memory_space<vmem>>, vector<1x16xf32>,
      %get3A_413 = arith.index_cast %scan3A_176 : i32 to index
      %get3A_414 = arith.constant 272 : index
      %get3A_415 = tpu.vector_load %arg8[%get3A_413, %get3A_414] {strides = array<i32>} : memref<64x768xf32, #tpu.memory_space<vmem>>, vector<1x16xf32>,
      %get3A_416 = vector.shape_cast %get3A_415 : vector<1x16xf32> to vector<16xf32>
      %get3A_417 = arith.index_cast %scan3A_176 : i32 to index
      %get3A_418 = arith.constant 272 : index
      %get3A_419 = tpu.vector_load %arg9[%get3A_417, %get3A_418] {strides = array<i32>} : memref<64x768xf32, #tpu.memory_space<vmem>>, vector<1x16xf32>,
      %get3A_420 = vector.shape_cast %get3A_419 : vector<1x16xf32> to vector<16xf32>
      %add3A_421 = arith.addf %get3A_416, %get3A_420 : vector<16xf32>
      %swap3A_422 = arith.index_cast %scan3A_176 : i32 to index
      %swap3A_423 = arith.constant 272 : index
      %swap3A_424 = tpu.vector_load %arg8[%swap3A_422, %swap3A_423] {strides = array<i32>} : memref<64x768xf32, #tpu.memory_space<vmem>>, vector<1x16xf32>,
      %swap3A_425 = vector.shape_cast %swap3A_424 : vector<1x16xf32> to vector<16xf32>
      %swap3A_426 = vector.shape_cast %add3A_421 : vector<16xf32> to vector<1x16xf32>
      tpu.vector_store %arg8[%swap3A_422, %swap3A_423], %swap3A_426 {strides = array<i32>} : memref<64x768xf32, #tpu.memory_space<vmem>>, vector<1x16xf32>,
      %get3A_427 = arith.index_cast %scan3A_176 : i32 to index
      %get3A_428 = arith.constant 288 : index
      %get3A_429 = tpu.vector_load %arg8[%get3A_427, %get3A_428] {strides = array<i32>} : memref<64x768xf32, #tpu.memory_space<vmem>>, vector<1x16xf32>,
      %get3A_430 = vector.shape_cast %get3A_429 : vector<1x16xf32> to vector<16xf32>
      %get3A_431 = arith.index_cast %scan3A_176 : i32 to index
      %get3A_432 = arith.constant 288 : index
      %get3A_433 = tpu.vector_load %arg9[%get3A_431, %get3A_432] {strides = array<i32>} : memref<64x768xf32, #tpu.memory_space<vmem>>, vector<1x16xf32>,
      %get3A_434 = vector.shape_cast %get3A_433 : vector<1x16xf32> to vector<16xf32>
      %add3A_435 = arith.addf %get3A_430, %get3A_434 : vector<16xf32>
      %swap3A_436 = arith.index_cast %scan3A_176 : i32 to index
      %swap3A_437 = arith.constant 288 : index
      %swap3A_438 = tpu.vector_load %arg8[%swap3A_436, %swap3A_437] {strides = array<i32>} : memref<64x768xf32, #tpu.memory_space<vmem>>, vector<1x16xf32>,
      %swap3A_439 = vector.shape_cast %swap3A_438 : vector<1x16xf32> to vector<16xf32>
      %swap3A_440 = vector.shape_cast %add3A_435 : vector<16xf32> to vector<1x16xf32>
      tpu.vector_store %arg8[%swap3A_436, %swap3A_437], %swap3A_440 {strides = array<i32>} : memref<64x768xf32, #tpu.memory_space<vmem>>, vector<1x16xf32>,
      %get3A_441 = arith.index_cast %scan3A_176 : i32 to index
      %get3A_442 = arith.constant 304 : index
      %get3A_443 = tpu.vector_load %arg8[%get3A_441, %get3A_442] {strides = array<i32>} : memref<64x768xf32, #tpu.memory_space<vmem>>, vector<1x16xf32>,
      %get3A_444 = vector.shape_cast %get3A_443 : vector<1x16xf32> to vector<16xf32>
      %get3A_445 = arith.index_cast %scan3A_176 : i32 to index
      %get3A_446 = arith.constant 304 : index
      %get3A_447 = tpu.vector_load %arg9[%get3A_445, %get3A_446] {strides = array<i32>} : memref<64x768xf32, #tpu.memory_space<vmem>>, vector<1x16xf32>,
      %get3A_448 = vector.shape_cast %get3A_447 : vector<1x16xf32> to vector<16xf32>
      %add3A_449 = arith.addf %get3A_444, %get3A_448 : vector<16xf32>
      %swap3A_450 = arith.index_cast %scan3A_176 : i32 to index
      %swap3A_451 = arith.constant 304 : index
      %swap3A_452 = tpu.vector_load %arg8[%swap3A_450, %swap3A_451] {strides = array<i32>} : memref<64x768xf32, #tpu.memory_space<vmem>>, vector<1x16xf32>,
      %swap3A_453 = vector.shape_cast %swap3A_452 : vector<1x16xf32> to vector<16xf32>
      %swap3A_454 = vector.shape_cast %add3A_449 : vector<16xf32> to vector<1x16xf32>
      tpu.vector_store %arg8[%swap3A_450, %swap3A_451], %swap3A_454 {strides = array<i32>} : memref<64x768xf32, #tpu.memory_space<vmem>>, vector<1x16xf32>,
      %get3A_455 = arith.index_cast %scan3A_176 : i32 to index
      %get3A_456 = arith.constant 320 : index
      %get3A_457 = tpu.vector_load %arg8[%get3A_455, %get3A_456] {strides = array<i32>} : memref<64x768xf32, #tpu.memory_space<vmem>>, vector<1x16xf32>,
      %get3A_458 = vector.shape_cast %get3A_457 : vector<1x16xf32> to vector<16xf32>
      %get3A_459 = arith.index_cast %scan3A_176 : i32 to index
      %get3A_460 = arith.constant 320 : index
      %get3A_461 = tpu.vector_load %arg9[%get3A_459, %get3A_460] {strides = array<i32>} : memref<64x768xf32, #tpu.memory_space<vmem>>, vector<1x16xf32>,
      %get3A_462 = vector.shape_cast %get3A_461 : vector<1x16xf32> to vector<16xf32>
      %add3A_463 = arith.addf %get3A_458, %get3A_462 : vector<16xf32>
      %swap3A_464 = arith.index_cast %scan3A_176 : i32 to index
      %swap3A_465 = arith.constant 320 : index
      %swap3A_466 = tpu.vector_load %arg8[%swap3A_464, %swap3A_465] {strides = array<i32>} : memref<64x768xf32, #tpu.memory_space<vmem>>, vector<1x16xf32>,
      %swap3A_467 = vector.shape_cast %swap3A_466 : vector<1x16xf32> to vector<16xf32>
      %swap3A_468 = vector.shape_cast %add3A_463 : vector<16xf32> to vector<1x16xf32>
      tpu.vector_store %arg8[%swap3A_464, %swap3A_465], %swap3A_468 {strides = array<i32>} : memref<64x768xf32, #tpu.memory_space<vmem>>, vector<1x16xf32>,
      %get3A_469 = arith.index_cast %scan3A_176 : i32 to index
      %get3A_470 = arith.constant 336 : index
      %get3A_471 = tpu.vector_load %arg8[%get3A_469, %get3A_470] {strides = array<i32>} : memref<64x768xf32, #tpu.memory_space<vmem>>, vector<1x16xf32>,
      %get3A_472 = vector.shape_cast %get3A_471 : vector<1x16xf32> to vector<16xf32>
      %get3A_473 = arith.index_cast %scan3A_176 : i32 to index
      %get3A_474 = arith.constant 336 : index
      %get3A_475 = tpu.vector_load %arg9[%get3A_473, %get3A_474] {strides = array<i32>} : memref<64x768xf32, #tpu.memory_space<vmem>>, vector<1x16xf32>,
      %get3A_476 = vector.shape_cast %get3A_475 : vector<1x16xf32> to vector<16xf32>
      %add3A_477 = arith.addf %get3A_472, %get3A_476 : vector<16xf32>
      %swap3A_478 = arith.index_cast %scan3A_176 : i32 to index
      %swap3A_479 = arith.constant 336 : index
      %swap3A_480 = tpu.vector_load %arg8[%swap3A_478, %swap3A_479] {strides = array<i32>} : memref<64x768xf32, #tpu.memory_space<vmem>>, vector<1x16xf32>,
      %swap3A_481 = vector.shape_cast %swap3A_480 : vector<1x16xf32> to vector<16xf32>
      %swap3A_482 = vector.shape_cast %add3A_477 : vector<16xf32> to vector<1x16xf32>
      tpu.vector_store %arg8[%swap3A_478, %swap3A_479], %swap3A_482 {strides = array<i32>} : memref<64x768xf32, #tpu.memory_space<vmem>>, vector<1x16xf32>,
      %get3A_483 = arith.index_cast %scan3A_176 : i32 to index
      %get3A_484 = arith.constant 352 : index
      %get3A_485 = tpu.vector_load %arg8[%get3A_483, %get3A_484] {strides = array<i32>} : memref<64x768xf32, #tpu.memory_space<vmem>>, vector<1x16xf32>,
      %get3A_486 = vector.shape_cast %get3A_485 : vector<1x16xf32> to vector<16xf32>
      %get3A_487 = arith.index_cast %scan3A_176 : i32 to index
      %get3A_488 = arith.constant 352 : index
      %get3A_489 = tpu.vector_load %arg9[%get3A_487, %get3A_488] {strides = array<i32>} : memref<64x768xf32, #tpu.memory_space<vmem>>, vector<1x16xf32>,
      %get3A_490 = vector.shape_cast %get3A_489 : vector<1x16xf32> to vector<16xf32>
      %add3A_491 = arith.addf %get3A_486, %get3A_490 : vector<16xf32>
      %swap3A_492 = arith.index_cast %scan3A_176 : i32 to index
      %swap3A_493 = arith.constant 352 : index
      %swap3A_494 = tpu.vector_load %arg8[%swap3A_492, %swap3A_493] {strides = array<i32>} : memref<64x768xf32, #tpu.memory_space<vmem>>, vector<1x16xf32>,
      %swap3A_495 = vector.shape_cast %swap3A_494 : vector<1x16xf32> to vector<16xf32>
      %swap3A_496 = vector.shape_cast %add3A_491 : vector<16xf32> to vector<1x16xf32>
      tpu.vector_store %arg8[%swap3A_492, %swap3A_493], %swap3A_496 {strides = array<i32>} : memref<64x768xf32, #tpu.memory_space<vmem>>, vector<1x16xf32>,
      %get3A_497 = arith.index_cast %scan3A_176 : i32 to index
      %get3A_498 = arith.constant 368 : index
      %get3A_499 = tpu.vector_load %arg8[%get3A_497, %get3A_498] {strides = array<i32>} : memref<64x768xf32, #tpu.memory_space<vmem>>, vector<1x16xf32>,
      %get3A_500 = vector.shape_cast %get3A_499 : vector<1x16xf32> to vector<16xf32>
      %get3A_501 = arith.index_cast %scan3A_176 : i32 to index
      %get3A_502 = arith.constant 368 : index
      %get3A_503 = tpu.vector_load %arg9[%get3A_501, %get3A_502] {strides = array<i32>} : memref<64x768xf32, #tpu.memory_space<vmem>>, vector<1x16xf32>,
      %get3A_504 = vector.shape_cast %get3A_503 : vector<1x16xf32> to vector<16xf32>
      %add3A_505 = arith.addf %get3A_500, %get3A_504 : vector<16xf32>
      %swap3A_506 = arith.index_cast %scan3A_176 : i32 to index
      %swap3A_507 = arith.constant 368 : index
      %swap3A_508 = tpu.vector_load %arg8[%swap3A_506, %swap3A_507] {strides = array<i32>} : memref<64x768xf32, #tpu.memory_space<vmem>>, vector<1x16xf32>,
      %swap3A_509 = vector.shape_cast %swap3A_508 : vector<1x16xf32> to vector<16xf32>
      %swap3A_510 = vector.shape_cast %add3A_505 : vector<16xf32> to vector<1x16xf32>
      tpu.vector_store %arg8[%swap3A_506, %swap3A_507], %swap3A_510 {strides = array<i32>} : memref<64x768xf32, #tpu.memory_space<vmem>>, vector<1x16xf32>,
      %get3A_511 = arith.index_cast %scan3A_176 : i32 to index
      %get3A_512 = arith.constant 384 : index
      %get3A_513 = tpu.vector_load %arg8[%get3A_511, %get3A_512] {strides = array<i32>} : memref<64x768xf32, #tpu.memory_space<vmem>>, vector<1x16xf32>,
      %get3A_514 = vector.shape_cast %get3A_513 : vector<1x16xf32> to vector<16xf32>
      %get3A_515 = arith.index_cast %scan3A_176 : i32 to index
      %get3A_516 = arith.constant 384 : index
      %get3A_517 = tpu.vector_load %arg9[%get3A_515, %get3A_516] {strides = array<i32>} : memref<64x768xf32, #tpu.memory_space<vmem>>, vector<1x16xf32>,
      %get3A_518 = vector.shape_cast %get3A_517 : vector<1x16xf32> to vector<16xf32>
      %add3A_519 = arith.addf %get3A_514, %get3A_518 : vector<16xf32>
      %swap3A_520 = arith.index_cast %scan3A_176 : i32 to index
      %swap3A_521 = arith.constant 384 : index
      %swap3A_522 = tpu.vector_load %arg8[%swap3A_520, %swap3A_521] {strides = array<i32>} : memref<64x768xf32, #tpu.memory_space<vmem>>, vector<1x16xf32>,
      %swap3A_523 = vector.shape_cast %swap3A_522 : vector<1x16xf32> to vector<16xf32>
      %swap3A_524 = vector.shape_cast %add3A_519 : vector<16xf32> to vector<1x16xf32>
      tpu.vector_store %arg8[%swap3A_520, %swap3A_521], %swap3A_524 {strides = array<i32>} : memref<64x768xf32, #tpu.memory_space<vmem>>, vector<1x16xf32>,
      %get3A_525 = arith.index_cast %scan3A_176 : i32 to index
      %get3A_526 = arith.constant 400 : index
      %get3A_527 = tpu.vector_load %arg8[%get3A_525, %get3A_526] {strides = array<i32>} : memref<64x768xf32, #tpu.memory_space<vmem>>, vector<1x16xf32>,
      %get3A_528 = vector.shape_cast %get3A_527 : vector<1x16xf32> to vector<16xf32>
      %get3A_529 = arith.index_cast %scan3A_176 : i32 to index
      %get3A_530 = arith.constant 400 : index
      %get3A_531 = tpu.vector_load %arg9[%get3A_529, %get3A_530] {strides = array<i32>} : memref<64x768xf32, #tpu.memory_space<vmem>>, vector<1x16xf32>,
      %get3A_532 = vector.shape_cast %get3A_531 : vector<1x16xf32> to vector<16xf32>
      %add3A_533 = arith.addf %get3A_528, %get3A_532 : vector<16xf32>
      %swap3A_534 = arith.index_cast %scan3A_176 : i32 to index
      %swap3A_535 = arith.constant 400 : index
      %swap3A_536 = tpu.vector_load %arg8[%swap3A_534, %swap3A_535] {strides = array<i32>} : memref<64x768xf32, #tpu.memory_space<vmem>>, vector<1x16xf32>,
      %swap3A_537 = vector.shape_cast %swap3A_536 : vector<1x16xf32> to vector<16xf32>
      %swap3A_538 = vector.shape_cast %add3A_533 : vector<16xf32> to vector<1x16xf32>
      tpu.vector_store %arg8[%swap3A_534, %swap3A_535], %swap3A_538 {strides = array<i32>} : memref<64x768xf32, #tpu.memory_space<vmem>>, vector<1x16xf32>,
      %get3A_539 = arith.index_cast %scan3A_176 : i32 to index
      %get3A_540 = arith.constant 416 : index
      %get3A_541 = tpu.vector_load %arg8[%get3A_539, %get3A_540] {strides = array<i32>} : memref<64x768xf32, #tpu.memory_space<vmem>>, vector<1x16xf32>,
      %get3A_542 = vector.shape_cast %get3A_541 : vector<1x16xf32> to vector<16xf32>
      %get3A_543 = arith.index_cast %scan3A_176 : i32 to index
      %get3A_544 = arith.constant 416 : index
      %get3A_545 = tpu.vector_load %arg9[%get3A_543, %get3A_544] {strides = array<i32>} : memref<64x768xf32, #tpu.memory_space<vmem>>, vector<1x16xf32>,
      %get3A_546 = vector.shape_cast %get3A_545 : vector<1x16xf32> to vector<16xf32>
      %add3A_547 = arith.addf %get3A_542, %get3A_546 : vector<16xf32>
      %swap3A_548 = arith.index_cast %scan3A_176 : i32 to index
      %swap3A_549 = arith.constant 416 : index
      %swap3A_550 = tpu.vector_load %arg8[%swap3A_548, %swap3A_549] {strides = array<i32>} : memref<64x768xf32, #tpu.memory_space<vmem>>, vector<1x16xf32>,
      %swap3A_551 = vector.shape_cast %swap3A_550 : vector<1x16xf32> to vector<16xf32>
      %swap3A_552 = vector.shape_cast %add3A_547 : vector<16xf32> to vector<1x16xf32>
      tpu.vector_store %arg8[%swap3A_548, %swap3A_549], %swap3A_552 {strides = array<i32>} : memref<64x768xf32, #tpu.memory_space<vmem>>, vector<1x16xf32>,
      %get3A_553 = arith.index_cast %scan3A_176 : i32 to index
      %get3A_554 = arith.constant 432 : index
      %get3A_555 = tpu.vector_load %arg8[%get3A_553, %get3A_554] {strides = array<i32>} : memref<64x768xf32, #tpu.memory_space<vmem>>, vector<1x16xf32>,
      %get3A_556 = vector.shape_cast %get3A_555 : vector<1x16xf32> to vector<16xf32>
      %get3A_557 = arith.index_cast %scan3A_176 : i32 to index
      %get3A_558 = arith.constant 432 : index
      %get3A_559 = tpu.vector_load %arg9[%get3A_557, %get3A_558] {strides = array<i32>} : memref<64x768xf32, #tpu.memory_space<vmem>>, vector<1x16xf32>,
      %get3A_560 = vector.shape_cast %get3A_559 : vector<1x16xf32> to vector<16xf32>
      %add3A_561 = arith.addf %get3A_556, %get3A_560 : vector<16xf32>
      %swap3A_562 = arith.index_cast %scan3A_176 : i32 to index
      %swap3A_563 = arith.constant 432 : index
      %swap3A_564 = tpu.vector_load %arg8[%swap3A_562, %swap3A_563] {strides = array<i32>} : memref<64x768xf32, #tpu.memory_space<vmem>>, vector<1x16xf32>,
      %swap3A_565 = vector.shape_cast %swap3A_564 : vector<1x16xf32> to vector<16xf32>
      %swap3A_566 = vector.shape_cast %add3A_561 : vector<16xf32> to vector<1x16xf32>
      tpu.vector_store %arg8[%swap3A_562, %swap3A_563], %swap3A_566 {strides = array<i32>} : memref<64x768xf32, #tpu.memory_space<vmem>>, vector<1x16xf32>,
      %get3A_567 = arith.index_cast %scan3A_176 : i32 to index
      %get3A_568 = arith.constant 448 : index
      %get3A_569 = tpu.vector_load %arg8[%get3A_567, %get3A_568] {strides = array<i32>} : memref<64x768xf32, #tpu.memory_space<vmem>>, vector<1x16xf32>,
      %get3A_570 = vector.shape_cast %get3A_569 : vector<1x16xf32> to vector<16xf32>
      %get3A_571 = arith.index_cast %scan3A_176 : i32 to index
      %get3A_572 = arith.constant 448 : index
      %get3A_573 = tpu.vector_load %arg9[%get3A_571, %get3A_572] {strides = array<i32>} : memref<64x768xf32, #tpu.memory_space<vmem>>, vector<1x16xf32>,
      %get3A_574 = vector.shape_cast %get3A_573 : vector<1x16xf32> to vector<16xf32>
      %add3A_575 = arith.addf %get3A_570, %get3A_574 : vector<16xf32>
      %swap3A_576 = arith.index_cast %scan3A_176 : i32 to index
      %swap3A_577 = arith.constant 448 : index
      %swap3A_578 = tpu.vector_load %arg8[%swap3A_576, %swap3A_577] {strides = array<i32>} : memref<64x768xf32, #tpu.memory_space<vmem>>, vector<1x16xf32>,
      %swap3A_579 = vector.shape_cast %swap3A_578 : vector<1x16xf32> to vector<16xf32>
      %swap3A_580 = vector.shape_cast %add3A_575 : vector<16xf32> to vector<1x16xf32>
      tpu.vector_store %arg8[%swap3A_576, %swap3A_577], %swap3A_580 {strides = array<i32>} : memref<64x768xf32, #tpu.memory_space<vmem>>, vector<1x16xf32>,
      %get3A_581 = arith.index_cast %scan3A_176 : i32 to index
      %get3A_582 = arith.constant 464 : index
      %get3A_583 = tpu.vector_load %arg8[%get3A_581, %get3A_582] {strides = array<i32>} : memref<64x768xf32, #tpu.memory_space<vmem>>, vector<1x16xf32>,
      %get3A_584 = vector.shape_cast %get3A_583 : vector<1x16xf32> to vector<16xf32>
      %get3A_585 = arith.index_cast %scan3A_176 : i32 to index
      %get3A_586 = arith.constant 464 : index
      %get3A_587 = tpu.vector_load %arg9[%get3A_585, %get3A_586] {strides = array<i32>} : memref<64x768xf32, #tpu.memory_space<vmem>>, vector<1x16xf32>,
      %get3A_588 = vector.shape_cast %get3A_587 : vector<1x16xf32> to vector<16xf32>
      %add3A_589 = arith.addf %get3A_584, %get3A_588 : vector<16xf32>
      %swap3A_590 = arith.index_cast %scan3A_176 : i32 to index
      %swap3A_591 = arith.constant 464 : index
      %swap3A_592 = tpu.vector_load %arg8[%swap3A_590, %swap3A_591] {strides = array<i32>} : memref<64x768xf32, #tpu.memory_space<vmem>>, vector<1x16xf32>,
      %swap3A_593 = vector.shape_cast %swap3A_592 : vector<1x16xf32> to vector<16xf32>
      %swap3A_594 = vector.shape_cast %add3A_589 : vector<16xf32> to vector<1x16xf32>
      tpu.vector_store %arg8[%swap3A_590, %swap3A_591], %swap3A_594 {strides = array<i32>} : memref<64x768xf32, #tpu.memory_space<vmem>>, vector<1x16xf32>,
      %get3A_595 = arith.index_cast %scan3A_176 : i32 to index
      %get3A_596 = arith.constant 480 : index
      %get3A_597 = tpu.vector_load %arg8[%get3A_595, %get3A_596] {strides = array<i32>} : memref<64x768xf32, #tpu.memory_space<vmem>>, vector<1x16xf32>,
      %get3A_598 = vector.shape_cast %get3A_597 : vector<1x16xf32> to vector<16xf32>
      %get3A_599 = arith.index_cast %scan3A_176 : i32 to index
      %get3A_600 = arith.constant 480 : index
      %get3A_601 = tpu.vector_load %arg9[%get3A_599, %get3A_600] {strides = array<i32>} : memref<64x768xf32, #tpu.memory_space<vmem>>, vector<1x16xf32>,
      %get3A_602 = vector.shape_cast %get3A_601 : vector<1x16xf32> to vector<16xf32>
      %add3A_603 = arith.addf %get3A_598, %get3A_602 : vector<16xf32>
      %swap3A_604 = arith.index_cast %scan3A_176 : i32 to index
      %swap3A_605 = arith.constant 480 : index
      %swap3A_606 = tpu.vector_load %arg8[%swap3A_604, %swap3A_605] {strides = array<i32>} : memref<64x768xf32, #tpu.memory_space<vmem>>, vector<1x16xf32>,
      %swap3A_607 = vector.shape_cast %swap3A_606 : vector<1x16xf32> to vector<16xf32>
      %swap3A_608 = vector.shape_cast %add3A_603 : vector<16xf32> to vector<1x16xf32>
      tpu.vector_store %arg8[%swap3A_604, %swap3A_605], %swap3A_608 {strides = array<i32>} : memref<64x768xf32, #tpu.memory_space<vmem>>, vector<1x16xf32>,
      %get3A_609 = arith.index_cast %scan3A_176 : i32 to index
      %get3A_610 = arith.constant 496 : index
      %get3A_611 = tpu.vector_load %arg8[%get3A_609, %get3A_610] {strides = array<i32>} : memref<64x768xf32, #tpu.memory_space<vmem>>, vector<1x16xf32>,
      %get3A_612 = vector.shape_cast %get3A_611 : vector<1x16xf32> to vector<16xf32>
      %get3A_613 = arith.index_cast %scan3A_176 : i32 to index
      %get3A_614 = arith.constant 496 : index
      %get3A_615 = tpu.vector_load %arg9[%get3A_613, %get3A_614] {strides = array<i32>} : memref<64x768xf32, #tpu.memory_space<vmem>>, vector<1x16xf32>,
      %get3A_616 = vector.shape_cast %get3A_615 : vector<1x16xf32> to vector<16xf32>
      %add3A_617 = arith.addf %get3A_612, %get3A_616 : vector<16xf32>
      %swap3A_618 = arith.index_cast %scan3A_176 : i32 to index
      %swap3A_619 = arith.constant 496 : index
      %swap3A_620 = tpu.vector_load %arg8[%swap3A_618, %swap3A_619] {strides = array<i32>} : memref<64x768xf32, #tpu.memory_space<vmem>>, vector<1x16xf32>,
      %swap3A_621 = vector.shape_cast %swap3A_620 : vector<1x16xf32> to vector<16xf32>
      %swap3A_622 = vector.shape_cast %add3A_617 : vector<16xf32> to vector<1x16xf32>
      tpu.vector_store %arg8[%swap3A_618, %swap3A_619], %swap3A_622 {strides = array<i32>} : memref<64x768xf32, #tpu.memory_space<vmem>>, vector<1x16xf32>,
      %get3A_623 = arith.index_cast %scan3A_176 : i32 to index
      %get3A_624 = arith.constant 512 : index
      %get3A_625 = tpu.vector_load %arg8[%get3A_623, %get3A_624] {strides = array<i32>} : memref<64x768xf32, #tpu.memory_space<vmem>>, vector<1x16xf32>,
      %get3A_626 = vector.shape_cast %get3A_625 : vector<1x16xf32> to vector<16xf32>
      %get3A_627 = arith.index_cast %scan3A_176 : i32 to index
      %get3A_628 = arith.constant 512 : index
      %get3A_629 = tpu.vector_load %arg9[%get3A_627, %get3A_628] {strides = array<i32>} : memref<64x768xf32, #tpu.memory_space<vmem>>, vector<1x16xf32>,
      %get3A_630 = vector.shape_cast %get3A_629 : vector<1x16xf32> to vector<16xf32>
      %add3A_631 = arith.addf %get3A_626, %get3A_630 : vector<16xf32>
      %swap3A_632 = arith.index_cast %scan3A_176 : i32 to index
      %swap3A_633 = arith.constant 512 : index
      %swap3A_634 = tpu.vector_load %arg8[%swap3A_632, %swap3A_633] {strides = array<i32>} : memref<64x768xf32, #tpu.memory_space<vmem>>, vector<1x16xf32>,
      %swap3A_635 = vector.shape_cast %swap3A_634 : vector<1x16xf32> to vector<16xf32>
      %swap3A_636 = vector.shape_cast %add3A_631 : vector<16xf32> to vector<1x16xf32>
      tpu.vector_store %arg8[%swap3A_632, %swap3A_633], %swap3A_636 {strides = array<i32>} : memref<64x768xf32, #tpu.memory_space<vmem>>, vector<1x16xf32>,
      %get3A_637 = arith.index_cast %scan3A_176 : i32 to index
      %get3A_638 = arith.constant 528 : index
      %get3A_639 = tpu.vector_load %arg8[%get3A_637, %get3A_638] {strides = array<i32>} : memref<64x768xf32, #tpu.memory_space<vmem>>, vector<1x16xf32>,
      %get3A_640 = vector.shape_cast %get3A_639 : vector<1x16xf32> to vector<16xf32>
      %get3A_641 = arith.index_cast %scan3A_176 : i32 to index
      %get3A_642 = arith.constant 528 : index
      %get3A_643 = tpu.vector_load %arg9[%get3A_641, %get3A_642] {strides = array<i32>} : memref<64x768xf32, #tpu.memory_space<vmem>>, vector<1x16xf32>,
      %get3A_644 = vector.shape_cast %get3A_643 : vector<1x16xf32> to vector<16xf32>
      %add3A_645 = arith.addf %get3A_640, %get3A_644 : vector<16xf32>
      %swap3A_646 = arith.index_cast %scan3A_176 : i32 to index
      %swap3A_647 = arith.constant 528 : index
      %swap3A_648 = tpu.vector_load %arg8[%swap3A_646, %swap3A_647] {strides = array<i32>} : memref<64x768xf32, #tpu.memory_space<vmem>>, vector<1x16xf32>,
      %swap3A_649 = vector.shape_cast %swap3A_648 : vector<1x16xf32> to vector<16xf32>
      %swap3A_650 = vector.shape_cast %add3A_645 : vector<16xf32> to vector<1x16xf32>
      tpu.vector_store %arg8[%swap3A_646, %swap3A_647], %swap3A_650 {strides = array<i32>} : memref<64x768xf32, #tpu.memory_space<vmem>>, vector<1x16xf32>,
      %get3A_651 = arith.index_cast %scan3A_176 : i32 to index
      %get3A_652 = arith.constant 544 : index
      %get3A_653 = tpu.vector_load %arg8[%get3A_651, %get3A_652] {strides = array<i32>} : memref<64x768xf32, #tpu.memory_space<vmem>>, vector<1x16xf32>,
      %get3A_654 = vector.shape_cast %get3A_653 : vector<1x16xf32> to vector<16xf32>
      %get3A_655 = arith.index_cast %scan3A_176 : i32 to index
      %get3A_656 = arith.constant 544 : index
      %get3A_657 = tpu.vector_load %arg9[%get3A_655, %get3A_656] {strides = array<i32>} : memref<64x768xf32, #tpu.memory_space<vmem>>, vector<1x16xf32>,
      %get3A_658 = vector.shape_cast %get3A_657 : vector<1x16xf32> to vector<16xf32>
      %add3A_659 = arith.addf %get3A_654, %get3A_658 : vector<16xf32>
      %swap3A_660 = arith.index_cast %scan3A_176 : i32 to index
      %swap3A_661 = arith.constant 544 : index
      %swap3A_662 = tpu.vector_load %arg8[%swap3A_660, %swap3A_661] {strides = array<i32>} : memref<64x768xf32, #tpu.memory_space<vmem>>, vector<1x16xf32>,
      %swap3A_663 = vector.shape_cast %swap3A_662 : vector<1x16xf32> to vector<16xf32>
      %swap3A_664 = vector.shape_cast %add3A_659 : vector<16xf32> to vector<1x16xf32>
      tpu.vector_store %arg8[%swap3A_660, %swap3A_661], %swap3A_664 {strides = array<i32>} : memref<64x768xf32, #tpu.memory_space<vmem>>, vector<1x16xf32>,
      %get3A_665 = arith.index_cast %scan3A_176 : i32 to index
      %get3A_666 = arith.constant 560 : index
      %get3A_667 = tpu.vector_load %arg8[%get3A_665, %get3A_666] {strides = array<i32>} : memref<64x768xf32, #tpu.memory_space<vmem>>, vector<1x16xf32>,
      %get3A_668 = vector.shape_cast %get3A_667 : vector<1x16xf32> to vector<16xf32>
      %get3A_669 = arith.index_cast %scan3A_176 : i32 to index
      %get3A_670 = arith.constant 560 : index
      %get3A_671 = tpu.vector_load %arg9[%get3A_669, %get3A_670] {strides = array<i32>} : memref<64x768xf32, #tpu.memory_space<vmem>>, vector<1x16xf32>,
      %get3A_672 = vector.shape_cast %get3A_671 : vector<1x16xf32> to vector<16xf32>
      %add3A_673 = arith.addf %get3A_668, %get3A_672 : vector<16xf32>
      %swap3A_674 = arith.index_cast %scan3A_176 : i32 to index
      %swap3A_675 = arith.constant 560 : index
      %swap3A_676 = tpu.vector_load %arg8[%swap3A_674, %swap3A_675] {strides = array<i32>} : memref<64x768xf32, #tpu.memory_space<vmem>>, vector<1x16xf32>,
      %swap3A_677 = vector.shape_cast %swap3A_676 : vector<1x16xf32> to vector<16xf32>
      %swap3A_678 = vector.shape_cast %add3A_673 : vector<16xf32> to vector<1x16xf32>
      tpu.vector_store %arg8[%swap3A_674, %swap3A_675], %swap3A_678 {strides = array<i32>} : memref<64x768xf32, #tpu.memory_space<vmem>>, vector<1x16xf32>,
      %get3A_679 = arith.index_cast %scan3A_176 : i32 to index
      %get3A_680 = arith.constant 576 : index
      %get3A_681 = tpu.vector_load %arg8[%get3A_679, %get3A_680] {strides = array<i32>} : memref<64x768xf32, #tpu.memory_space<vmem>>, vector<1x16xf32>,
      %get3A_682 = vector.shape_cast %get3A_681 : vector<1x16xf32> to vector<16xf32>
      %get3A_683 = arith.index_cast %scan3A_176 : i32 to index
      %get3A_684 = arith.constant 576 : index
      %get3A_685 = tpu.vector_load %arg9[%get3A_683, %get3A_684] {strides = array<i32>} : memref<64x768xf32, #tpu.memory_space<vmem>>, vector<1x16xf32>,
      %get3A_686 = vector.shape_cast %get3A_685 : vector<1x16xf32> to vector<16xf32>
      %add3A_687 = arith.addf %get3A_682, %get3A_686 : vector<16xf32>
      %swap3A_688 = arith.index_cast %scan3A_176 : i32 to index
      %swap3A_689 = arith.constant 576 : index
      %swap3A_690 = tpu.vector_load %arg8[%swap3A_688, %swap3A_689] {strides = array<i32>} : memref<64x768xf32, #tpu.memory_space<vmem>>, vector<1x16xf32>,
      %swap3A_691 = vector.shape_cast %swap3A_690 : vector<1x16xf32> to vector<16xf32>
      %swap3A_692 = vector.shape_cast %add3A_687 : vector<16xf32> to vector<1x16xf32>
      tpu.vector_store %arg8[%swap3A_688, %swap3A_689], %swap3A_692 {strides = array<i32>} : memref<64x768xf32, #tpu.memory_space<vmem>>, vector<1x16xf32>,
      %get3A_693 = arith.index_cast %scan3A_176 : i32 to index
      %get3A_694 = arith.constant 592 : index
      %get3A_695 = tpu.vector_load %arg8[%get3A_693, %get3A_694] {strides = array<i32>} : memref<64x768xf32, #tpu.memory_space<vmem>>, vector<1x16xf32>,
      %get3A_696 = vector.shape_cast %get3A_695 : vector<1x16xf32> to vector<16xf32>
      %get3A_697 = arith.index_cast %scan3A_176 : i32 to index
      %get3A_698 = arith.constant 592 : index
      %get3A_699 = tpu.vector_load %arg9[%get3A_697, %get3A_698] {strides = array<i32>} : memref<64x768xf32, #tpu.memory_space<vmem>>, vector<1x16xf32>,
      %get3A_700 = vector.shape_cast %get3A_699 : vector<1x16xf32> to vector<16xf32>
      %add3A_701 = arith.addf %get3A_696, %get3A_700 : vector<16xf32>
      %swap3A_702 = arith.index_cast %scan3A_176 : i32 to index
      %swap3A_703 = arith.constant 592 : index
      %swap3A_704 = tpu.vector_load %arg8[%swap3A_702, %swap3A_703] {strides = array<i32>} : memref<64x768xf32, #tpu.memory_space<vmem>>, vector<1x16xf32>,
      %swap3A_705 = vector.shape_cast %swap3A_704 : vector<1x16xf32> to vector<16xf32>
      %swap3A_706 = vector.shape_cast %add3A_701 : vector<16xf32> to vector<1x16xf32>
      tpu.vector_store %arg8[%swap3A_702, %swap3A_703], %swap3A_706 {strides = array<i32>} : memref<64x768xf32, #tpu.memory_space<vmem>>, vector<1x16xf32>,
      %get3A_707 = arith.index_cast %scan3A_176 : i32 to index
      %get3A_708 = arith.constant 608 : index
      %get3A_709 = tpu.vector_load %arg8[%get3A_707, %get3A_708] {strides = array<i32>} : memref<64x768xf32, #tpu.memory_space<vmem>>, vector<1x16xf32>,
      %get3A_710 = vector.shape_cast %get3A_709 : vector<1x16xf32> to vector<16xf32>
      %get3A_711 = arith.index_cast %scan3A_176 : i32 to index
      %get3A_712 = arith.constant 608 : index
      %get3A_713 = tpu.vector_load %arg9[%get3A_711, %get3A_712] {strides = array<i32>} : memref<64x768xf32, #tpu.memory_space<vmem>>, vector<1x16xf32>,
      %get3A_714 = vector.shape_cast %get3A_713 : vector<1x16xf32> to vector<16xf32>
      %add3A_715 = arith.addf %get3A_710, %get3A_714 : vector<16xf32>
      %swap3A_716 = arith.index_cast %scan3A_176 : i32 to index
      %swap3A_717 = arith.constant 608 : index
      %swap3A_718 = tpu.vector_load %arg8[%swap3A_716, %swap3A_717] {strides = array<i32>} : memref<64x768xf32, #tpu.memory_space<vmem>>, vector<1x16xf32>,
      %swap3A_719 = vector.shape_cast %swap3A_718 : vector<1x16xf32> to vector<16xf32>
      %swap3A_720 = vector.shape_cast %add3A_715 : vector<16xf32> to vector<1x16xf32>
      tpu.vector_store %arg8[%swap3A_716, %swap3A_717], %swap3A_720 {strides = array<i32>} : memref<64x768xf32, #tpu.memory_space<vmem>>, vector<1x16xf32>,
      %get3A_721 = arith.index_cast %scan3A_176 : i32 to index
      %get3A_722 = arith.constant 624 : index
      %get3A_723 = tpu.vector_load %arg8[%get3A_721, %get3A_722] {strides = array<i32>} : memref<64x768xf32, #tpu.memory_space<vmem>>, vector<1x16xf32>,
      %get3A_724 = vector.shape_cast %get3A_723 : vector<1x16xf32> to vector<16xf32>
      %get3A_725 = arith.index_cast %scan3A_176 : i32 to index
      %get3A_726 = arith.constant 624 : index
      %get3A_727 = tpu.vector_load %arg9[%get3A_725, %get3A_726] {strides = array<i32>} : memref<64x768xf32, #tpu.memory_space<vmem>>, vector<1x16xf32>,
      %get3A_728 = vector.shape_cast %get3A_727 : vector<1x16xf32> to vector<16xf32>
      %add3A_729 = arith.addf %get3A_724, %get3A_728 : vector<16xf32>
      %swap3A_730 = arith.index_cast %scan3A_176 : i32 to index
      %swap3A_731 = arith.constant 624 : index
      %swap3A_732 = tpu.vector_load %arg8[%swap3A_730, %swap3A_731] {strides = array<i32>} : memref<64x768xf32, #tpu.memory_space<vmem>>, vector<1x16xf32>,
      %swap3A_733 = vector.shape_cast %swap3A_732 : vector<1x16xf32> to vector<16xf32>
      %swap3A_734 = vector.shape_cast %add3A_729 : vector<16xf32> to vector<1x16xf32>
      tpu.vector_store %arg8[%swap3A_730, %swap3A_731], %swap3A_734 {strides = array<i32>} : memref<64x768xf32, #tpu.memory_space<vmem>>, vector<1x16xf32>,
      %get3A_735 = arith.index_cast %scan3A_176 : i32 to index
      %get3A_736 = arith.constant 640 : index
      %get3A_737 = tpu.vector_load %arg8[%get3A_735, %get3A_736] {strides = array<i32>} : memref<64x768xf32, #tpu.memory_space<vmem>>, vector<1x16xf32>,
      %get3A_738 = vector.shape_cast %get3A_737 : vector<1x16xf32> to vector<16xf32>
      %get3A_739 = arith.index_cast %scan3A_176 : i32 to index
      %get3A_740 = arith.constant 640 : index
      %get3A_741 = tpu.vector_load %arg9[%get3A_739, %get3A_740] {strides = array<i32>} : memref<64x768xf32, #tpu.memory_space<vmem>>, vector<1x16xf32>,
      %get3A_742 = vector.shape_cast %get3A_741 : vector<1x16xf32> to vector<16xf32>
      %add3A_743 = arith.addf %get3A_738, %get3A_742 : vector<16xf32>
      %swap3A_744 = arith.index_cast %scan3A_176 : i32 to index
      %swap3A_745 = arith.constant 640 : index
      %swap3A_746 = tpu.vector_load %arg8[%swap3A_744, %swap3A_745] {strides = array<i32>} : memref<64x768xf32, #tpu.memory_space<vmem>>, vector<1x16xf32>,
      %swap3A_747 = vector.shape_cast %swap3A_746 : vector<1x16xf32> to vector<16xf32>
      %swap3A_748 = vector.shape_cast %add3A_743 : vector<16xf32> to vector<1x16xf32>
      tpu.vector_store %arg8[%swap3A_744, %swap3A_745], %swap3A_748 {strides = array<i32>} : memref<64x768xf32, #tpu.memory_space<vmem>>, vector<1x16xf32>,
      %get3A_749 = arith.index_cast %scan3A_176 : i32 to index
      %get3A_750 = arith.constant 656 : index
      %get3A_751 = tpu.vector_load %arg8[%get3A_749, %get3A_750] {strides = array<i32>} : memref<64x768xf32, #tpu.memory_space<vmem>>, vector<1x16xf32>,
      %get3A_752 = vector.shape_cast %get3A_751 : vector<1x16xf32> to vector<16xf32>
      %get3A_753 = arith.index_cast %scan3A_176 : i32 to index
      %get3A_754 = arith.constant 656 : index
      %get3A_755 = tpu.vector_load %arg9[%get3A_753, %get3A_754] {strides = array<i32>} : memref<64x768xf32, #tpu.memory_space<vmem>>, vector<1x16xf32>,
      %get3A_756 = vector.shape_cast %get3A_755 : vector<1x16xf32> to vector<16xf32>
      %add3A_757 = arith.addf %get3A_752, %get3A_756 : vector<16xf32>
      %swap3A_758 = arith.index_cast %scan3A_176 : i32 to index
      %swap3A_759 = arith.constant 656 : index
      %swap3A_760 = tpu.vector_load %arg8[%swap3A_758, %swap3A_759] {strides = array<i32>} : memref<64x768xf32, #tpu.memory_space<vmem>>, vector<1x16xf32>,
      %swap3A_761 = vector.shape_cast %swap3A_760 : vector<1x16xf32> to vector<16xf32>
      %swap3A_762 = vector.shape_cast %add3A_757 : vector<16xf32> to vector<1x16xf32>
      tpu.vector_store %arg8[%swap3A_758, %swap3A_759], %swap3A_762 {strides = array<i32>} : memref<64x768xf32, #tpu.memory_space<vmem>>, vector<1x16xf32>,
      %get3A_763 = arith.index_cast %scan3A_176 : i32 to index
      %get3A_764 = arith.constant 672 : index
      %get3A_765 = tpu.vector_load %arg8[%get3A_763, %get3A_764] {strides = array<i32>} : memref<64x768xf32, #tpu.memory_space<vmem>>, vector<1x16xf32>,
      %get3A_766 = vector.shape_cast %get3A_765 : vector<1x16xf32> to vector<16xf32>
      %get3A_767 = arith.index_cast %scan3A_176 : i32 to index
      %get3A_768 = arith.constant 672 : index
      %get3A_769 = tpu.vector_load %arg9[%get3A_767, %get3A_768] {strides = array<i32>} : memref<64x768xf32, #tpu.memory_space<vmem>>, vector<1x16xf32>,
      %get3A_770 = vector.shape_cast %get3A_769 : vector<1x16xf32> to vector<16xf32>
      %add3A_771 = arith.addf %get3A_766, %get3A_770 : vector<16xf32>
      %swap3A_772 = arith.index_cast %scan3A_176 : i32 to index
      %swap3A_773 = arith.constant 672 : index
      %swap3A_774 = tpu.vector_load %arg8[%swap3A_772, %swap3A_773] {strides = array<i32>} : memref<64x768xf32, #tpu.memory_space<vmem>>, vector<1x16xf32>,
      %swap3A_775 = vector.shape_cast %swap3A_774 : vector<1x16xf32> to vector<16xf32>
      %swap3A_776 = vector.shape_cast %add3A_771 : vector<16xf32> to vector<1x16xf32>
      tpu.vector_store %arg8[%swap3A_772, %swap3A_773], %swap3A_776 {strides = array<i32>} : memref<64x768xf32, #tpu.memory_space<vmem>>, vector<1x16xf32>,
      %get3A_777 = arith.index_cast %scan3A_176 : i32 to index
      %get3A_778 = arith.constant 688 : index
      %get3A_779 = tpu.vector_load %arg8[%get3A_777, %get3A_778] {strides = array<i32>} : memref<64x768xf32, #tpu.memory_space<vmem>>, vector<1x16xf32>,
      %get3A_780 = vector.shape_cast %get3A_779 : vector<1x16xf32> to vector<16xf32>
      %get3A_781 = arith.index_cast %scan3A_176 : i32 to index
      %get3A_782 = arith.constant 688 : index
      %get3A_783 = tpu.vector_load %arg9[%get3A_781, %get3A_782] {strides = array<i32>} : memref<64x768xf32, #tpu.memory_space<vmem>>, vector<1x16xf32>,
      %get3A_784 = vector.shape_cast %get3A_783 : vector<1x16xf32> to vector<16xf32>
      %add3A_785 = arith.addf %get3A_780, %get3A_784 : vector<16xf32>
      %swap3A_786 = arith.index_cast %scan3A_176 : i32 to index
      %swap3A_787 = arith.constant 688 : index
      %swap3A_788 = tpu.vector_load %arg8[%swap3A_786, %swap3A_787] {strides = array<i32>} : memref<64x768xf32, #tpu.memory_space<vmem>>, vector<1x16xf32>,
      %swap3A_789 = vector.shape_cast %swap3A_788 : vector<1x16xf32> to vector<16xf32>
      %swap3A_790 = vector.shape_cast %add3A_785 : vector<16xf32> to vector<1x16xf32>
      tpu.vector_store %arg8[%swap3A_786, %swap3A_787], %swap3A_790 {strides = array<i32>} : memref<64x768xf32, #tpu.memory_space<vmem>>, vector<1x16xf32>,
      %get3A_791 = arith.index_cast %scan3A_176 : i32 to index
      %get3A_792 = arith.constant 704 : index
      %get3A_793 = tpu.vector_load %arg8[%get3A_791, %get3A_792] {strides = array<i32>} : memref<64x768xf32, #tpu.memory_space<vmem>>, vector<1x16xf32>,
      %get3A_794 = vector.shape_cast %get3A_793 : vector<1x16xf32> to vector<16xf32>
      %get3A_795 = arith.index_cast %scan3A_176 : i32 to index
      %get3A_796 = arith.constant 704 : index
      %get3A_797 = tpu.vector_load %arg9[%get3A_795, %get3A_796] {strides = array<i32>} : memref<64x768xf32, #tpu.memory_space<vmem>>, vector<1x16xf32>,
      %get3A_798 = vector.shape_cast %get3A_797 : vector<1x16xf32> to vector<16xf32>
      %add3A_799 = arith.addf %get3A_794, %get3A_798 : vector<16xf32>
      %swap3A_800 = arith.index_cast %scan3A_176 : i32 to index
      %swap3A_801 = arith.constant 704 : index
      %swap3A_802 = tpu.vector_load %arg8[%swap3A_800, %swap3A_801] {strides = array<i32>} : memref<64x768xf32, #tpu.memory_space<vmem>>, vector<1x16xf32>,
      %swap3A_803 = vector.shape_cast %swap3A_802 : vector<1x16xf32> to vector<16xf32>
      %swap3A_804 = vector.shape_cast %add3A_799 : vector<16xf32> to vector<1x16xf32>
      tpu.vector_store %arg8[%swap3A_800, %swap3A_801], %swap3A_804 {strides = array<i32>} : memref<64x768xf32, #tpu.memory_space<vmem>>, vector<1x16xf32>,
      %get3A_805 = arith.index_cast %scan3A_176 : i32 to index
      %get3A_806 = arith.constant 720 : index
      %get3A_807 = tpu.vector_load %arg8[%get3A_805, %get3A_806] {strides = array<i32>} : memref<64x768xf32, #tpu.memory_space<vmem>>, vector<1x16xf32>,
      %get3A_808 = vector.shape_cast %get3A_807 : vector<1x16xf32> to vector<16xf32>
      %get3A_809 = arith.index_cast %scan3A_176 : i32 to index
      %get3A_810 = arith.constant 720 : index
      %get3A_811 = tpu.vector_load %arg9[%get3A_809, %get3A_810] {strides = array<i32>} : memref<64x768xf32, #tpu.memory_space<vmem>>, vector<1x16xf32>,
      %get3A_812 = vector.shape_cast %get3A_811 : vector<1x16xf32> to vector<16xf32>
      %add3A_813 = arith.addf %get3A_808, %get3A_812 : vector<16xf32>
      %swap3A_814 = arith.index_cast %scan3A_176 : i32 to index
      %swap3A_815 = arith.constant 720 : index
      %swap3A_816 = tpu.vector_load %arg8[%swap3A_814, %swap3A_815] {strides = array<i32>} : memref<64x768xf32, #tpu.memory_space<vmem>>, vector<1x16xf32>,
      %swap3A_817 = vector.shape_cast %swap3A_816 : vector<1x16xf32> to vector<16xf32>
      %swap3A_818 = vector.shape_cast %add3A_813 : vector<16xf32> to vector<1x16xf32>
      tpu.vector_store %arg8[%swap3A_814, %swap3A_815], %swap3A_818 {strides = array<i32>} : memref<64x768xf32, #tpu.memory_space<vmem>>, vector<1x16xf32>,
      %get3A_819 = arith.index_cast %scan3A_176 : i32 to index
      %get3A_820 = arith.constant 736 : index
      %get3A_821 = tpu.vector_load %arg8[%get3A_819, %get3A_820] {strides = array<i32>} : memref<64x768xf32, #tpu.memory_space<vmem>>, vector<1x16xf32>,
      %get3A_822 = vector.shape_cast %get3A_821 : vector<1x16xf32> to vector<16xf32>
      %get3A_823 = arith.index_cast %scan3A_176 : i32 to index
      %get3A_824 = arith.constant 736 : index
      %get3A_825 = tpu.vector_load %arg9[%get3A_823, %get3A_824] {strides = array<i32>} : memref<64x768xf32, #tpu.memory_space<vmem>>, vector<1x16xf32>,
      %get3A_826 = vector.shape_cast %get3A_825 : vector<1x16xf32> to vector<16xf32>
      %add3A_827 = arith.addf %get3A_822, %get3A_826 : vector<16xf32>
      %swap3A_828 = arith.index_cast %scan3A_176 : i32 to index
      %swap3A_829 = arith.constant 736 : index
      %swap3A_830 = tpu.vector_load %arg8[%swap3A_828, %swap3A_829] {strides = array<i32>} : memref<64x768xf32, #tpu.memory_space<vmem>>, vector<1x16xf32>,
      %swap3A_831 = vector.shape_cast %swap3A_830 : vector<1x16xf32> to vector<16xf32>
      %swap3A_832 = vector.shape_cast %add3A_827 : vector<16xf32> to vector<1x16xf32>
      tpu.vector_store %arg8[%swap3A_828, %swap3A_829], %swap3A_832 {strides = array<i32>} : memref<64x768xf32, #tpu.memory_space<vmem>>, vector<1x16xf32>,
      %get3A_833 = arith.index_cast %scan3A_176 : i32 to index
      %get3A_834 = arith.constant 752 : index
      %get3A_835 = tpu.vector_load %arg8[%get3A_833, %get3A_834] {strides = array<i32>} : memref<64x768xf32, #tpu.memory_space<vmem>>, vector<1x16xf32>,
      %get3A_836 = vector.shape_cast %get3A_835 : vector<1x16xf32> to vector<16xf32>
      %get3A_837 = arith.index_cast %scan3A_176 : i32 to index
      %get3A_838 = arith.constant 752 : index
      %get3A_839 = tpu.vector_load %arg9[%get3A_837, %get3A_838] {strides = array<i32>} : memref<64x768xf32, #tpu.memory_space<vmem>>, vector<1x16xf32>,
      %get3A_840 = vector.shape_cast %get3A_839 : vector<1x16xf32> to vector<16xf32>
      %add3A_841 = arith.addf %get3A_836, %get3A_840 : vector<16xf32>
      %swap3A_842 = arith.index_cast %scan3A_176 : i32 to index
      %swap3A_843 = arith.constant 752 : index
      %swap3A_844 = tpu.vector_load %arg8[%swap3A_842, %swap3A_843] {strides = array<i32>} : memref<64x768xf32, #tpu.memory_space<vmem>>, vector<1x16xf32>,
      %swap3A_845 = vector.shape_cast %swap3A_844 : vector<1x16xf32> to vector<16xf32>
      %swap3A_846 = vector.shape_cast %add3A_841 : vector<16xf32> to vector<1x16xf32>
      tpu.vector_store %arg8[%swap3A_842, %swap3A_843], %swap3A_846 {strides = array<i32>} : memref<64x768xf32, #tpu.memory_space<vmem>>, vector<1x16xf32>,
    }
    %scan3A_115 = arith.constant 32 : i32
    %add3A_116 = arith.constant 0 : i32
    %add3A_117 = arith.addi %mul3A_2, %add3A_116 : i32
    %dma_start3A_118 = arith.constant 0 : i32
    %dma_start3A_119 = tpu.memref_slice %arg5[%add3A_117, %dma_start3A_118] : memref<4096x768xf32, #tpu.memory_space<hbm>> -> memref<64x768xf32, #tpu.memory_space<hbm>>
    %dma_start3A_120 = arith.constant 0 : i32
    %dma_start3A_121 = tpu.memref_slice %arg5[%add3A_117, %dma_start3A_120] : memref<4096x768xf32, #tpu.memory_space<hbm>> -> memref<64x768xf32, #tpu.memory_space<hbm>>
    tpu.enqueue_dma source(%arg8 : memref<64x768xf32, #tpu.memory_space<vmem>>) target(%dma_start3A_121 : memref<64x768xf32, #tpu.memory_space<hbm>>) target_semaphore(%arg12 : memref<!tpu.dma_semaphore, #tpu.memory_space<semaphore_mem>>)
    %dma_wait3A_122 = arith.constant 0 : i32
    %dma_wait3A_123 = tpu.memref_slice %arg5[%add3A_117, %dma_wait3A_122] : memref<4096x768xf32, #tpu.memory_space<hbm>> -> memref<64x768xf32, #tpu.memory_space<hbm>>
    %dma_wait3A_124 = arith.constant 0 : i32
    %dma_wait3A_125 = tpu.memref_slice %arg5[%add3A_117, %dma_wait3A_124] : memref<4096x768xf32, #tpu.memory_space<hbm>> -> memref<64x768xf32, #tpu.memory_space<hbm>>
    tpu.wait_dma2 semaphore(%arg12 : memref<!tpu.dma_semaphore, #tpu.memory_space<semaphore_mem>>) src(%arg8 : memref<64x768xf32, #tpu.memory_space<vmem>>) dst(%dma_wait3A_125 : memref<64x768xf32, #tpu.memory_space<hbm>>)
    %dma_start3A_126 = arith.constant 1 : i32
    %dma_start3A_127 = arith.constant 0 : i32
    %dma_start3A_128 = tpu.memref_slice %arg6[%dma_start3A_126, %dma_start3A_127] : memref<2x64xi32, #tpu.memory_space<vmem>> -> memref<1x64xi32, #tpu.memory_space<vmem>>
    %dma_start3A_129 = tpu.memref_squeeze %dma_start3A_128 : memref<1x64xi32, #tpu.memory_space<vmem>> -> memref<64xi32, #tpu.memory_space<vmem>>
    %dma_start3A_130 = arith.constant 0 : i32
    %dma_start3A_131 = arith.constant 0 : i32
    %dma_start3A_132 = tpu.memref_slice %arg4[%dma_start3A_130, %dma_start3A_131] : memref<24576x768xf32, #tpu.memory_space<hbm>> -> memref<24576x768xf32, #tpu.memory_space<hbm>>
    tpu.enqueue_indirect_dma source(%dma_start3A_132 : memref<24576x768xf32, #tpu.memory_space<hbm>>) target(%arg8 : memref<64x768xf32, #tpu.memory_space<vmem>>) offsets(%dma_start3A_129 : memref<64xi32, #tpu.memory_space<vmem>>) semaphore(%arg11 : memref<!tpu.dma_semaphore, #tpu.memory_space<semaphore_mem>>)
    %dma_start3A_133 = arith.constant 1 : i32
    %dma_start3A_134 = arith.constant 0 : i32
    %dma_start3A_135 = tpu.memref_slice %arg7[%dma_start3A_133, %dma_start3A_134] : memref<2x64xi32, #tpu.memory_space<vmem>> -> memref<1x64xi32, #tpu.memory_space<vmem>>
    %dma_start3A_136 = tpu.memref_squeeze %dma_start3A_135 : memref<1x64xi32, #tpu.memory_space<vmem>> -> memref<64xi32, #tpu.memory_space<vmem>>
    %dma_start3A_137 = arith.constant 0 : i32
    %dma_start3A_138 = arith.constant 0 : i32
    %dma_start3A_139 = tpu.memref_slice %arg4[%dma_start3A_137, %dma_start3A_138] : memref<24576x768xf32, #tpu.memory_space<hbm>> -> memref<24576x768xf32, #tpu.memory_space<hbm>>
    tpu.enqueue_indirect_dma source(%dma_start3A_139 : memref<24576x768xf32, #tpu.memory_space<hbm>>) target(%arg9 : memref<64x768xf32, #tpu.memory_space<vmem>>) offsets(%dma_start3A_136 : memref<64xi32, #tpu.memory_space<vmem>>) semaphore(%arg11 : memref<!tpu.dma_semaphore, #tpu.memory_space<semaphore_mem>>)
    %dma_wait3A_140 = arith.constant 1 : i32
    %dma_wait3A_141 = arith.constant 0 : i32
    %dma_wait3A_142 = tpu.memref_slice %arg6[%dma_wait3A_140, %dma_wait3A_141] : memref<2x64xi32, #tpu.memory_space<vmem>> -> memref<1x64xi32, #tpu.memory_space<vmem>>
    %dma_wait3A_143 = tpu.memref_squeeze %dma_wait3A_142 : memref<1x64xi32, #tpu.memory_space<vmem>> -> memref<64xi32, #tpu.memory_space<vmem>>
    %dma_wait3A_144 = arith.constant 0 : i32
    %dma_wait3A_145 = arith.constant 0 : i32
    %dma_wait3A_146 = tpu.memref_slice %arg4[%dma_wait3A_144, %dma_wait3A_145] : memref<24576x768xf32, #tpu.memory_space<hbm>> -> memref<24576x768xf32, #tpu.memory_space<hbm>>
    tpu.wait_indirect_dma semaphore(%arg11 : memref<!tpu.dma_semaphore, #tpu.memory_space<semaphore_mem>>) src(%dma_wait3A_146 : memref<24576x768xf32, #tpu.memory_space<hbm>>) dst(%arg8 : memref<64x768xf32, #tpu.memory_space<vmem>>)
    %dma_wait3A_147 = arith.constant 1 : i32
    %dma_wait3A_148 = arith.constant 0 : i32
    %dma_wait3A_149 = tpu.memref_slice %arg7[%dma_wait3A_147, %dma_wait3A_148] : memref<2x64xi32, #tpu.memory_space<vmem>> -> memref<1x64xi32, #tpu.memory_space<vmem>>
    %dma_wait3A_150 = tpu.memref_squeeze %dma_wait3A_149 : memref<1x64xi32, #tpu.memory_space<vmem>> -> memref<64xi32, #tpu.memory_space<vmem>>
    %dma_wait3A_151 = arith.constant 0 : i32
    %dma_wait3A_152 = arith.constant 0 : i32
    %dma_wait3A_153 = tpu.memref_slice %arg4[%dma_wait3A_151, %dma_wait3A_152] : memref<24576x768xf32, #tpu.memory_space<hbm>> -> memref<24576x768xf32, #tpu.memory_space<hbm>>
    tpu.wait_indirect_dma semaphore(%arg11 : memref<!tpu.dma_semaphore, #tpu.memory_space<semaphore_mem>>) src(%dma_wait3A_153 : memref<24576x768xf32, #tpu.memory_space<hbm>>) dst(%arg9 : memref<64x768xf32, #tpu.memory_space<vmem>>)
    %scan3A_154 = arith.constant 0 : i32
    %scan3A_155 = arith.constant 0 : i32
    %scan3A_156 = arith.constant 32 : i32
    %scan3A_157 = arith.addi %scan3A_155, %scan3A_156 : i32
    %scan3A_158 = arith.constant 1 : i32
    scf.for %scan3A_176 = %scan3A_155 to %scan3A_157 step %scan3A_158  : i32 {
      %get3A = arith.index_cast %scan3A_176 : i32 to index
      %get3A_177 = arith.constant 0 : index
      %get3A_178 = tpu.vector_load %arg8[%get3A, %get3A_177] {strides = array<i32>} : memref<64x768xf32, #tpu.memory_space<vmem>>, vector<1x16xf32>,
      %get3A_179 = vector.shape_cast %get3A_178 : vector<1x16xf32> to vector<16xf32>
      %get3A_180 = arith.index_cast %scan3A_176 : i32 to index
      %get3A_181 = arith.constant 0 : index
      %get3A_182 = tpu.vector_load %arg9[%get3A_180, %get3A_181] {strides = array<i32>} : memref<64x768xf32, #tpu.memory_space<vmem>>, vector<1x16xf32>,
      %get3A_183 = vector.shape_cast %get3A_182 : vector<1x16xf32> to vector<16xf32>
      %add3A_184 = arith.addf %get3A_179, %get3A_183 : vector<16xf32>
      %swap3A = arith.index_cast %scan3A_176 : i32 to index
      %swap3A_185 = arith.constant 0 : index
      %swap3A_186 = tpu.vector_load %arg8[%swap3A, %swap3A_185] {strides = array<i32>} : memref<64x768xf32, #tpu.memory_space<vmem>>, vector<1x16xf32>,
      %swap3A_187 = vector.shape_cast %swap3A_186 : vector<1x16xf32> to vector<16xf32>
      %swap3A_188 = vector.shape_cast %add3A_184 : vector<16xf32> to vector<1x16xf32>
      tpu.vector_store %arg8[%swap3A, %swap3A_185], %swap3A_188 {strides = array<i32>} : memref<64x768xf32, #tpu.memory_space<vmem>>, vector<1x16xf32>,
      %get3A_189 = arith.index_cast %scan3A_176 : i32 to index
      %get3A_190 = arith.constant 16 : index
      %get3A_191 = tpu.vector_load %arg8[%get3A_189, %get3A_190] {strides = array<i32>} : memref<64x768xf32, #tpu.memory_space<vmem>>, vector<1x16xf32>,
      %get3A_192 = vector.shape_cast %get3A_191 : vector<1x16xf32> to vector<16xf32>
      %get3A_193 = arith.index_cast %scan3A_176 : i32 to index
      %get3A_194 = arith.constant 16 : index
      %get3A_195 = tpu.vector_load %arg9[%get3A_193, %get3A_194] {strides = array<i32>} : memref<64x768xf32, #tpu.memory_space<vmem>>, vector<1x16xf32>,
      %get3A_196 = vector.shape_cast %get3A_195 : vector<1x16xf32> to vector<16xf32>
      %add3A_197 = arith.addf %get3A_192, %get3A_196 : vector<16xf32>
      %swap3A_198 = arith.index_cast %scan3A_176 : i32 to index
      %swap3A_199 = arith.constant 16 : index
      %swap3A_200 = tpu.vector_load %arg8[%swap3A_198, %swap3A_199] {strides = array<i32>} : memref<64x768xf32, #tpu.memory_space<vmem>>, vector<1x16xf32>,
      %swap3A_201 = vector.shape_cast %swap3A_200 : vector<1x16xf32> to vector<16xf32>
      %swap3A_202 = vector.shape_cast %add3A_197 : vector<16xf32> to vector<1x16xf32>
      tpu.vector_store %arg8[%swap3A_198, %swap3A_199], %swap3A_202 {strides = array<i32>} : memref<64x768xf32, #tpu.memory_space<vmem>>, vector<1x16xf32>,
      %get3A_203 = arith.index_cast %scan3A_176 : i32 to index
      %get3A_204 = arith.constant 32 : index
      %get3A_205 = tpu.vector_load %arg8[%get3A_203, %get3A_204] {strides = array<i32>} : memref<64x768xf32, #tpu.memory_space<vmem>>, vector<1x16xf32>,
      %get3A_206 = vector.shape_cast %get3A_205 : vector<1x16xf32> to vector<16xf32>
      %get3A_207 = arith.index_cast %scan3A_176 : i32 to index
      %get3A_208 = arith.constant 32 : index
      %get3A_209 = tpu.vector_load %arg9[%get3A_207, %get3A_208] {strides = array<i32>} : memref<64x768xf32, #tpu.memory_space<vmem>>, vector<1x16xf32>,
      %get3A_210 = vector.shape_cast %get3A_209 : vector<1x16xf32> to vector<16xf32>
      %add3A_211 = arith.addf %get3A_206, %get3A_210 : vector<16xf32>
      %swap3A_212 = arith.index_cast %scan3A_176 : i32 to index
      %swap3A_213 = arith.constant 32 : index
      %swap3A_214 = tpu.vector_load %arg8[%swap3A_212, %swap3A_213] {strides = array<i32>} : memref<64x768xf32, #tpu.memory_space<vmem>>, vector<1x16xf32>,
      %swap3A_215 = vector.shape_cast %swap3A_214 : vector<1x16xf32> to vector<16xf32>
      %swap3A_216 = vector.shape_cast %add3A_211 : vector<16xf32> to vector<1x16xf32>
      tpu.vector_store %arg8[%swap3A_212, %swap3A_213], %swap3A_216 {strides = array<i32>} : memref<64x768xf32, #tpu.memory_space<vmem>>, vector<1x16xf32>,
      %get3A_217 = arith.index_cast %scan3A_176 : i32 to index
      %get3A_218 = arith.constant 48 : index
      %get3A_219 = tpu.vector_load %arg8[%get3A_217, %get3A_218] {strides = array<i32>} : memref<64x768xf32, #tpu.memory_space<vmem>>, vector<1x16xf32>,
      %get3A_220 = vector.shape_cast %get3A_219 : vector<1x16xf32> to vector<16xf32>
      %get3A_221 = arith.index_cast %scan3A_176 : i32 to index
      %get3A_222 = arith.constant 48 : index
      %get3A_223 = tpu.vector_load %arg9[%get3A_221, %get3A_222] {strides = array<i32>} : memref<64x768xf32, #tpu.memory_space<vmem>>, vector<1x16xf32>,
      %get3A_224 = vector.shape_cast %get3A_223 : vector<1x16xf32> to vector<16xf32>
      %add3A_225 = arith.addf %get3A_220, %get3A_224 : vector<16xf32>
      %swap3A_226 = arith.index_cast %scan3A_176 : i32 to index
      %swap3A_227 = arith.constant 48 : index
      %swap3A_228 = tpu.vector_load %arg8[%swap3A_226, %swap3A_227] {strides = array<i32>} : memref<64x768xf32, #tpu.memory_space<vmem>>, vector<1x16xf32>,
      %swap3A_229 = vector.shape_cast %swap3A_228 : vector<1x16xf32> to vector<16xf32>
      %swap3A_230 = vector.shape_cast %add3A_225 : vector<16xf32> to vector<1x16xf32>
      tpu.vector_store %arg8[%swap3A_226, %swap3A_227], %swap3A_230 {strides = array<i32>} : memref<64x768xf32, #tpu.memory_space<vmem>>, vector<1x16xf32>,
      %get3A_231 = arith.index_cast %scan3A_176 : i32 to index
      %get3A_232 = arith.constant 64 : index
      %get3A_233 = tpu.vector_load %arg8[%get3A_231, %get3A_232] {strides = array<i32>} : memref<64x768xf32, #tpu.memory_space<vmem>>, vector<1x16xf32>,
      %get3A_234 = vector.shape_cast %get3A_233 : vector<1x16xf32> to vector<16xf32>
      %get3A_235 = arith.index_cast %scan3A_176 : i32 to index
      %get3A_236 = arith.constant 64 : index
      %get3A_237 = tpu.vector_load %arg9[%get3A_235, %get3A_236] {strides = array<i32>} : memref<64x768xf32, #tpu.memory_space<vmem>>, vector<1x16xf32>,
      %get3A_238 = vector.shape_cast %get3A_237 : vector<1x16xf32> to vector<16xf32>
      %add3A_239 = arith.addf %get3A_234, %get3A_238 : vector<16xf32>
      %swap3A_240 = arith.index_cast %scan3A_176 : i32 to index
      %swap3A_241 = arith.constant 64 : index
      %swap3A_242 = tpu.vector_load %arg8[%swap3A_240, %swap3A_241] {strides = array<i32>} : memref<64x768xf32, #tpu.memory_space<vmem>>, vector<1x16xf32>,
      %swap3A_243 = vector.shape_cast %swap3A_242 : vector<1x16xf32> to vector<16xf32>
      %swap3A_244 = vector.shape_cast %add3A_239 : vector<16xf32> to vector<1x16xf32>
      tpu.vector_store %arg8[%swap3A_240, %swap3A_241], %swap3A_244 {strides = array<i32>} : memref<64x768xf32, #tpu.memory_space<vmem>>, vector<1x16xf32>,
      %get3A_245 = arith.index_cast %scan3A_176 : i32 to index
      %get3A_246 = arith.constant 80 : index
      %get3A_247 = tpu.vector_load %arg8[%get3A_245, %get3A_246] {strides = array<i32>} : memref<64x768xf32, #tpu.memory_space<vmem>>, vector<1x16xf32>,
      %get3A_248 = vector.shape_cast %get3A_247 : vector<1x16xf32> to vector<16xf32>
      %get3A_249 = arith.index_cast %scan3A_176 : i32 to index
      %get3A_250 = arith.constant 80 : index
      %get3A_251 = tpu.vector_load %arg9[%get3A_249, %get3A_250] {strides = array<i32>} : memref<64x768xf32, #tpu.memory_space<vmem>>, vector<1x16xf32>,
      %get3A_252 = vector.shape_cast %get3A_251 : vector<1x16xf32> to vector<16xf32>
      %add3A_253 = arith.addf %get3A_248, %get3A_252 : vector<16xf32>
      %swap3A_254 = arith.index_cast %scan3A_176 : i32 to index
      %swap3A_255 = arith.constant 80 : index
      %swap3A_256 = tpu.vector_load %arg8[%swap3A_254, %swap3A_255] {strides = array<i32>} : memref<64x768xf32, #tpu.memory_space<vmem>>, vector<1x16xf32>,
      %swap3A_257 = vector.shape_cast %swap3A_256 : vector<1x16xf32> to vector<16xf32>
      %swap3A_258 = vector.shape_cast %add3A_253 : vector<16xf32> to vector<1x16xf32>
      tpu.vector_store %arg8[%swap3A_254, %swap3A_255], %swap3A_258 {strides = array<i32>} : memref<64x768xf32, #tpu.memory_space<vmem>>, vector<1x16xf32>,
      %get3A_259 = arith.index_cast %scan3A_176 : i32 to index
      %get3A_260 = arith.constant 96 : index
      %get3A_261 = tpu.vector_load %arg8[%get3A_259, %get3A_260] {strides = array<i32>} : memref<64x768xf32, #tpu.memory_space<vmem>>, vector<1x16xf32>,
      %get3A_262 = vector.shape_cast %get3A_261 : vector<1x16xf32> to vector<16xf32>
      %get3A_263 = arith.index_cast %scan3A_176 : i32 to index
      %get3A_264 = arith.constant 96 : index
      %get3A_265 = tpu.vector_load %arg9[%get3A_263, %get3A_264] {strides = array<i32>} : memref<64x768xf32, #tpu.memory_space<vmem>>, vector<1x16xf32>,
      %get3A_266 = vector.shape_cast %get3A_265 : vector<1x16xf32> to vector<16xf32>
      %add3A_267 = arith.addf %get3A_262, %get3A_266 : vector<16xf32>
      %swap3A_268 = arith.index_cast %scan3A_176 : i32 to index
      %swap3A_269 = arith.constant 96 : index
      %swap3A_270 = tpu.vector_load %arg8[%swap3A_268, %swap3A_269] {strides = array<i32>} : memref<64x768xf32, #tpu.memory_space<vmem>>, vector<1x16xf32>,
      %swap3A_271 = vector.shape_cast %swap3A_270 : vector<1x16xf32> to vector<16xf32>
      %swap3A_272 = vector.shape_cast %add3A_267 : vector<16xf32> to vector<1x16xf32>
      tpu.vector_store %arg8[%swap3A_268, %swap3A_269], %swap3A_272 {strides = array<i32>} : memref<64x768xf32, #tpu.memory_space<vmem>>, vector<1x16xf32>,
      %get3A_273 = arith.index_cast %scan3A_176 : i32 to index
      %get3A_274 = arith.constant 112 : index
      %get3A_275 = tpu.vector_load %arg8[%get3A_273, %get3A_274] {strides = array<i32>} : memref<64x768xf32, #tpu.memory_space<vmem>>, vector<1x16xf32>,
      %get3A_276 = vector.shape_cast %get3A_275 : vector<1x16xf32> to vector<16xf32>
      %get3A_277 = arith.index_cast %scan3A_176 : i32 to index
      %get3A_278 = arith.constant 112 : index
      %get3A_279 = tpu.vector_load %arg9[%get3A_277, %get3A_278] {strides = array<i32>} : memref<64x768xf32, #tpu.memory_space<vmem>>, vector<1x16xf32>,
      %get3A_280 = vector.shape_cast %get3A_279 : vector<1x16xf32> to vector<16xf32>
      %add3A_281 = arith.addf %get3A_276, %get3A_280 : vector<16xf32>
      %swap3A_282 = arith.index_cast %scan3A_176 : i32 to index
      %swap3A_283 = arith.constant 112 : index
      %swap3A_284 = tpu.vector_load %arg8[%swap3A_282, %swap3A_283] {strides = array<i32>} : memref<64x768xf32, #tpu.memory_space<vmem>>, vector<1x16xf32>,
      %swap3A_285 = vector.shape_cast %swap3A_284 : vector<1x16xf32> to vector<16xf32>
      %swap3A_286 = vector.shape_cast %add3A_281 : vector<16xf32> to vector<1x16xf32>
      tpu.vector_store %arg8[%swap3A_282, %swap3A_283], %swap3A_286 {strides = array<i32>} : memref<64x768xf32, #tpu.memory_space<vmem>>, vector<1x16xf32>,
      %get3A_287 = arith.index_cast %scan3A_176 : i32 to index
      %get3A_288 = arith.constant 128 : index
      %get3A_289 = tpu.vector_load %arg8[%get3A_287, %get3A_288] {strides = array<i32>} : memref<64x768xf32, #tpu.memory_space<vmem>>, vector<1x16xf32>,
      %get3A_290 = vector.shape_cast %get3A_289 : vector<1x16xf32> to vector<16xf32>
      %get3A_291 = arith.index_cast %scan3A_176 : i32 to index
      %get3A_292 = arith.constant 128 : index
      %get3A_293 = tpu.vector_load %arg9[%get3A_291, %get3A_292] {strides = array<i32>} : memref<64x768xf32, #tpu.memory_space<vmem>>, vector<1x16xf32>,
      %get3A_294 = vector.shape_cast %get3A_293 : vector<1x16xf32> to vector<16xf32>
      %add3A_295 = arith.addf %get3A_290, %get3A_294 : vector<16xf32>
      %swap3A_296 = arith.index_cast %scan3A_176 : i32 to index
      %swap3A_297 = arith.constant 128 : index
      %swap3A_298 = tpu.vector_load %arg8[%swap3A_296, %swap3A_297] {strides = array<i32>} : memref<64x768xf32, #tpu.memory_space<vmem>>, vector<1x16xf32>,
      %swap3A_299 = vector.shape_cast %swap3A_298 : vector<1x16xf32> to vector<16xf32>
      %swap3A_300 = vector.shape_cast %add3A_295 : vector<16xf32> to vector<1x16xf32>
      tpu.vector_store %arg8[%swap3A_296, %swap3A_297], %swap3A_300 {strides = array<i32>} : memref<64x768xf32, #tpu.memory_space<vmem>>, vector<1x16xf32>,
      %get3A_301 = arith.index_cast %scan3A_176 : i32 to index
      %get3A_302 = arith.constant 144 : index
      %get3A_303 = tpu.vector_load %arg8[%get3A_301, %get3A_302] {strides = array<i32>} : memref<64x768xf32, #tpu.memory_space<vmem>>, vector<1x16xf32>,
      %get3A_304 = vector.shape_cast %get3A_303 : vector<1x16xf32> to vector<16xf32>
      %get3A_305 = arith.index_cast %scan3A_176 : i32 to index
      %get3A_306 = arith.constant 144 : index
      %get3A_307 = tpu.vector_load %arg9[%get3A_305, %get3A_306] {strides = array<i32>} : memref<64x768xf32, #tpu.memory_space<vmem>>, vector<1x16xf32>,
      %get3A_308 = vector.shape_cast %get3A_307 : vector<1x16xf32> to vector<16xf32>
      %add3A_309 = arith.addf %get3A_304, %get3A_308 : vector<16xf32>
      %swap3A_310 = arith.index_cast %scan3A_176 : i32 to index
      %swap3A_311 = arith.constant 144 : index
      %swap3A_312 = tpu.vector_load %arg8[%swap3A_310, %swap3A_311] {strides = array<i32>} : memref<64x768xf32, #tpu.memory_space<vmem>>, vector<1x16xf32>,
      %swap3A_313 = vector.shape_cast %swap3A_312 : vector<1x16xf32> to vector<16xf32>
      %swap3A_314 = vector.shape_cast %add3A_309 : vector<16xf32> to vector<1x16xf32>
      tpu.vector_store %arg8[%swap3A_310, %swap3A_311], %swap3A_314 {strides = array<i32>} : memref<64x768xf32, #tpu.memory_space<vmem>>, vector<1x16xf32>,
      %get3A_315 = arith.index_cast %scan3A_176 : i32 to index
      %get3A_316 = arith.constant 160 : index
      %get3A_317 = tpu.vector_load %arg8[%get3A_315, %get3A_316] {strides = array<i32>} : memref<64x768xf32, #tpu.memory_space<vmem>>, vector<1x16xf32>,
      %get3A_318 = vector.shape_cast %get3A_317 : vector<1x16xf32> to vector<16xf32>
      %get3A_319 = arith.index_cast %scan3A_176 : i32 to index
      %get3A_320 = arith.constant 160 : index
      %get3A_321 = tpu.vector_load %arg9[%get3A_319, %get3A_320] {strides = array<i32>} : memref<64x768xf32, #tpu.memory_space<vmem>>, vector<1x16xf32>,
      %get3A_322 = vector.shape_cast %get3A_321 : vector<1x16xf32> to vector<16xf32>
      %add3A_323 = arith.addf %get3A_318, %get3A_322 : vector<16xf32>
      %swap3A_324 = arith.index_cast %scan3A_176 : i32 to index
      %swap3A_325 = arith.constant 160 : index
      %swap3A_326 = tpu.vector_load %arg8[%swap3A_324, %swap3A_325] {strides = array<i32>} : memref<64x768xf32, #tpu.memory_space<vmem>>, vector<1x16xf32>,
      %swap3A_327 = vector.shape_cast %swap3A_326 : vector<1x16xf32> to vector<16xf32>
      %swap3A_328 = vector.shape_cast %add3A_323 : vector<16xf32> to vector<1x16xf32>
      tpu.vector_store %arg8[%swap3A_324, %swap3A_325], %swap3A_328 {strides = array<i32>} : memref<64x768xf32, #tpu.memory_space<vmem>>, vector<1x16xf32>,
      %get3A_329 = arith.index_cast %scan3A_176 : i32 to index
      %get3A_330 = arith.constant 176 : index
      %get3A_331 = tpu.vector_load %arg8[%get3A_329, %get3A_330] {strides = array<i32>} : memref<64x768xf32, #tpu.memory_space<vmem>>, vector<1x16xf32>,
      %get3A_332 = vector.shape_cast %get3A_331 : vector<1x16xf32> to vector<16xf32>
      %get3A_333 = arith.index_cast %scan3A_176 : i32 to index
      %get3A_334 = arith.constant 176 : index
      %get3A_335 = tpu.vector_load %arg9[%get3A_333, %get3A_334] {strides = array<i32>} : memref<64x768xf32, #tpu.memory_space<vmem>>, vector<1x16xf32>,
      %get3A_336 = vector.shape_cast %get3A_335 : vector<1x16xf32> to vector<16xf32>
      %add3A_337 = arith.addf %get3A_332, %get3A_336 : vector<16xf32>
      %swap3A_338 = arith.index_cast %scan3A_176 : i32 to index
      %swap3A_339 = arith.constant 176 : index
      %swap3A_340 = tpu.vector_load %arg8[%swap3A_338, %swap3A_339] {strides = array<i32>} : memref<64x768xf32, #tpu.memory_space<vmem>>, vector<1x16xf32>,
      %swap3A_341 = vector.shape_cast %swap3A_340 : vector<1x16xf32> to vector<16xf32>
      %swap3A_342 = vector.shape_cast %add3A_337 : vector<16xf32> to vector<1x16xf32>
      tpu.vector_store %arg8[%swap3A_338, %swap3A_339], %swap3A_342 {strides = array<i32>} : memref<64x768xf32, #tpu.memory_space<vmem>>, vector<1x16xf32>,
      %get3A_343 = arith.index_cast %scan3A_176 : i32 to index
      %get3A_344 = arith.constant 192 : index
      %get3A_345 = tpu.vector_load %arg8[%get3A_343, %get3A_344] {strides = array<i32>} : memref<64x768xf32, #tpu.memory_space<vmem>>, vector<1x16xf32>,
      %get3A_346 = vector.shape_cast %get3A_345 : vector<1x16xf32> to vector<16xf32>
      %get3A_347 = arith.index_cast %scan3A_176 : i32 to index
      %get3A_348 = arith.constant 192 : index
      %get3A_349 = tpu.vector_load %arg9[%get3A_347, %get3A_348] {strides = array<i32>} : memref<64x768xf32, #tpu.memory_space<vmem>>, vector<1x16xf32>,
      %get3A_350 = vector.shape_cast %get3A_349 : vector<1x16xf32> to vector<16xf32>
      %add3A_351 = arith.addf %get3A_346, %get3A_350 : vector<16xf32>
      %swap3A_352 = arith.index_cast %scan3A_176 : i32 to index
      %swap3A_353 = arith.constant 192 : index
      %swap3A_354 = tpu.vector_load %arg8[%swap3A_352, %swap3A_353] {strides = array<i32>} : memref<64x768xf32, #tpu.memory_space<vmem>>, vector<1x16xf32>,
      %swap3A_355 = vector.shape_cast %swap3A_354 : vector<1x16xf32> to vector<16xf32>
      %swap3A_356 = vector.shape_cast %add3A_351 : vector<16xf32> to vector<1x16xf32>
      tpu.vector_store %arg8[%swap3A_352, %swap3A_353], %swap3A_356 {strides = array<i32>} : memref<64x768xf32, #tpu.memory_space<vmem>>, vector<1x16xf32>,
      %get3A_357 = arith.index_cast %scan3A_176 : i32 to index
      %get3A_358 = arith.constant 208 : index
      %get3A_359 = tpu.vector_load %arg8[%get3A_357, %get3A_358] {strides = array<i32>} : memref<64x768xf32, #tpu.memory_space<vmem>>, vector<1x16xf32>,
      %get3A_360 = vector.shape_cast %get3A_359 : vector<1x16xf32> to vector<16xf32>
      %get3A_361 = arith.index_cast %scan3A_176 : i32 to index
      %get3A_362 = arith.constant 208 : index
      %get3A_363 = tpu.vector_load %arg9[%get3A_361, %get3A_362] {strides = array<i32>} : memref<64x768xf32, #tpu.memory_space<vmem>>, vector<1x16xf32>,
      %get3A_364 = vector.shape_cast %get3A_363 : vector<1x16xf32> to vector<16xf32>
      %add3A_365 = arith.addf %get3A_360, %get3A_364 : vector<16xf32>
      %swap3A_366 = arith.index_cast %scan3A_176 : i32 to index
      %swap3A_367 = arith.constant 208 : index
      %swap3A_368 = tpu.vector_load %arg8[%swap3A_366, %swap3A_367] {strides = array<i32>} : memref<64x768xf32, #tpu.memory_space<vmem>>, vector<1x16xf32>,
      %swap3A_369 = vector.shape_cast %swap3A_368 : vector<1x16xf32> to vector<16xf32>
      %swap3A_370 = vector.shape_cast %add3A_365 : vector<16xf32> to vector<1x16xf32>
      tpu.vector_store %arg8[%swap3A_366, %swap3A_367], %swap3A_370 {strides = array<i32>} : memref<64x768xf32, #tpu.memory_space<vmem>>, vector<1x16xf32>,
      %get3A_371 = arith.index_cast %scan3A_176 : i32 to index
      %get3A_372 = arith.constant 224 : index
      %get3A_373 = tpu.vector_load %arg8[%get3A_371, %get3A_372] {strides = array<i32>} : memref<64x768xf32, #tpu.memory_space<vmem>>, vector<1x16xf32>,
      %get3A_374 = vector.shape_cast %get3A_373 : vector<1x16xf32> to vector<16xf32>
      %get3A_375 = arith.index_cast %scan3A_176 : i32 to index
      %get3A_376 = arith.constant 224 : index
      %get3A_377 = tpu.vector_load %arg9[%get3A_375, %get3A_376] {strides = array<i32>} : memref<64x768xf32, #tpu.memory_space<vmem>>, vector<1x16xf32>,
      %get3A_378 = vector.shape_cast %get3A_377 : vector<1x16xf32> to vector<16xf32>
      %add3A_379 = arith.addf %get3A_374, %get3A_378 : vector<16xf32>
      %swap3A_380 = arith.index_cast %scan3A_176 : i32 to index
      %swap3A_381 = arith.constant 224 : index
      %swap3A_382 = tpu.vector_load %arg8[%swap3A_380, %swap3A_381] {strides = array<i32>} : memref<64x768xf32, #tpu.memory_space<vmem>>, vector<1x16xf32>,
      %swap3A_383 = vector.shape_cast %swap3A_382 : vector<1x16xf32> to vector<16xf32>
      %swap3A_384 = vector.shape_cast %add3A_379 : vector<16xf32> to vector<1x16xf32>
      tpu.vector_store %arg8[%swap3A_380, %swap3A_381], %swap3A_384 {strides = array<i32>} : memref<64x768xf32, #tpu.memory_space<vmem>>, vector<1x16xf32>,
      %get3A_385 = arith.index_cast %scan3A_176 : i32 to index
      %get3A_386 = arith.constant 240 : index
      %get3A_387 = tpu.vector_load %arg8[%get3A_385, %get3A_386] {strides = array<i32>} : memref<64x768xf32, #tpu.memory_space<vmem>>, vector<1x16xf32>,
      %get3A_388 = vector.shape_cast %get3A_387 : vector<1x16xf32> to vector<16xf32>
      %get3A_389 = arith.index_cast %scan3A_176 : i32 to index
      %get3A_390 = arith.constant 240 : index
      %get3A_391 = tpu.vector_load %arg9[%get3A_389, %get3A_390] {strides = array<i32>} : memref<64x768xf32, #tpu.memory_space<vmem>>, vector<1x16xf32>,
      %get3A_392 = vector.shape_cast %get3A_391 : vector<1x16xf32> to vector<16xf32>
      %add3A_393 = arith.addf %get3A_388, %get3A_392 : vector<16xf32>
      %swap3A_394 = arith.index_cast %scan3A_176 : i32 to index
      %swap3A_395 = arith.constant 240 : index
      %swap3A_396 = tpu.vector_load %arg8[%swap3A_394, %swap3A_395] {strides = array<i32>} : memref<64x768xf32, #tpu.memory_space<vmem>>, vector<1x16xf32>,
      %swap3A_397 = vector.shape_cast %swap3A_396 : vector<1x16xf32> to vector<16xf32>
      %swap3A_398 = vector.shape_cast %add3A_393 : vector<16xf32> to vector<1x16xf32>
      tpu.vector_store %arg8[%swap3A_394, %swap3A_395], %swap3A_398 {strides = array<i32>} : memref<64x768xf32, #tpu.memory_space<vmem>>, vector<1x16xf32>,
      %get3A_399 = arith.index_cast %scan3A_176 : i32 to index
      %get3A_400 = arith.constant 256 : index
      %get3A_401 = tpu.vector_load %arg8[%get3A_399, %get3A_400] {strides = array<i32>} : memref<64x768xf32, #tpu.memory_space<vmem>>, vector<1x16xf32>,
      %get3A_402 = vector.shape_cast %get3A_401 : vector<1x16xf32> to vector<16xf32>
      %get3A_403 = arith.index_cast %scan3A_176 : i32 to index
      %get3A_404 = arith.constant 256 : index
      %get3A_405 = tpu.vector_load %arg9[%get3A_403, %get3A_404] {strides = array<i32>} : memref<64x768xf32, #tpu.memory_space<vmem>>, vector<1x16xf32>,
      %get3A_406 = vector.shape_cast %get3A_405 : vector<1x16xf32> to vector<16xf32>
      %add3A_407 = arith.addf %get3A_402, %get3A_406 : vector<16xf32>
      %swap3A_408 = arith.index_cast %scan3A_176 : i32 to index
      %swap3A_409 = arith.constant 256 : index
      %swap3A_410 = tpu.vector_load %arg8[%swap3A_408, %swap3A_409] {strides = array<i32>} : memref<64x768xf32, #tpu.memory_space<vmem>>, vector<1x16xf32>,
      %swap3A_411 = vector.shape_cast %swap3A_410 : vector<1x16xf32> to vector<16xf32>
      %swap3A_412 = vector.shape_cast %add3A_407 : vector<16xf32> to vector<1x16xf32>
      tpu.vector_store %arg8[%swap3A_408, %swap3A_409], %swap3A_412 {strides = array<i32>} : memref<64x768xf32, #tpu.memory_space<vmem>>, vector<1x16xf32>,
      %get3A_413 = arith.index_cast %scan3A_176 : i32 to index
      %get3A_414 = arith.constant 272 : index
      %get3A_415 = tpu.vector_load %arg8[%get3A_413, %get3A_414] {strides = array<i32>} : memref<64x768xf32, #tpu.memory_space<vmem>>, vector<1x16xf32>,
      %get3A_416 = vector.shape_cast %get3A_415 : vector<1x16xf32> to vector<16xf32>
      %get3A_417 = arith.index_cast %scan3A_176 : i32 to index
      %get3A_418 = arith.constant 272 : index
      %get3A_419 = tpu.vector_load %arg9[%get3A_417, %get3A_418] {strides = array<i32>} : memref<64x768xf32, #tpu.memory_space<vmem>>, vector<1x16xf32>,
      %get3A_420 = vector.shape_cast %get3A_419 : vector<1x16xf32> to vector<16xf32>
      %add3A_421 = arith.addf %get3A_416, %get3A_420 : vector<16xf32>
      %swap3A_422 = arith.index_cast %scan3A_176 : i32 to index
      %swap3A_423 = arith.constant 272 : index
      %swap3A_424 = tpu.vector_load %arg8[%swap3A_422, %swap3A_423] {strides = array<i32>} : memref<64x768xf32, #tpu.memory_space<vmem>>, vector<1x16xf32>,
      %swap3A_425 = vector.shape_cast %swap3A_424 : vector<1x16xf32> to vector<16xf32>
      %swap3A_426 = vector.shape_cast %add3A_421 : vector<16xf32> to vector<1x16xf32>
      tpu.vector_store %arg8[%swap3A_422, %swap3A_423], %swap3A_426 {strides = array<i32>} : memref<64x768xf32, #tpu.memory_space<vmem>>, vector<1x16xf32>,
      %get3A_427 = arith.index_cast %scan3A_176 : i32 to index
      %get3A_428 = arith.constant 288 : index
      %get3A_429 = tpu.vector_load %arg8[%get3A_427, %get3A_428] {strides = array<i32>} : memref<64x768xf32, #tpu.memory_space<vmem>>, vector<1x16xf32>,
      %get3A_430 = vector.shape_cast %get3A_429 : vector<1x16xf32> to vector<16xf32>
      %get3A_431 = arith.index_cast %scan3A_176 : i32 to index
      %get3A_432 = arith.constant 288 : index
      %get3A_433 = tpu.vector_load %arg9[%get3A_431, %get3A_432] {strides = array<i32>} : memref<64x768xf32, #tpu.memory_space<vmem>>, vector<1x16xf32>,
      %get3A_434 = vector.shape_cast %get3A_433 : vector<1x16xf32> to vector<16xf32>
      %add3A_435 = arith.addf %get3A_430, %get3A_434 : vector<16xf32>
      %swap3A_436 = arith.index_cast %scan3A_176 : i32 to index
      %swap3A_437 = arith.constant 288 : index
      %swap3A_438 = tpu.vector_load %arg8[%swap3A_436, %swap3A_437] {strides = array<i32>} : memref<64x768xf32, #tpu.memory_space<vmem>>, vector<1x16xf32>,
      %swap3A_439 = vector.shape_cast %swap3A_438 : vector<1x16xf32> to vector<16xf32>
      %swap3A_440 = vector.shape_cast %add3A_435 : vector<16xf32> to vector<1x16xf32>
      tpu.vector_store %arg8[%swap3A_436, %swap3A_437], %swap3A_440 {strides = array<i32>} : memref<64x768xf32, #tpu.memory_space<vmem>>, vector<1x16xf32>,
      %get3A_441 = arith.index_cast %scan3A_176 : i32 to index
      %get3A_442 = arith.constant 304 : index
      %get3A_443 = tpu.vector_load %arg8[%get3A_441, %get3A_442] {strides = array<i32>} : memref<64x768xf32, #tpu.memory_space<vmem>>, vector<1x16xf32>,
      %get3A_444 = vector.shape_cast %get3A_443 : vector<1x16xf32> to vector<16xf32>
      %get3A_445 = arith.index_cast %scan3A_176 : i32 to index
      %get3A_446 = arith.constant 304 : index
      %get3A_447 = tpu.vector_load %arg9[%get3A_445, %get3A_446] {strides = array<i32>} : memref<64x768xf32, #tpu.memory_space<vmem>>, vector<1x16xf32>,
      %get3A_448 = vector.shape_cast %get3A_447 : vector<1x16xf32> to vector<16xf32>
      %add3A_449 = arith.addf %get3A_444, %get3A_448 : vector<16xf32>
      %swap3A_450 = arith.index_cast %scan3A_176 : i32 to index
      %swap3A_451 = arith.constant 304 : index
      %swap3A_452 = tpu.vector_load %arg8[%swap3A_450, %swap3A_451] {strides = array<i32>} : memref<64x768xf32, #tpu.memory_space<vmem>>, vector<1x16xf32>,
      %swap3A_453 = vector.shape_cast %swap3A_452 : vector<1x16xf32> to vector<16xf32>
      %swap3A_454 = vector.shape_cast %add3A_449 : vector<16xf32> to vector<1x16xf32>
      tpu.vector_store %arg8[%swap3A_450, %swap3A_451], %swap3A_454 {strides = array<i32>} : memref<64x768xf32, #tpu.memory_space<vmem>>, vector<1x16xf32>,
      %get3A_455 = arith.index_cast %scan3A_176 : i32 to index
      %get3A_456 = arith.constant 320 : index
      %get3A_457 = tpu.vector_load %arg8[%get3A_455, %get3A_456] {strides = array<i32>} : memref<64x768xf32, #tpu.memory_space<vmem>>, vector<1x16xf32>,
      %get3A_458 = vector.shape_cast %get3A_457 : vector<1x16xf32> to vector<16xf32>
      %get3A_459 = arith.index_cast %scan3A_176 : i32 to index
      %get3A_460 = arith.constant 320 : index
      %get3A_461 = tpu.vector_load %arg9[%get3A_459, %get3A_460] {strides = array<i32>} : memref<64x768xf32, #tpu.memory_space<vmem>>, vector<1x16xf32>,
      %get3A_462 = vector.shape_cast %get3A_461 : vector<1x16xf32> to vector<16xf32>
      %add3A_463 = arith.addf %get3A_458, %get3A_462 : vector<16xf32>
      %swap3A_464 = arith.index_cast %scan3A_176 : i32 to index
      %swap3A_465 = arith.constant 320 : index
      %swap3A_466 = tpu.vector_load %arg8[%swap3A_464, %swap3A_465] {strides = array<i32>} : memref<64x768xf32, #tpu.memory_space<vmem>>, vector<1x16xf32>,
      %swap3A_467 = vector.shape_cast %swap3A_466 : vector<1x16xf32> to vector<16xf32>
      %swap3A_468 = vector.shape_cast %add3A_463 : vector<16xf32> to vector<1x16xf32>
      tpu.vector_store %arg8[%swap3A_464, %swap3A_465], %swap3A_468 {strides = array<i32>} : memref<64x768xf32, #tpu.memory_space<vmem>>, vector<1x16xf32>,
      %get3A_469 = arith.index_cast %scan3A_176 : i32 to index
      %get3A_470 = arith.constant 336 : index
      %get3A_471 = tpu.vector_load %arg8[%get3A_469, %get3A_470] {strides = array<i32>} : memref<64x768xf32, #tpu.memory_space<vmem>>, vector<1x16xf32>,
      %get3A_472 = vector.shape_cast %get3A_471 : vector<1x16xf32> to vector<16xf32>
      %get3A_473 = arith.index_cast %scan3A_176 : i32 to index
      %get3A_474 = arith.constant 336 : index
      %get3A_475 = tpu.vector_load %arg9[%get3A_473, %get3A_474] {strides = array<i32>} : memref<64x768xf32, #tpu.memory_space<vmem>>, vector<1x16xf32>,
      %get3A_476 = vector.shape_cast %get3A_475 : vector<1x16xf32> to vector<16xf32>
      %add3A_477 = arith.addf %get3A_472, %get3A_476 : vector<16xf32>
      %swap3A_478 = arith.index_cast %scan3A_176 : i32 to index
      %swap3A_479 = arith.constant 336 : index
      %swap3A_480 = tpu.vector_load %arg8[%swap3A_478, %swap3A_479] {strides = array<i32>} : memref<64x768xf32, #tpu.memory_space<vmem>>, vector<1x16xf32>,
      %swap3A_481 = vector.shape_cast %swap3A_480 : vector<1x16xf32> to vector<16xf32>
      %swap3A_482 = vector.shape_cast %add3A_477 : vector<16xf32> to vector<1x16xf32>
      tpu.vector_store %arg8[%swap3A_478, %swap3A_479], %swap3A_482 {strides = array<i32>} : memref<64x768xf32, #tpu.memory_space<vmem>>, vector<1x16xf32>,
      %get3A_483 = arith.index_cast %scan3A_176 : i32 to index
      %get3A_484 = arith.constant 352 : index
      %get3A_485 = tpu.vector_load %arg8[%get3A_483, %get3A_484] {strides = array<i32>} : memref<64x768xf32, #tpu.memory_space<vmem>>, vector<1x16xf32>,
      %get3A_486 = vector.shape_cast %get3A_485 : vector<1x16xf32> to vector<16xf32>
      %get3A_487 = arith.index_cast %scan3A_176 : i32 to index
      %get3A_488 = arith.constant 352 : index
      %get3A_489 = tpu.vector_load %arg9[%get3A_487, %get3A_488] {strides = array<i32>} : memref<64x768xf32, #tpu.memory_space<vmem>>, vector<1x16xf32>,
      %get3A_490 = vector.shape_cast %get3A_489 : vector<1x16xf32> to vector<16xf32>
      %add3A_491 = arith.addf %get3A_486, %get3A_490 : vector<16xf32>
      %swap3A_492 = arith.index_cast %scan3A_176 : i32 to index
      %swap3A_493 = arith.constant 352 : index
      %swap3A_494 = tpu.vector_load %arg8[%swap3A_492, %swap3A_493] {strides = array<i32>} : memref<64x768xf32, #tpu.memory_space<vmem>>, vector<1x16xf32>,
      %swap3A_495 = vector.shape_cast %swap3A_494 : vector<1x16xf32> to vector<16xf32>
      %swap3A_496 = vector.shape_cast %add3A_491 : vector<16xf32> to vector<1x16xf32>
      tpu.vector_store %arg8[%swap3A_492, %swap3A_493], %swap3A_496 {strides = array<i32>} : memref<64x768xf32, #tpu.memory_space<vmem>>, vector<1x16xf32>,
      %get3A_497 = arith.index_cast %scan3A_176 : i32 to index
      %get3A_498 = arith.constant 368 : index
      %get3A_499 = tpu.vector_load %arg8[%get3A_497, %get3A_498] {strides = array<i32>} : memref<64x768xf32, #tpu.memory_space<vmem>>, vector<1x16xf32>,
      %get3A_500 = vector.shape_cast %get3A_499 : vector<1x16xf32> to vector<16xf32>
      %get3A_501 = arith.index_cast %scan3A_176 : i32 to index
      %get3A_502 = arith.constant 368 : index
      %get3A_503 = tpu.vector_load %arg9[%get3A_501, %get3A_502] {strides = array<i32>} : memref<64x768xf32, #tpu.memory_space<vmem>>, vector<1x16xf32>,
      %get3A_504 = vector.shape_cast %get3A_503 : vector<1x16xf32> to vector<16xf32>
      %add3A_505 = arith.addf %get3A_500, %get3A_504 : vector<16xf32>
      %swap3A_506 = arith.index_cast %scan3A_176 : i32 to index
      %swap3A_507 = arith.constant 368 : index
      %swap3A_508 = tpu.vector_load %arg8[%swap3A_506, %swap3A_507] {strides = array<i32>} : memref<64x768xf32, #tpu.memory_space<vmem>>, vector<1x16xf32>,
      %swap3A_509 = vector.shape_cast %swap3A_508 : vector<1x16xf32> to vector<16xf32>
      %swap3A_510 = vector.shape_cast %add3A_505 : vector<16xf32> to vector<1x16xf32>
      tpu.vector_store %arg8[%swap3A_506, %swap3A_507], %swap3A_510 {strides = array<i32>} : memref<64x768xf32, #tpu.memory_space<vmem>>, vector<1x16xf32>,
      %get3A_511 = arith.index_cast %scan3A_176 : i32 to index
      %get3A_512 = arith.constant 384 : index
      %get3A_513 = tpu.vector_load %arg8[%get3A_511, %get3A_512] {strides = array<i32>} : memref<64x768xf32, #tpu.memory_space<vmem>>, vector<1x16xf32>,
      %get3A_514 = vector.shape_cast %get3A_513 : vector<1x16xf32> to vector<16xf32>
      %get3A_515 = arith.index_cast %scan3A_176 : i32 to index
      %get3A_516 = arith.constant 384 : index
      %get3A_517 = tpu.vector_load %arg9[%get3A_515, %get3A_516] {strides = array<i32>} : memref<64x768xf32, #tpu.memory_space<vmem>>, vector<1x16xf32>,
      %get3A_518 = vector.shape_cast %get3A_517 : vector<1x16xf32> to vector<16xf32>
      %add3A_519 = arith.addf %get3A_514, %get3A_518 : vector<16xf32>
      %swap3A_520 = arith.index_cast %scan3A_176 : i32 to index
      %swap3A_521 = arith.constant 384 : index
      %swap3A_522 = tpu.vector_load %arg8[%swap3A_520, %swap3A_521] {strides = array<i32>} : memref<64x768xf32, #tpu.memory_space<vmem>>, vector<1x16xf32>,
      %swap3A_523 = vector.shape_cast %swap3A_522 : vector<1x16xf32> to vector<16xf32>
      %swap3A_524 = vector.shape_cast %add3A_519 : vector<16xf32> to vector<1x16xf32>
      tpu.vector_store %arg8[%swap3A_520, %swap3A_521], %swap3A_524 {strides = array<i32>} : memref<64x768xf32, #tpu.memory_space<vmem>>, vector<1x16xf32>,
      %get3A_525 = arith.index_cast %scan3A_176 : i32 to index
      %get3A_526 = arith.constant 400 : index
      %get3A_527 = tpu.vector_load %arg8[%get3A_525, %get3A_526] {strides = array<i32>} : memref<64x768xf32, #tpu.memory_space<vmem>>, vector<1x16xf32>,
      %get3A_528 = vector.shape_cast %get3A_527 : vector<1x16xf32> to vector<16xf32>
      %get3A_529 = arith.index_cast %scan3A_176 : i32 to index
      %get3A_530 = arith.constant 400 : index
      %get3A_531 = tpu.vector_load %arg9[%get3A_529, %get3A_530] {strides = array<i32>} : memref<64x768xf32, #tpu.memory_space<vmem>>, vector<1x16xf32>,
      %get3A_532 = vector.shape_cast %get3A_531 : vector<1x16xf32> to vector<16xf32>
      %add3A_533 = arith.addf %get3A_528, %get3A_532 : vector<16xf32>
      %swap3A_534 = arith.index_cast %scan3A_176 : i32 to index
      %swap3A_535 = arith.constant 400 : index
      %swap3A_536 = tpu.vector_load %arg8[%swap3A_534, %swap3A_535] {strides = array<i32>} : memref<64x768xf32, #tpu.memory_space<vmem>>, vector<1x16xf32>,
      %swap3A_537 = vector.shape_cast %swap3A_536 : vector<1x16xf32> to vector<16xf32>
      %swap3A_538 = vector.shape_cast %add3A_533 : vector<16xf32> to vector<1x16xf32>
      tpu.vector_store %arg8[%swap3A_534, %swap3A_535], %swap3A_538 {strides = array<i32>} : memref<64x768xf32, #tpu.memory_space<vmem>>, vector<1x16xf32>,
      %get3A_539 = arith.index_cast %scan3A_176 : i32 to index
      %get3A_540 = arith.constant 416 : index
      %get3A_541 = tpu.vector_load %arg8[%get3A_539, %get3A_540] {strides = array<i32>} : memref<64x768xf32, #tpu.memory_space<vmem>>, vector<1x16xf32>,
      %get3A_542 = vector.shape_cast %get3A_541 : vector<1x16xf32> to vector<16xf32>
      %get3A_543 = arith.index_cast %scan3A_176 : i32 to index
      %get3A_544 = arith.constant 416 : index
      %get3A_545 = tpu.vector_load %arg9[%get3A_543, %get3A_544] {strides = array<i32>} : memref<64x768xf32, #tpu.memory_space<vmem>>, vector<1x16xf32>,
      %get3A_546 = vector.shape_cast %get3A_545 : vector<1x16xf32> to vector<16xf32>
      %add3A_547 = arith.addf %get3A_542, %get3A_546 : vector<16xf32>
      %swap3A_548 = arith.index_cast %scan3A_176 : i32 to index
      %swap3A_549 = arith.constant 416 : index
      %swap3A_550 = tpu.vector_load %arg8[%swap3A_548, %swap3A_549] {strides = array<i32>} : memref<64x768xf32, #tpu.memory_space<vmem>>, vector<1x16xf32>,
      %swap3A_551 = vector.shape_cast %swap3A_550 : vector<1x16xf32> to vector<16xf32>
      %swap3A_552 = vector.shape_cast %add3A_547 : vector<16xf32> to vector<1x16xf32>
      tpu.vector_store %arg8[%swap3A_548, %swap3A_549], %swap3A_552 {strides = array<i32>} : memref<64x768xf32, #tpu.memory_space<vmem>>, vector<1x16xf32>,
      %get3A_553 = arith.index_cast %scan3A_176 : i32 to index
      %get3A_554 = arith.constant 432 : index
      %get3A_555 = tpu.vector_load %arg8[%get3A_553, %get3A_554] {strides = array<i32>} : memref<64x768xf32, #tpu.memory_space<vmem>>, vector<1x16xf32>,
      %get3A_556 = vector.shape_cast %get3A_555 : vector<1x16xf32> to vector<16xf32>
      %get3A_557 = arith.index_cast %scan3A_176 : i32 to index
      %get3A_558 = arith.constant 432 : index
      %get3A_559 = tpu.vector_load %arg9[%get3A_557, %get3A_558] {strides = array<i32>} : memref<64x768xf32, #tpu.memory_space<vmem>>, vector<1x16xf32>,
      %get3A_560 = vector.shape_cast %get3A_559 : vector<1x16xf32> to vector<16xf32>
      %add3A_561 = arith.addf %get3A_556, %get3A_560 : vector<16xf32>
      %swap3A_562 = arith.index_cast %scan3A_176 : i32 to index
      %swap3A_563 = arith.constant 432 : index
      %swap3A_564 = tpu.vector_load %arg8[%swap3A_562, %swap3A_563] {strides = array<i32>} : memref<64x768xf32, #tpu.memory_space<vmem>>, vector<1x16xf32>,
      %swap3A_565 = vector.shape_cast %swap3A_564 : vector<1x16xf32> to vector<16xf32>
      %swap3A_566 = vector.shape_cast %add3A_561 : vector<16xf32> to vector<1x16xf32>
      tpu.vector_store %arg8[%swap3A_562, %swap3A_563], %swap3A_566 {strides = array<i32>} : memref<64x768xf32, #tpu.memory_space<vmem>>, vector<1x16xf32>,
      %get3A_567 = arith.index_cast %scan3A_176 : i32 to index
      %get3A_568 = arith.constant 448 : index
      %get3A_569 = tpu.vector_load %arg8[%get3A_567, %get3A_568] {strides = array<i32>} : memref<64x768xf32, #tpu.memory_space<vmem>>, vector<1x16xf32>,
      %get3A_570 = vector.shape_cast %get3A_569 : vector<1x16xf32> to vector<16xf32>
      %get3A_571 = arith.index_cast %scan3A_176 : i32 to index
      %get3A_572 = arith.constant 448 : index
      %get3A_573 = tpu.vector_load %arg9[%get3A_571, %get3A_572] {strides = array<i32>} : memref<64x768xf32, #tpu.memory_space<vmem>>, vector<1x16xf32>,
      %get3A_574 = vector.shape_cast %get3A_573 : vector<1x16xf32> to vector<16xf32>
      %add3A_575 = arith.addf %get3A_570, %get3A_574 : vector<16xf32>
      %swap3A_576 = arith.index_cast %scan3A_176 : i32 to index
      %swap3A_577 = arith.constant 448 : index
      %swap3A_578 = tpu.vector_load %arg8[%swap3A_576, %swap3A_577] {strides = array<i32>} : memref<64x768xf32, #tpu.memory_space<vmem>>, vector<1x16xf32>,
      %swap3A_579 = vector.shape_cast %swap3A_578 : vector<1x16xf32> to vector<16xf32>
      %swap3A_580 = vector.shape_cast %add3A_575 : vector<16xf32> to vector<1x16xf32>
      tpu.vector_store %arg8[%swap3A_576, %swap3A_577], %swap3A_580 {strides = array<i32>} : memref<64x768xf32, #tpu.memory_space<vmem>>, vector<1x16xf32>,
      %get3A_581 = arith.index_cast %scan3A_176 : i32 to index
      %get3A_582 = arith.constant 464 : index
      %get3A_583 = tpu.vector_load %arg8[%get3A_581, %get3A_582] {strides = array<i32>} : memref<64x768xf32, #tpu.memory_space<vmem>>, vector<1x16xf32>,
      %get3A_584 = vector.shape_cast %get3A_583 : vector<1x16xf32> to vector<16xf32>
      %get3A_585 = arith.index_cast %scan3A_176 : i32 to index
      %get3A_586 = arith.constant 464 : index
      %get3A_587 = tpu.vector_load %arg9[%get3A_585, %get3A_586] {strides = array<i32>} : memref<64x768xf32, #tpu.memory_space<vmem>>, vector<1x16xf32>,
      %get3A_588 = vector.shape_cast %get3A_587 : vector<1x16xf32> to vector<16xf32>
      %add3A_589 = arith.addf %get3A_584, %get3A_588 : vector<16xf32>
      %swap3A_590 = arith.index_cast %scan3A_176 : i32 to index
      %swap3A_591 = arith.constant 464 : index
      %swap3A_592 = tpu.vector_load %arg8[%swap3A_590, %swap3A_591] {strides = array<i32>} : memref<64x768xf32, #tpu.memory_space<vmem>>, vector<1x16xf32>,
      %swap3A_593 = vector.shape_cast %swap3A_592 : vector<1x16xf32> to vector<16xf32>
      %swap3A_594 = vector.shape_cast %add3A_589 : vector<16xf32> to vector<1x16xf32>
      tpu.vector_store %arg8[%swap3A_590, %swap3A_591], %swap3A_594 {strides = array<i32>} : memref<64x768xf32, #tpu.memory_space<vmem>>, vector<1x16xf32>,
      %get3A_595 = arith.index_cast %scan3A_176 : i32 to index
      %get3A_596 = arith.constant 480 : index
      %get3A_597 = tpu.vector_load %arg8[%get3A_595, %get3A_596] {strides = array<i32>} : memref<64x768xf32, #tpu.memory_space<vmem>>, vector<1x16xf32>,
      %get3A_598 = vector.shape_cast %get3A_597 : vector<1x16xf32> to vector<16xf32>
      %get3A_599 = arith.index_cast %scan3A_176 : i32 to index
      %get3A_600 = arith.constant 480 : index
      %get3A_601 = tpu.vector_load %arg9[%get3A_599, %get3A_600] {strides = array<i32>} : memref<64x768xf32, #tpu.memory_space<vmem>>, vector<1x16xf32>,
      %get3A_602 = vector.shape_cast %get3A_601 : vector<1x16xf32> to vector<16xf32>
      %add3A_603 = arith.addf %get3A_598, %get3A_602 : vector<16xf32>
      %swap3A_604 = arith.index_cast %scan3A_176 : i32 to index
      %swap3A_605 = arith.constant 480 : index
      %swap3A_606 = tpu.vector_load %arg8[%swap3A_604, %swap3A_605] {strides = array<i32>} : memref<64x768xf32, #tpu.memory_space<vmem>>, vector<1x16xf32>,
      %swap3A_607 = vector.shape_cast %swap3A_606 : vector<1x16xf32> to vector<16xf32>
      %swap3A_608 = vector.shape_cast %add3A_603 : vector<16xf32> to vector<1x16xf32>
      tpu.vector_store %arg8[%swap3A_604, %swap3A_605], %swap3A_608 {strides = array<i32>} : memref<64x768xf32, #tpu.memory_space<vmem>>, vector<1x16xf32>,
      %get3A_609 = arith.index_cast %scan3A_176 : i32 to index
      %get3A_610 = arith.constant 496 : index
      %get3A_611 = tpu.vector_load %arg8[%get3A_609, %get3A_610] {strides = array<i32>} : memref<64x768xf32, #tpu.memory_space<vmem>>, vector<1x16xf32>,
      %get3A_612 = vector.shape_cast %get3A_611 : vector<1x16xf32> to vector<16xf32>
      %get3A_613 = arith.index_cast %scan3A_176 : i32 to index
      %get3A_614 = arith.constant 496 : index
      %get3A_615 = tpu.vector_load %arg9[%get3A_613, %get3A_614] {strides = array<i32>} : memref<64x768xf32, #tpu.memory_space<vmem>>, vector<1x16xf32>,
      %get3A_616 = vector.shape_cast %get3A_615 : vector<1x16xf32> to vector<16xf32>
      %add3A_617 = arith.addf %get3A_612, %get3A_616 : vector<16xf32>
      %swap3A_618 = arith.index_cast %scan3A_176 : i32 to index
      %swap3A_619 = arith.constant 496 : index
      %swap3A_620 = tpu.vector_load %arg8[%swap3A_618, %swap3A_619] {strides = array<i32>} : memref<64x768xf32, #tpu.memory_space<vmem>>, vector<1x16xf32>,
      %swap3A_621 = vector.shape_cast %swap3A_620 : vector<1x16xf32> to vector<16xf32>
      %swap3A_622 = vector.shape_cast %add3A_617 : vector<16xf32> to vector<1x16xf32>
      tpu.vector_store %arg8[%swap3A_618, %swap3A_619], %swap3A_622 {strides = array<i32>} : memref<64x768xf32, #tpu.memory_space<vmem>>, vector<1x16xf32>,
      %get3A_623 = arith.index_cast %scan3A_176 : i32 to index
      %get3A_624 = arith.constant 512 : index
      %get3A_625 = tpu.vector_load %arg8[%get3A_623, %get3A_624] {strides = array<i32>} : memref<64x768xf32, #tpu.memory_space<vmem>>, vector<1x16xf32>,
      %get3A_626 = vector.shape_cast %get3A_625 : vector<1x16xf32> to vector<16xf32>
      %get3A_627 = arith.index_cast %scan3A_176 : i32 to index
      %get3A_628 = arith.constant 512 : index
      %get3A_629 = tpu.vector_load %arg9[%get3A_627, %get3A_628] {strides = array<i32>} : memref<64x768xf32, #tpu.memory_space<vmem>>, vector<1x16xf32>,
      %get3A_630 = vector.shape_cast %get3A_629 : vector<1x16xf32> to vector<16xf32>
      %add3A_631 = arith.addf %get3A_626, %get3A_630 : vector<16xf32>
      %swap3A_632 = arith.index_cast %scan3A_176 : i32 to index
      %swap3A_633 = arith.constant 512 : index
      %swap3A_634 = tpu.vector_load %arg8[%swap3A_632, %swap3A_633] {strides = array<i32>} : memref<64x768xf32, #tpu.memory_space<vmem>>, vector<1x16xf32>,
      %swap3A_635 = vector.shape_cast %swap3A_634 : vector<1x16xf32> to vector<16xf32>
      %swap3A_636 = vector.shape_cast %add3A_631 : vector<16xf32> to vector<1x16xf32>
      tpu.vector_store %arg8[%swap3A_632, %swap3A_633], %swap3A_636 {strides = array<i32>} : memref<64x768xf32, #tpu.memory_space<vmem>>, vector<1x16xf32>,
      %get3A_637 = arith.index_cast %scan3A_176 : i32 to index
      %get3A_638 = arith.constant 528 : index
      %get3A_639 = tpu.vector_load %arg8[%get3A_637, %get3A_638] {strides = array<i32>} : memref<64x768xf32, #tpu.memory_space<vmem>>, vector<1x16xf32>,
      %get3A_640 = vector.shape_cast %get3A_639 : vector<1x16xf32> to vector<16xf32>
      %get3A_641 = arith.index_cast %scan3A_176 : i32 to index
      %get3A_642 = arith.constant 528 : index
      %get3A_643 = tpu.vector_load %arg9[%get3A_641, %get3A_642] {strides = array<i32>} : memref<64x768xf32, #tpu.memory_space<vmem>>, vector<1x16xf32>,
      %get3A_644 = vector.shape_cast %get3A_643 : vector<1x16xf32> to vector<16xf32>
      %add3A_645 = arith.addf %get3A_640, %get3A_644 : vector<16xf32>
      %swap3A_646 = arith.index_cast %scan3A_176 : i32 to index
      %swap3A_647 = arith.constant 528 : index
      %swap3A_648 = tpu.vector_load %arg8[%swap3A_646, %swap3A_647] {strides = array<i32>} : memref<64x768xf32, #tpu.memory_space<vmem>>, vector<1x16xf32>,
      %swap3A_649 = vector.shape_cast %swap3A_648 : vector<1x16xf32> to vector<16xf32>
      %swap3A_650 = vector.shape_cast %add3A_645 : vector<16xf32> to vector<1x16xf32>
      tpu.vector_store %arg8[%swap3A_646, %swap3A_647], %swap3A_650 {strides = array<i32>} : memref<64x768xf32, #tpu.memory_space<vmem>>, vector<1x16xf32>,
      %get3A_651 = arith.index_cast %scan3A_176 : i32 to index
      %get3A_652 = arith.constant 544 : index
      %get3A_653 = tpu.vector_load %arg8[%get3A_651, %get3A_652] {strides = array<i32>} : memref<64x768xf32, #tpu.memory_space<vmem>>, vector<1x16xf32>,
      %get3A_654 = vector.shape_cast %get3A_653 : vector<1x16xf32> to vector<16xf32>
      %get3A_655 = arith.index_cast %scan3A_176 : i32 to index
      %get3A_656 = arith.constant 544 : index
      %get3A_657 = tpu.vector_load %arg9[%get3A_655, %get3A_656] {strides = array<i32>} : memref<64x768xf32, #tpu.memory_space<vmem>>, vector<1x16xf32>,
      %get3A_658 = vector.shape_cast %get3A_657 : vector<1x16xf32> to vector<16xf32>
      %add3A_659 = arith.addf %get3A_654, %get3A_658 : vector<16xf32>
      %swap3A_660 = arith.index_cast %scan3A_176 : i32 to index
      %swap3A_661 = arith.constant 544 : index
      %swap3A_662 = tpu.vector_load %arg8[%swap3A_660, %swap3A_661] {strides = array<i32>} : memref<64x768xf32, #tpu.memory_space<vmem>>, vector<1x16xf32>,
      %swap3A_663 = vector.shape_cast %swap3A_662 : vector<1x16xf32> to vector<16xf32>
      %swap3A_664 = vector.shape_cast %add3A_659 : vector<16xf32> to vector<1x16xf32>
      tpu.vector_store %arg8[%swap3A_660, %swap3A_661], %swap3A_664 {strides = array<i32>} : memref<64x768xf32, #tpu.memory_space<vmem>>, vector<1x16xf32>,
      %get3A_665 = arith.index_cast %scan3A_176 : i32 to index
      %get3A_666 = arith.constant 560 : index
      %get3A_667 = tpu.vector_load %arg8[%get3A_665, %get3A_666] {strides = array<i32>} : memref<64x768xf32, #tpu.memory_space<vmem>>, vector<1x16xf32>,
      %get3A_668 = vector.shape_cast %get3A_667 : vector<1x16xf32> to vector<16xf32>
      %get3A_669 = arith.index_cast %scan3A_176 : i32 to index
      %get3A_670 = arith.constant 560 : index
      %get3A_671 = tpu.vector_load %arg9[%get3A_669, %get3A_670] {strides = array<i32>} : memref<64x768xf32, #tpu.memory_space<vmem>>, vector<1x16xf32>,
      %get3A_672 = vector.shape_cast %get3A_671 : vector<1x16xf32> to vector<16xf32>
      %add3A_673 = arith.addf %get3A_668, %get3A_672 : vector<16xf32>
      %swap3A_674 = arith.index_cast %scan3A_176 : i32 to index
      %swap3A_675 = arith.constant 560 : index
      %swap3A_676 = tpu.vector_load %arg8[%swap3A_674, %swap3A_675] {strides = array<i32>} : memref<64x768xf32, #tpu.memory_space<vmem>>, vector<1x16xf32>,
      %swap3A_677 = vector.shape_cast %swap3A_676 : vector<1x16xf32> to vector<16xf32>
      %swap3A_678 = vector.shape_cast %add3A_673 : vector<16xf32> to vector<1x16xf32>
      tpu.vector_store %arg8[%swap3A_674, %swap3A_675], %swap3A_678 {strides = array<i32>} : memref<64x768xf32, #tpu.memory_space<vmem>>, vector<1x16xf32>,
      %get3A_679 = arith.index_cast %scan3A_176 : i32 to index
      %get3A_680 = arith.constant 576 : index
      %get3A_681 = tpu.vector_load %arg8[%get3A_679, %get3A_680] {strides = array<i32>} : memref<64x768xf32, #tpu.memory_space<vmem>>, vector<1x16xf32>,
      %get3A_682 = vector.shape_cast %get3A_681 : vector<1x16xf32> to vector<16xf32>
      %get3A_683 = arith.index_cast %scan3A_176 : i32 to index
      %get3A_684 = arith.constant 576 : index
      %get3A_685 = tpu.vector_load %arg9[%get3A_683, %get3A_684] {strides = array<i32>} : memref<64x768xf32, #tpu.memory_space<vmem>>, vector<1x16xf32>,
      %get3A_686 = vector.shape_cast %get3A_685 : vector<1x16xf32> to vector<16xf32>
      %add3A_687 = arith.addf %get3A_682, %get3A_686 : vector<16xf32>
      %swap3A_688 = arith.index_cast %scan3A_176 : i32 to index
      %swap3A_689 = arith.constant 576 : index
      %swap3A_690 = tpu.vector_load %arg8[%swap3A_688, %swap3A_689] {strides = array<i32>} : memref<64x768xf32, #tpu.memory_space<vmem>>, vector<1x16xf32>,
      %swap3A_691 = vector.shape_cast %swap3A_690 : vector<1x16xf32> to vector<16xf32>
      %swap3A_692 = vector.shape_cast %add3A_687 : vector<16xf32> to vector<1x16xf32>
      tpu.vector_store %arg8[%swap3A_688, %swap3A_689], %swap3A_692 {strides = array<i32>} : memref<64x768xf32, #tpu.memory_space<vmem>>, vector<1x16xf32>,
      %get3A_693 = arith.index_cast %scan3A_176 : i32 to index
      %get3A_694 = arith.constant 592 : index
      %get3A_695 = tpu.vector_load %arg8[%get3A_693, %get3A_694] {strides = array<i32>} : memref<64x768xf32, #tpu.memory_space<vmem>>, vector<1x16xf32>,
      %get3A_696 = vector.shape_cast %get3A_695 : vector<1x16xf32> to vector<16xf32>
      %get3A_697 = arith.index_cast %scan3A_176 : i32 to index
      %get3A_698 = arith.constant 592 : index
      %get3A_699 = tpu.vector_load %arg9[%get3A_697, %get3A_698] {strides = array<i32>} : memref<64x768xf32, #tpu.memory_space<vmem>>, vector<1x16xf32>,
      %get3A_700 = vector.shape_cast %get3A_699 : vector<1x16xf32> to vector<16xf32>
      %add3A_701 = arith.addf %get3A_696, %get3A_700 : vector<16xf32>
      %swap3A_702 = arith.index_cast %scan3A_176 : i32 to index
      %swap3A_703 = arith.constant 592 : index
      %swap3A_704 = tpu.vector_load %arg8[%swap3A_702, %swap3A_703] {strides = array<i32>} : memref<64x768xf32, #tpu.memory_space<vmem>>, vector<1x16xf32>,
      %swap3A_705 = vector.shape_cast %swap3A_704 : vector<1x16xf32> to vector<16xf32>
      %swap3A_706 = vector.shape_cast %add3A_701 : vector<16xf32> to vector<1x16xf32>
      tpu.vector_store %arg8[%swap3A_702, %swap3A_703], %swap3A_706 {strides = array<i32>} : memref<64x768xf32, #tpu.memory_space<vmem>>, vector<1x16xf32>,
      %get3A_707 = arith.index_cast %scan3A_176 : i32 to index
      %get3A_708 = arith.constant 608 : index
      %get3A_709 = tpu.vector_load %arg8[%get3A_707, %get3A_708] {strides = array<i32>} : memref<64x768xf32, #tpu.memory_space<vmem>>, vector<1x16xf32>,
      %get3A_710 = vector.shape_cast %get3A_709 : vector<1x16xf32> to vector<16xf32>
      %get3A_711 = arith.index_cast %scan3A_176 : i32 to index
      %get3A_712 = arith.constant 608 : index
      %get3A_713 = tpu.vector_load %arg9[%get3A_711, %get3A_712] {strides = array<i32>} : memref<64x768xf32, #tpu.memory_space<vmem>>, vector<1x16xf32>,
      %get3A_714 = vector.shape_cast %get3A_713 : vector<1x16xf32> to vector<16xf32>
      %add3A_715 = arith.addf %get3A_710, %get3A_714 : vector<16xf32>
      %swap3A_716 = arith.index_cast %scan3A_176 : i32 to index
      %swap3A_717 = arith.constant 608 : index
      %swap3A_718 = tpu.vector_load %arg8[%swap3A_716, %swap3A_717] {strides = array<i32>} : memref<64x768xf32, #tpu.memory_space<vmem>>, vector<1x16xf32>,
      %swap3A_719 = vector.shape_cast %swap3A_718 : vector<1x16xf32> to vector<16xf32>
      %swap3A_720 = vector.shape_cast %add3A_715 : vector<16xf32> to vector<1x16xf32>
      tpu.vector_store %arg8[%swap3A_716, %swap3A_717], %swap3A_720 {strides = array<i32>} : memref<64x768xf32, #tpu.memory_space<vmem>>, vector<1x16xf32>,
      %get3A_721 = arith.index_cast %scan3A_176 : i32 to index
      %get3A_722 = arith.constant 624 : index
      %get3A_723 = tpu.vector_load %arg8[%get3A_721, %get3A_722] {strides = array<i32>} : memref<64x768xf32, #tpu.memory_space<vmem>>, vector<1x16xf32>,
      %get3A_724 = vector.shape_cast %get3A_723 : vector<1x16xf32> to vector<16xf32>
      %get3A_725 = arith.index_cast %scan3A_176 : i32 to index
      %get3A_726 = arith.constant 624 : index
      %get3A_727 = tpu.vector_load %arg9[%get3A_725, %get3A_726] {strides = array<i32>} : memref<64x768xf32, #tpu.memory_space<vmem>>, vector<1x16xf32>,
      %get3A_728 = vector.shape_cast %get3A_727 : vector<1x16xf32> to vector<16xf32>
      %add3A_729 = arith.addf %get3A_724, %get3A_728 : vector<16xf32>
      %swap3A_730 = arith.index_cast %scan3A_176 : i32 to index
      %swap3A_731 = arith.constant 624 : index
      %swap3A_732 = tpu.vector_load %arg8[%swap3A_730, %swap3A_731] {strides = array<i32>} : memref<64x768xf32, #tpu.memory_space<vmem>>, vector<1x16xf32>,
      %swap3A_733 = vector.shape_cast %swap3A_732 : vector<1x16xf32> to vector<16xf32>
      %swap3A_734 = vector.shape_cast %add3A_729 : vector<16xf32> to vector<1x16xf32>
      tpu.vector_store %arg8[%swap3A_730, %swap3A_731], %swap3A_734 {strides = array<i32>} : memref<64x768xf32, #tpu.memory_space<vmem>>, vector<1x16xf32>,
      %get3A_735 = arith.index_cast %scan3A_176 : i32 to index
      %get3A_736 = arith.constant 640 : index
      %get3A_737 = tpu.vector_load %arg8[%get3A_735, %get3A_736] {strides = array<i32>} : memref<64x768xf32, #tpu.memory_space<vmem>>, vector<1x16xf32>,
      %get3A_738 = vector.shape_cast %get3A_737 : vector<1x16xf32> to vector<16xf32>
      %get3A_739 = arith.index_cast %scan3A_176 : i32 to index
      %get3A_740 = arith.constant 640 : index
      %get3A_741 = tpu.vector_load %arg9[%get3A_739, %get3A_740] {strides = array<i32>} : memref<64x768xf32, #tpu.memory_space<vmem>>, vector<1x16xf32>,
      %get3A_742 = vector.shape_cast %get3A_741 : vector<1x16xf32> to vector<16xf32>
      %add3A_743 = arith.addf %get3A_738, %get3A_742 : vector<16xf32>
      %swap3A_744 = arith.index_cast %scan3A_176 : i32 to index
      %swap3A_745 = arith.constant 640 : index
      %swap3A_746 = tpu.vector_load %arg8[%swap3A_744, %swap3A_745] {strides = array<i32>} : memref<64x768xf32, #tpu.memory_space<vmem>>, vector<1x16xf32>,
      %swap3A_747 = vector.shape_cast %swap3A_746 : vector<1x16xf32> to vector<16xf32>
      %swap3A_748 = vector.shape_cast %add3A_743 : vector<16xf32> to vector<1x16xf32>
      tpu.vector_store %arg8[%swap3A_744, %swap3A_745], %swap3A_748 {strides = array<i32>} : memref<64x768xf32, #tpu.memory_space<vmem>>, vector<1x16xf32>,
      %get3A_749 = arith.index_cast %scan3A_176 : i32 to index
      %get3A_750 = arith.constant 656 : index
      %get3A_751 = tpu.vector_load %arg8[%get3A_749, %get3A_750] {strides = array<i32>} : memref<64x768xf32, #tpu.memory_space<vmem>>, vector<1x16xf32>,
      %get3A_752 = vector.shape_cast %get3A_751 : vector<1x16xf32> to vector<16xf32>
      %get3A_753 = arith.index_cast %scan3A_176 : i32 to index
      %get3A_754 = arith.constant 656 : index
      %get3A_755 = tpu.vector_load %arg9[%get3A_753, %get3A_754] {strides = array<i32>} : memref<64x768xf32, #tpu.memory_space<vmem>>, vector<1x16xf32>,
      %get3A_756 = vector.shape_cast %get3A_755 : vector<1x16xf32> to vector<16xf32>
      %add3A_757 = arith.addf %get3A_752, %get3A_756 : vector<16xf32>
      %swap3A_758 = arith.index_cast %scan3A_176 : i32 to index
      %swap3A_759 = arith.constant 656 : index
      %swap3A_760 = tpu.vector_load %arg8[%swap3A_758, %swap3A_759] {strides = array<i32>} : memref<64x768xf32, #tpu.memory_space<vmem>>, vector<1x16xf32>,
      %swap3A_761 = vector.shape_cast %swap3A_760 : vector<1x16xf32> to vector<16xf32>
      %swap3A_762 = vector.shape_cast %add3A_757 : vector<16xf32> to vector<1x16xf32>
      tpu.vector_store %arg8[%swap3A_758, %swap3A_759], %swap3A_762 {strides = array<i32>} : memref<64x768xf32, #tpu.memory_space<vmem>>, vector<1x16xf32>,
      %get3A_763 = arith.index_cast %scan3A_176 : i32 to index
      %get3A_764 = arith.constant 672 : index
      %get3A_765 = tpu.vector_load %arg8[%get3A_763, %get3A_764] {strides = array<i32>} : memref<64x768xf32, #tpu.memory_space<vmem>>, vector<1x16xf32>,
      %get3A_766 = vector.shape_cast %get3A_765 : vector<1x16xf32> to vector<16xf32>
      %get3A_767 = arith.index_cast %scan3A_176 : i32 to index
      %get3A_768 = arith.constant 672 : index
      %get3A_769 = tpu.vector_load %arg9[%get3A_767, %get3A_768] {strides = array<i32>} : memref<64x768xf32, #tpu.memory_space<vmem>>, vector<1x16xf32>,
      %get3A_770 = vector.shape_cast %get3A_769 : vector<1x16xf32> to vector<16xf32>
      %add3A_771 = arith.addf %get3A_766, %get3A_770 : vector<16xf32>
      %swap3A_772 = arith.index_cast %scan3A_176 : i32 to index
      %swap3A_773 = arith.constant 672 : index
      %swap3A_774 = tpu.vector_load %arg8[%swap3A_772, %swap3A_773] {strides = array<i32>} : memref<64x768xf32, #tpu.memory_space<vmem>>, vector<1x16xf32>,
      %swap3A_775 = vector.shape_cast %swap3A_774 : vector<1x16xf32> to vector<16xf32>
      %swap3A_776 = vector.shape_cast %add3A_771 : vector<16xf32> to vector<1x16xf32>
      tpu.vector_store %arg8[%swap3A_772, %swap3A_773], %swap3A_776 {strides = array<i32>} : memref<64x768xf32, #tpu.memory_space<vmem>>, vector<1x16xf32>,
      %get3A_777 = arith.index_cast %scan3A_176 : i32 to index
      %get3A_778 = arith.constant 688 : index
      %get3A_779 = tpu.vector_load %arg8[%get3A_777, %get3A_778] {strides = array<i32>} : memref<64x768xf32, #tpu.memory_space<vmem>>, vector<1x16xf32>,
      %get3A_780 = vector.shape_cast %get3A_779 : vector<1x16xf32> to vector<16xf32>
      %get3A_781 = arith.index_cast %scan3A_176 : i32 to index
      %get3A_782 = arith.constant 688 : index
      %get3A_783 = tpu.vector_load %arg9[%get3A_781, %get3A_782] {strides = array<i32>} : memref<64x768xf32, #tpu.memory_space<vmem>>, vector<1x16xf32>,
      %get3A_784 = vector.shape_cast %get3A_783 : vector<1x16xf32> to vector<16xf32>
      %add3A_785 = arith.addf %get3A_780, %get3A_784 : vector<16xf32>
      %swap3A_786 = arith.index_cast %scan3A_176 : i32 to index
      %swap3A_787 = arith.constant 688 : index
      %swap3A_788 = tpu.vector_load %arg8[%swap3A_786, %swap3A_787] {strides = array<i32>} : memref<64x768xf32, #tpu.memory_space<vmem>>, vector<1x16xf32>,
      %swap3A_789 = vector.shape_cast %swap3A_788 : vector<1x16xf32> to vector<16xf32>
      %swap3A_790 = vector.shape_cast %add3A_785 : vector<16xf32> to vector<1x16xf32>
      tpu.vector_store %arg8[%swap3A_786, %swap3A_787], %swap3A_790 {strides = array<i32>} : memref<64x768xf32, #tpu.memory_space<vmem>>, vector<1x16xf32>,
      %get3A_791 = arith.index_cast %scan3A_176 : i32 to index
      %get3A_792 = arith.constant 704 : index
      %get3A_793 = tpu.vector_load %arg8[%get3A_791, %get3A_792] {strides = array<i32>} : memref<64x768xf32, #tpu.memory_space<vmem>>, vector<1x16xf32>,
      %get3A_794 = vector.shape_cast %get3A_793 : vector<1x16xf32> to vector<16xf32>
      %get3A_795 = arith.index_cast %scan3A_176 : i32 to index
      %get3A_796 = arith.constant 704 : index
      %get3A_797 = tpu.vector_load %arg9[%get3A_795, %get3A_796] {strides = array<i32>} : memref<64x768xf32, #tpu.memory_space<vmem>>, vector<1x16xf32>,
      %get3A_798 = vector.shape_cast %get3A_797 : vector<1x16xf32> to vector<16xf32>
      %add3A_799 = arith.addf %get3A_794, %get3A_798 : vector<16xf32>
      %swap3A_800 = arith.index_cast %scan3A_176 : i32 to index
      %swap3A_801 = arith.constant 704 : index
      %swap3A_802 = tpu.vector_load %arg8[%swap3A_800, %swap3A_801] {strides = array<i32>} : memref<64x768xf32, #tpu.memory_space<vmem>>, vector<1x16xf32>,
      %swap3A_803 = vector.shape_cast %swap3A_802 : vector<1x16xf32> to vector<16xf32>
      %swap3A_804 = vector.shape_cast %add3A_799 : vector<16xf32> to vector<1x16xf32>
      tpu.vector_store %arg8[%swap3A_800, %swap3A_801], %swap3A_804 {strides = array<i32>} : memref<64x768xf32, #tpu.memory_space<vmem>>, vector<1x16xf32>,
      %get3A_805 = arith.index_cast %scan3A_176 : i32 to index
      %get3A_806 = arith.constant 720 : index
      %get3A_807 = tpu.vector_load %arg8[%get3A_805, %get3A_806] {strides = array<i32>} : memref<64x768xf32, #tpu.memory_space<vmem>>, vector<1x16xf32>,
      %get3A_808 = vector.shape_cast %get3A_807 : vector<1x16xf32> to vector<16xf32>
      %get3A_809 = arith.index_cast %scan3A_176 : i32 to index
      %get3A_810 = arith.constant 720 : index
      %get3A_811 = tpu.vector_load %arg9[%get3A_809, %get3A_810] {strides = array<i32>} : memref<64x768xf32, #tpu.memory_space<vmem>>, vector<1x16xf32>,
      %get3A_812 = vector.shape_cast %get3A_811 : vector<1x16xf32> to vector<16xf32>
      %add3A_813 = arith.addf %get3A_808, %get3A_812 : vector<16xf32>
      %swap3A_814 = arith.index_cast %scan3A_176 : i32 to index
      %swap3A_815 = arith.constant 720 : index
      %swap3A_816 = tpu.vector_load %arg8[%swap3A_814, %swap3A_815] {strides = array<i32>} : memref<64x768xf32, #tpu.memory_space<vmem>>, vector<1x16xf32>,
      %swap3A_817 = vector.shape_cast %swap3A_816 : vector<1x16xf32> to vector<16xf32>
      %swap3A_818 = vector.shape_cast %add3A_813 : vector<16xf32> to vector<1x16xf32>
      tpu.vector_store %arg8[%swap3A_814, %swap3A_815], %swap3A_818 {strides = array<i32>} : memref<64x768xf32, #tpu.memory_space<vmem>>, vector<1x16xf32>,
      %get3A_819 = arith.index_cast %scan3A_176 : i32 to index
      %get3A_820 = arith.constant 736 : index
      %get3A_821 = tpu.vector_load %arg8[%get3A_819, %get3A_820] {strides = array<i32>} : memref<64x768xf32, #tpu.memory_space<vmem>>, vector<1x16xf32>,
      %get3A_822 = vector.shape_cast %get3A_821 : vector<1x16xf32> to vector<16xf32>
      %get3A_823 = arith.index_cast %scan3A_176 : i32 to index
      %get3A_824 = arith.constant 736 : index
      %get3A_825 = tpu.vector_load %arg9[%get3A_823, %get3A_824] {strides = array<i32>} : memref<64x768xf32, #tpu.memory_space<vmem>>, vector<1x16xf32>,
      %get3A_826 = vector.shape_cast %get3A_825 : vector<1x16xf32> to vector<16xf32>
      %add3A_827 = arith.addf %get3A_822, %get3A_826 : vector<16xf32>
      %swap3A_828 = arith.index_cast %scan3A_176 : i32 to index
      %swap3A_829 = arith.constant 736 : index
      %swap3A_830 = tpu.vector_load %arg8[%swap3A_828, %swap3A_829] {strides = array<i32>} : memref<64x768xf32, #tpu.memory_space<vmem>>, vector<1x16xf32>,
      %swap3A_831 = vector.shape_cast %swap3A_830 : vector<1x16xf32> to vector<16xf32>
      %swap3A_832 = vector.shape_cast %add3A_827 : vector<16xf32> to vector<1x16xf32>
      tpu.vector_store %arg8[%swap3A_828, %swap3A_829], %swap3A_832 {strides = array<i32>} : memref<64x768xf32, #tpu.memory_space<vmem>>, vector<1x16xf32>,
      %get3A_833 = arith.index_cast %scan3A_176 : i32 to index
      %get3A_834 = arith.constant 752 : index
      %get3A_835 = tpu.vector_load %arg8[%get3A_833, %get3A_834] {strides = array<i32>} : memref<64x768xf32, #tpu.memory_space<vmem>>, vector<1x16xf32>,
      %get3A_836 = vector.shape_cast %get3A_835 : vector<1x16xf32> to vector<16xf32>
      %get3A_837 = arith.index_cast %scan3A_176 : i32 to index
      %get3A_838 = arith.constant 752 : index
      %get3A_839 = tpu.vector_load %arg9[%get3A_837, %get3A_838] {strides = array<i32>} : memref<64x768xf32, #tpu.memory_space<vmem>>, vector<1x16xf32>,
      %get3A_840 = vector.shape_cast %get3A_839 : vector<1x16xf32> to vector<16xf32>
      %add3A_841 = arith.addf %get3A_836, %get3A_840 : vector<16xf32>
      %swap3A_842 = arith.index_cast %scan3A_176 : i32 to index
      %swap3A_843 = arith.constant 752 : index
      %swap3A_844 = tpu.vector_load %arg8[%swap3A_842, %swap3A_843] {strides = array<i32>} : memref<64x768xf32, #tpu.memory_space<vmem>>, vector<1x16xf32>,
      %swap3A_845 = vector.shape_cast %swap3A_844 : vector<1x16xf32> to vector<16xf32>
      %swap3A_846 = vector.shape_cast %add3A_841 : vector<16xf32> to vector<1x16xf32>
      tpu.vector_store %arg8[%swap3A_842, %swap3A_843], %swap3A_846 {strides = array<i32>} : memref<64x768xf32, #tpu.memory_space<vmem>>, vector<1x16xf32>,
    }
    %scan3A_159 = arith.constant 32 : i32
    %scan3A_160 = arith.constant 0 : i32
    %scan3A_161 = arith.constant 32 : i32
    %scan3A_162 = arith.constant 32 : i32
    %scan3A_163 = arith.addi %scan3A_161, %scan3A_162 : i32
    %scan3A_164 = arith.constant 1 : i32
    scf.for %scan3A_176 = %scan3A_161 to %scan3A_163 step %scan3A_164  : i32 {
      %get3A = arith.index_cast %scan3A_176 : i32 to index
      %get3A_177 = arith.constant 0 : index
      %get3A_178 = tpu.vector_load %arg8[%get3A, %get3A_177] {strides = array<i32>} : memref<64x768xf32, #tpu.memory_space<vmem>>, vector<1x16xf32>,
      %get3A_179 = vector.shape_cast %get3A_178 : vector<1x16xf32> to vector<16xf32>
      %get3A_180 = arith.index_cast %scan3A_176 : i32 to index
      %get3A_181 = arith.constant 0 : index
      %get3A_182 = tpu.vector_load %arg9[%get3A_180, %get3A_181] {strides = array<i32>} : memref<64x768xf32, #tpu.memory_space<vmem>>, vector<1x16xf32>,
      %get3A_183 = vector.shape_cast %get3A_182 : vector<1x16xf32> to vector<16xf32>
      %add3A_184 = arith.addf %get3A_179, %get3A_183 : vector<16xf32>
      %swap3A = arith.index_cast %scan3A_176 : i32 to index
      %swap3A_185 = arith.constant 0 : index
      %swap3A_186 = tpu.vector_load %arg8[%swap3A, %swap3A_185] {strides = array<i32>} : memref<64x768xf32, #tpu.memory_space<vmem>>, vector<1x16xf32>,
      %swap3A_187 = vector.shape_cast %swap3A_186 : vector<1x16xf32> to vector<16xf32>
      %swap3A_188 = vector.shape_cast %add3A_184 : vector<16xf32> to vector<1x16xf32>
      tpu.vector_store %arg8[%swap3A, %swap3A_185], %swap3A_188 {strides = array<i32>} : memref<64x768xf32, #tpu.memory_space<vmem>>, vector<1x16xf32>,
      %get3A_189 = arith.index_cast %scan3A_176 : i32 to index
      %get3A_190 = arith.constant 16 : index
      %get3A_191 = tpu.vector_load %arg8[%get3A_189, %get3A_190] {strides = array<i32>} : memref<64x768xf32, #tpu.memory_space<vmem>>, vector<1x16xf32>,
      %get3A_192 = vector.shape_cast %get3A_191 : vector<1x16xf32> to vector<16xf32>
      %get3A_193 = arith.index_cast %scan3A_176 : i32 to index
      %get3A_194 = arith.constant 16 : index
      %get3A_195 = tpu.vector_load %arg9[%get3A_193, %get3A_194] {strides = array<i32>} : memref<64x768xf32, #tpu.memory_space<vmem>>, vector<1x16xf32>,
      %get3A_196 = vector.shape_cast %get3A_195 : vector<1x16xf32> to vector<16xf32>
      %add3A_197 = arith.addf %get3A_192, %get3A_196 : vector<16xf32>
      %swap3A_198 = arith.index_cast %scan3A_176 : i32 to index
      %swap3A_199 = arith.constant 16 : index
      %swap3A_200 = tpu.vector_load %arg8[%swap3A_198, %swap3A_199] {strides = array<i32>} : memref<64x768xf32, #tpu.memory_space<vmem>>, vector<1x16xf32>,
      %swap3A_201 = vector.shape_cast %swap3A_200 : vector<1x16xf32> to vector<16xf32>
      %swap3A_202 = vector.shape_cast %add3A_197 : vector<16xf32> to vector<1x16xf32>
      tpu.vector_store %arg8[%swap3A_198, %swap3A_199], %swap3A_202 {strides = array<i32>} : memref<64x768xf32, #tpu.memory_space<vmem>>, vector<1x16xf32>,
      %get3A_203 = arith.index_cast %scan3A_176 : i32 to index
      %get3A_204 = arith.constant 32 : index
      %get3A_205 = tpu.vector_load %arg8[%get3A_203, %get3A_204] {strides = array<i32>} : memref<64x768xf32, #tpu.memory_space<vmem>>, vector<1x16xf32>,
      %get3A_206 = vector.shape_cast %get3A_205 : vector<1x16xf32> to vector<16xf32>
      %get3A_207 = arith.index_cast %scan3A_176 : i32 to index
      %get3A_208 = arith.constant 32 : index
      %get3A_209 = tpu.vector_load %arg9[%get3A_207, %get3A_208] {strides = array<i32>} : memref<64x768xf32, #tpu.memory_space<vmem>>, vector<1x16xf32>,
      %get3A_210 = vector.shape_cast %get3A_209 : vector<1x16xf32> to vector<16xf32>
      %add3A_211 = arith.addf %get3A_206, %get3A_210 : vector<16xf32>
      %swap3A_212 = arith.index_cast %scan3A_176 : i32 to index
      %swap3A_213 = arith.constant 32 : index
      %swap3A_214 = tpu.vector_load %arg8[%swap3A_212, %swap3A_213] {strides = array<i32>} : memref<64x768xf32, #tpu.memory_space<vmem>>, vector<1x16xf32>,
      %swap3A_215 = vector.shape_cast %swap3A_214 : vector<1x16xf32> to vector<16xf32>
      %swap3A_216 = vector.shape_cast %add3A_211 : vector<16xf32> to vector<1x16xf32>
      tpu.vector_store %arg8[%swap3A_212, %swap3A_213], %swap3A_216 {strides = array<i32>} : memref<64x768xf32, #tpu.memory_space<vmem>>, vector<1x16xf32>,
      %get3A_217 = arith.index_cast %scan3A_176 : i32 to index
      %get3A_218 = arith.constant 48 : index
      %get3A_219 = tpu.vector_load %arg8[%get3A_217, %get3A_218] {strides = array<i32>} : memref<64x768xf32, #tpu.memory_space<vmem>>, vector<1x16xf32>,
      %get3A_220 = vector.shape_cast %get3A_219 : vector<1x16xf32> to vector<16xf32>
      %get3A_221 = arith.index_cast %scan3A_176 : i32 to index
      %get3A_222 = arith.constant 48 : index
      %get3A_223 = tpu.vector_load %arg9[%get3A_221, %get3A_222] {strides = array<i32>} : memref<64x768xf32, #tpu.memory_space<vmem>>, vector<1x16xf32>,
      %get3A_224 = vector.shape_cast %get3A_223 : vector<1x16xf32> to vector<16xf32>
      %add3A_225 = arith.addf %get3A_220, %get3A_224 : vector<16xf32>
      %swap3A_226 = arith.index_cast %scan3A_176 : i32 to index
      %swap3A_227 = arith.constant 48 : index
      %swap3A_228 = tpu.vector_load %arg8[%swap3A_226, %swap3A_227] {strides = array<i32>} : memref<64x768xf32, #tpu.memory_space<vmem>>, vector<1x16xf32>,
      %swap3A_229 = vector.shape_cast %swap3A_228 : vector<1x16xf32> to vector<16xf32>
      %swap3A_230 = vector.shape_cast %add3A_225 : vector<16xf32> to vector<1x16xf32>
      tpu.vector_store %arg8[%swap3A_226, %swap3A_227], %swap3A_230 {strides = array<i32>} : memref<64x768xf32, #tpu.memory_space<vmem>>, vector<1x16xf32>,
      %get3A_231 = arith.index_cast %scan3A_176 : i32 to index
      %get3A_232 = arith.constant 64 : index
      %get3A_233 = tpu.vector_load %arg8[%get3A_231, %get3A_232] {strides = array<i32>} : memref<64x768xf32, #tpu.memory_space<vmem>>, vector<1x16xf32>,
      %get3A_234 = vector.shape_cast %get3A_233 : vector<1x16xf32> to vector<16xf32>
      %get3A_235 = arith.index_cast %scan3A_176 : i32 to index
      %get3A_236 = arith.constant 64 : index
      %get3A_237 = tpu.vector_load %arg9[%get3A_235, %get3A_236] {strides = array<i32>} : memref<64x768xf32, #tpu.memory_space<vmem>>, vector<1x16xf32>,
      %get3A_238 = vector.shape_cast %get3A_237 : vector<1x16xf32> to vector<16xf32>
      %add3A_239 = arith.addf %get3A_234, %get3A_238 : vector<16xf32>
      %swap3A_240 = arith.index_cast %scan3A_176 : i32 to index
      %swap3A_241 = arith.constant 64 : index
      %swap3A_242 = tpu.vector_load %arg8[%swap3A_240, %swap3A_241] {strides = array<i32>} : memref<64x768xf32, #tpu.memory_space<vmem>>, vector<1x16xf32>,
      %swap3A_243 = vector.shape_cast %swap3A_242 : vector<1x16xf32> to vector<16xf32>
      %swap3A_244 = vector.shape_cast %add3A_239 : vector<16xf32> to vector<1x16xf32>
      tpu.vector_store %arg8[%swap3A_240, %swap3A_241], %swap3A_244 {strides = array<i32>} : memref<64x768xf32, #tpu.memory_space<vmem>>, vector<1x16xf32>,
      %get3A_245 = arith.index_cast %scan3A_176 : i32 to index
      %get3A_246 = arith.constant 80 : index
      %get3A_247 = tpu.vector_load %arg8[%get3A_245, %get3A_246] {strides = array<i32>} : memref<64x768xf32, #tpu.memory_space<vmem>>, vector<1x16xf32>,
      %get3A_248 = vector.shape_cast %get3A_247 : vector<1x16xf32> to vector<16xf32>
      %get3A_249 = arith.index_cast %scan3A_176 : i32 to index
      %get3A_250 = arith.constant 80 : index
      %get3A_251 = tpu.vector_load %arg9[%get3A_249, %get3A_250] {strides = array<i32>} : memref<64x768xf32, #tpu.memory_space<vmem>>, vector<1x16xf32>,
      %get3A_252 = vector.shape_cast %get3A_251 : vector<1x16xf32> to vector<16xf32>
      %add3A_253 = arith.addf %get3A_248, %get3A_252 : vector<16xf32>
      %swap3A_254 = arith.index_cast %scan3A_176 : i32 to index
      %swap3A_255 = arith.constant 80 : index
      %swap3A_256 = tpu.vector_load %arg8[%swap3A_254, %swap3A_255] {strides = array<i32>} : memref<64x768xf32, #tpu.memory_space<vmem>>, vector<1x16xf32>,
      %swap3A_257 = vector.shape_cast %swap3A_256 : vector<1x16xf32> to vector<16xf32>
      %swap3A_258 = vector.shape_cast %add3A_253 : vector<16xf32> to vector<1x16xf32>
      tpu.vector_store %arg8[%swap3A_254, %swap3A_255], %swap3A_258 {strides = array<i32>} : memref<64x768xf32, #tpu.memory_space<vmem>>, vector<1x16xf32>,
      %get3A_259 = arith.index_cast %scan3A_176 : i32 to index
      %get3A_260 = arith.constant 96 : index
      %get3A_261 = tpu.vector_load %arg8[%get3A_259, %get3A_260] {strides = array<i32>} : memref<64x768xf32, #tpu.memory_space<vmem>>, vector<1x16xf32>,
      %get3A_262 = vector.shape_cast %get3A_261 : vector<1x16xf32> to vector<16xf32>
      %get3A_263 = arith.index_cast %scan3A_176 : i32 to index
      %get3A_264 = arith.constant 96 : index
      %get3A_265 = tpu.vector_load %arg9[%get3A_263, %get3A_264] {strides = array<i32>} : memref<64x768xf32, #tpu.memory_space<vmem>>, vector<1x16xf32>,
      %get3A_266 = vector.shape_cast %get3A_265 : vector<1x16xf32> to vector<16xf32>
      %add3A_267 = arith.addf %get3A_262, %get3A_266 : vector<16xf32>
      %swap3A_268 = arith.index_cast %scan3A_176 : i32 to index
      %swap3A_269 = arith.constant 96 : index
      %swap3A_270 = tpu.vector_load %arg8[%swap3A_268, %swap3A_269] {strides = array<i32>} : memref<64x768xf32, #tpu.memory_space<vmem>>, vector<1x16xf32>,
      %swap3A_271 = vector.shape_cast %swap3A_270 : vector<1x16xf32> to vector<16xf32>
      %swap3A_272 = vector.shape_cast %add3A_267 : vector<16xf32> to vector<1x16xf32>
      tpu.vector_store %arg8[%swap3A_268, %swap3A_269], %swap3A_272 {strides = array<i32>} : memref<64x768xf32, #tpu.memory_space<vmem>>, vector<1x16xf32>,
      %get3A_273 = arith.index_cast %scan3A_176 : i32 to index
      %get3A_274 = arith.constant 112 : index
      %get3A_275 = tpu.vector_load %arg8[%get3A_273, %get3A_274] {strides = array<i32>} : memref<64x768xf32, #tpu.memory_space<vmem>>, vector<1x16xf32>,
      %get3A_276 = vector.shape_cast %get3A_275 : vector<1x16xf32> to vector<16xf32>
      %get3A_277 = arith.index_cast %scan3A_176 : i32 to index
      %get3A_278 = arith.constant 112 : index
      %get3A_279 = tpu.vector_load %arg9[%get3A_277, %get3A_278] {strides = array<i32>} : memref<64x768xf32, #tpu.memory_space<vmem>>, vector<1x16xf32>,
      %get3A_280 = vector.shape_cast %get3A_279 : vector<1x16xf32> to vector<16xf32>
      %add3A_281 = arith.addf %get3A_276, %get3A_280 : vector<16xf32>
      %swap3A_282 = arith.index_cast %scan3A_176 : i32 to index
      %swap3A_283 = arith.constant 112 : index
      %swap3A_284 = tpu.vector_load %arg8[%swap3A_282, %swap3A_283] {strides = array<i32>} : memref<64x768xf32, #tpu.memory_space<vmem>>, vector<1x16xf32>,
      %swap3A_285 = vector.shape_cast %swap3A_284 : vector<1x16xf32> to vector<16xf32>
      %swap3A_286 = vector.shape_cast %add3A_281 : vector<16xf32> to vector<1x16xf32>
      tpu.vector_store %arg8[%swap3A_282, %swap3A_283], %swap3A_286 {strides = array<i32>} : memref<64x768xf32, #tpu.memory_space<vmem>>, vector<1x16xf32>,
      %get3A_287 = arith.index_cast %scan3A_176 : i32 to index
      %get3A_288 = arith.constant 128 : index
      %get3A_289 = tpu.vector_load %arg8[%get3A_287, %get3A_288] {strides = array<i32>} : memref<64x768xf32, #tpu.memory_space<vmem>>, vector<1x16xf32>,
      %get3A_290 = vector.shape_cast %get3A_289 : vector<1x16xf32> to vector<16xf32>
      %get3A_291 = arith.index_cast %scan3A_176 : i32 to index
      %get3A_292 = arith.constant 128 : index
      %get3A_293 = tpu.vector_load %arg9[%get3A_291, %get3A_292] {strides = array<i32>} : memref<64x768xf32, #tpu.memory_space<vmem>>, vector<1x16xf32>,
      %get3A_294 = vector.shape_cast %get3A_293 : vector<1x16xf32> to vector<16xf32>
      %add3A_295 = arith.addf %get3A_290, %get3A_294 : vector<16xf32>
      %swap3A_296 = arith.index_cast %scan3A_176 : i32 to index
      %swap3A_297 = arith.constant 128 : index
      %swap3A_298 = tpu.vector_load %arg8[%swap3A_296, %swap3A_297] {strides = array<i32>} : memref<64x768xf32, #tpu.memory_space<vmem>>, vector<1x16xf32>,
      %swap3A_299 = vector.shape_cast %swap3A_298 : vector<1x16xf32> to vector<16xf32>
      %swap3A_300 = vector.shape_cast %add3A_295 : vector<16xf32> to vector<1x16xf32>
      tpu.vector_store %arg8[%swap3A_296, %swap3A_297], %swap3A_300 {strides = array<i32>} : memref<64x768xf32, #tpu.memory_space<vmem>>, vector<1x16xf32>,
      %get3A_301 = arith.index_cast %scan3A_176 : i32 to index
      %get3A_302 = arith.constant 144 : index
      %get3A_303 = tpu.vector_load %arg8[%get3A_301, %get3A_302] {strides = array<i32>} : memref<64x768xf32, #tpu.memory_space<vmem>>, vector<1x16xf32>,
      %get3A_304 = vector.shape_cast %get3A_303 : vector<1x16xf32> to vector<16xf32>
      %get3A_305 = arith.index_cast %scan3A_176 : i32 to index
      %get3A_306 = arith.constant 144 : index
      %get3A_307 = tpu.vector_load %arg9[%get3A_305, %get3A_306] {strides = array<i32>} : memref<64x768xf32, #tpu.memory_space<vmem>>, vector<1x16xf32>,
      %get3A_308 = vector.shape_cast %get3A_307 : vector<1x16xf32> to vector<16xf32>
      %add3A_309 = arith.addf %get3A_304, %get3A_308 : vector<16xf32>
      %swap3A_310 = arith.index_cast %scan3A_176 : i32 to index
      %swap3A_311 = arith.constant 144 : index
      %swap3A_312 = tpu.vector_load %arg8[%swap3A_310, %swap3A_311] {strides = array<i32>} : memref<64x768xf32, #tpu.memory_space<vmem>>, vector<1x16xf32>,
      %swap3A_313 = vector.shape_cast %swap3A_312 : vector<1x16xf32> to vector<16xf32>
      %swap3A_314 = vector.shape_cast %add3A_309 : vector<16xf32> to vector<1x16xf32>
      tpu.vector_store %arg8[%swap3A_310, %swap3A_311], %swap3A_314 {strides = array<i32>} : memref<64x768xf32, #tpu.memory_space<vmem>>, vector<1x16xf32>,
      %get3A_315 = arith.index_cast %scan3A_176 : i32 to index
      %get3A_316 = arith.constant 160 : index
      %get3A_317 = tpu.vector_load %arg8[%get3A_315, %get3A_316] {strides = array<i32>} : memref<64x768xf32, #tpu.memory_space<vmem>>, vector<1x16xf32>,
      %get3A_318 = vector.shape_cast %get3A_317 : vector<1x16xf32> to vector<16xf32>
      %get3A_319 = arith.index_cast %scan3A_176 : i32 to index
      %get3A_320 = arith.constant 160 : index
      %get3A_321 = tpu.vector_load %arg9[%get3A_319, %get3A_320] {strides = array<i32>} : memref<64x768xf32, #tpu.memory_space<vmem>>, vector<1x16xf32>,
      %get3A_322 = vector.shape_cast %get3A_321 : vector<1x16xf32> to vector<16xf32>
      %add3A_323 = arith.addf %get3A_318, %get3A_322 : vector<16xf32>
      %swap3A_324 = arith.index_cast %scan3A_176 : i32 to index
      %swap3A_325 = arith.constant 160 : index
      %swap3A_326 = tpu.vector_load %arg8[%swap3A_324, %swap3A_325] {strides = array<i32>} : memref<64x768xf32, #tpu.memory_space<vmem>>, vector<1x16xf32>,
      %swap3A_327 = vector.shape_cast %swap3A_326 : vector<1x16xf32> to vector<16xf32>
      %swap3A_328 = vector.shape_cast %add3A_323 : vector<16xf32> to vector<1x16xf32>
      tpu.vector_store %arg8[%swap3A_324, %swap3A_325], %swap3A_328 {strides = array<i32>} : memref<64x768xf32, #tpu.memory_space<vmem>>, vector<1x16xf32>,
      %get3A_329 = arith.index_cast %scan3A_176 : i32 to index
      %get3A_330 = arith.constant 176 : index
      %get3A_331 = tpu.vector_load %arg8[%get3A_329, %get3A_330] {strides = array<i32>} : memref<64x768xf32, #tpu.memory_space<vmem>>, vector<1x16xf32>,
      %get3A_332 = vector.shape_cast %get3A_331 : vector<1x16xf32> to vector<16xf32>
      %get3A_333 = arith.index_cast %scan3A_176 : i32 to index
      %get3A_334 = arith.constant 176 : index
      %get3A_335 = tpu.vector_load %arg9[%get3A_333, %get3A_334] {strides = array<i32>} : memref<64x768xf32, #tpu.memory_space<vmem>>, vector<1x16xf32>,
      %get3A_336 = vector.shape_cast %get3A_335 : vector<1x16xf32> to vector<16xf32>
      %add3A_337 = arith.addf %get3A_332, %get3A_336 : vector<16xf32>
      %swap3A_338 = arith.index_cast %scan3A_176 : i32 to index
      %swap3A_339 = arith.constant 176 : index
      %swap3A_340 = tpu.vector_load %arg8[%swap3A_338, %swap3A_339] {strides = array<i32>} : memref<64x768xf32, #tpu.memory_space<vmem>>, vector<1x16xf32>,
      %swap3A_341 = vector.shape_cast %swap3A_340 : vector<1x16xf32> to vector<16xf32>
      %swap3A_342 = vector.shape_cast %add3A_337 : vector<16xf32> to vector<1x16xf32>
      tpu.vector_store %arg8[%swap3A_338, %swap3A_339], %swap3A_342 {strides = array<i32>} : memref<64x768xf32, #tpu.memory_space<vmem>>, vector<1x16xf32>,
      %get3A_343 = arith.index_cast %scan3A_176 : i32 to index
      %get3A_344 = arith.constant 192 : index
      %get3A_345 = tpu.vector_load %arg8[%get3A_343, %get3A_344] {strides = array<i32>} : memref<64x768xf32, #tpu.memory_space<vmem>>, vector<1x16xf32>,
      %get3A_346 = vector.shape_cast %get3A_345 : vector<1x16xf32> to vector<16xf32>
      %get3A_347 = arith.index_cast %scan3A_176 : i32 to index
      %get3A_348 = arith.constant 192 : index
      %get3A_349 = tpu.vector_load %arg9[%get3A_347, %get3A_348] {strides = array<i32>} : memref<64x768xf32, #tpu.memory_space<vmem>>, vector<1x16xf32>,
      %get3A_350 = vector.shape_cast %get3A_349 : vector<1x16xf32> to vector<16xf32>
      %add3A_351 = arith.addf %get3A_346, %get3A_350 : vector<16xf32>
      %swap3A_352 = arith.index_cast %scan3A_176 : i32 to index
      %swap3A_353 = arith.constant 192 : index
      %swap3A_354 = tpu.vector_load %arg8[%swap3A_352, %swap3A_353] {strides = array<i32>} : memref<64x768xf32, #tpu.memory_space<vmem>>, vector<1x16xf32>,
      %swap3A_355 = vector.shape_cast %swap3A_354 : vector<1x16xf32> to vector<16xf32>
      %swap3A_356 = vector.shape_cast %add3A_351 : vector<16xf32> to vector<1x16xf32>
      tpu.vector_store %arg8[%swap3A_352, %swap3A_353], %swap3A_356 {strides = array<i32>} : memref<64x768xf32, #tpu.memory_space<vmem>>, vector<1x16xf32>,
      %get3A_357 = arith.index_cast %scan3A_176 : i32 to index
      %get3A_358 = arith.constant 208 : index
      %get3A_359 = tpu.vector_load %arg8[%get3A_357, %get3A_358] {strides = array<i32>} : memref<64x768xf32, #tpu.memory_space<vmem>>, vector<1x16xf32>,
      %get3A_360 = vector.shape_cast %get3A_359 : vector<1x16xf32> to vector<16xf32>
      %get3A_361 = arith.index_cast %scan3A_176 : i32 to index
      %get3A_362 = arith.constant 208 : index
      %get3A_363 = tpu.vector_load %arg9[%get3A_361, %get3A_362] {strides = array<i32>} : memref<64x768xf32, #tpu.memory_space<vmem>>, vector<1x16xf32>,
      %get3A_364 = vector.shape_cast %get3A_363 : vector<1x16xf32> to vector<16xf32>
      %add3A_365 = arith.addf %get3A_360, %get3A_364 : vector<16xf32>
      %swap3A_366 = arith.index_cast %scan3A_176 : i32 to index
      %swap3A_367 = arith.constant 208 : index
      %swap3A_368 = tpu.vector_load %arg8[%swap3A_366, %swap3A_367] {strides = array<i32>} : memref<64x768xf32, #tpu.memory_space<vmem>>, vector<1x16xf32>,
      %swap3A_369 = vector.shape_cast %swap3A_368 : vector<1x16xf32> to vector<16xf32>
      %swap3A_370 = vector.shape_cast %add3A_365 : vector<16xf32> to vector<1x16xf32>
      tpu.vector_store %arg8[%swap3A_366, %swap3A_367], %swap3A_370 {strides = array<i32>} : memref<64x768xf32, #tpu.memory_space<vmem>>, vector<1x16xf32>,
      %get3A_371 = arith.index_cast %scan3A_176 : i32 to index
      %get3A_372 = arith.constant 224 : index
      %get3A_373 = tpu.vector_load %arg8[%get3A_371, %get3A_372] {strides = array<i32>} : memref<64x768xf32, #tpu.memory_space<vmem>>, vector<1x16xf32>,
      %get3A_374 = vector.shape_cast %get3A_373 : vector<1x16xf32> to vector<16xf32>
      %get3A_375 = arith.index_cast %scan3A_176 : i32 to index
      %get3A_376 = arith.constant 224 : index
      %get3A_377 = tpu.vector_load %arg9[%get3A_375, %get3A_376] {strides = array<i32>} : memref<64x768xf32, #tpu.memory_space<vmem>>, vector<1x16xf32>,
      %get3A_378 = vector.shape_cast %get3A_377 : vector<1x16xf32> to vector<16xf32>
      %add3A_379 = arith.addf %get3A_374, %get3A_378 : vector<16xf32>
      %swap3A_380 = arith.index_cast %scan3A_176 : i32 to index
      %swap3A_381 = arith.constant 224 : index
      %swap3A_382 = tpu.vector_load %arg8[%swap3A_380, %swap3A_381] {strides = array<i32>} : memref<64x768xf32, #tpu.memory_space<vmem>>, vector<1x16xf32>,
      %swap3A_383 = vector.shape_cast %swap3A_382 : vector<1x16xf32> to vector<16xf32>
      %swap3A_384 = vector.shape_cast %add3A_379 : vector<16xf32> to vector<1x16xf32>
      tpu.vector_store %arg8[%swap3A_380, %swap3A_381], %swap3A_384 {strides = array<i32>} : memref<64x768xf32, #tpu.memory_space<vmem>>, vector<1x16xf32>,
      %get3A_385 = arith.index_cast %scan3A_176 : i32 to index
      %get3A_386 = arith.constant 240 : index
      %get3A_387 = tpu.vector_load %arg8[%get3A_385, %get3A_386] {strides = array<i32>} : memref<64x768xf32, #tpu.memory_space<vmem>>, vector<1x16xf32>,
      %get3A_388 = vector.shape_cast %get3A_387 : vector<1x16xf32> to vector<16xf32>
      %get3A_389 = arith.index_cast %scan3A_176 : i32 to index
      %get3A_390 = arith.constant 240 : index
      %get3A_391 = tpu.vector_load %arg9[%get3A_389, %get3A_390] {strides = array<i32>} : memref<64x768xf32, #tpu.memory_space<vmem>>, vector<1x16xf32>,
      %get3A_392 = vector.shape_cast %get3A_391 : vector<1x16xf32> to vector<16xf32>
      %add3A_393 = arith.addf %get3A_388, %get3A_392 : vector<16xf32>
      %swap3A_394 = arith.index_cast %scan3A_176 : i32 to index
      %swap3A_395 = arith.constant 240 : index
      %swap3A_396 = tpu.vector_load %arg8[%swap3A_394, %swap3A_395] {strides = array<i32>} : memref<64x768xf32, #tpu.memory_space<vmem>>, vector<1x16xf32>,
      %swap3A_397 = vector.shape_cast %swap3A_396 : vector<1x16xf32> to vector<16xf32>
      %swap3A_398 = vector.shape_cast %add3A_393 : vector<16xf32> to vector<1x16xf32>
      tpu.vector_store %arg8[%swap3A_394, %swap3A_395], %swap3A_398 {strides = array<i32>} : memref<64x768xf32, #tpu.memory_space<vmem>>, vector<1x16xf32>,
      %get3A_399 = arith.index_cast %scan3A_176 : i32 to index
      %get3A_400 = arith.constant 256 : index
      %get3A_401 = tpu.vector_load %arg8[%get3A_399, %get3A_400] {strides = array<i32>} : memref<64x768xf32, #tpu.memory_space<vmem>>, vector<1x16xf32>,
      %get3A_402 = vector.shape_cast %get3A_401 : vector<1x16xf32> to vector<16xf32>
      %get3A_403 = arith.index_cast %scan3A_176 : i32 to index
      %get3A_404 = arith.constant 256 : index
      %get3A_405 = tpu.vector_load %arg9[%get3A_403, %get3A_404] {strides = array<i32>} : memref<64x768xf32, #tpu.memory_space<vmem>>, vector<1x16xf32>,
      %get3A_406 = vector.shape_cast %get3A_405 : vector<1x16xf32> to vector<16xf32>
      %add3A_407 = arith.addf %get3A_402, %get3A_406 : vector<16xf32>
      %swap3A_408 = arith.index_cast %scan3A_176 : i32 to index
      %swap3A_409 = arith.constant 256 : index
      %swap3A_410 = tpu.vector_load %arg8[%swap3A_408, %swap3A_409] {strides = array<i32>} : memref<64x768xf32, #tpu.memory_space<vmem>>, vector<1x16xf32>,
      %swap3A_411 = vector.shape_cast %swap3A_410 : vector<1x16xf32> to vector<16xf32>
      %swap3A_412 = vector.shape_cast %add3A_407 : vector<16xf32> to vector<1x16xf32>
      tpu.vector_store %arg8[%swap3A_408, %swap3A_409], %swap3A_412 {strides = array<i32>} : memref<64x768xf32, #tpu.memory_space<vmem>>, vector<1x16xf32>,
      %get3A_413 = arith.index_cast %scan3A_176 : i32 to index
      %get3A_414 = arith.constant 272 : index
      %get3A_415 = tpu.vector_load %arg8[%get3A_413, %get3A_414] {strides = array<i32>} : memref<64x768xf32, #tpu.memory_space<vmem>>, vector<1x16xf32>,
      %get3A_416 = vector.shape_cast %get3A_415 : vector<1x16xf32> to vector<16xf32>
      %get3A_417 = arith.index_cast %scan3A_176 : i32 to index
      %get3A_418 = arith.constant 272 : index
      %get3A_419 = tpu.vector_load %arg9[%get3A_417, %get3A_418] {strides = array<i32>} : memref<64x768xf32, #tpu.memory_space<vmem>>, vector<1x16xf32>,
      %get3A_420 = vector.shape_cast %get3A_419 : vector<1x16xf32> to vector<16xf32>
      %add3A_421 = arith.addf %get3A_416, %get3A_420 : vector<16xf32>
      %swap3A_422 = arith.index_cast %scan3A_176 : i32 to index
      %swap3A_423 = arith.constant 272 : index
      %swap3A_424 = tpu.vector_load %arg8[%swap3A_422, %swap3A_423] {strides = array<i32>} : memref<64x768xf32, #tpu.memory_space<vmem>>, vector<1x16xf32>,
      %swap3A_425 = vector.shape_cast %swap3A_424 : vector<1x16xf32> to vector<16xf32>
      %swap3A_426 = vector.shape_cast %add3A_421 : vector<16xf32> to vector<1x16xf32>
      tpu.vector_store %arg8[%swap3A_422, %swap3A_423], %swap3A_426 {strides = array<i32>} : memref<64x768xf32, #tpu.memory_space<vmem>>, vector<1x16xf32>,
      %get3A_427 = arith.index_cast %scan3A_176 : i32 to index
      %get3A_428 = arith.constant 288 : index
      %get3A_429 = tpu.vector_load %arg8[%get3A_427, %get3A_428] {strides = array<i32>} : memref<64x768xf32, #tpu.memory_space<vmem>>, vector<1x16xf32>,
      %get3A_430 = vector.shape_cast %get3A_429 : vector<1x16xf32> to vector<16xf32>
      %get3A_431 = arith.index_cast %scan3A_176 : i32 to index
      %get3A_432 = arith.constant 288 : index
      %get3A_433 = tpu.vector_load %arg9[%get3A_431, %get3A_432] {strides = array<i32>} : memref<64x768xf32, #tpu.memory_space<vmem>>, vector<1x16xf32>,
      %get3A_434 = vector.shape_cast %get3A_433 : vector<1x16xf32> to vector<16xf32>
      %add3A_435 = arith.addf %get3A_430, %get3A_434 : vector<16xf32>
      %swap3A_436 = arith.index_cast %scan3A_176 : i32 to index
      %swap3A_437 = arith.constant 288 : index
      %swap3A_438 = tpu.vector_load %arg8[%swap3A_436, %swap3A_437] {strides = array<i32>} : memref<64x768xf32, #tpu.memory_space<vmem>>, vector<1x16xf32>,
      %swap3A_439 = vector.shape_cast %swap3A_438 : vector<1x16xf32> to vector<16xf32>
      %swap3A_440 = vector.shape_cast %add3A_435 : vector<16xf32> to vector<1x16xf32>
      tpu.vector_store %arg8[%swap3A_436, %swap3A_437], %swap3A_440 {strides = array<i32>} : memref<64x768xf32, #tpu.memory_space<vmem>>, vector<1x16xf32>,
      %get3A_441 = arith.index_cast %scan3A_176 : i32 to index
      %get3A_442 = arith.constant 304 : index
      %get3A_443 = tpu.vector_load %arg8[%get3A_441, %get3A_442] {strides = array<i32>} : memref<64x768xf32, #tpu.memory_space<vmem>>, vector<1x16xf32>,
      %get3A_444 = vector.shape_cast %get3A_443 : vector<1x16xf32> to vector<16xf32>
      %get3A_445 = arith.index_cast %scan3A_176 : i32 to index
      %get3A_446 = arith.constant 304 : index
      %get3A_447 = tpu.vector_load %arg9[%get3A_445, %get3A_446] {strides = array<i32>} : memref<64x768xf32, #tpu.memory_space<vmem>>, vector<1x16xf32>,
      %get3A_448 = vector.shape_cast %get3A_447 : vector<1x16xf32> to vector<16xf32>
      %add3A_449 = arith.addf %get3A_444, %get3A_448 : vector<16xf32>
      %swap3A_450 = arith.index_cast %scan3A_176 : i32 to index
      %swap3A_451 = arith.constant 304 : index
      %swap3A_452 = tpu.vector_load %arg8[%swap3A_450, %swap3A_451] {strides = array<i32>} : memref<64x768xf32, #tpu.memory_space<vmem>>, vector<1x16xf32>,
      %swap3A_453 = vector.shape_cast %swap3A_452 : vector<1x16xf32> to vector<16xf32>
      %swap3A_454 = vector.shape_cast %add3A_449 : vector<16xf32> to vector<1x16xf32>
      tpu.vector_store %arg8[%swap3A_450, %swap3A_451], %swap3A_454 {strides = array<i32>} : memref<64x768xf32, #tpu.memory_space<vmem>>, vector<1x16xf32>,
      %get3A_455 = arith.index_cast %scan3A_176 : i32 to index
      %get3A_456 = arith.constant 320 : index
      %get3A_457 = tpu.vector_load %arg8[%get3A_455, %get3A_456] {strides = array<i32>} : memref<64x768xf32, #tpu.memory_space<vmem>>, vector<1x16xf32>,
      %get3A_458 = vector.shape_cast %get3A_457 : vector<1x16xf32> to vector<16xf32>
      %get3A_459 = arith.index_cast %scan3A_176 : i32 to index
      %get3A_460 = arith.constant 320 : index
      %get3A_461 = tpu.vector_load %arg9[%get3A_459, %get3A_460] {strides = array<i32>} : memref<64x768xf32, #tpu.memory_space<vmem>>, vector<1x16xf32>,
      %get3A_462 = vector.shape_cast %get3A_461 : vector<1x16xf32> to vector<16xf32>
      %add3A_463 = arith.addf %get3A_458, %get3A_462 : vector<16xf32>
      %swap3A_464 = arith.index_cast %scan3A_176 : i32 to index
      %swap3A_465 = arith.constant 320 : index
      %swap3A_466 = tpu.vector_load %arg8[%swap3A_464, %swap3A_465] {strides = array<i32>} : memref<64x768xf32, #tpu.memory_space<vmem>>, vector<1x16xf32>,
      %swap3A_467 = vector.shape_cast %swap3A_466 : vector<1x16xf32> to vector<16xf32>
      %swap3A_468 = vector.shape_cast %add3A_463 : vector<16xf32> to vector<1x16xf32>
      tpu.vector_store %arg8[%swap3A_464, %swap3A_465], %swap3A_468 {strides = array<i32>} : memref<64x768xf32, #tpu.memory_space<vmem>>, vector<1x16xf32>,
      %get3A_469 = arith.index_cast %scan3A_176 : i32 to index
      %get3A_470 = arith.constant 336 : index
      %get3A_471 = tpu.vector_load %arg8[%get3A_469, %get3A_470] {strides = array<i32>} : memref<64x768xf32, #tpu.memory_space<vmem>>, vector<1x16xf32>,
      %get3A_472 = vector.shape_cast %get3A_471 : vector<1x16xf32> to vector<16xf32>
      %get3A_473 = arith.index_cast %scan3A_176 : i32 to index
      %get3A_474 = arith.constant 336 : index
      %get3A_475 = tpu.vector_load %arg9[%get3A_473, %get3A_474] {strides = array<i32>} : memref<64x768xf32, #tpu.memory_space<vmem>>, vector<1x16xf32>,
      %get3A_476 = vector.shape_cast %get3A_475 : vector<1x16xf32> to vector<16xf32>
      %add3A_477 = arith.addf %get3A_472, %get3A_476 : vector<16xf32>
      %swap3A_478 = arith.index_cast %scan3A_176 : i32 to index
      %swap3A_479 = arith.constant 336 : index
      %swap3A_480 = tpu.vector_load %arg8[%swap3A_478, %swap3A_479] {strides = array<i32>} : memref<64x768xf32, #tpu.memory_space<vmem>>, vector<1x16xf32>,
      %swap3A_481 = vector.shape_cast %swap3A_480 : vector<1x16xf32> to vector<16xf32>
      %swap3A_482 = vector.shape_cast %add3A_477 : vector<16xf32> to vector<1x16xf32>
      tpu.vector_store %arg8[%swap3A_478, %swap3A_479], %swap3A_482 {strides = array<i32>} : memref<64x768xf32, #tpu.memory_space<vmem>>, vector<1x16xf32>,
      %get3A_483 = arith.index_cast %scan3A_176 : i32 to index
      %get3A_484 = arith.constant 352 : index
      %get3A_485 = tpu.vector_load %arg8[%get3A_483, %get3A_484] {strides = array<i32>} : memref<64x768xf32, #tpu.memory_space<vmem>>, vector<1x16xf32>,
      %get3A_486 = vector.shape_cast %get3A_485 : vector<1x16xf32> to vector<16xf32>
      %get3A_487 = arith.index_cast %scan3A_176 : i32 to index
      %get3A_488 = arith.constant 352 : index
      %get3A_489 = tpu.vector_load %arg9[%get3A_487, %get3A_488] {strides = array<i32>} : memref<64x768xf32, #tpu.memory_space<vmem>>, vector<1x16xf32>,
      %get3A_490 = vector.shape_cast %get3A_489 : vector<1x16xf32> to vector<16xf32>
      %add3A_491 = arith.addf %get3A_486, %get3A_490 : vector<16xf32>
      %swap3A_492 = arith.index_cast %scan3A_176 : i32 to index
      %swap3A_493 = arith.constant 352 : index
      %swap3A_494 = tpu.vector_load %arg8[%swap3A_492, %swap3A_493] {strides = array<i32>} : memref<64x768xf32, #tpu.memory_space<vmem>>, vector<1x16xf32>,
      %swap3A_495 = vector.shape_cast %swap3A_494 : vector<1x16xf32> to vector<16xf32>
      %swap3A_496 = vector.shape_cast %add3A_491 : vector<16xf32> to vector<1x16xf32>
      tpu.vector_store %arg8[%swap3A_492, %swap3A_493], %swap3A_496 {strides = array<i32>} : memref<64x768xf32, #tpu.memory_space<vmem>>, vector<1x16xf32>,
      %get3A_497 = arith.index_cast %scan3A_176 : i32 to index
      %get3A_498 = arith.constant 368 : index
      %get3A_499 = tpu.vector_load %arg8[%get3A_497, %get3A_498] {strides = array<i32>} : memref<64x768xf32, #tpu.memory_space<vmem>>, vector<1x16xf32>,
      %get3A_500 = vector.shape_cast %get3A_499 : vector<1x16xf32> to vector<16xf32>
      %get3A_501 = arith.index_cast %scan3A_176 : i32 to index
      %get3A_502 = arith.constant 368 : index
      %get3A_503 = tpu.vector_load %arg9[%get3A_501, %get3A_502] {strides = array<i32>} : memref<64x768xf32, #tpu.memory_space<vmem>>, vector<1x16xf32>,
      %get3A_504 = vector.shape_cast %get3A_503 : vector<1x16xf32> to vector<16xf32>
      %add3A_505 = arith.addf %get3A_500, %get3A_504 : vector<16xf32>
      %swap3A_506 = arith.index_cast %scan3A_176 : i32 to index
      %swap3A_507 = arith.constant 368 : index
      %swap3A_508 = tpu.vector_load %arg8[%swap3A_506, %swap3A_507] {strides = array<i32>} : memref<64x768xf32, #tpu.memory_space<vmem>>, vector<1x16xf32>,
      %swap3A_509 = vector.shape_cast %swap3A_508 : vector<1x16xf32> to vector<16xf32>
      %swap3A_510 = vector.shape_cast %add3A_505 : vector<16xf32> to vector<1x16xf32>
      tpu.vector_store %arg8[%swap3A_506, %swap3A_507], %swap3A_510 {strides = array<i32>} : memref<64x768xf32, #tpu.memory_space<vmem>>, vector<1x16xf32>,
      %get3A_511 = arith.index_cast %scan3A_176 : i32 to index
      %get3A_512 = arith.constant 384 : index
      %get3A_513 = tpu.vector_load %arg8[%get3A_511, %get3A_512] {strides = array<i32>} : memref<64x768xf32, #tpu.memory_space<vmem>>, vector<1x16xf32>,
      %get3A_514 = vector.shape_cast %get3A_513 : vector<1x16xf32> to vector<16xf32>
      %get3A_515 = arith.index_cast %scan3A_176 : i32 to index
      %get3A_516 = arith.constant 384 : index
      %get3A_517 = tpu.vector_load %arg9[%get3A_515, %get3A_516] {strides = array<i32>} : memref<64x768xf32, #tpu.memory_space<vmem>>, vector<1x16xf32>,
      %get3A_518 = vector.shape_cast %get3A_517 : vector<1x16xf32> to vector<16xf32>
      %add3A_519 = arith.addf %get3A_514, %get3A_518 : vector<16xf32>
      %swap3A_520 = arith.index_cast %scan3A_176 : i32 to index
      %swap3A_521 = arith.constant 384 : index
      %swap3A_522 = tpu.vector_load %arg8[%swap3A_520, %swap3A_521] {strides = array<i32>} : memref<64x768xf32, #tpu.memory_space<vmem>>, vector<1x16xf32>,
      %swap3A_523 = vector.shape_cast %swap3A_522 : vector<1x16xf32> to vector<16xf32>
      %swap3A_524 = vector.shape_cast %add3A_519 : vector<16xf32> to vector<1x16xf32>
      tpu.vector_store %arg8[%swap3A_520, %swap3A_521], %swap3A_524 {strides = array<i32>} : memref<64x768xf32, #tpu.memory_space<vmem>>, vector<1x16xf32>,
      %get3A_525 = arith.index_cast %scan3A_176 : i32 to index
      %get3A_526 = arith.constant 400 : index
      %get3A_527 = tpu.vector_load %arg8[%get3A_525, %get3A_526] {strides = array<i32>} : memref<64x768xf32, #tpu.memory_space<vmem>>, vector<1x16xf32>,
      %get3A_528 = vector.shape_cast %get3A_527 : vector<1x16xf32> to vector<16xf32>
      %get3A_529 = arith.index_cast %scan3A_176 : i32 to index
      %get3A_530 = arith.constant 400 : index
      %get3A_531 = tpu.vector_load %arg9[%get3A_529, %get3A_530] {strides = array<i32>} : memref<64x768xf32, #tpu.memory_space<vmem>>, vector<1x16xf32>,
      %get3A_532 = vector.shape_cast %get3A_531 : vector<1x16xf32> to vector<16xf32>
      %add3A_533 = arith.addf %get3A_528, %get3A_532 : vector<16xf32>
      %swap3A_534 = arith.index_cast %scan3A_176 : i32 to index
      %swap3A_535 = arith.constant 400 : index
      %swap3A_536 = tpu.vector_load %arg8[%swap3A_534, %swap3A_535] {strides = array<i32>} : memref<64x768xf32, #tpu.memory_space<vmem>>, vector<1x16xf32>,
      %swap3A_537 = vector.shape_cast %swap3A_536 : vector<1x16xf32> to vector<16xf32>
      %swap3A_538 = vector.shape_cast %add3A_533 : vector<16xf32> to vector<1x16xf32>
      tpu.vector_store %arg8[%swap3A_534, %swap3A_535], %swap3A_538 {strides = array<i32>} : memref<64x768xf32, #tpu.memory_space<vmem>>, vector<1x16xf32>,
      %get3A_539 = arith.index_cast %scan3A_176 : i32 to index
      %get3A_540 = arith.constant 416 : index
      %get3A_541 = tpu.vector_load %arg8[%get3A_539, %get3A_540] {strides = array<i32>} : memref<64x768xf32, #tpu.memory_space<vmem>>, vector<1x16xf32>,
      %get3A_542 = vector.shape_cast %get3A_541 : vector<1x16xf32> to vector<16xf32>
      %get3A_543 = arith.index_cast %scan3A_176 : i32 to index
      %get3A_544 = arith.constant 416 : index
      %get3A_545 = tpu.vector_load %arg9[%get3A_543, %get3A_544] {strides = array<i32>} : memref<64x768xf32, #tpu.memory_space<vmem>>, vector<1x16xf32>,
      %get3A_546 = vector.shape_cast %get3A_545 : vector<1x16xf32> to vector<16xf32>
      %add3A_547 = arith.addf %get3A_542, %get3A_546 : vector<16xf32>
      %swap3A_548 = arith.index_cast %scan3A_176 : i32 to index
      %swap3A_549 = arith.constant 416 : index
      %swap3A_550 = tpu.vector_load %arg8[%swap3A_548, %swap3A_549] {strides = array<i32>} : memref<64x768xf32, #tpu.memory_space<vmem>>, vector<1x16xf32>,
      %swap3A_551 = vector.shape_cast %swap3A_550 : vector<1x16xf32> to vector<16xf32>
      %swap3A_552 = vector.shape_cast %add3A_547 : vector<16xf32> to vector<1x16xf32>
      tpu.vector_store %arg8[%swap3A_548, %swap3A_549], %swap3A_552 {strides = array<i32>} : memref<64x768xf32, #tpu.memory_space<vmem>>, vector<1x16xf32>,
      %get3A_553 = arith.index_cast %scan3A_176 : i32 to index
      %get3A_554 = arith.constant 432 : index
      %get3A_555 = tpu.vector_load %arg8[%get3A_553, %get3A_554] {strides = array<i32>} : memref<64x768xf32, #tpu.memory_space<vmem>>, vector<1x16xf32>,
      %get3A_556 = vector.shape_cast %get3A_555 : vector<1x16xf32> to vector<16xf32>
      %get3A_557 = arith.index_cast %scan3A_176 : i32 to index
      %get3A_558 = arith.constant 432 : index
      %get3A_559 = tpu.vector_load %arg9[%get3A_557, %get3A_558] {strides = array<i32>} : memref<64x768xf32, #tpu.memory_space<vmem>>, vector<1x16xf32>,
      %get3A_560 = vector.shape_cast %get3A_559 : vector<1x16xf32> to vector<16xf32>
      %add3A_561 = arith.addf %get3A_556, %get3A_560 : vector<16xf32>
      %swap3A_562 = arith.index_cast %scan3A_176 : i32 to index
      %swap3A_563 = arith.constant 432 : index
      %swap3A_564 = tpu.vector_load %arg8[%swap3A_562, %swap3A_563] {strides = array<i32>} : memref<64x768xf32, #tpu.memory_space<vmem>>, vector<1x16xf32>,
      %swap3A_565 = vector.shape_cast %swap3A_564 : vector<1x16xf32> to vector<16xf32>
      %swap3A_566 = vector.shape_cast %add3A_561 : vector<16xf32> to vector<1x16xf32>
      tpu.vector_store %arg8[%swap3A_562, %swap3A_563], %swap3A_566 {strides = array<i32>} : memref<64x768xf32, #tpu.memory_space<vmem>>, vector<1x16xf32>,
      %get3A_567 = arith.index_cast %scan3A_176 : i32 to index
      %get3A_568 = arith.constant 448 : index
      %get3A_569 = tpu.vector_load %arg8[%get3A_567, %get3A_568] {strides = array<i32>} : memref<64x768xf32, #tpu.memory_space<vmem>>, vector<1x16xf32>,
      %get3A_570 = vector.shape_cast %get3A_569 : vector<1x16xf32> to vector<16xf32>
      %get3A_571 = arith.index_cast %scan3A_176 : i32 to index
      %get3A_572 = arith.constant 448 : index
      %get3A_573 = tpu.vector_load %arg9[%get3A_571, %get3A_572] {strides = array<i32>} : memref<64x768xf32, #tpu.memory_space<vmem>>, vector<1x16xf32>,
      %get3A_574 = vector.shape_cast %get3A_573 : vector<1x16xf32> to vector<16xf32>
      %add3A_575 = arith.addf %get3A_570, %get3A_574 : vector<16xf32>
      %swap3A_576 = arith.index_cast %scan3A_176 : i32 to index
      %swap3A_577 = arith.constant 448 : index
      %swap3A_578 = tpu.vector_load %arg8[%swap3A_576, %swap3A_577] {strides = array<i32>} : memref<64x768xf32, #tpu.memory_space<vmem>>, vector<1x16xf32>,
      %swap3A_579 = vector.shape_cast %swap3A_578 : vector<1x16xf32> to vector<16xf32>
      %swap3A_580 = vector.shape_cast %add3A_575 : vector<16xf32> to vector<1x16xf32>
      tpu.vector_store %arg8[%swap3A_576, %swap3A_577], %swap3A_580 {strides = array<i32>} : memref<64x768xf32, #tpu.memory_space<vmem>>, vector<1x16xf32>,
      %get3A_581 = arith.index_cast %scan3A_176 : i32 to index
      %get3A_582 = arith.constant 464 : index
      %get3A_583 = tpu.vector_load %arg8[%get3A_581, %get3A_582] {strides = array<i32>} : memref<64x768xf32, #tpu.memory_space<vmem>>, vector<1x16xf32>,
      %get3A_584 = vector.shape_cast %get3A_583 : vector<1x16xf32> to vector<16xf32>
      %get3A_585 = arith.index_cast %scan3A_176 : i32 to index
      %get3A_586 = arith.constant 464 : index
      %get3A_587 = tpu.vector_load %arg9[%get3A_585, %get3A_586] {strides = array<i32>} : memref<64x768xf32, #tpu.memory_space<vmem>>, vector<1x16xf32>,
      %get3A_588 = vector.shape_cast %get3A_587 : vector<1x16xf32> to vector<16xf32>
      %add3A_589 = arith.addf %get3A_584, %get3A_588 : vector<16xf32>
      %swap3A_590 = arith.index_cast %scan3A_176 : i32 to index
      %swap3A_591 = arith.constant 464 : index
      %swap3A_592 = tpu.vector_load %arg8[%swap3A_590, %swap3A_591] {strides = array<i32>} : memref<64x768xf32, #tpu.memory_space<vmem>>, vector<1x16xf32>,
      %swap3A_593 = vector.shape_cast %swap3A_592 : vector<1x16xf32> to vector<16xf32>
      %swap3A_594 = vector.shape_cast %add3A_589 : vector<16xf32> to vector<1x16xf32>
      tpu.vector_store %arg8[%swap3A_590, %swap3A_591], %swap3A_594 {strides = array<i32>} : memref<64x768xf32, #tpu.memory_space<vmem>>, vector<1x16xf32>,
      %get3A_595 = arith.index_cast %scan3A_176 : i32 to index
      %get3A_596 = arith.constant 480 : index
      %get3A_597 = tpu.vector_load %arg8[%get3A_595, %get3A_596] {strides = array<i32>} : memref<64x768xf32, #tpu.memory_space<vmem>>, vector<1x16xf32>,
      %get3A_598 = vector.shape_cast %get3A_597 : vector<1x16xf32> to vector<16xf32>
      %get3A_599 = arith.index_cast %scan3A_176 : i32 to index
      %get3A_600 = arith.constant 480 : index
      %get3A_601 = tpu.vector_load %arg9[%get3A_599, %get3A_600] {strides = array<i32>} : memref<64x768xf32, #tpu.memory_space<vmem>>, vector<1x16xf32>,
      %get3A_602 = vector.shape_cast %get3A_601 : vector<1x16xf32> to vector<16xf32>
      %add3A_603 = arith.addf %get3A_598, %get3A_602 : vector<16xf32>
      %swap3A_604 = arith.index_cast %scan3A_176 : i32 to index
      %swap3A_605 = arith.constant 480 : index
      %swap3A_606 = tpu.vector_load %arg8[%swap3A_604, %swap3A_605] {strides = array<i32>} : memref<64x768xf32, #tpu.memory_space<vmem>>, vector<1x16xf32>,
      %swap3A_607 = vector.shape_cast %swap3A_606 : vector<1x16xf32> to vector<16xf32>
      %swap3A_608 = vector.shape_cast %add3A_603 : vector<16xf32> to vector<1x16xf32>
      tpu.vector_store %arg8[%swap3A_604, %swap3A_605], %swap3A_608 {strides = array<i32>} : memref<64x768xf32, #tpu.memory_space<vmem>>, vector<1x16xf32>,
      %get3A_609 = arith.index_cast %scan3A_176 : i32 to index
      %get3A_610 = arith.constant 496 : index
      %get3A_611 = tpu.vector_load %arg8[%get3A_609, %get3A_610] {strides = array<i32>} : memref<64x768xf32, #tpu.memory_space<vmem>>, vector<1x16xf32>,
      %get3A_612 = vector.shape_cast %get3A_611 : vector<1x16xf32> to vector<16xf32>
      %get3A_613 = arith.index_cast %scan3A_176 : i32 to index
      %get3A_614 = arith.constant 496 : index
      %get3A_615 = tpu.vector_load %arg9[%get3A_613, %get3A_614] {strides = array<i32>} : memref<64x768xf32, #tpu.memory_space<vmem>>, vector<1x16xf32>,
      %get3A_616 = vector.shape_cast %get3A_615 : vector<1x16xf32> to vector<16xf32>
      %add3A_617 = arith.addf %get3A_612, %get3A_616 : vector<16xf32>
      %swap3A_618 = arith.index_cast %scan3A_176 : i32 to index
      %swap3A_619 = arith.constant 496 : index
      %swap3A_620 = tpu.vector_load %arg8[%swap3A_618, %swap3A_619] {strides = array<i32>} : memref<64x768xf32, #tpu.memory_space<vmem>>, vector<1x16xf32>,
      %swap3A_621 = vector.shape_cast %swap3A_620 : vector<1x16xf32> to vector<16xf32>
      %swap3A_622 = vector.shape_cast %add3A_617 : vector<16xf32> to vector<1x16xf32>
      tpu.vector_store %arg8[%swap3A_618, %swap3A_619], %swap3A_622 {strides = array<i32>} : memref<64x768xf32, #tpu.memory_space<vmem>>, vector<1x16xf32>,
      %get3A_623 = arith.index_cast %scan3A_176 : i32 to index
      %get3A_624 = arith.constant 512 : index
      %get3A_625 = tpu.vector_load %arg8[%get3A_623, %get3A_624] {strides = array<i32>} : memref<64x768xf32, #tpu.memory_space<vmem>>, vector<1x16xf32>,
      %get3A_626 = vector.shape_cast %get3A_625 : vector<1x16xf32> to vector<16xf32>
      %get3A_627 = arith.index_cast %scan3A_176 : i32 to index
      %get3A_628 = arith.constant 512 : index
      %get3A_629 = tpu.vector_load %arg9[%get3A_627, %get3A_628] {strides = array<i32>} : memref<64x768xf32, #tpu.memory_space<vmem>>, vector<1x16xf32>,
      %get3A_630 = vector.shape_cast %get3A_629 : vector<1x16xf32> to vector<16xf32>
      %add3A_631 = arith.addf %get3A_626, %get3A_630 : vector<16xf32>
      %swap3A_632 = arith.index_cast %scan3A_176 : i32 to index
      %swap3A_633 = arith.constant 512 : index
      %swap3A_634 = tpu.vector_load %arg8[%swap3A_632, %swap3A_633] {strides = array<i32>} : memref<64x768xf32, #tpu.memory_space<vmem>>, vector<1x16xf32>,
      %swap3A_635 = vector.shape_cast %swap3A_634 : vector<1x16xf32> to vector<16xf32>
      %swap3A_636 = vector.shape_cast %add3A_631 : vector<16xf32> to vector<1x16xf32>
      tpu.vector_store %arg8[%swap3A_632, %swap3A_633], %swap3A_636 {strides = array<i32>} : memref<64x768xf32, #tpu.memory_space<vmem>>, vector<1x16xf32>,
      %get3A_637 = arith.index_cast %scan3A_176 : i32 to index
      %get3A_638 = arith.constant 528 : index
      %get3A_639 = tpu.vector_load %arg8[%get3A_637, %get3A_638] {strides = array<i32>} : memref<64x768xf32, #tpu.memory_space<vmem>>, vector<1x16xf32>,
      %get3A_640 = vector.shape_cast %get3A_639 : vector<1x16xf32> to vector<16xf32>
      %get3A_641 = arith.index_cast %scan3A_176 : i32 to index
      %get3A_642 = arith.constant 528 : index
      %get3A_643 = tpu.vector_load %arg9[%get3A_641, %get3A_642] {strides = array<i32>} : memref<64x768xf32, #tpu.memory_space<vmem>>, vector<1x16xf32>,
      %get3A_644 = vector.shape_cast %get3A_643 : vector<1x16xf32> to vector<16xf32>
      %add3A_645 = arith.addf %get3A_640, %get3A_644 : vector<16xf32>
      %swap3A_646 = arith.index_cast %scan3A_176 : i32 to index
      %swap3A_647 = arith.constant 528 : index
      %swap3A_648 = tpu.vector_load %arg8[%swap3A_646, %swap3A_647] {strides = array<i32>} : memref<64x768xf32, #tpu.memory_space<vmem>>, vector<1x16xf32>,
      %swap3A_649 = vector.shape_cast %swap3A_648 : vector<1x16xf32> to vector<16xf32>
      %swap3A_650 = vector.shape_cast %add3A_645 : vector<16xf32> to vector<1x16xf32>
      tpu.vector_store %arg8[%swap3A_646, %swap3A_647], %swap3A_650 {strides = array<i32>} : memref<64x768xf32, #tpu.memory_space<vmem>>, vector<1x16xf32>,
      %get3A_651 = arith.index_cast %scan3A_176 : i32 to index
      %get3A_652 = arith.constant 544 : index
      %get3A_653 = tpu.vector_load %arg8[%get3A_651, %get3A_652] {strides = array<i32>} : memref<64x768xf32, #tpu.memory_space<vmem>>, vector<1x16xf32>,
      %get3A_654 = vector.shape_cast %get3A_653 : vector<1x16xf32> to vector<16xf32>
      %get3A_655 = arith.index_cast %scan3A_176 : i32 to index
      %get3A_656 = arith.constant 544 : index
      %get3A_657 = tpu.vector_load %arg9[%get3A_655, %get3A_656] {strides = array<i32>} : memref<64x768xf32, #tpu.memory_space<vmem>>, vector<1x16xf32>,
      %get3A_658 = vector.shape_cast %get3A_657 : vector<1x16xf32> to vector<16xf32>
      %add3A_659 = arith.addf %get3A_654, %get3A_658 : vector<16xf32>
      %swap3A_660 = arith.index_cast %scan3A_176 : i32 to index
      %swap3A_661 = arith.constant 544 : index
      %swap3A_662 = tpu.vector_load %arg8[%swap3A_660, %swap3A_661] {strides = array<i32>} : memref<64x768xf32, #tpu.memory_space<vmem>>, vector<1x16xf32>,
      %swap3A_663 = vector.shape_cast %swap3A_662 : vector<1x16xf32> to vector<16xf32>
      %swap3A_664 = vector.shape_cast %add3A_659 : vector<16xf32> to vector<1x16xf32>
      tpu.vector_store %arg8[%swap3A_660, %swap3A_661], %swap3A_664 {strides = array<i32>} : memref<64x768xf32, #tpu.memory_space<vmem>>, vector<1x16xf32>,
      %get3A_665 = arith.index_cast %scan3A_176 : i32 to index
      %get3A_666 = arith.constant 560 : index
      %get3A_667 = tpu.vector_load %arg8[%get3A_665, %get3A_666] {strides = array<i32>} : memref<64x768xf32, #tpu.memory_space<vmem>>, vector<1x16xf32>,
      %get3A_668 = vector.shape_cast %get3A_667 : vector<1x16xf32> to vector<16xf32>
      %get3A_669 = arith.index_cast %scan3A_176 : i32 to index
      %get3A_670 = arith.constant 560 : index
      %get3A_671 = tpu.vector_load %arg9[%get3A_669, %get3A_670] {strides = array<i32>} : memref<64x768xf32, #tpu.memory_space<vmem>>, vector<1x16xf32>,
      %get3A_672 = vector.shape_cast %get3A_671 : vector<1x16xf32> to vector<16xf32>
      %add3A_673 = arith.addf %get3A_668, %get3A_672 : vector<16xf32>
      %swap3A_674 = arith.index_cast %scan3A_176 : i32 to index
      %swap3A_675 = arith.constant 560 : index
      %swap3A_676 = tpu.vector_load %arg8[%swap3A_674, %swap3A_675] {strides = array<i32>} : memref<64x768xf32, #tpu.memory_space<vmem>>, vector<1x16xf32>,
      %swap3A_677 = vector.shape_cast %swap3A_676 : vector<1x16xf32> to vector<16xf32>
      %swap3A_678 = vector.shape_cast %add3A_673 : vector<16xf32> to vector<1x16xf32>
      tpu.vector_store %arg8[%swap3A_674, %swap3A_675], %swap3A_678 {strides = array<i32>} : memref<64x768xf32, #tpu.memory_space<vmem>>, vector<1x16xf32>,
      %get3A_679 = arith.index_cast %scan3A_176 : i32 to index
      %get3A_680 = arith.constant 576 : index
      %get3A_681 = tpu.vector_load %arg8[%get3A_679, %get3A_680] {strides = array<i32>} : memref<64x768xf32, #tpu.memory_space<vmem>>, vector<1x16xf32>,
      %get3A_682 = vector.shape_cast %get3A_681 : vector<1x16xf32> to vector<16xf32>
      %get3A_683 = arith.index_cast %scan3A_176 : i32 to index
      %get3A_684 = arith.constant 576 : index
      %get3A_685 = tpu.vector_load %arg9[%get3A_683, %get3A_684] {strides = array<i32>} : memref<64x768xf32, #tpu.memory_space<vmem>>, vector<1x16xf32>,
      %get3A_686 = vector.shape_cast %get3A_685 : vector<1x16xf32> to vector<16xf32>
      %add3A_687 = arith.addf %get3A_682, %get3A_686 : vector<16xf32>
      %swap3A_688 = arith.index_cast %scan3A_176 : i32 to index
      %swap3A_689 = arith.constant 576 : index
      %swap3A_690 = tpu.vector_load %arg8[%swap3A_688, %swap3A_689] {strides = array<i32>} : memref<64x768xf32, #tpu.memory_space<vmem>>, vector<1x16xf32>,
      %swap3A_691 = vector.shape_cast %swap3A_690 : vector<1x16xf32> to vector<16xf32>
      %swap3A_692 = vector.shape_cast %add3A_687 : vector<16xf32> to vector<1x16xf32>
      tpu.vector_store %arg8[%swap3A_688, %swap3A_689], %swap3A_692 {strides = array<i32>} : memref<64x768xf32, #tpu.memory_space<vmem>>, vector<1x16xf32>,
      %get3A_693 = arith.index_cast %scan3A_176 : i32 to index
      %get3A_694 = arith.constant 592 : index
      %get3A_695 = tpu.vector_load %arg8[%get3A_693, %get3A_694] {strides = array<i32>} : memref<64x768xf32, #tpu.memory_space<vmem>>, vector<1x16xf32>,
      %get3A_696 = vector.shape_cast %get3A_695 : vector<1x16xf32> to vector<16xf32>
      %get3A_697 = arith.index_cast %scan3A_176 : i32 to index
      %get3A_698 = arith.constant 592 : index
      %get3A_699 = tpu.vector_load %arg9[%get3A_697, %get3A_698] {strides = array<i32>} : memref<64x768xf32, #tpu.memory_space<vmem>>, vector<1x16xf32>,
      %get3A_700 = vector.shape_cast %get3A_699 : vector<1x16xf32> to vector<16xf32>
      %add3A_701 = arith.addf %get3A_696, %get3A_700 : vector<16xf32>
      %swap3A_702 = arith.index_cast %scan3A_176 : i32 to index
      %swap3A_703 = arith.constant 592 : index
      %swap3A_704 = tpu.vector_load %arg8[%swap3A_702, %swap3A_703] {strides = array<i32>} : memref<64x768xf32, #tpu.memory_space<vmem>>, vector<1x16xf32>,
      %swap3A_705 = vector.shape_cast %swap3A_704 : vector<1x16xf32> to vector<16xf32>
      %swap3A_706 = vector.shape_cast %add3A_701 : vector<16xf32> to vector<1x16xf32>
      tpu.vector_store %arg8[%swap3A_702, %swap3A_703], %swap3A_706 {strides = array<i32>} : memref<64x768xf32, #tpu.memory_space<vmem>>, vector<1x16xf32>,
      %get3A_707 = arith.index_cast %scan3A_176 : i32 to index
      %get3A_708 = arith.constant 608 : index
      %get3A_709 = tpu.vector_load %arg8[%get3A_707, %get3A_708] {strides = array<i32>} : memref<64x768xf32, #tpu.memory_space<vmem>>, vector<1x16xf32>,
      %get3A_710 = vector.shape_cast %get3A_709 : vector<1x16xf32> to vector<16xf32>
      %get3A_711 = arith.index_cast %scan3A_176 : i32 to index
      %get3A_712 = arith.constant 608 : index
      %get3A_713 = tpu.vector_load %arg9[%get3A_711, %get3A_712] {strides = array<i32>} : memref<64x768xf32, #tpu.memory_space<vmem>>, vector<1x16xf32>,
      %get3A_714 = vector.shape_cast %get3A_713 : vector<1x16xf32> to vector<16xf32>
      %add3A_715 = arith.addf %get3A_710, %get3A_714 : vector<16xf32>
      %swap3A_716 = arith.index_cast %scan3A_176 : i32 to index
      %swap3A_717 = arith.constant 608 : index
      %swap3A_718 = tpu.vector_load %arg8[%swap3A_716, %swap3A_717] {strides = array<i32>} : memref<64x768xf32, #tpu.memory_space<vmem>>, vector<1x16xf32>,
      %swap3A_719 = vector.shape_cast %swap3A_718 : vector<1x16xf32> to vector<16xf32>
      %swap3A_720 = vector.shape_cast %add3A_715 : vector<16xf32> to vector<1x16xf32>
      tpu.vector_store %arg8[%swap3A_716, %swap3A_717], %swap3A_720 {strides = array<i32>} : memref<64x768xf32, #tpu.memory_space<vmem>>, vector<1x16xf32>,
      %get3A_721 = arith.index_cast %scan3A_176 : i32 to index
      %get3A_722 = arith.constant 624 : index
      %get3A_723 = tpu.vector_load %arg8[%get3A_721, %get3A_722] {strides = array<i32>} : memref<64x768xf32, #tpu.memory_space<vmem>>, vector<1x16xf32>,
      %get3A_724 = vector.shape_cast %get3A_723 : vector<1x16xf32> to vector<16xf32>
      %get3A_725 = arith.index_cast %scan3A_176 : i32 to index
      %get3A_726 = arith.constant 624 : index
      %get3A_727 = tpu.vector_load %arg9[%get3A_725, %get3A_726] {strides = array<i32>} : memref<64x768xf32, #tpu.memory_space<vmem>>, vector<1x16xf32>,
      %get3A_728 = vector.shape_cast %get3A_727 : vector<1x16xf32> to vector<16xf32>
      %add3A_729 = arith.addf %get3A_724, %get3A_728 : vector<16xf32>
      %swap3A_730 = arith.index_cast %scan3A_176 : i32 to index
      %swap3A_731 = arith.constant 624 : index
      %swap3A_732 = tpu.vector_load %arg8[%swap3A_730, %swap3A_731] {strides = array<i32>} : memref<64x768xf32, #tpu.memory_space<vmem>>, vector<1x16xf32>,
      %swap3A_733 = vector.shape_cast %swap3A_732 : vector<1x16xf32> to vector<16xf32>
      %swap3A_734 = vector.shape_cast %add3A_729 : vector<16xf32> to vector<1x16xf32>
      tpu.vector_store %arg8[%swap3A_730, %swap3A_731], %swap3A_734 {strides = array<i32>} : memref<64x768xf32, #tpu.memory_space<vmem>>, vector<1x16xf32>,
      %get3A_735 = arith.index_cast %scan3A_176 : i32 to index
      %get3A_736 = arith.constant 640 : index
      %get3A_737 = tpu.vector_load %arg8[%get3A_735, %get3A_736] {strides = array<i32>} : memref<64x768xf32, #tpu.memory_space<vmem>>, vector<1x16xf32>,
      %get3A_738 = vector.shape_cast %get3A_737 : vector<1x16xf32> to vector<16xf32>
      %get3A_739 = arith.index_cast %scan3A_176 : i32 to index
      %get3A_740 = arith.constant 640 : index
      %get3A_741 = tpu.vector_load %arg9[%get3A_739, %get3A_740] {strides = array<i32>} : memref<64x768xf32, #tpu.memory_space<vmem>>, vector<1x16xf32>,
      %get3A_742 = vector.shape_cast %get3A_741 : vector<1x16xf32> to vector<16xf32>
      %add3A_743 = arith.addf %get3A_738, %get3A_742 : vector<16xf32>
      %swap3A_744 = arith.index_cast %scan3A_176 : i32 to index
      %swap3A_745 = arith.constant 640 : index
      %swap3A_746 = tpu.vector_load %arg8[%swap3A_744, %swap3A_745] {strides = array<i32>} : memref<64x768xf32, #tpu.memory_space<vmem>>, vector<1x16xf32>,
      %swap3A_747 = vector.shape_cast %swap3A_746 : vector<1x16xf32> to vector<16xf32>
      %swap3A_748 = vector.shape_cast %add3A_743 : vector<16xf32> to vector<1x16xf32>
      tpu.vector_store %arg8[%swap3A_744, %swap3A_745], %swap3A_748 {strides = array<i32>} : memref<64x768xf32, #tpu.memory_space<vmem>>, vector<1x16xf32>,
      %get3A_749 = arith.index_cast %scan3A_176 : i32 to index
      %get3A_750 = arith.constant 656 : index
      %get3A_751 = tpu.vector_load %arg8[%get3A_749, %get3A_750] {strides = array<i32>} : memref<64x768xf32, #tpu.memory_space<vmem>>, vector<1x16xf32>,
      %get3A_752 = vector.shape_cast %get3A_751 : vector<1x16xf32> to vector<16xf32>
      %get3A_753 = arith.index_cast %scan3A_176 : i32 to index
      %get3A_754 = arith.constant 656 : index
      %get3A_755 = tpu.vector_load %arg9[%get3A_753, %get3A_754] {strides = array<i32>} : memref<64x768xf32, #tpu.memory_space<vmem>>, vector<1x16xf32>,
      %get3A_756 = vector.shape_cast %get3A_755 : vector<1x16xf32> to vector<16xf32>
      %add3A_757 = arith.addf %get3A_752, %get3A_756 : vector<16xf32>
      %swap3A_758 = arith.index_cast %scan3A_176 : i32 to index
      %swap3A_759 = arith.constant 656 : index
      %swap3A_760 = tpu.vector_load %arg8[%swap3A_758, %swap3A_759] {strides = array<i32>} : memref<64x768xf32, #tpu.memory_space<vmem>>, vector<1x16xf32>,
      %swap3A_761 = vector.shape_cast %swap3A_760 : vector<1x16xf32> to vector<16xf32>
      %swap3A_762 = vector.shape_cast %add3A_757 : vector<16xf32> to vector<1x16xf32>
      tpu.vector_store %arg8[%swap3A_758, %swap3A_759], %swap3A_762 {strides = array<i32>} : memref<64x768xf32, #tpu.memory_space<vmem>>, vector<1x16xf32>,
      %get3A_763 = arith.index_cast %scan3A_176 : i32 to index
      %get3A_764 = arith.constant 672 : index
      %get3A_765 = tpu.vector_load %arg8[%get3A_763, %get3A_764] {strides = array<i32>} : memref<64x768xf32, #tpu.memory_space<vmem>>, vector<1x16xf32>,
      %get3A_766 = vector.shape_cast %get3A_765 : vector<1x16xf32> to vector<16xf32>
      %get3A_767 = arith.index_cast %scan3A_176 : i32 to index
      %get3A_768 = arith.constant 672 : index
      %get3A_769 = tpu.vector_load %arg9[%get3A_767, %get3A_768] {strides = array<i32>} : memref<64x768xf32, #tpu.memory_space<vmem>>, vector<1x16xf32>,
      %get3A_770 = vector.shape_cast %get3A_769 : vector<1x16xf32> to vector<16xf32>
      %add3A_771 = arith.addf %get3A_766, %get3A_770 : vector<16xf32>
      %swap3A_772 = arith.index_cast %scan3A_176 : i32 to index
      %swap3A_773 = arith.constant 672 : index
      %swap3A_774 = tpu.vector_load %arg8[%swap3A_772, %swap3A_773] {strides = array<i32>} : memref<64x768xf32, #tpu.memory_space<vmem>>, vector<1x16xf32>,
      %swap3A_775 = vector.shape_cast %swap3A_774 : vector<1x16xf32> to vector<16xf32>
      %swap3A_776 = vector.shape_cast %add3A_771 : vector<16xf32> to vector<1x16xf32>
      tpu.vector_store %arg8[%swap3A_772, %swap3A_773], %swap3A_776 {strides = array<i32>} : memref<64x768xf32, #tpu.memory_space<vmem>>, vector<1x16xf32>,
      %get3A_777 = arith.index_cast %scan3A_176 : i32 to index
      %get3A_778 = arith.constant 688 : index
      %get3A_779 = tpu.vector_load %arg8[%get3A_777, %get3A_778] {strides = array<i32>} : memref<64x768xf32, #tpu.memory_space<vmem>>, vector<1x16xf32>,
      %get3A_780 = vector.shape_cast %get3A_779 : vector<1x16xf32> to vector<16xf32>
      %get3A_781 = arith.index_cast %scan3A_176 : i32 to index
      %get3A_782 = arith.constant 688 : index
      %get3A_783 = tpu.vector_load %arg9[%get3A_781, %get3A_782] {strides = array<i32>} : memref<64x768xf32, #tpu.memory_space<vmem>>, vector<1x16xf32>,
      %get3A_784 = vector.shape_cast %get3A_783 : vector<1x16xf32> to vector<16xf32>
      %add3A_785 = arith.addf %get3A_780, %get3A_784 : vector<16xf32>
      %swap3A_786 = arith.index_cast %scan3A_176 : i32 to index
      %swap3A_787 = arith.constant 688 : index
      %swap3A_788 = tpu.vector_load %arg8[%swap3A_786, %swap3A_787] {strides = array<i32>} : memref<64x768xf32, #tpu.memory_space<vmem>>, vector<1x16xf32>,
      %swap3A_789 = vector.shape_cast %swap3A_788 : vector<1x16xf32> to vector<16xf32>
      %swap3A_790 = vector.shape_cast %add3A_785 : vector<16xf32> to vector<1x16xf32>
      tpu.vector_store %arg8[%swap3A_786, %swap3A_787], %swap3A_790 {strides = array<i32>} : memref<64x768xf32, #tpu.memory_space<vmem>>, vector<1x16xf32>,
      %get3A_791 = arith.index_cast %scan3A_176 : i32 to index
      %get3A_792 = arith.constant 704 : index
      %get3A_793 = tpu.vector_load %arg8[%get3A_791, %get3A_792] {strides = array<i32>} : memref<64x768xf32, #tpu.memory_space<vmem>>, vector<1x16xf32>,
      %get3A_794 = vector.shape_cast %get3A_793 : vector<1x16xf32> to vector<16xf32>
      %get3A_795 = arith.index_cast %scan3A_176 : i32 to index
      %get3A_796 = arith.constant 704 : index
      %get3A_797 = tpu.vector_load %arg9[%get3A_795, %get3A_796] {strides = array<i32>} : memref<64x768xf32, #tpu.memory_space<vmem>>, vector<1x16xf32>,
      %get3A_798 = vector.shape_cast %get3A_797 : vector<1x16xf32> to vector<16xf32>
      %add3A_799 = arith.addf %get3A_794, %get3A_798 : vector<16xf32>
      %swap3A_800 = arith.index_cast %scan3A_176 : i32 to index
      %swap3A_801 = arith.constant 704 : index
      %swap3A_802 = tpu.vector_load %arg8[%swap3A_800, %swap3A_801] {strides = array<i32>} : memref<64x768xf32, #tpu.memory_space<vmem>>, vector<1x16xf32>,
      %swap3A_803 = vector.shape_cast %swap3A_802 : vector<1x16xf32> to vector<16xf32>
      %swap3A_804 = vector.shape_cast %add3A_799 : vector<16xf32> to vector<1x16xf32>
      tpu.vector_store %arg8[%swap3A_800, %swap3A_801], %swap3A_804 {strides = array<i32>} : memref<64x768xf32, #tpu.memory_space<vmem>>, vector<1x16xf32>,
      %get3A_805 = arith.index_cast %scan3A_176 : i32 to index
      %get3A_806 = arith.constant 720 : index
      %get3A_807 = tpu.vector_load %arg8[%get3A_805, %get3A_806] {strides = array<i32>} : memref<64x768xf32, #tpu.memory_space<vmem>>, vector<1x16xf32>,
      %get3A_808 = vector.shape_cast %get3A_807 : vector<1x16xf32> to vector<16xf32>
      %get3A_809 = arith.index_cast %scan3A_176 : i32 to index
      %get3A_810 = arith.constant 720 : index
      %get3A_811 = tpu.vector_load %arg9[%get3A_809, %get3A_810] {strides = array<i32>} : memref<64x768xf32, #tpu.memory_space<vmem>>, vector<1x16xf32>,
      %get3A_812 = vector.shape_cast %get3A_811 : vector<1x16xf32> to vector<16xf32>
      %add3A_813 = arith.addf %get3A_808, %get3A_812 : vector<16xf32>
      %swap3A_814 = arith.index_cast %scan3A_176 : i32 to index
      %swap3A_815 = arith.constant 720 : index
      %swap3A_816 = tpu.vector_load %arg8[%swap3A_814, %swap3A_815] {strides = array<i32>} : memref<64x768xf32, #tpu.memory_space<vmem>>, vector<1x16xf32>,
      %swap3A_817 = vector.shape_cast %swap3A_816 : vector<1x16xf32> to vector<16xf32>
      %swap3A_818 = vector.shape_cast %add3A_813 : vector<16xf32> to vector<1x16xf32>
      tpu.vector_store %arg8[%swap3A_814, %swap3A_815], %swap3A_818 {strides = array<i32>} : memref<64x768xf32, #tpu.memory_space<vmem>>, vector<1x16xf32>,
      %get3A_819 = arith.index_cast %scan3A_176 : i32 to index
      %get3A_820 = arith.constant 736 : index
      %get3A_821 = tpu.vector_load %arg8[%get3A_819, %get3A_820] {strides = array<i32>} : memref<64x768xf32, #tpu.memory_space<vmem>>, vector<1x16xf32>,
      %get3A_822 = vector.shape_cast %get3A_821 : vector<1x16xf32> to vector<16xf32>
      %get3A_823 = arith.index_cast %scan3A_176 : i32 to index
      %get3A_824 = arith.constant 736 : index
      %get3A_825 = tpu.vector_load %arg9[%get3A_823, %get3A_824] {strides = array<i32>} : memref<64x768xf32, #tpu.memory_space<vmem>>, vector<1x16xf32>,
      %get3A_826 = vector.shape_cast %get3A_825 : vector<1x16xf32> to vector<16xf32>
      %add3A_827 = arith.addf %get3A_822, %get3A_826 : vector<16xf32>
      %swap3A_828 = arith.index_cast %scan3A_176 : i32 to index
      %swap3A_829 = arith.constant 736 : index
      %swap3A_830 = tpu.vector_load %arg8[%swap3A_828, %swap3A_829] {strides = array<i32>} : memref<64x768xf32, #tpu.memory_space<vmem>>, vector<1x16xf32>,
      %swap3A_831 = vector.shape_cast %swap3A_830 : vector<1x16xf32> to vector<16xf32>
      %swap3A_832 = vector.shape_cast %add3A_827 : vector<16xf32> to vector<1x16xf32>
      tpu.vector_store %arg8[%swap3A_828, %swap3A_829], %swap3A_832 {strides = array<i32>} : memref<64x768xf32, #tpu.memory_space<vmem>>, vector<1x16xf32>,
      %get3A_833 = arith.index_cast %scan3A_176 : i32 to index
      %get3A_834 = arith.constant 752 : index
      %get3A_835 = tpu.vector_load %arg8[%get3A_833, %get3A_834] {strides = array<i32>} : memref<64x768xf32, #tpu.memory_space<vmem>>, vector<1x16xf32>,
      %get3A_836 = vector.shape_cast %get3A_835 : vector<1x16xf32> to vector<16xf32>
      %get3A_837 = arith.index_cast %scan3A_176 : i32 to index
      %get3A_838 = arith.constant 752 : index
      %get3A_839 = tpu.vector_load %arg9[%get3A_837, %get3A_838] {strides = array<i32>} : memref<64x768xf32, #tpu.memory_space<vmem>>, vector<1x16xf32>,
      %get3A_840 = vector.shape_cast %get3A_839 : vector<1x16xf32> to vector<16xf32>
      %add3A_841 = arith.addf %get3A_836, %get3A_840 : vector<16xf32>
      %swap3A_842 = arith.index_cast %scan3A_176 : i32 to index
      %swap3A_843 = arith.constant 752 : index
      %swap3A_844 = tpu.vector_load %arg8[%swap3A_842, %swap3A_843] {strides = array<i32>} : memref<64x768xf32, #tpu.memory_space<vmem>>, vector<1x16xf32>,
      %swap3A_845 = vector.shape_cast %swap3A_844 : vector<1x16xf32> to vector<16xf32>
      %swap3A_846 = vector.shape_cast %add3A_841 : vector<16xf32> to vector<1x16xf32>
      tpu.vector_store %arg8[%swap3A_842, %swap3A_843], %swap3A_846 {strides = array<i32>} : memref<64x768xf32, #tpu.memory_space<vmem>>, vector<1x16xf32>,
    }
    %scan3A_165 = arith.constant 32 : i32
    %add3A_166 = arith.constant 64 : i32
    %add3A_167 = arith.addi %mul3A_2, %add3A_166 : i32
    %dma_start3A_168 = arith.constant 0 : i32
    %dma_start3A_169 = tpu.memref_slice %arg5[%add3A_167, %dma_start3A_168] : memref<4096x768xf32, #tpu.memory_space<hbm>> -> memref<64x768xf32, #tpu.memory_space<hbm>>
    %dma_start3A_170 = arith.constant 0 : i32
    %dma_start3A_171 = tpu.memref_slice %arg5[%add3A_167, %dma_start3A_170] : memref<4096x768xf32, #tpu.memory_space<hbm>> -> memref<64x768xf32, #tpu.memory_space<hbm>>
    tpu.enqueue_dma source(%arg8 : memref<64x768xf32, #tpu.memory_space<vmem>>) target(%dma_start3A_171 : memref<64x768xf32, #tpu.memory_space<hbm>>) target_semaphore(%arg12 : memref<!tpu.dma_semaphore, #tpu.memory_space<semaphore_mem>>)
    %dma_wait3A_172 = arith.constant 0 : i32
    %dma_wait3A_173 = tpu.memref_slice %arg5[%add3A_167, %dma_wait3A_172] : memref<4096x768xf32, #tpu.memory_space<hbm>> -> memref<64x768xf32, #tpu.memory_space<hbm>>
    %dma_wait3A_174 = arith.constant 0 : i32
    %dma_wait3A_175 = tpu.memref_slice %arg5[%add3A_167, %dma_wait3A_174] : memref<4096x768xf32, #tpu.memory_space<hbm>> -> memref<64x768xf32, #tpu.memory_space<hbm>>
    tpu.wait_dma2 semaphore(%arg12 : memref<!tpu.dma_semaphore, #tpu.memory_space<semaphore_mem>>) src(%arg8 : memref<64x768xf32, #tpu.memory_space<vmem>>) dst(%dma_wait3A_175 : memref<64x768xf32, #tpu.memory_space<hbm>>)
    return
  }
}

#map = affine_map<(d0, d1) -> (0, 0)>
#map1 = affine_map<(d0, d1) -> (0)>
module attributes {stable_mosaic.version = 14 : i64} {
  func.func @_dispatch_body(%arg0: i32, %arg1: i32, %arg2: memref<4096x768xf32, #tpu.memory_space<hbm>>, %arg3: memref<4096xi32, #tpu.memory_space<hbm>>, %arg4: memref<4096xi32, #tpu.memory_space<hbm>>, %arg5: memref<4096xf32, #tpu.memory_space<hbm>>, %arg6: memref<4096xf32, #tpu.memory_space<hbm>>, %arg7: memref<24576x768xf32, #tpu.memory_space<hbm>>, %arg8: memref<24576xf32, #tpu.memory_space<hbm>>, %arg9: memref<1x128xi32, #tpu.memory_space<vmem>>, %arg10: memref<1x128xi32, #tpu.memory_space<vmem>>, %arg11: memref<1x128xf32, #tpu.memory_space<vmem>>, %arg12: memref<1x128xf32, #tpu.memory_space<vmem>>, %arg13: memref<128x768xf32, #tpu.memory_space<vmem>>, %arg14: memref<!tpu.dma_semaphore, #tpu.memory_space<semaphore_mem>>, %arg15: memref<!tpu.dma_semaphore, #tpu.memory_space<semaphore_mem>>, %arg16: memref<!tpu.dma_semaphore, #tpu.memory_space<semaphore_mem>>) attributes {dimension_semantics = [#tpu.dimension_semantics<core_parallel>, #tpu.dimension_semantics<subcore_parallel>], iteration_bounds = array<i64: 2, 16>, scalar_prefetch = 0 : i64, scratch_operands = 8 : i64, tpu.core_type = #tpu.core_type<sc_vector_subcore>, window_params = [{transform_indices = #map}, {transform_indices = #map1}, {transform_indices = #map1}, {transform_indices = #map1}, {transform_indices = #map1}, {transform_indices = #map}, {transform_indices = #map1}]} {
    %mul3A = arith.constant 2 : i32
    %mul3A_0 = arith.muli %arg1, %mul3A : i32
    %add3A = arith.addi %mul3A_0, %arg0 : i32
    %mul3A_1 = arith.constant 128 : i32
    %mul3A_2 = arith.muli %add3A, %mul3A_1 : i32
    %dma_start3A = arith.constant 0 : i32
    %dma_start3A_3 = arith.constant 0 : i32
    %dma_start3A_4 = tpu.memref_slice %arg9[%dma_start3A, %dma_start3A_3] : memref<1x128xi32, #tpu.memory_space<vmem>> -> memref<1x128xi32, #tpu.memory_space<vmem>>
    %dma_start3A_5 = tpu.memref_squeeze %dma_start3A_4 : memref<1x128xi32, #tpu.memory_space<vmem>> -> memref<128xi32, #tpu.memory_space<vmem>>
    %dma_start3A_6 = tpu.memref_slice %arg3[%mul3A_2] : memref<4096xi32, #tpu.memory_space<hbm>> -> memref<128xi32, #tpu.memory_space<hbm>>
    %dma_start3A_7 = arith.constant 0 : i32
    %dma_start3A_8 = tpu.memref_slice %arg9[%dma_start3A, %dma_start3A_7] : memref<1x128xi32, #tpu.memory_space<vmem>> -> memref<1x128xi32, #tpu.memory_space<vmem>>
    %dma_start3A_9 = tpu.memref_squeeze %dma_start3A_8 : memref<1x128xi32, #tpu.memory_space<vmem>> -> memref<128xi32, #tpu.memory_space<vmem>>
    %dma_start3A_10 = tpu.memref_slice %arg3[%mul3A_2] : memref<4096xi32, #tpu.memory_space<hbm>> -> memref<128xi32, #tpu.memory_space<hbm>>
    tpu.enqueue_dma source(%dma_start3A_10 : memref<128xi32, #tpu.memory_space<hbm>>) target(%dma_start3A_9 : memref<128xi32, #tpu.memory_space<vmem>>) target_semaphore(%arg14 : memref<!tpu.dma_semaphore, #tpu.memory_space<semaphore_mem>>)
    %dma_start3A_11 = arith.constant 0 : i32
    %dma_start3A_12 = arith.constant 0 : i32
    %dma_start3A_13 = tpu.memref_slice %arg10[%dma_start3A_11, %dma_start3A_12] : memref<1x128xi32, #tpu.memory_space<vmem>> -> memref<1x128xi32, #tpu.memory_space<vmem>>
    %dma_start3A_14 = tpu.memref_squeeze %dma_start3A_13 : memref<1x128xi32, #tpu.memory_space<vmem>> -> memref<128xi32, #tpu.memory_space<vmem>>
    %dma_start3A_15 = tpu.memref_slice %arg4[%mul3A_2] : memref<4096xi32, #tpu.memory_space<hbm>> -> memref<128xi32, #tpu.memory_space<hbm>>
    %dma_start3A_16 = arith.constant 0 : i32
    %dma_start3A_17 = tpu.memref_slice %arg10[%dma_start3A_11, %dma_start3A_16] : memref<1x128xi32, #tpu.memory_space<vmem>> -> memref<1x128xi32, #tpu.memory_space<vmem>>
    %dma_start3A_18 = tpu.memref_squeeze %dma_start3A_17 : memref<1x128xi32, #tpu.memory_space<vmem>> -> memref<128xi32, #tpu.memory_space<vmem>>
    %dma_start3A_19 = tpu.memref_slice %arg4[%mul3A_2] : memref<4096xi32, #tpu.memory_space<hbm>> -> memref<128xi32, #tpu.memory_space<hbm>>
    tpu.enqueue_dma source(%dma_start3A_19 : memref<128xi32, #tpu.memory_space<hbm>>) target(%dma_start3A_18 : memref<128xi32, #tpu.memory_space<vmem>>) target_semaphore(%arg14 : memref<!tpu.dma_semaphore, #tpu.memory_space<semaphore_mem>>)
    %dma_start3A_20 = arith.constant 0 : i32
    %dma_start3A_21 = arith.constant 0 : i32
    %dma_start3A_22 = tpu.memref_slice %arg11[%dma_start3A_20, %dma_start3A_21] : memref<1x128xf32, #tpu.memory_space<vmem>> -> memref<1x128xf32, #tpu.memory_space<vmem>>
    %dma_start3A_23 = tpu.memref_squeeze %dma_start3A_22 : memref<1x128xf32, #tpu.memory_space<vmem>> -> memref<128xf32, #tpu.memory_space<vmem>>
    %dma_start3A_24 = tpu.memref_slice %arg5[%mul3A_2] : memref<4096xf32, #tpu.memory_space<hbm>> -> memref<128xf32, #tpu.memory_space<hbm>>
    %dma_start3A_25 = arith.constant 0 : i32
    %dma_start3A_26 = tpu.memref_slice %arg11[%dma_start3A_20, %dma_start3A_25] : memref<1x128xf32, #tpu.memory_space<vmem>> -> memref<1x128xf32, #tpu.memory_space<vmem>>
    %dma_start3A_27 = tpu.memref_squeeze %dma_start3A_26 : memref<1x128xf32, #tpu.memory_space<vmem>> -> memref<128xf32, #tpu.memory_space<vmem>>
    %dma_start3A_28 = tpu.memref_slice %arg5[%mul3A_2] : memref<4096xf32, #tpu.memory_space<hbm>> -> memref<128xf32, #tpu.memory_space<hbm>>
    tpu.enqueue_dma source(%dma_start3A_28 : memref<128xf32, #tpu.memory_space<hbm>>) target(%dma_start3A_27 : memref<128xf32, #tpu.memory_space<vmem>>) target_semaphore(%arg14 : memref<!tpu.dma_semaphore, #tpu.memory_space<semaphore_mem>>)
    %dma_start3A_29 = arith.constant 0 : i32
    %dma_start3A_30 = arith.constant 0 : i32
    %dma_start3A_31 = tpu.memref_slice %arg12[%dma_start3A_29, %dma_start3A_30] : memref<1x128xf32, #tpu.memory_space<vmem>> -> memref<1x128xf32, #tpu.memory_space<vmem>>
    %dma_start3A_32 = tpu.memref_squeeze %dma_start3A_31 : memref<1x128xf32, #tpu.memory_space<vmem>> -> memref<128xf32, #tpu.memory_space<vmem>>
    %dma_start3A_33 = tpu.memref_slice %arg6[%mul3A_2] : memref<4096xf32, #tpu.memory_space<hbm>> -> memref<128xf32, #tpu.memory_space<hbm>>
    %dma_start3A_34 = arith.constant 0 : i32
    %dma_start3A_35 = tpu.memref_slice %arg12[%dma_start3A_29, %dma_start3A_34] : memref<1x128xf32, #tpu.memory_space<vmem>> -> memref<1x128xf32, #tpu.memory_space<vmem>>
    %dma_start3A_36 = tpu.memref_squeeze %dma_start3A_35 : memref<1x128xf32, #tpu.memory_space<vmem>> -> memref<128xf32, #tpu.memory_space<vmem>>
    %dma_start3A_37 = tpu.memref_slice %arg6[%mul3A_2] : memref<4096xf32, #tpu.memory_space<hbm>> -> memref<128xf32, #tpu.memory_space<hbm>>
    tpu.enqueue_dma source(%dma_start3A_37 : memref<128xf32, #tpu.memory_space<hbm>>) target(%dma_start3A_36 : memref<128xf32, #tpu.memory_space<vmem>>) target_semaphore(%arg14 : memref<!tpu.dma_semaphore, #tpu.memory_space<semaphore_mem>>)
    %dma_start3A_38 = arith.constant 0 : i32
    %dma_start3A_39 = tpu.memref_slice %arg2[%mul3A_2, %dma_start3A_38] : memref<4096x768xf32, #tpu.memory_space<hbm>> -> memref<128x768xf32, #tpu.memory_space<hbm>>
    %dma_start3A_40 = arith.constant 0 : i32
    %dma_start3A_41 = tpu.memref_slice %arg2[%mul3A_2, %dma_start3A_40] : memref<4096x768xf32, #tpu.memory_space<hbm>> -> memref<128x768xf32, #tpu.memory_space<hbm>>
    tpu.enqueue_dma source(%dma_start3A_41 : memref<128x768xf32, #tpu.memory_space<hbm>>) target(%arg13 : memref<128x768xf32, #tpu.memory_space<vmem>>) target_semaphore(%arg15 : memref<!tpu.dma_semaphore, #tpu.memory_space<semaphore_mem>>)
    %dma_wait3A = arith.constant 0 : i32
    %dma_wait3A_42 = arith.constant 0 : i32
    %dma_wait3A_43 = tpu.memref_slice %arg9[%dma_wait3A, %dma_wait3A_42] : memref<1x128xi32, #tpu.memory_space<vmem>> -> memref<1x128xi32, #tpu.memory_space<vmem>>
    %dma_wait3A_44 = tpu.memref_squeeze %dma_wait3A_43 : memref<1x128xi32, #tpu.memory_space<vmem>> -> memref<128xi32, #tpu.memory_space<vmem>>
    %dma_wait3A_45 = tpu.memref_slice %arg3[%mul3A_2] : memref<4096xi32, #tpu.memory_space<hbm>> -> memref<128xi32, #tpu.memory_space<hbm>>
    %dma_wait3A_46 = arith.constant 0 : i32
    %dma_wait3A_47 = tpu.memref_slice %arg9[%dma_wait3A, %dma_wait3A_46] : memref<1x128xi32, #tpu.memory_space<vmem>> -> memref<1x128xi32, #tpu.memory_space<vmem>>
    %dma_wait3A_48 = tpu.memref_squeeze %dma_wait3A_47 : memref<1x128xi32, #tpu.memory_space<vmem>> -> memref<128xi32, #tpu.memory_space<vmem>>
    %dma_wait3A_49 = tpu.memref_slice %arg3[%mul3A_2] : memref<4096xi32, #tpu.memory_space<hbm>> -> memref<128xi32, #tpu.memory_space<hbm>>
    tpu.wait_dma2 semaphore(%arg14 : memref<!tpu.dma_semaphore, #tpu.memory_space<semaphore_mem>>) src(%dma_wait3A_49 : memref<128xi32, #tpu.memory_space<hbm>>) dst(%dma_wait3A_48 : memref<128xi32, #tpu.memory_space<vmem>>)
    %dma_wait3A_50 = arith.constant 0 : i32
    %dma_wait3A_51 = arith.constant 0 : i32
    %dma_wait3A_52 = tpu.memref_slice %arg10[%dma_wait3A_50, %dma_wait3A_51] : memref<1x128xi32, #tpu.memory_space<vmem>> -> memref<1x128xi32, #tpu.memory_space<vmem>>
    %dma_wait3A_53 = tpu.memref_squeeze %dma_wait3A_52 : memref<1x128xi32, #tpu.memory_space<vmem>> -> memref<128xi32, #tpu.memory_space<vmem>>
    %dma_wait3A_54 = tpu.memref_slice %arg4[%mul3A_2] : memref<4096xi32, #tpu.memory_space<hbm>> -> memref<128xi32, #tpu.memory_space<hbm>>
    %dma_wait3A_55 = arith.constant 0 : i32
    %dma_wait3A_56 = tpu.memref_slice %arg10[%dma_wait3A_50, %dma_wait3A_55] : memref<1x128xi32, #tpu.memory_space<vmem>> -> memref<1x128xi32, #tpu.memory_space<vmem>>
    %dma_wait3A_57 = tpu.memref_squeeze %dma_wait3A_56 : memref<1x128xi32, #tpu.memory_space<vmem>> -> memref<128xi32, #tpu.memory_space<vmem>>
    %dma_wait3A_58 = tpu.memref_slice %arg4[%mul3A_2] : memref<4096xi32, #tpu.memory_space<hbm>> -> memref<128xi32, #tpu.memory_space<hbm>>
    tpu.wait_dma2 semaphore(%arg14 : memref<!tpu.dma_semaphore, #tpu.memory_space<semaphore_mem>>) src(%dma_wait3A_58 : memref<128xi32, #tpu.memory_space<hbm>>) dst(%dma_wait3A_57 : memref<128xi32, #tpu.memory_space<vmem>>)
    %dma_wait3A_59 = arith.constant 0 : i32
    %dma_wait3A_60 = arith.constant 0 : i32
    %dma_wait3A_61 = tpu.memref_slice %arg11[%dma_wait3A_59, %dma_wait3A_60] : memref<1x128xf32, #tpu.memory_space<vmem>> -> memref<1x128xf32, #tpu.memory_space<vmem>>
    %dma_wait3A_62 = tpu.memref_squeeze %dma_wait3A_61 : memref<1x128xf32, #tpu.memory_space<vmem>> -> memref<128xf32, #tpu.memory_space<vmem>>
    %dma_wait3A_63 = tpu.memref_slice %arg5[%mul3A_2] : memref<4096xf32, #tpu.memory_space<hbm>> -> memref<128xf32, #tpu.memory_space<hbm>>
    %dma_wait3A_64 = arith.constant 0 : i32
    %dma_wait3A_65 = tpu.memref_slice %arg11[%dma_wait3A_59, %dma_wait3A_64] : memref<1x128xf32, #tpu.memory_space<vmem>> -> memref<1x128xf32, #tpu.memory_space<vmem>>
    %dma_wait3A_66 = tpu.memref_squeeze %dma_wait3A_65 : memref<1x128xf32, #tpu.memory_space<vmem>> -> memref<128xf32, #tpu.memory_space<vmem>>
    %dma_wait3A_67 = tpu.memref_slice %arg5[%mul3A_2] : memref<4096xf32, #tpu.memory_space<hbm>> -> memref<128xf32, #tpu.memory_space<hbm>>
    tpu.wait_dma2 semaphore(%arg14 : memref<!tpu.dma_semaphore, #tpu.memory_space<semaphore_mem>>) src(%dma_wait3A_67 : memref<128xf32, #tpu.memory_space<hbm>>) dst(%dma_wait3A_66 : memref<128xf32, #tpu.memory_space<vmem>>)
    %dma_wait3A_68 = arith.constant 0 : i32
    %dma_wait3A_69 = arith.constant 0 : i32
    %dma_wait3A_70 = tpu.memref_slice %arg12[%dma_wait3A_68, %dma_wait3A_69] : memref<1x128xf32, #tpu.memory_space<vmem>> -> memref<1x128xf32, #tpu.memory_space<vmem>>
    %dma_wait3A_71 = tpu.memref_squeeze %dma_wait3A_70 : memref<1x128xf32, #tpu.memory_space<vmem>> -> memref<128xf32, #tpu.memory_space<vmem>>
    %dma_wait3A_72 = tpu.memref_slice %arg6[%mul3A_2] : memref<4096xf32, #tpu.memory_space<hbm>> -> memref<128xf32, #tpu.memory_space<hbm>>
    %dma_wait3A_73 = arith.constant 0 : i32
    %dma_wait3A_74 = tpu.memref_slice %arg12[%dma_wait3A_68, %dma_wait3A_73] : memref<1x128xf32, #tpu.memory_space<vmem>> -> memref<1x128xf32, #tpu.memory_space<vmem>>
    %dma_wait3A_75 = tpu.memref_squeeze %dma_wait3A_74 : memref<1x128xf32, #tpu.memory_space<vmem>> -> memref<128xf32, #tpu.memory_space<vmem>>
    %dma_wait3A_76 = tpu.memref_slice %arg6[%mul3A_2] : memref<4096xf32, #tpu.memory_space<hbm>> -> memref<128xf32, #tpu.memory_space<hbm>>
    tpu.wait_dma2 semaphore(%arg14 : memref<!tpu.dma_semaphore, #tpu.memory_space<semaphore_mem>>) src(%dma_wait3A_76 : memref<128xf32, #tpu.memory_space<hbm>>) dst(%dma_wait3A_75 : memref<128xf32, #tpu.memory_space<vmem>>)
    %dma_wait3A_77 = arith.constant 0 : i32
    %dma_wait3A_78 = tpu.memref_slice %arg2[%mul3A_2, %dma_wait3A_77] : memref<4096x768xf32, #tpu.memory_space<hbm>> -> memref<128x768xf32, #tpu.memory_space<hbm>>
    %dma_wait3A_79 = arith.constant 0 : i32
    %dma_wait3A_80 = tpu.memref_slice %arg2[%mul3A_2, %dma_wait3A_79] : memref<4096x768xf32, #tpu.memory_space<hbm>> -> memref<128x768xf32, #tpu.memory_space<hbm>>
    tpu.wait_dma2 semaphore(%arg15 : memref<!tpu.dma_semaphore, #tpu.memory_space<semaphore_mem>>) src(%dma_wait3A_80 : memref<128x768xf32, #tpu.memory_space<hbm>>) dst(%arg13 : memref<128x768xf32, #tpu.memory_space<vmem>>)
    %dma_start3A_81 = arith.constant 0 : i32
    %dma_start3A_82 = arith.constant 0 : i32
    %dma_start3A_83 = tpu.memref_slice %arg9[%dma_start3A_81, %dma_start3A_82] : memref<1x128xi32, #tpu.memory_space<vmem>> -> memref<1x128xi32, #tpu.memory_space<vmem>>
    %dma_start3A_84 = tpu.memref_squeeze %dma_start3A_83 : memref<1x128xi32, #tpu.memory_space<vmem>> -> memref<128xi32, #tpu.memory_space<vmem>>
    %dma_start3A_85 = arith.constant 0 : i32
    %dma_start3A_86 = arith.constant 0 : i32
    %dma_start3A_87 = tpu.memref_slice %arg7[%dma_start3A_85, %dma_start3A_86] : memref<24576x768xf32, #tpu.memory_space<hbm>> -> memref<24576x768xf32, #tpu.memory_space<hbm>>
    tpu.enqueue_indirect_dma source(%arg13 : memref<128x768xf32, #tpu.memory_space<vmem>>) target(%dma_start3A_87 : memref<24576x768xf32, #tpu.memory_space<hbm>>) offsets(%dma_start3A_84 : memref<128xi32, #tpu.memory_space<vmem>>) semaphore(%arg16 : memref<!tpu.dma_semaphore, #tpu.memory_space<semaphore_mem>>)
    %dma_start3A_88 = arith.constant 0 : i32
    %dma_start3A_89 = arith.constant 0 : i32
    %dma_start3A_90 = tpu.memref_slice %arg10[%dma_start3A_88, %dma_start3A_89] : memref<1x128xi32, #tpu.memory_space<vmem>> -> memref<1x128xi32, #tpu.memory_space<vmem>>
    %dma_start3A_91 = tpu.memref_squeeze %dma_start3A_90 : memref<1x128xi32, #tpu.memory_space<vmem>> -> memref<128xi32, #tpu.memory_space<vmem>>
    %dma_start3A_92 = arith.constant 0 : i32
    %dma_start3A_93 = arith.constant 0 : i32
    %dma_start3A_94 = tpu.memref_slice %arg7[%dma_start3A_92, %dma_start3A_93] : memref<24576x768xf32, #tpu.memory_space<hbm>> -> memref<24576x768xf32, #tpu.memory_space<hbm>>
    tpu.enqueue_indirect_dma source(%arg13 : memref<128x768xf32, #tpu.memory_space<vmem>>) target(%dma_start3A_94 : memref<24576x768xf32, #tpu.memory_space<hbm>>) offsets(%dma_start3A_91 : memref<128xi32, #tpu.memory_space<vmem>>) semaphore(%arg16 : memref<!tpu.dma_semaphore, #tpu.memory_space<semaphore_mem>>)
    %dma_start3A_95 = arith.constant 0 : i32
    %dma_start3A_96 = arith.constant 0 : i32
    %dma_start3A_97 = arith.constant 0 : i32
    %dma_start3A_98 = tpu.memref_slice %arg11[%dma_start3A_95, %dma_start3A_97] : memref<1x128xf32, #tpu.memory_space<vmem>> -> memref<1x128xf32, #tpu.memory_space<vmem>>
    %dma_start3A_99 = tpu.memref_squeeze %dma_start3A_98 : memref<1x128xf32, #tpu.memory_space<vmem>> -> memref<128xf32, #tpu.memory_space<vmem>>
    %dma_start3A_100 = arith.constant 0 : i32
    %dma_start3A_101 = tpu.memref_slice %arg9[%dma_start3A_96, %dma_start3A_100] : memref<1x128xi32, #tpu.memory_space<vmem>> -> memref<1x128xi32, #tpu.memory_space<vmem>>
    %dma_start3A_102 = tpu.memref_squeeze %dma_start3A_101 : memref<1x128xi32, #tpu.memory_space<vmem>> -> memref<128xi32, #tpu.memory_space<vmem>>
    %dma_start3A_103 = arith.constant 0 : i32
    %dma_start3A_104 = tpu.memref_slice %arg8[%dma_start3A_103] : memref<24576xf32, #tpu.memory_space<hbm>> -> memref<24576xf32, #tpu.memory_space<hbm>>
    tpu.enqueue_indirect_dma source(%dma_start3A_99 : memref<128xf32, #tpu.memory_space<vmem>>) target(%dma_start3A_104 : memref<24576xf32, #tpu.memory_space<hbm>>) offsets(%dma_start3A_102 : memref<128xi32, #tpu.memory_space<vmem>>) semaphore(%arg16 : memref<!tpu.dma_semaphore, #tpu.memory_space<semaphore_mem>>)
    %dma_start3A_105 = arith.constant 0 : i32
    %dma_start3A_106 = arith.constant 0 : i32
    %dma_start3A_107 = arith.constant 0 : i32
    %dma_start3A_108 = tpu.memref_slice %arg12[%dma_start3A_105, %dma_start3A_107] : memref<1x128xf32, #tpu.memory_space<vmem>> -> memref<1x128xf32, #tpu.memory_space<vmem>>
    %dma_start3A_109 = tpu.memref_squeeze %dma_start3A_108 : memref<1x128xf32, #tpu.memory_space<vmem>> -> memref<128xf32, #tpu.memory_space<vmem>>
    %dma_start3A_110 = arith.constant 0 : i32
    %dma_start3A_111 = tpu.memref_slice %arg10[%dma_start3A_106, %dma_start3A_110] : memref<1x128xi32, #tpu.memory_space<vmem>> -> memref<1x128xi32, #tpu.memory_space<vmem>>
    %dma_start3A_112 = tpu.memref_squeeze %dma_start3A_111 : memref<1x128xi32, #tpu.memory_space<vmem>> -> memref<128xi32, #tpu.memory_space<vmem>>
    %dma_start3A_113 = arith.constant 0 : i32
    %dma_start3A_114 = tpu.memref_slice %arg8[%dma_start3A_113] : memref<24576xf32, #tpu.memory_space<hbm>> -> memref<24576xf32, #tpu.memory_space<hbm>>
    tpu.enqueue_indirect_dma source(%dma_start3A_109 : memref<128xf32, #tpu.memory_space<vmem>>) target(%dma_start3A_114 : memref<24576xf32, #tpu.memory_space<hbm>>) offsets(%dma_start3A_112 : memref<128xi32, #tpu.memory_space<vmem>>) semaphore(%arg16 : memref<!tpu.dma_semaphore, #tpu.memory_space<semaphore_mem>>)
    %dma_wait3A_115 = arith.constant 0 : i32
    %dma_wait3A_116 = arith.constant 0 : i32
    %dma_wait3A_117 = tpu.memref_slice %arg9[%dma_wait3A_115, %dma_wait3A_116] : memref<1x128xi32, #tpu.memory_space<vmem>> -> memref<1x128xi32, #tpu.memory_space<vmem>>
    %dma_wait3A_118 = tpu.memref_squeeze %dma_wait3A_117 : memref<1x128xi32, #tpu.memory_space<vmem>> -> memref<128xi32, #tpu.memory_space<vmem>>
    %dma_wait3A_119 = arith.constant 0 : i32
    %dma_wait3A_120 = arith.constant 0 : i32
    %dma_wait3A_121 = tpu.memref_slice %arg7[%dma_wait3A_119, %dma_wait3A_120] : memref<24576x768xf32, #tpu.memory_space<hbm>> -> memref<24576x768xf32, #tpu.memory_space<hbm>>
    tpu.wait_indirect_dma semaphore(%arg16 : memref<!tpu.dma_semaphore, #tpu.memory_space<semaphore_mem>>) src(%arg13 : memref<128x768xf32, #tpu.memory_space<vmem>>) dst(%dma_wait3A_121 : memref<24576x768xf32, #tpu.memory_space<hbm>>)
    %dma_wait3A_122 = arith.constant 0 : i32
    %dma_wait3A_123 = arith.constant 0 : i32
    %dma_wait3A_124 = tpu.memref_slice %arg10[%dma_wait3A_122, %dma_wait3A_123] : memref<1x128xi32, #tpu.memory_space<vmem>> -> memref<1x128xi32, #tpu.memory_space<vmem>>
    %dma_wait3A_125 = tpu.memref_squeeze %dma_wait3A_124 : memref<1x128xi32, #tpu.memory_space<vmem>> -> memref<128xi32, #tpu.memory_space<vmem>>
    %dma_wait3A_126 = arith.constant 0 : i32
    %dma_wait3A_127 = arith.constant 0 : i32
    %dma_wait3A_128 = tpu.memref_slice %arg7[%dma_wait3A_126, %dma_wait3A_127] : memref<24576x768xf32, #tpu.memory_space<hbm>> -> memref<24576x768xf32, #tpu.memory_space<hbm>>
    tpu.wait_indirect_dma semaphore(%arg16 : memref<!tpu.dma_semaphore, #tpu.memory_space<semaphore_mem>>) src(%arg13 : memref<128x768xf32, #tpu.memory_space<vmem>>) dst(%dma_wait3A_128 : memref<24576x768xf32, #tpu.memory_space<hbm>>)
    %dma_wait3A_129 = arith.constant 0 : i32
    %dma_wait3A_130 = arith.constant 0 : i32
    %dma_wait3A_131 = arith.constant 0 : i32
    %dma_wait3A_132 = tpu.memref_slice %arg11[%dma_wait3A_129, %dma_wait3A_131] : memref<1x128xf32, #tpu.memory_space<vmem>> -> memref<1x128xf32, #tpu.memory_space<vmem>>
    %dma_wait3A_133 = tpu.memref_squeeze %dma_wait3A_132 : memref<1x128xf32, #tpu.memory_space<vmem>> -> memref<128xf32, #tpu.memory_space<vmem>>
    %dma_wait3A_134 = arith.constant 0 : i32
    %dma_wait3A_135 = tpu.memref_slice %arg9[%dma_wait3A_130, %dma_wait3A_134] : memref<1x128xi32, #tpu.memory_space<vmem>> -> memref<1x128xi32, #tpu.memory_space<vmem>>
    %dma_wait3A_136 = tpu.memref_squeeze %dma_wait3A_135 : memref<1x128xi32, #tpu.memory_space<vmem>> -> memref<128xi32, #tpu.memory_space<vmem>>
    %dma_wait3A_137 = arith.constant 0 : i32
    %dma_wait3A_138 = tpu.memref_slice %arg8[%dma_wait3A_137] : memref<24576xf32, #tpu.memory_space<hbm>> -> memref<24576xf32, #tpu.memory_space<hbm>>
    tpu.wait_indirect_dma semaphore(%arg16 : memref<!tpu.dma_semaphore, #tpu.memory_space<semaphore_mem>>) src(%dma_wait3A_133 : memref<128xf32, #tpu.memory_space<vmem>>) dst(%dma_wait3A_138 : memref<24576xf32, #tpu.memory_space<hbm>>)
    %dma_wait3A_139 = arith.constant 0 : i32
    %dma_wait3A_140 = arith.constant 0 : i32
    %dma_wait3A_141 = arith.constant 0 : i32
    %dma_wait3A_142 = tpu.memref_slice %arg12[%dma_wait3A_139, %dma_wait3A_141] : memref<1x128xf32, #tpu.memory_space<vmem>> -> memref<1x128xf32, #tpu.memory_space<vmem>>
    %dma_wait3A_143 = tpu.memref_squeeze %dma_wait3A_142 : memref<1x128xf32, #tpu.memory_space<vmem>> -> memref<128xf32, #tpu.memory_space<vmem>>
    %dma_wait3A_144 = arith.constant 0 : i32
    %dma_wait3A_145 = tpu.memref_slice %arg10[%dma_wait3A_140, %dma_wait3A_144] : memref<1x128xi32, #tpu.memory_space<vmem>> -> memref<1x128xi32, #tpu.memory_space<vmem>>
    %dma_wait3A_146 = tpu.memref_squeeze %dma_wait3A_145 : memref<1x128xi32, #tpu.memory_space<vmem>> -> memref<128xi32, #tpu.memory_space<vmem>>
    %dma_wait3A_147 = arith.constant 0 : i32
    %dma_wait3A_148 = tpu.memref_slice %arg8[%dma_wait3A_147] : memref<24576xf32, #tpu.memory_space<hbm>> -> memref<24576xf32, #tpu.memory_space<hbm>>
    tpu.wait_indirect_dma semaphore(%arg16 : memref<!tpu.dma_semaphore, #tpu.memory_space<semaphore_mem>>) src(%dma_wait3A_143 : memref<128xf32, #tpu.memory_space<vmem>>) dst(%dma_wait3A_148 : memref<24576xf32, #tpu.memory_space<hbm>>)
    return
  }
}

module attributes {stable_mosaic.version = 14 : i64} {
  func.func @_gating_body(%arg0: i32, %arg1: memref<512x768xf32, #tpu.memory_space<vmem>>, %arg2: memref<512x64xf32, #tpu.memory_space<vmem>>, %arg3: memref<768x128xf32, #tpu.memory_space<vmem>>, %arg4: memref<1x128xf32, #tpu.memory_space<vmem>>, %arg5: memref<512x1xf32, #tpu.memory_space<vmem>>, %arg6: memref<512x1xf32, #tpu.memory_space<vmem>>, %arg7: memref<4096x1xi32, #tpu.memory_space<vmem>>, %arg8: memref<4096x1xi32, #tpu.memory_space<vmem>>, %arg9: memref<3x96xi32, #tpu.memory_space<vmem>>, %arg10: memref<1x1xf32, #tpu.memory_space<vmem>>, %arg11: memref<1x64xf32, #tpu.memory_space<vmem>>, %arg12: memref<1x64xf32, #tpu.memory_space<vmem>>, %arg13: memref<4096x1xi32, #tpu.memory_space<vmem>>, %arg14: memref<4096x1xi32, #tpu.memory_space<vmem>>, %arg15: memref<4096x1xi32, #tpu.memory_space<vmem>>, %arg16: memref<4096x1xi32, #tpu.memory_space<vmem>>) attributes {dimension_semantics = [#tpu.dimension_semantics<arbitrary>], iteration_bounds = array<i64: 8>, scalar_prefetch = 0 : i64, scratch_operands = 4 : i64, tpu.core_type = #tpu.core_type<tc>, window_params = [{transform_indices = @transform_0, window_bounds = array<i64: 512, 768>}, {transform_indices = @transform_1, window_bounds = array<i64: 512, 64>}, {pipeline_mode = #tpu.pipeline_mode<synchronous>, transform_indices = @transform_2, window_bounds = array<i64: 768, 128>}, {pipeline_mode = #tpu.pipeline_mode<synchronous>, transform_indices = @transform_3, window_bounds = array<i64: 1, 128>}, {transform_indices = @transform_4, window_bounds = array<i64: 512, 1>}, {transform_indices = @transform_5, window_bounds = array<i64: 512, 1>}, {pipeline_mode = #tpu.pipeline_mode<synchronous>, transform_indices = @transform_6, window_bounds = array<i64: 4096, 1>}, {pipeline_mode = #tpu.pipeline_mode<synchronous>, transform_indices = @transform_7, window_bounds = array<i64: 4096, 1>}, {pipeline_mode = #tpu.pipeline_mode<synchronous>, transform_indices = @transform_8, window_bounds = array<i64: 3, 96>}, {pipeline_mode = #tpu.pipeline_mode<synchronous>, transform_indices = @transform_9, window_bounds = array<i64: 1, 1>}, {pipeline_mode = #tpu.pipeline_mode<synchronous>, transform_indices = @transform_10, window_bounds = array<i64: 1, 64>}, {pipeline_mode = #tpu.pipeline_mode<synchronous>, transform_indices = @transform_11, window_bounds = array<i64: 1, 64>}]} {
    %get3A = arith.constant 0 : index
    %get3A_0 = arith.constant 0 : index
    %get3A_1 = vector.load %arg1[%get3A, %get3A_0] : memref<512x768xf32, #tpu.memory_space<vmem>>, vector<512x768xf32>
    %get3A_2 = arith.constant 0 : index
    %get3A_3 = arith.constant 0 : index
    %get3A_4 = vector.load %arg3[%get3A_2, %get3A_3] : memref<768x128xf32, #tpu.memory_space<vmem>>, vector<768x128xf32>
    %dot_general3A = arith.constant dense<0.000000e+00> : vector<512x128xf32>
    %dot_general3A_5 = tpu.matmul %get3A_1, %get3A_4, %dot_general3A {dimension_numbers = #tpu.dot_dimension_numbers<[1], [0], [0], [1], [0, 0, 1, 1], [], []>, transpose_lhs_hint = false} : vector<512x768xf32>, vector<768x128xf32>, vector<512x128xf32> -> vector<512x128xf32>
    %get3A_6 = arith.constant 0 : index
    %get3A_7 = arith.constant 0 : index
    %get3A_8 = vector.load %arg4[%get3A_6, %get3A_7] : memref<1x128xf32, #tpu.memory_space<vmem>>, vector<1x128xf32>
    %add3A = vector.broadcast %get3A_8 : vector<1x128xf32> to vector<512x128xf32>
    %add3A_9 = arith.addf %dot_general3A_5, %add3A : vector<512x128xf32>
    %slice3A = vector.extract_strided_slice %add3A_9 {offsets = [0, 0], sizes = [512, 64], strides = [1, 1]} : vector<512x128xf32> to vector<512x64xf32>
    %slice3A_10 = vector.extract_strided_slice %add3A_9 {offsets = [0, 64], sizes = [512, 64], strides = [1, 1]} : vector<512x128xf32> to vector<512x64xf32>
    %max3A = arith.constant 0.000000e+00 : f32
    %max3A_11 = vector.broadcast %max3A : f32 to vector<512x64xf32>
    %max3A_12 = arith.maximumf %slice3A_10, %max3A_11 : vector<512x64xf32>
    %abs3A = math.absf %slice3A_10 : vector<512x64xf32>
    %neg3A = arith.constant 0.000000e+00 : f32
    %neg3A_13 = vector.broadcast %neg3A : f32 to vector<512x64xf32>
    %neg3A_14 = arith.subf %neg3A_13, %abs3A : vector<512x64xf32>
    %exp3A = math.exp %neg3A_14 : vector<512x64xf32>
    %log1p3A = math.log1p %exp3A : vector<512x64xf32>
    %add3A_15 = arith.addf %max3A_12, %log1p3A : vector<512x64xf32>
    %get3A_16 = arith.constant 0 : index
    %get3A_17 = arith.constant 0 : index
    %get3A_18 = vector.load %arg2[%get3A_16, %get3A_17] : memref<512x64xf32, #tpu.memory_space<vmem>>, vector<512x64xf32>
    %mul3A = arith.mulf %get3A_18, %add3A_15 : vector<512x64xf32>
    %add3A_19 = arith.addf %slice3A, %mul3A : vector<512x64xf32>
    %iota3A = tpu.iota {dimensions = array<i32: 1>} : vector<512x64xi32>
    %reduce_max3A = arith.constant dense<0xFF800000> : vector<512xf32>
    %reduce_max3A_20 = vector.multi_reduction <maximumf>, %add3A_19, %reduce_max3A [1] : vector<512x64xf32> to vector<512xf32>
    %broadcast_in_dim3A = vector.shape_cast %reduce_max3A_20 : vector<512xf32> to vector<512x1xf32>
    %eq3A = vector.broadcast %broadcast_in_dim3A : vector<512x1xf32> to vector<512x64xf32>
    %eq3A_21 = arith.cmpf oeq, %add3A_19, %eq3A : vector<512x64xf32>
    %jit3A = arith.constant 64 : i32
    %broadcast_in_dim3A_22 = vector.broadcast %jit3A : i32 to vector<512x64xi32>
    %select_n3A = arith.select %eq3A_21, %iota3A, %broadcast_in_dim3A_22 : vector<512x64xi1>, vector<512x64xi32>
    %reduce_min3A = arith.constant dense<2147483647> : vector<512xi32>
    %reduce_min3A_23 = vector.multi_reduction <minsi>, %select_n3A, %reduce_min3A [1] : vector<512x64xi32> to vector<512xi32>
    %broadcast_in_dim3A_24 = vector.shape_cast %reduce_min3A_23 : vector<512xi32> to vector<512x1xi32>
    %eq3A_25 = vector.broadcast %broadcast_in_dim3A_24 : vector<512x1xi32> to vector<512x64xi32>
    %eq3A_26 = arith.cmpi eq, %iota3A, %eq3A_25 : vector<512x64xi32>
    %jit3A_27 = arith.constant 0xFF800000 : f32
    %broadcast_in_dim3A_28 = vector.broadcast %jit3A_27 : f32 to vector<512x64xf32>
    %select_n3A_29 = arith.select %eq3A_26, %broadcast_in_dim3A_28, %add3A_19 : vector<512x64xi1>, vector<512x64xf32>
    %reduce_max3A_30 = arith.constant dense<0xFF800000> : vector<512xf32>
    %reduce_max3A_31 = vector.multi_reduction <maximumf>, %select_n3A_29, %reduce_max3A_30 [1] : vector<512x64xf32> to vector<512xf32>
    %broadcast_in_dim3A_32 = vector.shape_cast %reduce_max3A_31 : vector<512xf32> to vector<512x1xf32>
    %eq3A_33 = vector.broadcast %broadcast_in_dim3A_32 : vector<512x1xf32> to vector<512x64xf32>
    %eq3A_34 = arith.cmpf oeq, %select_n3A_29, %eq3A_33 : vector<512x64xf32>
    %jit3A_35 = arith.constant 64 : i32
    %broadcast_in_dim3A_36 = vector.broadcast %jit3A_35 : i32 to vector<512x64xi32>
    %select_n3A_37 = arith.select %eq3A_34, %iota3A, %broadcast_in_dim3A_36 : vector<512x64xi1>, vector<512x64xi32>
    %reduce_min3A_38 = arith.constant dense<2147483647> : vector<512xi32>
    %reduce_min3A_39 = vector.multi_reduction <minsi>, %select_n3A_37, %reduce_min3A_38 [1] : vector<512x64xi32> to vector<512xi32>
    %broadcast_in_dim3A_40 = vector.shape_cast %reduce_min3A_39 : vector<512xi32> to vector<512x1xi32>
    %sub3A = arith.subf %broadcast_in_dim3A_32, %broadcast_in_dim3A : vector<512x1xf32>
    %exp3A_41 = math.exp %sub3A : vector<512x1xf32>
    %add3A_42 = arith.constant 1.000000e+00 : f32
    %add3A_43 = vector.broadcast %add3A_42 : f32 to vector<512x1xf32>
    %add3A_44 = arith.addf %add3A_43, %exp3A_41 : vector<512x1xf32>
    %div3A = arith.constant 1.000000e+00 : f32
    %div3A_45 = vector.broadcast %div3A : f32 to vector<512x1xf32>
    %div3A_46 = arith.divf %div3A_45, %add3A_44 : vector<512x1xf32>
    %sub3A_47 = arith.constant 1.000000e+00 : f32
    %sub3A_48 = vector.broadcast %sub3A_47 : f32 to vector<512x1xf32>
    %sub3A_49 = arith.subf %sub3A_48, %div3A_46 : vector<512x1xf32>
    %eq3A_50 = vector.broadcast %broadcast_in_dim3A_24 : vector<512x1xi32> to vector<512x64xi32>
    %eq3A_51 = arith.cmpi eq, %iota3A, %eq3A_50 : vector<512x64xi32>
    %convert_element_type3A = arith.extui %eq3A_51 : vector<512x64xi1> to vector<512x64xi32>
    %convert_element_type3A_52 = arith.sitofp %convert_element_type3A : vector<512x64xi32> to vector<512x64xf32>
    %eq3A_53 = vector.broadcast %broadcast_in_dim3A_40 : vector<512x1xi32> to vector<512x64xi32>
    %eq3A_54 = arith.cmpi eq, %iota3A, %eq3A_53 : vector<512x64xi32>
    %convert_element_type3A_55 = arith.extui %eq3A_54 : vector<512x64xi1> to vector<512x64xi32>
    %convert_element_type3A_56 = arith.sitofp %convert_element_type3A_55 : vector<512x64xi32> to vector<512x64xf32>
    %add3A_57 = arith.addf %convert_element_type3A_52, %convert_element_type3A_56 : vector<512x64xf32>
    %reduce_max3A_58 = arith.constant dense<0xFF800000> : vector<512xf32>
    %reduce_max3A_59 = vector.multi_reduction <maximumf>, %slice3A, %reduce_max3A_58 [1] : vector<512x64xf32> to vector<512xf32>
    %broadcast_in_dim3A_60 = vector.shape_cast %reduce_max3A_59 : vector<512xf32> to vector<512x1xf32>
    %sub3A_61 = vector.broadcast %broadcast_in_dim3A_60 : vector<512x1xf32> to vector<512x64xf32>
    %sub3A_62 = arith.subf %slice3A, %sub3A_61 : vector<512x64xf32>
    %exp3A_63 = math.exp %sub3A_62 : vector<512x64xf32>
    %reduce_sum3A = arith.constant dense<0.000000e+00> : vector<512xf32>
    %reduce_sum3A_64 = vector.multi_reduction <add>, %exp3A_63, %reduce_sum3A [1] : vector<512x64xf32> to vector<512xf32>
    %broadcast_in_dim3A_65 = vector.shape_cast %reduce_sum3A_64 : vector<512xf32> to vector<512x1xf32>
    %div3A_66 = vector.broadcast %broadcast_in_dim3A_65 : vector<512x1xf32> to vector<512x64xf32>
    %div3A_67 = arith.divf %exp3A_63, %div3A_66 : vector<512x64xf32>
    %eq3A_68 = arith.constant 0 : i32
    %eq3A_69 = arith.cmpi eq, %arg0, %eq3A_68 : i32
    %convert_element_type3A_70 = arith.extui %eq3A_69 : i1 to i32
    %cond3A = arith.constant 0 : i32
    %cond3A_71 = arith.cmpi ne, %convert_element_type3A_70, %cond3A : i32
    scf.if %cond3A_71 {
      %broadcast_in_dim3A_134 = arith.constant 0.000000e+00 : f32
      %broadcast_in_dim3A_135 = vector.broadcast %broadcast_in_dim3A_134 : f32 to vector<1x64xf32>
      %swap3A_136 = arith.constant 0 : index
      %swap3A_137 = arith.constant 0 : index
      %swap3A_138 = vector.load %arg11[%swap3A_136, %swap3A_137] : memref<1x64xf32, #tpu.memory_space<vmem>>, vector<1x64xf32>
      tpu.vector_store %arg11[%swap3A_136, %swap3A_137], %broadcast_in_dim3A_135 {strides = array<i32>} : memref<1x64xf32, #tpu.memory_space<vmem>>, vector<1x64xf32>,
      %broadcast_in_dim3A_139 = arith.constant 0.000000e+00 : f32
      %broadcast_in_dim3A_140 = vector.broadcast %broadcast_in_dim3A_139 : f32 to vector<1x64xf32>
      %swap3A_141 = arith.constant 0 : index
      %swap3A_142 = arith.constant 0 : index
      %swap3A_143 = vector.load %arg12[%swap3A_141, %swap3A_142] : memref<1x64xf32, #tpu.memory_space<vmem>>, vector<1x64xf32>
      tpu.vector_store %arg12[%swap3A_141, %swap3A_142], %broadcast_in_dim3A_140 {strides = array<i32>} : memref<1x64xf32, #tpu.memory_space<vmem>>, vector<1x64xf32>,
    } else {
    }
    %get3A_72 = arith.constant 0 : index
    %get3A_73 = arith.constant 0 : index
    %get3A_74 = vector.load %arg11[%get3A_72, %get3A_73] : memref<1x64xf32, #tpu.memory_space<vmem>>, vector<1x64xf32>
    %iota3A_75 = tpu.iota {dimensions = array<i32: 0>} : vector<512x512xi32>
    %iota3A_76 = tpu.iota {dimensions = array<i32: 1>} : vector<512x512xi32>
    %lt3A = arith.cmpi slt, %iota3A_76, %iota3A_75 : vector<512x512xi32>
    %convert_element_type3A_77 = arith.extui %lt3A : vector<512x512xi1> to vector<512x512xi32>
    %convert_element_type3A_78 = arith.sitofp %convert_element_type3A_77 : vector<512x512xi32> to vector<512x512xf32>
    %dot_general3A_79 = arith.constant dense<0.000000e+00> : vector<512x64xf32>
    %dot_general3A_80 = tpu.matmul %convert_element_type3A_78, %add3A_57, %dot_general3A_79 {dimension_numbers = #tpu.dot_dimension_numbers<[1], [0], [0], [1], [0, 0, 1, 1], [], []>, precision = #tpu.contract_precision<fp32>, transpose_lhs_hint = false} : vector<512x512xf32>, vector<512x64xf32>, vector<512x64xf32> -> vector<512x64xf32>
    %add3A_81 = vector.broadcast %get3A_74 : vector<1x64xf32> to vector<512x64xf32>
    %add3A_82 = arith.addf %dot_general3A_80, %add3A_81 : vector<512x64xf32>
    %mul3A_83 = arith.mulf %add3A_82, %convert_element_type3A_52 : vector<512x64xf32>
    %reduce_sum3A_84 = arith.constant dense<0.000000e+00> : vector<512xf32>
    %reduce_sum3A_85 = vector.multi_reduction <add>, %mul3A_83, %reduce_sum3A_84 [1] : vector<512x64xf32> to vector<512xf32>
    %broadcast_in_dim3A_86 = vector.shape_cast %reduce_sum3A_85 : vector<512xf32> to vector<512x1xf32>
    %mul3A_87 = arith.mulf %add3A_82, %convert_element_type3A_56 : vector<512x64xf32>
    %reduce_sum3A_88 = arith.constant dense<0.000000e+00> : vector<512xf32>
    %reduce_sum3A_89 = vector.multi_reduction <add>, %mul3A_87, %reduce_sum3A_88 [1] : vector<512x64xf32> to vector<512xf32>
    %broadcast_in_dim3A_90 = vector.shape_cast %reduce_sum3A_89 : vector<512xf32> to vector<512x1xf32>
    %reduce_sum3A_91 = arith.constant dense<0.000000e+00> : vector<64xf32>
    %reduce_sum3A_92 = vector.multi_reduction <add>, %add3A_57, %reduce_sum3A_91 [0] : vector<512x64xf32> to vector<64xf32>
    %broadcast_in_dim3A_93 = vector.shape_cast %reduce_sum3A_92 : vector<64xf32> to vector<1x64xf32>
    %add3A_94 = arith.addf %get3A_74, %broadcast_in_dim3A_93 : vector<1x64xf32>
    %swap3A = arith.constant 0 : index
    %swap3A_95 = arith.constant 0 : index
    %swap3A_96 = vector.load %arg11[%swap3A, %swap3A_95] : memref<1x64xf32, #tpu.memory_space<vmem>>, vector<1x64xf32>
    tpu.vector_store %arg11[%swap3A, %swap3A_95], %add3A_94 {strides = array<i32>} : memref<1x64xf32, #tpu.memory_space<vmem>>, vector<1x64xf32>,
    %get3A_97 = arith.constant 0 : index
    %get3A_98 = arith.constant 0 : index
    %get3A_99 = vector.load %arg12[%get3A_97, %get3A_98] : memref<1x64xf32, #tpu.memory_space<vmem>>, vector<1x64xf32>
    %reduce_sum3A_100 = arith.constant dense<0.000000e+00> : vector<64xf32>
    %reduce_sum3A_101 = vector.multi_reduction <add>, %div3A_67, %reduce_sum3A_100 [0] : vector<512x64xf32> to vector<64xf32>
    %broadcast_in_dim3A_102 = vector.shape_cast %reduce_sum3A_101 : vector<64xf32> to vector<1x64xf32>
    %add3A_103 = arith.addf %get3A_99, %broadcast_in_dim3A_102 : vector<1x64xf32>
    %swap3A_104 = arith.constant 0 : index
    %swap3A_105 = arith.constant 0 : index
    %swap3A_106 = vector.load %arg12[%swap3A_104, %swap3A_105] : memref<1x64xf32, #tpu.memory_space<vmem>>, vector<1x64xf32>
    tpu.vector_store %arg12[%swap3A_104, %swap3A_105], %add3A_103 {strides = array<i32>} : memref<1x64xf32, #tpu.memory_space<vmem>>, vector<1x64xf32>,
    %mul3A_107 = arith.constant 512 : i32
    %mul3A_108 = arith.muli %arg0, %mul3A_107 : i32
    %swap3A_109 = arith.index_cast %mul3A_108 : i32 to index
    %swap3A_110 = arith.constant 0 : index
    %swap3A_111 = vector.load %arg13[%swap3A_109, %swap3A_110] : memref<4096x1xi32, #tpu.memory_space<vmem>>, vector<512x1xi32>
    tpu.vector_store %arg13[%swap3A_109, %swap3A_110], %broadcast_in_dim3A_24 {strides = array<i32>} : memref<4096x1xi32, #tpu.memory_space<vmem>>, vector<512x1xi32>,
    %swap3A_112 = arith.index_cast %mul3A_108 : i32 to index
    %swap3A_113 = arith.constant 0 : index
    %swap3A_114 = vector.load %arg14[%swap3A_112, %swap3A_113] : memref<4096x1xi32, #tpu.memory_space<vmem>>, vector<512x1xi32>
    tpu.vector_store %arg14[%swap3A_112, %swap3A_113], %broadcast_in_dim3A_40 {strides = array<i32>} : memref<4096x1xi32, #tpu.memory_space<vmem>>, vector<512x1xi32>,
    %convert_element_type3A_115 = arith.fptosi %broadcast_in_dim3A_86 : vector<512x1xf32> to vector<512x1xi32>
    %swap3A_116 = arith.index_cast %mul3A_108 : i32 to index
    %swap3A_117 = arith.constant 0 : index
    %swap3A_118 = vector.load %arg15[%swap3A_116, %swap3A_117] : memref<4096x1xi32, #tpu.memory_space<vmem>>, vector<512x1xi32>
    tpu.vector_store %arg15[%swap3A_116, %swap3A_117], %convert_element_type3A_115 {strides = array<i32>} : memref<4096x1xi32, #tpu.memory_space<vmem>>, vector<512x1xi32>,
    %convert_element_type3A_119 = arith.fptosi %broadcast_in_dim3A_90 : vector<512x1xf32> to vector<512x1xi32>
    %swap3A_120 = arith.index_cast %mul3A_108 : i32 to index
    %swap3A_121 = arith.constant 0 : index
    %swap3A_122 = vector.load %arg16[%swap3A_120, %swap3A_121] : memref<4096x1xi32, #tpu.memory_space<vmem>>, vector<512x1xi32>
    tpu.vector_store %arg16[%swap3A_120, %swap3A_121], %convert_element_type3A_119 {strides = array<i32>} : memref<4096x1xi32, #tpu.memory_space<vmem>>, vector<512x1xi32>,
    %swap3A_123 = arith.constant 0 : index
    %swap3A_124 = arith.constant 0 : index
    %swap3A_125 = vector.load %arg5[%swap3A_123, %swap3A_124] : memref<512x1xf32, #tpu.memory_space<vmem>>, vector<512x1xf32>
    tpu.vector_store %arg5[%swap3A_123, %swap3A_124], %div3A_46 {strides = array<i32>} : memref<512x1xf32, #tpu.memory_space<vmem>>, vector<512x1xf32>,
    %swap3A_126 = arith.constant 0 : index
    %swap3A_127 = arith.constant 0 : index
    %swap3A_128 = vector.load %arg6[%swap3A_126, %swap3A_127] : memref<512x1xf32, #tpu.memory_space<vmem>>, vector<512x1xf32>
    tpu.vector_store %arg6[%swap3A_126, %swap3A_127], %sub3A_49 {strides = array<i32>} : memref<512x1xf32, #tpu.memory_space<vmem>>, vector<512x1xf32>,
    %eq3A_129 = arith.constant 7 : i32
    %eq3A_130 = arith.cmpi eq, %arg0, %eq3A_129 : i32
    %convert_element_type3A_131 = arith.extui %eq3A_130 : i1 to i32
    %cond3A_132 = arith.constant 0 : i32
    %cond3A_133 = arith.cmpi ne, %convert_element_type3A_131, %cond3A_132 : i32
    scf.if %cond3A_133 {
      %add3A_134 = arith.constant 2.550000e+02 : f32
      %add3A_135 = vector.broadcast %add3A_134 : f32 to vector<1x64xf32>
      %add3A_136 = arith.addf %add3A_94, %add3A_135 : vector<1x64xf32>
      %mul3A_137 = arith.constant 3.906250e-03 : f32
      %mul3A_138 = vector.broadcast %mul3A_137 : f32 to vector<1x64xf32>
      %mul3A_139 = arith.mulf %add3A_136, %mul3A_138 : vector<1x64xf32>
      %floor3A = math.floor %mul3A_139 : vector<1x64xf32>
      %iota3A_140 = tpu.iota {dimensions = array<i32: 0>} : vector<64x64xi32>
      %iota3A_141 = tpu.iota {dimensions = array<i32: 1>} : vector<64x64xi32>
      %lt3A_142 = arith.cmpi slt, %iota3A_140, %iota3A_141 : vector<64x64xi32>
      %convert_element_type3A_143 = arith.extui %lt3A_142 : vector<64x64xi1> to vector<64x64xi32>
      %convert_element_type3A_144 = arith.sitofp %convert_element_type3A_143 : vector<64x64xi32> to vector<64x64xf32>
      %dot_general3A_145 = arith.constant dense<0.000000e+00> : vector<1x64xf32>
      %dot_general3A_146 = tpu.matmul %floor3A, %convert_element_type3A_144, %dot_general3A_145 {dimension_numbers = #tpu.dot_dimension_numbers<[1], [0], [0], [1], [0, 0, 1, 1], [], []>, precision = #tpu.contract_precision<fp32>, transpose_lhs_hint = false} : vector<1x64xf32>, vector<64x64xf32>, vector<1x64xf32> -> vector<1x64xf32>
      %mul3A_147 = arith.constant 2.560000e+02 : f32
      %mul3A_148 = vector.broadcast %mul3A_147 : f32 to vector<1x64xf32>
      %mul3A_149 = arith.mulf %dot_general3A_146, %mul3A_148 : vector<1x64xf32>
      %iota3A_150 = tpu.iota {dimensions = array<i32: 1>} : vector<4096x64xi32>
      %get3A_151 = arith.constant 0 : index
      %get3A_152 = arith.constant 0 : index
      %get3A_153 = vector.load %arg13[%get3A_151, %get3A_152] : memref<4096x1xi32, #tpu.memory_space<vmem>>, vector<4096x1xi32>
      %eq3A_154 = vector.broadcast %get3A_153 : vector<4096x1xi32> to vector<4096x64xi32>
      %eq3A_155 = arith.cmpi eq, %iota3A_150, %eq3A_154 : vector<4096x64xi32>
      %convert_element_type3A_156 = arith.extui %eq3A_155 : vector<4096x64xi1> to vector<4096x64xi32>
      %convert_element_type3A_157 = arith.sitofp %convert_element_type3A_156 : vector<4096x64xi32> to vector<4096x64xf32>
      %get3A_158 = arith.constant 0 : index
      %get3A_159 = arith.constant 0 : index
      %get3A_160 = vector.load %arg14[%get3A_158, %get3A_159] : memref<4096x1xi32, #tpu.memory_space<vmem>>, vector<4096x1xi32>
      %eq3A_161 = vector.broadcast %get3A_160 : vector<4096x1xi32> to vector<4096x64xi32>
      %eq3A_162 = arith.cmpi eq, %iota3A_150, %eq3A_161 : vector<4096x64xi32>
      %convert_element_type3A_163 = arith.extui %eq3A_162 : vector<4096x64xi1> to vector<4096x64xi32>
      %convert_element_type3A_164 = arith.sitofp %convert_element_type3A_163 : vector<4096x64xi32> to vector<4096x64xf32>
      %mul3A_165 = vector.broadcast %mul3A_149 : vector<1x64xf32> to vector<4096x64xf32>
      %mul3A_166 = arith.mulf %convert_element_type3A_157, %mul3A_165 : vector<4096x64xf32>
      %reduce_sum3A_167 = arith.constant dense<0.000000e+00> : vector<4096xf32>
      %reduce_sum3A_168 = vector.multi_reduction <add>, %mul3A_166, %reduce_sum3A_167 [1] : vector<4096x64xf32> to vector<4096xf32>
      %broadcast_in_dim3A_169 = vector.shape_cast %reduce_sum3A_168 : vector<4096xf32> to vector<4096x1xf32>
      %mul3A_170 = vector.broadcast %mul3A_149 : vector<1x64xf32> to vector<4096x64xf32>
      %mul3A_171 = arith.mulf %convert_element_type3A_164, %mul3A_170 : vector<4096x64xf32>
      %reduce_sum3A_172 = arith.constant dense<0.000000e+00> : vector<4096xf32>
      %reduce_sum3A_173 = vector.multi_reduction <add>, %mul3A_171, %reduce_sum3A_172 [1] : vector<4096x64xf32> to vector<4096xf32>
      %broadcast_in_dim3A_174 = vector.shape_cast %reduce_sum3A_173 : vector<4096xf32> to vector<4096x1xf32>
      %get3A_175 = arith.constant 0 : index
      %get3A_176 = arith.constant 0 : index
      %get3A_177 = vector.load %arg15[%get3A_175, %get3A_176] : memref<4096x1xi32, #tpu.memory_space<vmem>>, vector<4096x1xi32>
      %convert_element_type3A_178 = arith.fptosi %broadcast_in_dim3A_169 : vector<4096x1xf32> to vector<4096x1xi32>
      %add3A_179 = arith.addi %get3A_177, %convert_element_type3A_178 : vector<4096x1xi32>
      %swap3A_180 = arith.constant 0 : index
      %swap3A_181 = arith.constant 0 : index
      %swap3A_182 = vector.load %arg7[%swap3A_180, %swap3A_181] : memref<4096x1xi32, #tpu.memory_space<vmem>>, vector<4096x1xi32>
      tpu.vector_store %arg7[%swap3A_180, %swap3A_181], %add3A_179 {strides = array<i32>} : memref<4096x1xi32, #tpu.memory_space<vmem>>, vector<4096x1xi32>,
      %get3A_183 = arith.constant 0 : index
      %get3A_184 = arith.constant 0 : index
      %get3A_185 = vector.load %arg16[%get3A_183, %get3A_184] : memref<4096x1xi32, #tpu.memory_space<vmem>>, vector<4096x1xi32>
      %convert_element_type3A_186 = arith.fptosi %broadcast_in_dim3A_174 : vector<4096x1xf32> to vector<4096x1xi32>
      %add3A_187 = arith.addi %get3A_185, %convert_element_type3A_186 : vector<4096x1xi32>
      %swap3A_188 = arith.constant 0 : index
      %swap3A_189 = arith.constant 0 : index
      %swap3A_190 = vector.load %arg8[%swap3A_188, %swap3A_189] : memref<4096x1xi32, #tpu.memory_space<vmem>>, vector<4096x1xi32>
      tpu.vector_store %arg8[%swap3A_188, %swap3A_189], %add3A_187 {strides = array<i32>} : memref<4096x1xi32, #tpu.memory_space<vmem>>, vector<4096x1xi32>,
      %reduce_sum3A_191 = vector.shape_cast %floor3A : vector<1x64xf32> to vector<1x1x64xf32>
      %reduce_sum3A_192 = arith.constant dense<0.000000e+00> : vector<1xf32>
      %reduce_sum3A_193 = vector.multi_reduction <add>, %reduce_sum3A_191, %reduce_sum3A_192 [1, 2] : vector<1x1x64xf32> to vector<1xf32>
      %reduce_sum3A_194 = vector.shape_cast %reduce_sum3A_193 : vector<1xf32> to vector<1x1x1xf32>
      %reduce_sum3A_195 = vector.extract %reduce_sum3A_194[0, 0, 0] : f32 from vector<1x1x1xf32>
      %iota3A_196 = tpu.iota {dimensions = array<i32: 1>} : vector<1x96xi32>
      %convert_element_type3A_197 = arith.sitofp %iota3A_196 : vector<1x96xi32> to vector<1x96xf32>
      %sub3A_198 = arith.constant 1.000000e+00 : f32
      %sub3A_199 = arith.subf %reduce_sum3A_195, %sub3A_198 : f32
      %min3A = vector.broadcast %sub3A_199 : f32 to vector<1x96xf32>
      %min3A_200 = arith.minimumf %convert_element_type3A_197, %min3A : vector<1x96xf32>
      %reshape3A = vector.shape_cast %dot_general3A_146 : vector<1x64xf32> to vector<64x1xf32>
      %broadcast_in_dim3A_201 = vector.shape_cast %reshape3A : vector<64x1xf32> to vector<64x1xf32>
      %broadcast_in_dim3A_202 = vector.broadcast %broadcast_in_dim3A_201 : vector<64x1xf32> to vector<64x96xf32>
      %broadcast_in_dim3A_203 = vector.shape_cast %min3A_200 : vector<1x96xf32> to vector<1x96xf32>
      %broadcast_in_dim3A_204 = vector.broadcast %broadcast_in_dim3A_203 : vector<1x96xf32> to vector<64x96xf32>
      %le3A = arith.cmpf ole, %broadcast_in_dim3A_202, %broadcast_in_dim3A_204 : vector<64x96xf32>
      %convert_element_type3A_205 = arith.extui %le3A : vector<64x96xi1> to vector<64x96xi32>
      %convert_element_type3A_206 = arith.sitofp %convert_element_type3A_205 : vector<64x96xi32> to vector<64x96xf32>
      %reduce_sum3A_207 = arith.constant dense<0.000000e+00> : vector<96xf32>
      %reduce_sum3A_208 = vector.multi_reduction <add>, %convert_element_type3A_206, %reduce_sum3A_207 [0] : vector<64x96xf32> to vector<96xf32>
      %broadcast_in_dim3A_209 = vector.shape_cast %reduce_sum3A_208 : vector<96xf32> to vector<1x96xf32>
      %sub3A_210 = arith.constant 1.000000e+00 : f32
      %sub3A_211 = vector.broadcast %sub3A_210 : f32 to vector<1x96xf32>
      %sub3A_212 = arith.subf %broadcast_in_dim3A_209, %sub3A_211 : vector<1x96xf32>
      %lt3A_213 = vector.broadcast %reduce_sum3A_195 : f32 to vector<1x96xf32>
      %lt3A_214 = arith.cmpf olt, %convert_element_type3A_197, %lt3A_213 : vector<1x96xf32>
      %convert_element_type3A_215 = arith.fptosi %sub3A_212 : vector<1x96xf32> to vector<1x96xi32>
      %convert_element_type3A_216 = arith.extui %lt3A_214 : vector<1x96xi1> to vector<1x96xi32>
      %convert_element_type3A_217 = arith.fptosi %min3A_200 : vector<1x96xf32> to vector<1x96xi32>
      %concatenate3A = tpu.concatenate %convert_element_type3A_215, %convert_element_type3A_216, %convert_element_type3A_217 in 0 : vector<1x96xi32>, vector<1x96xi32>, vector<1x96xi32> -> vector<3x96xi32>
      %swap3A_218 = arith.constant 0 : index
      %swap3A_219 = arith.constant 0 : index
      %swap3A_220 = vector.load %arg9[%swap3A_218, %swap3A_219] : memref<3x96xi32, #tpu.memory_space<vmem>>, vector<3x96xi32>
      tpu.vector_store %arg9[%swap3A_218, %swap3A_219], %concatenate3A {strides = array<i32>} : memref<3x96xi32, #tpu.memory_space<vmem>>, vector<3x96xi32>,
      %get3A_221 = arith.constant 0 : index
      %get3A_222 = arith.constant 0 : index
      %get3A_223 = vector.load %arg12[%get3A_221, %get3A_222] : memref<1x64xf32, #tpu.memory_space<vmem>>, vector<1x64xf32>
      %mul3A_224 = arith.mulf %add3A_94, %get3A_223 : vector<1x64xf32>
      %reduce_sum3A_225 = vector.shape_cast %mul3A_224 : vector<1x64xf32> to vector<1x1x64xf32>
      %reduce_sum3A_226 = arith.constant dense<0.000000e+00> : vector<1xf32>
      %reduce_sum3A_227 = vector.multi_reduction <add>, %reduce_sum3A_225, %reduce_sum3A_226 [1, 2] : vector<1x1x64xf32> to vector<1xf32>
      %reduce_sum3A_228 = vector.shape_cast %reduce_sum3A_227 : vector<1xf32> to vector<1x1x1xf32>
      %reduce_sum3A_229 = vector.extract %reduce_sum3A_228[0, 0, 0] : f32 from vector<1x1x1xf32>
      %reshape3A_230 = vector.broadcast %reduce_sum3A_229 : f32 to vector<1x1xf32>
      %mul3A_231 = arith.constant 1.90734863E-6 : f32
      %mul3A_232 = vector.broadcast %mul3A_231 : f32 to vector<1x1xf32>
      %mul3A_233 = arith.mulf %reshape3A_230, %mul3A_232 : vector<1x1xf32>
      %swap3A_234 = arith.constant 0 : index
      %swap3A_235 = arith.constant 0 : index
      %swap3A_236 = vector.load %arg10[%swap3A_234, %swap3A_235] : memref<1x1xf32, #tpu.memory_space<vmem>>, vector<1x1xf32>
      tpu.vector_store %arg10[%swap3A_234, %swap3A_235], %mul3A_233 {strides = array<i32>} : memref<1x1xf32, #tpu.memory_space<vmem>>, vector<1x1xf32>,
    } else {
    }
    return
  }
  func.func @transform_0(%arg0: i32) -> (i32, i32) {
    %c0_i32 = arith.constant 0 : i32
    %c0_i32_0 = arith.constant 0 : i32
    return %arg0, %c0_i32 : i32, i32
  }
  func.func @transform_1(%arg0: i32) -> (i32, i32) {
    %c0_i32 = arith.constant 0 : i32
    %c0_i32_0 = arith.constant 0 : i32
    return %arg0, %c0_i32 : i32, i32
  }
  func.func @transform_2(%arg0: i32) -> (i32, i32) {
    %c0_i32 = arith.constant 0 : i32
    %c0_i32_0 = arith.constant 0 : i32
    %c0_i32_1 = arith.constant 0 : i32
    return %c0_i32, %c0_i32_0 : i32, i32
  }
  func.func @transform_3(%arg0: i32) -> (i32, i32) {
    %c0_i32 = arith.constant 0 : i32
    %c0_i32_0 = arith.constant 0 : i32
    %c0_i32_1 = arith.constant 0 : i32
    return %c0_i32, %c0_i32_0 : i32, i32
  }
  func.func @transform_4(%arg0: i32) -> (i32, i32) {
    %c0_i32 = arith.constant 0 : i32
    %c0_i32_0 = arith.constant 0 : i32
    return %arg0, %c0_i32 : i32, i32
  }
  func.func @transform_5(%arg0: i32) -> (i32, i32) {
    %c0_i32 = arith.constant 0 : i32
    %c0_i32_0 = arith.constant 0 : i32
    return %arg0, %c0_i32 : i32, i32
  }
  func.func @transform_6(%arg0: i32) -> (i32, i32) {
    %c0_i32 = arith.constant 0 : i32
    %c0_i32_0 = arith.constant 0 : i32
    %c0_i32_1 = arith.constant 0 : i32
    return %c0_i32, %c0_i32_0 : i32, i32
  }
  func.func @transform_7(%arg0: i32) -> (i32, i32) {
    %c0_i32 = arith.constant 0 : i32
    %c0_i32_0 = arith.constant 0 : i32
    %c0_i32_1 = arith.constant 0 : i32
    return %c0_i32, %c0_i32_0 : i32, i32
  }
  func.func @transform_8(%arg0: i32) -> (i32, i32) {
    %c0_i32 = arith.constant 0 : i32
    %c0_i32_0 = arith.constant 0 : i32
    %c0_i32_1 = arith.constant 0 : i32
    return %c0_i32, %c0_i32_0 : i32, i32
  }
  func.func @transform_9(%arg0: i32) -> (i32, i32) {
    %c0_i32 = arith.constant 0 : i32
    %c0_i32_0 = arith.constant 0 : i32
    %c0_i32_1 = arith.constant 0 : i32
    return %c0_i32, %c0_i32_0 : i32, i32
  }
  func.func @transform_10(%arg0: i32) -> (i32, i32) {
    %c0_i32 = arith.constant 0 : i32
    %c0_i32_0 = arith.constant 0 : i32
    %c0_i32_1 = arith.constant 0 : i32
    return %c0_i32, %c0_i32_0 : i32, i32
  }
  func.func @transform_11(%arg0: i32) -> (i32, i32) {
    %c0_i32 = arith.constant 0 : i32
    %c0_i32_0 = arith.constant 0 : i32
    %c0_i32_1 = arith.constant 0 : i32
    return %c0_i32, %c0_i32_0 : i32, i32
  }
}

module attributes {stable_mosaic.version = 14 : i64} {
  func.func @_ffn_body(%arg0: i32, %arg1: memref<3x96xi32, #tpu.memory_space<smem>>, %arg2: memref<256x768xf32, #tpu.memory_space<vmem>>, %arg3: memref<256x1xf32, #tpu.memory_space<vmem>>, %arg4: memref<1x768x512xf32, #tpu.memory_space<vmem>>, %arg5: memref<1x1x512xf32, #tpu.memory_space<vmem>>, %arg6: memref<1x512x768xf32, #tpu.memory_space<vmem>>, %arg7: memref<1x1x768xf32, #tpu.memory_space<vmem>>, %arg8: memref<256x768xf32, #tpu.memory_space<vmem>>) attributes {dimension_semantics = [#tpu.dimension_semantics<arbitrary>], iteration_bounds = array<i64: 96>, scalar_prefetch = 1 : i64, scratch_operands = 0 : i64, tpu.core_type = #tpu.core_type<tc>, window_params = [{transform_indices = @transform_0, window_bounds = array<i64: 256, 768>}, {transform_indices = @transform_1, window_bounds = array<i64: 256, 1>}, {transform_indices = @transform_2, window_bounds = array<i64: 1, 768, 512>}, {transform_indices = @transform_3, window_bounds = array<i64: 1, 1, 512>}, {transform_indices = @transform_4, window_bounds = array<i64: 1, 512, 768>}, {transform_indices = @transform_5, window_bounds = array<i64: 1, 1, 768>}, {transform_indices = @transform_6, window_bounds = array<i64: 256, 768>}]} {
    %get3A = arith.constant 1 : index
    %get3A_0 = arith.index_cast %arg0 : i32 to index
    %get3A_1 = memref.load %arg1[%get3A, %get3A_0] : memref<3x96xi32, #tpu.memory_space<smem>>
    %eq3A = arith.constant 1 : i32
    %eq3A_2 = arith.cmpi eq, %get3A_1, %eq3A : i32
    %convert_element_type3A = arith.extui %eq3A_2 : i1 to i32
    %cond3A = arith.constant 0 : i32
    %cond3A_3 = arith.cmpi ne, %convert_element_type3A, %cond3A : i32
    scf.if %cond3A_3 {
      %get3A_4 = arith.constant 0 : index
      %get3A_5 = arith.constant 0 : index
      %get3A_6 = vector.load %arg2[%get3A_4, %get3A_5] : memref<256x768xf32, #tpu.memory_space<vmem>>, vector<256x768xf32>
      %get3A_7 = arith.constant 0 : index
      %get3A_8 = arith.constant 0 : index
      %get3A_9 = arith.constant 0 : index
      %get3A_10 = vector.load %arg4[%get3A_7, %get3A_8, %get3A_9] : memref<1x768x512xf32, #tpu.memory_space<vmem>>, vector<1x768x512xf32>
      %get3A_11 = vector.shape_cast %get3A_10 : vector<1x768x512xf32> to vector<768x512xf32>
      %dot_general3A = arith.constant dense<0.000000e+00> : vector<256x512xf32>
      %dot_general3A_12 = tpu.matmul %get3A_6, %get3A_11, %dot_general3A {dimension_numbers = #tpu.dot_dimension_numbers<[1], [0], [0], [1], [0, 0, 1, 1], [], []>, transpose_lhs_hint = false} : vector<256x768xf32>, vector<768x512xf32>, vector<256x512xf32> -> vector<256x512xf32>
      %get3A_13 = arith.constant 0 : index
      %get3A_14 = arith.constant 0 : index
      %get3A_15 = arith.constant 0 : index
      %get3A_16 = vector.load %arg5[%get3A_13, %get3A_14, %get3A_15] : memref<1x1x512xf32, #tpu.memory_space<vmem>>, vector<1x1x512xf32>
      %get3A_17 = vector.shape_cast %get3A_16 : vector<1x1x512xf32> to vector<1x512xf32>
      %add3A = vector.broadcast %get3A_17 : vector<1x512xf32> to vector<256x512xf32>
      %add3A_18 = arith.addf %dot_general3A_12, %add3A : vector<256x512xf32>
      %mul3A = arith.constant 5.000000e-01 : f32
      %mul3A_19 = vector.broadcast %mul3A : f32 to vector<256x512xf32>
      %mul3A_20 = arith.mulf %mul3A_19, %add3A_18 : vector<256x512xf32>
      %mul3A_21 = arith.constant 0.707106769 : f32
      %mul3A_22 = vector.broadcast %mul3A_21 : f32 to vector<256x512xf32>
      %mul3A_23 = arith.mulf %add3A_18, %mul3A_22 : vector<256x512xf32>
      %erf3A = math.erf %mul3A_23 : vector<256x512xf32>
      %add3A_24 = arith.constant 1.000000e+00 : f32
      %add3A_25 = vector.broadcast %add3A_24 : f32 to vector<256x512xf32>
      %add3A_26 = arith.addf %add3A_25, %erf3A : vector<256x512xf32>
      %mul3A_27 = arith.mulf %mul3A_20, %add3A_26 : vector<256x512xf32>
      %get3A_28 = arith.constant 0 : index
      %get3A_29 = arith.constant 0 : index
      %get3A_30 = arith.constant 0 : index
      %get3A_31 = vector.load %arg6[%get3A_28, %get3A_29, %get3A_30] : memref<1x512x768xf32, #tpu.memory_space<vmem>>, vector<1x512x768xf32>
      %get3A_32 = vector.shape_cast %get3A_31 : vector<1x512x768xf32> to vector<512x768xf32>
      %dot_general3A_33 = arith.constant dense<0.000000e+00> : vector<256x768xf32>
      %dot_general3A_34 = tpu.matmul %mul3A_27, %get3A_32, %dot_general3A_33 {dimension_numbers = #tpu.dot_dimension_numbers<[1], [0], [0], [1], [0, 0, 1, 1], [], []>, transpose_lhs_hint = false} : vector<256x512xf32>, vector<512x768xf32>, vector<256x768xf32> -> vector<256x768xf32>
      %get3A_35 = arith.constant 0 : index
      %get3A_36 = arith.constant 0 : index
      %get3A_37 = arith.constant 0 : index
      %get3A_38 = vector.load %arg7[%get3A_35, %get3A_36, %get3A_37] : memref<1x1x768xf32, #tpu.memory_space<vmem>>, vector<1x1x768xf32>
      %get3A_39 = vector.shape_cast %get3A_38 : vector<1x1x768xf32> to vector<1x768xf32>
      %add3A_40 = vector.broadcast %get3A_39 : vector<1x768xf32> to vector<256x768xf32>
      %add3A_41 = arith.addf %dot_general3A_34, %add3A_40 : vector<256x768xf32>
      %get3A_42 = arith.constant 0 : index
      %get3A_43 = arith.constant 0 : index
      %get3A_44 = vector.load %arg3[%get3A_42, %get3A_43] : memref<256x1xf32, #tpu.memory_space<vmem>>, vector<256x1xf32>
      %mul3A_45 = vector.broadcast %get3A_44 : vector<256x1xf32> to vector<256x768xf32>
      %mul3A_46 = arith.mulf %add3A_41, %mul3A_45 : vector<256x768xf32>
      %swap3A = arith.constant 0 : index
      %swap3A_47 = arith.constant 0 : index
      %swap3A_48 = vector.load %arg8[%swap3A, %swap3A_47] : memref<256x768xf32, #tpu.memory_space<vmem>>, vector<256x768xf32>
      tpu.vector_store %arg8[%swap3A, %swap3A_47], %mul3A_46 {strides = array<i32>} : memref<256x768xf32, #tpu.memory_space<vmem>>, vector<256x768xf32>,
    } else {
    }
    return
  }
  func.func @transform_0(%arg0: i32, %arg1: memref<3x96xi32, #tpu.memory_space<smem>>) -> (i32, i32) {
    %get3A = arith.constant 2 : index
    %get3A_0 = arith.index_cast %arg0 : i32 to index
    %get3A_1 = memref.load %arg1[%get3A, %get3A_0] : memref<3x96xi32, #tpu.memory_space<smem>>
    %c0_i32 = arith.constant 0 : i32
    %c0_i32_2 = arith.constant 0 : i32
    return %get3A_1, %c0_i32 : i32, i32
  }
  func.func @transform_1(%arg0: i32, %arg1: memref<3x96xi32, #tpu.memory_space<smem>>) -> (i32, i32) {
    %get3A = arith.constant 2 : index
    %get3A_0 = arith.index_cast %arg0 : i32 to index
    %get3A_1 = memref.load %arg1[%get3A, %get3A_0] : memref<3x96xi32, #tpu.memory_space<smem>>
    %c0_i32 = arith.constant 0 : i32
    %c0_i32_2 = arith.constant 0 : i32
    return %get3A_1, %c0_i32 : i32, i32
  }
  func.func @transform_2(%arg0: i32, %arg1: memref<3x96xi32, #tpu.memory_space<smem>>) -> (i32, i32, i32) {
    %get3A = arith.constant 0 : index
    %get3A_0 = arith.index_cast %arg0 : i32 to index
    %get3A_1 = memref.load %arg1[%get3A, %get3A_0] : memref<3x96xi32, #tpu.memory_space<smem>>
    %c0_i32 = arith.constant 0 : i32
    %c0_i32_2 = arith.constant 0 : i32
    %c0_i32_3 = arith.constant 0 : i32
    return %get3A_1, %c0_i32, %c0_i32_2 : i32, i32, i32
  }
  func.func @transform_3(%arg0: i32, %arg1: memref<3x96xi32, #tpu.memory_space<smem>>) -> (i32, i32, i32) {
    %get3A = arith.constant 0 : index
    %get3A_0 = arith.index_cast %arg0 : i32 to index
    %get3A_1 = memref.load %arg1[%get3A, %get3A_0] : memref<3x96xi32, #tpu.memory_space<smem>>
    %c0_i32 = arith.constant 0 : i32
    %c0_i32_2 = arith.constant 0 : i32
    %c0_i32_3 = arith.constant 0 : i32
    return %get3A_1, %c0_i32, %c0_i32_2 : i32, i32, i32
  }
  func.func @transform_4(%arg0: i32, %arg1: memref<3x96xi32, #tpu.memory_space<smem>>) -> (i32, i32, i32) {
    %get3A = arith.constant 0 : index
    %get3A_0 = arith.index_cast %arg0 : i32 to index
    %get3A_1 = memref.load %arg1[%get3A, %get3A_0] : memref<3x96xi32, #tpu.memory_space<smem>>
    %c0_i32 = arith.constant 0 : i32
    %c0_i32_2 = arith.constant 0 : i32
    %c0_i32_3 = arith.constant 0 : i32
    return %get3A_1, %c0_i32, %c0_i32_2 : i32, i32, i32
  }
  func.func @transform_5(%arg0: i32, %arg1: memref<3x96xi32, #tpu.memory_space<smem>>) -> (i32, i32, i32) {
    %get3A = arith.constant 0 : index
    %get3A_0 = arith.index_cast %arg0 : i32 to index
    %get3A_1 = memref.load %arg1[%get3A, %get3A_0] : memref<3x96xi32, #tpu.memory_space<smem>>
    %c0_i32 = arith.constant 0 : i32
    %c0_i32_2 = arith.constant 0 : i32
    %c0_i32_3 = arith.constant 0 : i32
    return %get3A_1, %c0_i32, %c0_i32_2 : i32, i32, i32
  }
  func.func @transform_6(%arg0: i32, %arg1: memref<3x96xi32, #tpu.memory_space<smem>>) -> (i32, i32) {
    %get3A = arith.constant 2 : index
    %get3A_0 = arith.index_cast %arg0 : i32 to index
    %get3A_1 = memref.load %arg1[%get3A, %get3A_0] : memref<3x96xi32, #tpu.memory_space<smem>>
    %c0_i32 = arith.constant 0 : i32
    %c0_i32_2 = arith.constant 0 : i32
    return %get3A_1, %c0_i32 : i32, i32
  }
}

</mosaic_0001>

<sc_bundles>
// kernel: kernel.6.cloned.1.call-start
scs
__scs_entry_jumppad:
0x0: {  	(pc) =	sbr.rel $0x88, $3  }
0x1: {  	(tag) =	ssettag $0x0;
	lr =	simm.s32 $0x1  }
0x2: {  	[smem:$0x3F98] =	sst lr;
	_ =	strace $0xD0000000  }
0x3: {  	_ = 	snop  }
0x4: {  	_ = 	snop  }
0x5: {  	_ = 	snop  }
0x6: {  	_ = 	snop  }
0x7: {  	_ = 	snop  }
__scs_overlays_trampoline_lowered:
0x8: {  	[smem:$0x3FA7] =	sst s0  }
0x9: {  	[smem:$0x3FA8] =	sst s1  }
0xa: {  	[smem:$0x3FA9] =	sst s2  }
0xb: {  	[smem:$0x3FAA] =	sst s3  }
0xc: {  	[smem:$0x3FAB] =	sst s4  }
0xd: {  	[smem:$0x3FAC] =	sst s5  }
0xe: {  	[smem:$0x3FAD] =	sst s6  }
0xf: {  	[smem:$0x3FAE] =	sst s7  }
0x10: {  	[smem:$0x3FAF] =	sst s8  }
0x11: {  	[smem:$0x3FB0] =	sst s9;
	s0 =	simm.s32 @!p0 $0x0  }
0x12: {  	s1 =	sld [smem:$0x3F96];
	s0 =	simm.s32 @p0 $0x1  }
0x13: {  	[smem:$0x3FB1] =	sst s0;
	s0 =	simm.s32 @!p1 $0x0  }
0x14: {  	s2 =	sld [smem:$0x3F95];
	s0 =	simm.s32 @p1 $0x1  }
0x15: {  	[smem:$0x3FB2] =	sst s0;
	s0 =	simm.s32 @!p2 $0x0  }
0x16: {  	s3 =	sld [smem:$0x3FDB];
	s0 =	simm.s32 @p2 $0x1  }
0x17: {  	s4 =	simm.s32 $0x1BF5;
	[smem:$0x3FB4] =	sst s0  }
0x18: {  	s0 =	sld [smem:$0x3F97];
	_ =	swait.ge [sflag:s4], $0x0  }
0x19: {  	s7 =	sld [smem:$0x3F98]  }
0x1a: {  	s8 =	sadd.s32 $0xFFFFE003, lr  }
0x1b: {  	s9 =	sadd.s32 $0xFFFFFEF7, lr;
	s5 =	simm.s32 $0xFFFFFFFF;
	p2 =	slt.u32 s8, $0xFFFFF086  }
0x1c: {  	p1 =	slt.u32 s9, $0xF7A;
	s5 =	simm.s32 @!p2 $0x0  }
0x1d: {  	s5 =	simm.s32 @p1 $0x1;
	p0 =	seq.s32 s7, s2  }
0x1e: {  	s7 =	smul.u32 @!p0 $0xF7A, s2;
	p2 =	seq.s32 @!p0 s5, $0x0  }
0x1f: {  	s9 =	smul.u32 $0xF7A, s1;
	s8 =	simm.s32 @!p0 $0x1BF5;
	p2 =	por !p2, p0  }
0x20: {  	[sflag:s8] =	ssyncset.s32 @!p0 $0xFFFFF086;
	s6 =	sadd.s32 @!p0 s3, s7;
	s7 =	simm.s32 @!p0 $0x108  }
0x21: {  	s3 =	sadd.s32 s3, s9;
	s6 =	sadd.s32 @!p0 $0x88, s6;
	s7 =	simm.s32 @p2 $0x1082  }
0x22: {  	[simem:s7], [sflag:s8] =	dma.local @!p0 [hbm:s6], $0xF7A  }
0x23: {  	s9 =	sor.u32 $0xD0000000, s2;
	s6 =	simm.s32 $0x108;
	_ =	swait.ge @!p0 [sflag:s8], $0x0  }
0x24: {  	s3 =	sadd.s32 $0x88, s3;
	s6 =	simm.s32 @!p1 $0x1082;
	[sflag:s4] =	ssyncset.s32 $0xFFFFF086  }
0x25: {  	[simem:s6], [sflag:s4] =	dma.local [hbm:s3], $0xF7A  }
0x26: {  	[smem:$0x3F98] =	sst s1;
	(tag) =	ssettag s2;
	_ =	strace s9  }
0x27: {  	s1 =	sld [smem:$0x3FA8]  }
0x28: {  	s2 =	sld [smem:$0x3FA9]  }
0x29: {  	s4 =	sld [smem:$0x3FAB]  }
0x2a: {  	p0 =	seq.s32 s5, $0x0;
	s5 =	sld [smem:$0x3FAC]  }
0x2b: {  	s6 =	sld [smem:$0x3FAD]  }
0x2c: {  	s7 =	sld [smem:$0x3FAE]  }
0x2d: {  	s3 =	simm.s32 $0x108;
	s8 =	sld [smem:$0x3FAF]  }
0x2e: {  	s3 =	simm.s32 @!p0 $0x1082;
	s9 =	sld [smem:$0x3FB0]  }
0x2f: {  	lr =	sadd.s32 s0, s3;
	s0 =	sld [smem:$0x3FA7]  }
0x30: {  	s3 =	sld [smem:$0x3FAA]  }
0x31: {  	[smem:$0x3FB3] =	sst s10  }
0x32: {  	s10 =	sld [smem:$0x3FB1];
	_ =	sdelay $0x3  }
0x33: {  	p0 =	seq.s32 s10, $0x1;
	s10 =	sld [smem:$0x3FB3];
	_ =	sdelay $0x3  }
0x34: {  	[smem:$0x3FB3] =	sst s10  }
0x35: {  	s10 =	sld [smem:$0x3FB2];
	_ =	sdelay $0x3  }
0x36: {  	p1 =	seq.s32 s10, $0x1;
	s10 =	sld [smem:$0x3FB3];
	_ =	sdelay $0x3  }
0x37: {  	[smem:$0x3FB3] =	sst s10  }
0x38: {  	s10 =	sld [smem:$0x3FB4]  }
0x39: {  	_ = 	snop;
	(pc) =	sbr.ind lr, $3  }
0x3a: {  	_ = 	snop  }
0x3b: {  	_ = 	snop  }
0x3c: {  	p2 =	seq.s32 s10, $0x1;
	s10 =	sld [smem:$0x3FB3]  }
0x3d: {  	_ =	shalt  }
0x3e: {  	_ =	shalt  }
0x3f: {  	_ =	shalt  }
0x40: {  	_ =	shalt  }
0x41: {  	_ =	shalt  }
0x42: {  	_ =	shalt  }
0x43: {  	_ =	shalt  }
0x44: {  	_ =	shalt  }
0x45: {  	_ =	shalt  }
0x46: {  	_ =	shalt  }
0x47: {  	_ =	shalt  }
0x48: {  	_ =	shalt  }
0x49: {  	_ =	shalt  }
0x4a: {  	_ =	shalt  }
0x4b: {  	_ =	shalt  }
0x4c: {  	_ =	shalt  }
0x4d: {  	_ =	shalt  }
0x4e: {  	_ =	shalt  }
0x4f: {  	_ =	shalt  }
0x50: {  	_ =	shalt  }
0x51: {  	_ =	shalt  }
0x52: {  	_ =	shalt  }
0x53: {  	_ =	shalt  }
0x54: {  	_ =	shalt  }
0x55: {  	_ =	shalt  }
0x56: {  	_ =	shalt  }
0x57: {  	_ =	shalt  }
0x58: {  	_ =	shalt  }
0x59: {  	_ =	shalt  }
0x5a: {  	_ =	shalt  }
0x5b: {  	_ =	shalt  }
0x5c: {  	_ =	shalt  }
0x5d: {  	_ =	shalt  }
0x5e: {  	_ =	shalt  }
0x5f: {  	_ =	shalt  }
0x60: {  	_ =	shalt  }
0x61: {  	_ =	shalt  }
0x62: {  	_ =	shalt  }
0x63: {  	_ =	shalt  }
0x64: {  	_ =	shalt  }
0x65: {  	_ =	shalt  }
0x66: {  	_ =	shalt  }
0x67: {  	_ =	shalt  }
0x68: {  	_ =	shalt  }
0x69: {  	_ =	shalt  }
0x6a: {  	_ =	shalt  }
0x6b: {  	_ =	shalt  }
0x6c: {  	_ =	shalt  }
0x6d: {  	_ =	shalt  }
0x6e: {  	_ =	shalt  }
0x6f: {  	_ =	shalt  }
0x70: {  	_ =	shalt  }
0x71: {  	_ =	shalt  }
0x72: {  	_ =	shalt  }
0x73: {  	_ =	shalt  }
0x74: {  	_ =	shalt  }
0x75: {  	_ =	shalt  }
0x76: {  	_ =	shalt  }
0x77: {  	_ =	shalt  }
0x78: {  	_ =	shalt  }
0x79: {  	_ =	shalt  }
0x7a: {  	_ =	shalt  }
0x7b: {  	_ =	shalt  }
0x7c: {  	_ =	shalt  }
0x7d: {  	_ =	shalt  }
0x7e: {  	_ =	shalt  }
0x7f: {  	_ =	shalt  }
0x80: {  	_ =	shalt  }
0x81: {  	_ =	shalt  }
0x82: {  	_ =	shalt  }
0x83: {  	_ =	shalt  }
0x84: {  	_ =	shalt  }
0x85: {  	_ =	shalt  }
0x86: {  	_ =	shalt  }
0x87: {  	_ =	shalt  }
.Lfunc_end0:
.L_simem_size_0:
called_computation_lowered:
.L_overlay_start_0:
0x88: {  	s2 =	sld [smem:$0x3FD9]  }
0x89: {  	s3 =	sld [smem:$0x3FFE];
	_ =	sdelay $0x1  }
0x8a: {  	s1 =	srdreg.scid  }
0x8b: {  	s0 =	sand.u32 $0x1, s1  }
0x8c: {  	s14 =	sshll.u32 s0, $0xA;
	s2 =	sadd.s32 s3, s2  }
0x8d: {  	s2 =	sadd.s32 s2, s14  }
0x8e: {  	[smem:$0x3FBF] =	sst s2  }
0x8f: {  	_ = 	snop  }
0x90: {  	s2 =	sld [smem:$0x3FD0];
	_ =	sdelay $0x2  }
0x91: {  	s4 =	simm.s32 $0xA;
	s5 =	simm.s32 $0x10;
	s15 =	sld [smem:$0x3FC9]  }
0x92: {  	[smem:s5], [sflag:s4] =	dma.local [hbm:s2], $0x1  }
0x93: {  	_ =	swait.eq [sflag:s4], $0x1  }
0x94: {  	[sflag:s4] =	ssyncset.done $0x0  }
0x95: {  	[sflag:s4] =	ssyncadd.s32 $0xFFFFFFFF  }
0x96: {  	s16 =	sld [smem:$0x10];
	(tm) =	ssettm $0x1  }
0x97: {  	s17 =	sld [smem:$0x3FFB];
	_ =	sdelay $0x3  }
0x98: {  	_ =	strace s17  }
0x99: {  	s4 =	sld [smem:$0x3FFC];
	_ =	sdelay $0x3  }
0x9a: {  	_ =	strace s4  }
0x9b: {  	s4 =	sld [smem:$0x3FFD];
	_ =	sdelay $0x3  }
0x9c: {  	_ =	strace s4  }
0x9d: {  	_ =	strace $0x8FFFFFFF  }
0x9e: {  	s18 =	sld [smem:$0x3FDB];
	_ =	sdelay $0x1  }
0x9f: {  	s19 =	simm.s32 $_scs_section_size  }
0xa0: {  	s6 =	simm.s32 $_size__tile_overlayer_lowered;
	s7 =	simm.s32 $_tile_overlayer_lowered  }
0xa1: {  	s22 =	simm.s32 $0x1BFF;
	s21 =	sshll.u32 s7, $0x1;
	s4 =	sadd.s32 s19, s18  }
0xa2: {  	s8 =	simm.s32 $0x0;
	s20 =	sshll.u32 s6, $0x1;
	s6 =	sadd.s32 s21, s4  }
0xa3: {  	[timem:s8], [sflag:s22] =	dma.local [hbm:s6], s20  }
0xa4: {  	_ =	swait.ge [sflag:s22], s20  }
0xa5: {  	s5 =	ssub.s32 $0x0, s20;
	[sflag:s22] =	ssyncset.done $0x0  }
0xa6: {  	[sflag:s22] =	ssyncadd.s32 s5;
	_ =	sdelay $0x1  }
0xa7: {  	s23 =	simm.s32 $0x1B8B  }
0xa8: {  	_ =	swait.ge [sflag:s23], $0x1  }
0xa9: {  	[sflag:s23] =	ssyncset.done $0x0  }
0xaa: {  	s25 =	simm.s32 $0x1B8E;
	s24 =	sld [smem:$0x3FFE];
	[sflag:s23] =	ssyncadd.s32 $0xFFFFFFFF  }
0xab: {  	s26 =	simm.s32 $execute0_lowered;
	[smem:$0x3FD2] =	sst s25  }
0xac: {  	s6 =	sshll.u32 s26, $0x1;
	_ =	strace $0x80000046;
	[dreg:$0x1] =	wrdreg $0xFFFFFFFF  }
0xad: {  	s28 =	simm.s32 $_size_execute0_lowered;
	s4 =	sadd.s32 s4, s6;
	[dreg:$0x0] =	wrdreg $0x0  }
0xae: {  	s6 =	sshll.u32 s28, $0x1;
	[dreg:$0x2] =	wrdreg s4  }
0xaf: {  	[dreg:$0x3] =	wrdreg s6  }
0xb0: {  	[dreg:$0x4] =	wrdreg $0xC0  }
0xb1: {  	_ =	task [dreg:s8], $0x5FFFF  }
0xb2: {  	[dreg:$0x1] =	wrdreg $0xFFFFFFFF  }
0xb3: {  	[dreg:$0x0] =	wrdreg $0x60  }
0xb4: {  	[dreg:$0x2] =	wrdreg s15  }
0xb5: {  	[dreg:$0x3] =	wrdreg s24  }
0xb6: {  	[dreg:$0x4] =	wrdreg s16  }
0xb7: {  	[dreg:$0x5] =	wrdreg $0x9  }
0xb8: {  	_ =	task.clear_ibuf [dreg:s8], $0x6FFFF;
	_ =	strace $0x90000046  }
0xb9: {  	s29 =	simm.s32 $0x9;
	_ =	strace $0x80000048  }
0xba: {  	_ =	swait.ge [sflag:s29], $0x1  }
0xbb: {  	[sflag:s29] =	ssyncadd.s32 $0xFFFFFFFF  }
0xbc: {  	_ =	strace $0x90000048  }
0xbd: {  	_ =	sfence  }
0xbe: {  	s30 =	sld [smem:$0x0];
	_ =	sdelay $0x2  }
0xbf: {  	s31 =	sshll.u32 s1, $0xD;
	s1 =	sshrl.u32 s1, $0x2  }
0xc0: {  	s3 =	sand.u32 $0x4000, s31;
	s1 =	sadd.s32 s1, s30  }
0xc1: {  	s0 =	sor.u32 s3, s0;
	s1 =	sshll.u32 s1, $0x11  }
0xc2: {  	s0 =	sor.u32 s1, s0  }
0xc3: {  	s0 =	sadd.s32 $0x8F2B, s0  }
0xc4: {  	[sflag:s0] =	ssyncadd.remote.s32 $0x1  }
0xc5: {  	_ =	sfence.sel $0xFFFF  }
0xc6: {  	[dreg:$0x0] =	wrdreg $0xFFFFFFFF;
	(pc) =	sbr.abs _section_cstart, $3  }
0xc7: {  	[dreg:$0x1] =	wrdreg $0xFFFFFFFF  }
0xc8: {  	_ =	task.clear_ibuf [dreg:s8], $0x2FFFF;
	_ =	strace $0x9FFFFFFF  }
0xc9: {  	(tm) =	ssettm $0x7FFFFFFF  }
tec
execute0_lowered:
.L_overlay_start_1:
0x0: {  	(tag) =	ssettag $0x1  }
0x1: {  	s0 =	rddreg [dreg:$0x0]  }
0x2: {  	s1 =	srdreg.scid;
	s2 =	rddreg [dreg:$0x1]  }
0x3: {  	s3 =	stileid.u32;
	s13 =	simm.s32 $0x1;
	s19 =	simm.s32 $0x3  }
0x4: {  	s14 =	simm.s32 $0x200;
	s28 =	simm.s32 $0x3200;
	s29 =	simm.s32 $0x3A00  }
0x5: {  	s30 =	simm.s32 $0x4A00;
	s31 =	simm.s32 $0x5200;
	s10 =	simm.s32 $0x7200  }
0x6: {  	s11 =	simm.s32 $0x7A00;
	s15 =	simm.s32 $0x8200;
	s16 =	simm.s32 $0x8A00  }
0x7: {  	s17 =	simm.s32 $0x9200;
	s18 =	simm.s32 $0x9A00;
	s9 =	simm.s32 $0xA200  }
0x8: {  	s12 =	simm.s32 $0xAA00;
	s22 =	simm.s32 $0xB200;
	s1 =	sand.u32 $0x1, s1  }
0x9: {  	s4 =	sshll.u32 s3, $0x5;
	s3 =	simm.s32 $0x0;
	s7 =	sadd.s32 $0xA00, s2  }
0xa: {  	s5 =	sshll.u32 s1, $0x4;
	[smem:$0x7FF] =	sst s3;
	s1 =	ssub.s32 $0x2, s1  }
0xb: {  	s4 =	sor.u32 s5, s4;
	_ =	strace $0x80000047;
	s26 =	sshrl.u32 s1, $0x1  }
0xc: {  	s5 =	sadd.s32 $0x800, s2;
	s6 =	sadd.s32 s2, s4;
	s4 =	smul.u32 $0x300, s4  }
0xd: {  	s1 =	ssub.s32 s1, s26;
	s23 =	sadd.s32 $0x200, s6;
	[dreg:$0x8] =	wrdreg s6  }
0xe: {  	s26 =	simm.s32 $0x2A00;
	s24 =	sadd.s32 $0x400, s6;
	[dreg:$0x4] =	wrdreg s23  }
0xf: {  	s25 =	sadd.s32 $0x600, s6;
	s6 =	sadd.s32 $0x900, s2;
	[dreg:$0x5] =	wrdreg s24  }
0x10: {  	v2 =	vlaneseq.u32;
	s8 =	smax.u32 s1, $0x1;
	s2 =	simm.s32 $0x6A00;
	[dreg:$0x6] =	wrdreg s25  }
0x11: {  	vm0 =	vmmov $0xffff;
	v1 =	vshrl.u32 v2, $0x3;
	s0 =	sadd.s32 s0, s4;
	s24 =	simm.s32 $0x1A00;
	s25 =	simm.s32 $0x2200  }
0x12: {  	v0 =	vand.u32 $0x7, v2;
	v2 =	vor.u32 $0x8, v2;
	v1 =	vmul.u32 $0x8, v1;
	s4 =	simm.s32 $0x4200;
	s23 =	simm.s32 $0xBA00;
	[dreg:$0x7] =	wrdreg s0  }
.LBB2_1:
0x13: {  	s21 =	rddreg [dreg:$0x8]  }
0x14: {  	[tilespmem:s3], [sflag:$0x1] =	stream.linear.gather [hbm4b:s21+s3], $0x80, $0x38;
	[tilespmem:$0x18200] =	vst v63  }
0x15: {  	s20 =	rddreg [dreg:$0x4];
	s0 =	simm.s32 $0x80  }
0x16: {  	[tilespmem:s0], [sflag:$0x1] =	stream.linear.gather [hbm4b:s20+s3], $0x80, $0x38;
	[tilespmem:$0x18200] =	vst v63  }
0x17: {  	s1 =	simm.s32 $0x100;
	s21 =	rddreg [dreg:$0x5]  }
0x18: {  	[tilespmem:s1], [sflag:$0x1] =	stream.linear.gather [hbm4b:s21+s3], $0x80, $0x38;
	[tilespmem:$0x18200] =	vst v63  }
0x19: {  	s20 =	rddreg [dreg:$0x6];
	s1 =	simm.s32 $0x180  }
0x1a: {  	[tilespmem:s1], [sflag:$0x1] =	stream.linear.gather [hbm4b:s20+s3], $0x80, $0x38;
	[tilespmem:$0x18200] =	vst v63  }
0x1b: {  	s21 =	rddreg [dreg:$0x7]  }
0x1c: {  	[tilespmem:s14], [sflag:$0x2] =	stream.linear.gather [hbm4b:s21+s3], $0x18000, $0x38;
	[tilespmem:$0x18200] =	vst v63  }
0x1d: {  	_ =	swait.ge [sflag:s13], $0x80  }
0x1e: {  	[sflag:s13] =	ssyncset.done $0x0  }
0x1f: {  	[sflag:s13] =	ssyncadd.s32 $0xFFFFFF80  }
0x20: {  	_ =	swait.ge [sflag:s13], $0x80  }
0x21: {  	[sflag:s13] =	ssyncset.done $0x0  }
0x22: {  	[sflag:s13] =	ssyncadd.s32 $0xFFFFFF80  }
0x23: {  	_ =	swait.ge [sflag:s13], $0x80  }
0x24: {  	[sflag:s13] =	ssyncset.done $0x0  }
0x25: {  	[sflag:s13] =	ssyncadd.s32 $0xFFFFFF80  }
0x26: {  	_ =	swait.ge [sflag:s13], $0x80  }
0x27: {  	[sflag:s13] =	ssyncset.done $0x0  }
0x28: {  	s20 =	simm.s32 $0x2;
	[sflag:s13] =	ssyncadd.s32 $0xFFFFFF80  }
0x29: {  	_ =	swait.ge [sflag:s20], $0x18000  }
0x2a: {  	[sflag:s20] =	ssyncset.done $0x0  }
0x2b: {  	[sflag:s20] =	ssyncadd.s32 $0xFFFE8000  }
0x2c: {  	v3 =	vld [tilespmem:$0x0];
	_ =	sdelay $0x4  }
0x2d: {  	v4 =	vshrl.u32 v3, $0x3  }
0x2e: {  	v4 =	vmul.u32 $0x30, v4  }
0x2f: {  	v3 =	vand.u32 $0x7, v3  }
0x30: {  	v3 =	vor.u32 v3, v4  }
0x31: {  	v4 =	vperm.xlane v3, v0;
	_ =	sdelay $0x1  }
0x32: {  	v4 =	vadd.s32 v1, v4;
	_ =	sdelay $0x3  }
0x33: {  	v3 =	vperm.xlane v3, v2  }
0x34: {  	[hbm4b:s5+s3] =	stream.indirect_vreg.scatter [tilespmem:s14], [sflag:$0x3], $0x80, v4, vm0, $0xb8;
	[tilespmem:$0x18200] =	vst v63  }
0x35: {  	s20 =	simm.s32 $0xA00;
	v3 =	vadd.s32 v1, v3  }
0x36: {  	[hbm4b:s6+s3] =	stream.indirect_vreg.scatter [tilespmem:s20], [sflag:$0x3], $0x80, v4, vm0, $0xb8;
	[tilespmem:$0x18200] =	vst v63  }
0x37: {  	s21 =	simm.s32 $0x1200  }
0x38: {  	[hbm4b:s7+s3] =	stream.indirect_vreg.scatter [tilespmem:s21], [sflag:$0x3], $0x80, v4, vm0, $0xb8;
	[tilespmem:$0x18200] =	vst v63  }
0x39: {  	_ = 	snop  }
0x3a: {  	[hbm4b:s5+s3] =	stream.indirect_vreg.scatter [tilespmem:s24], [sflag:$0x3], $0x80, v3, vm0, $0xb8;
	[tilespmem:$0x18200] =	vst v63  }
0x3b: {  	_ = 	snop  }
0x3c: {  	[hbm4b:s6+s3] =	stream.indirect_vreg.scatter [tilespmem:s25], [sflag:$0x3], $0x80, v3, vm0, $0xb8;
	[tilespmem:$0x18200] =	vst v63  }
0x3d: {  	_ = 	snop  }
0x3e: {  	[hbm4b:s7+s3] =	stream.indirect_vreg.scatter [tilespmem:s26], [sflag:$0x3], $0x80, v3, vm0, $0xb8;
	[tilespmem:$0x18200] =	vst v63  }
0x3f: {  	v3 =	vld [tilespmem:$0x10];
	_ =	sdelay $0x4  }
0x40: {  	v49 =	vshrl.u32 v3, $0x3  }
0x41: {  	v4 =	vmul.u32 $0x30, v49  }
0x42: {  	v3 =	vand.u32 $0x7, v3  }
0x43: {  	v3 =	vor.u32 v3, v4  }
0x44: {  	v4 =	vperm.xlane v3, v0;
	_ =	sdelay $0x1  }
0x45: {  	v4 =	vadd.s32 v1, v4;
	_ =	sdelay $0x3  }
0x46: {  	v3 =	vperm.xlane v3, v2  }
0x47: {  	[hbm4b:s5+s3] =	stream.indirect_vreg.scatter [tilespmem:s28], [sflag:$0x3], $0x80, v4, vm0, $0xb8;
	[tilespmem:$0x18200] =	vst v63  }
0x48: {  	v3 =	vadd.s32 v1, v3  }
0x49: {  	[hbm4b:s6+s3] =	stream.indirect_vreg.scatter [tilespmem:s29], [sflag:$0x3], $0x80, v4, vm0, $0xb8;
	[tilespmem:$0x18200] =	vst v63  }
0x4a: {  	_ = 	snop  }
0x4b: {  	[hbm4b:s7+s3] =	stream.indirect_vreg.scatter [tilespmem:s4], [sflag:$0x3], $0x80, v4, vm0, $0xb8;
	[tilespmem:$0x18200] =	vst v63  }
0x4c: {  	_ = 	snop  }
0x4d: {  	[hbm4b:s5+s3] =	stream.indirect_vreg.scatter [tilespmem:s30], [sflag:$0x3], $0x80, v3, vm0, $0xb8;
	[tilespmem:$0x18200] =	vst v63  }
0x4e: {  	_ = 	snop  }
0x4f: {  	[hbm4b:s6+s3] =	stream.indirect_vreg.scatter [tilespmem:s31], [sflag:$0x3], $0x80, v3, vm0, $0xb8;
	[tilespmem:$0x18200] =	vst v63  }
0x50: {  	s1 =	simm.s32 $0x5A00  }
0x51: {  	[hbm4b:s7+s3] =	stream.indirect_vreg.scatter [tilespmem:s1], [sflag:$0x3], $0x80, v3, vm0, $0xb8;
	[tilespmem:$0x18200] =	vst v63  }
0x52: {  	v3 =	vld [tilespmem:$0x20];
	_ =	sdelay $0x4  }
0x53: {  	v50 =	vshrl.u32 v3, $0x3  }
0x54: {  	v4 =	vmul.u32 $0x30, v50  }
0x55: {  	v3 =	vand.u32 $0x7, v3  }
0x56: {  	v3 =	vor.u32 v3, v4  }
0x57: {  	v4 =	vperm.xlane v3, v0;
	_ =	sdelay $0x1  }
0x58: {  	v4 =	vadd.s32 v1, v4;
	_ =	sdelay $0x3  }
0x59: {  	s0 =	simm.s32 $0x6200;
	v3 =	vperm.xlane v3, v2  }
0x5a: {  	[hbm4b:s5+s3] =	stream.indirect_vreg.scatter [tilespmem:s0], [sflag:$0x3], $0x80, v4, vm0, $0xb8;
	[tilespmem:$0x18200] =	vst v63  }
0x5b: {  	v3 =	vadd.s32 v1, v3  }
0x5c: {  	[hbm4b:s6+s3] =	stream.indirect_vreg.scatter [tilespmem:s2], [sflag:$0x3], $0x80, v4, vm0, $0xb8;
	[tilespmem:$0x18200] =	vst v63  }
0x5d: {  	_ = 	snop  }
0x5e: {  	[hbm4b:s7+s3] =	stream.indirect_vreg.scatter [tilespmem:s10], [sflag:$0x3], $0x80, v4, vm0, $0xb8;
	[tilespmem:$0x18200] =	vst v63  }
0x5f: {  	_ = 	snop  }
0x60: {  	[hbm4b:s5+s3] =	stream.indirect_vreg.scatter [tilespmem:s11], [sflag:$0x3], $0x80, v3, vm0, $0xb8;
	[tilespmem:$0x18200] =	vst v63  }
0x61: {  	_ = 	snop  }
0x62: {  	[hbm4b:s6+s3] =	stream.indirect_vreg.scatter [tilespmem:s15], [sflag:$0x3], $0x80, v3, vm0, $0xb8;
	[tilespmem:$0x18200] =	vst v63  }
0x63: {  	_ = 	snop  }
0x64: {  	[hbm4b:s7+s3] =	stream.indirect_vreg.scatter [tilespmem:s16], [sflag:$0x3], $0x80, v3, vm0, $0xb8;
	[tilespmem:$0x18200] =	vst v63  }
0x65: {  	v3 =	vld [tilespmem:$0x30];
	_ =	sdelay $0x4  }
0x66: {  	v51 =	vshrl.u32 v3, $0x3  }
0x67: {  	v4 =	vmul.u32 $0x30, v51  }
0x68: {  	v3 =	vand.u32 $0x7, v3  }
0x69: {  	v3 =	vor.u32 v3, v4  }
0x6a: {  	v4 =	vperm.xlane v3, v0;
	_ =	sdelay $0x1  }
0x6b: {  	v4 =	vadd.s32 v1, v4;
	_ =	sdelay $0x3  }
0x6c: {  	v3 =	vperm.xlane v3, v2  }
0x6d: {  	[hbm4b:s5+s3] =	stream.indirect_vreg.scatter [tilespmem:s17], [sflag:$0x3], $0x80, v4, vm0, $0xb8;
	[tilespmem:$0x18200] =	vst v63  }
0x6e: {  	v3 =	vadd.s32 v1, v3  }
0x6f: {  	[hbm4b:s6+s3] =	stream.indirect_vreg.scatter [tilespmem:s18], [sflag:$0x3], $0x80, v4, vm0, $0xb8;
	[tilespmem:$0x18200] =	vst v63  }
0x70: {  	_ = 	snop  }
0x71: {  	[hbm4b:s7+s3] =	stream.indirect_vreg.scatter [tilespmem:s9], [sflag:$0x3], $0x80, v4, vm0, $0xb8;
	[tilespmem:$0x18200] =	vst v63  }
0x72: {  	_ = 	snop  }
0x73: {  	[hbm4b:s5+s3] =	stream.indirect_vreg.scatter [tilespmem:s12], [sflag:$0x3], $0x80, v3, vm0, $0xb8;
	[tilespmem:$0x18200] =	vst v63  }
0x74: {  	_ = 	snop  }
0x75: {  	[hbm4b:s6+s3] =	stream.indirect_vreg.scatter [tilespmem:s22], [sflag:$0x3], $0x80, v3, vm0, $0xb8;
	[tilespmem:$0x18200] =	vst v63  }
0x76: {  	_ = 	snop  }
0x77: {  	[hbm4b:s7+s3] =	stream.indirect_vreg.scatter [tilespmem:s23], [sflag:$0x3], $0x80, v3, vm0, $0xb8;
	[tilespmem:$0x18200] =	vst v63  }
0x78: {  	v3 =	vld [tilespmem:$0x40];
	_ =	sdelay $0x4  }
0x79: {  	v52 =	vshrl.u32 v3, $0x3  }
0x7a: {  	v4 =	vmul.u32 $0x30, v52  }
0x7b: {  	v3 =	vand.u32 $0x7, v3  }
0x7c: {  	v3 =	vor.u32 v3, v4  }
0x7d: {  	v4 =	vperm.xlane v3, v0;
	_ =	sdelay $0x1  }
0x7e: {  	v4 =	vadd.s32 v1, v4;
	_ =	sdelay $0x3  }
0x7f: {  	s0 =	simm.s32 $0xC200;
	v3 =	vperm.xlane v3, v2  }
0x80: {  	[hbm4b:s5+s3] =	stream.indirect_vreg.scatter [tilespmem:s0], [sflag:$0x3], $0x80, v4, vm0, $0xb8;
	[tilespmem:$0x18200] =	vst v63  }
0x81: {  	v3 =	vadd.s32 v1, v3;
	s0 =	simm.s32 $0xCA00  }
0x82: {  	[hbm4b:s6+s3] =	stream.indirect_vreg.scatter [tilespmem:s0], [sflag:$0x3], $0x80, v4, vm0, $0xb8;
	[tilespmem:$0x18200] =	vst v63  }
0x83: {  	s0 =	simm.s32 $0xD200  }
0x84: {  	[hbm4b:s7+s3] =	stream.indirect_vreg.scatter [tilespmem:s0], [sflag:$0x3], $0x80, v4, vm0, $0xb8;
	[tilespmem:$0x18200] =	vst v63  }
0x85: {  	s0 =	simm.s32 $0xDA00  }
0x86: {  	[hbm4b:s5+s3] =	stream.indirect_vreg.scatter [tilespmem:s0], [sflag:$0x3], $0x80, v3, vm0, $0xb8;
	[tilespmem:$0x18200] =	vst v63  }
0x87: {  	s0 =	simm.s32 $0xE200  }
0x88: {  	[hbm4b:s6+s3] =	stream.indirect_vreg.scatter [tilespmem:s0], [sflag:$0x3], $0x80, v3, vm0, $0xb8;
	[tilespmem:$0x18200] =	vst v63  }
0x89: {  	s0 =	simm.s32 $0xEA00  }
0x8a: {  	[hbm4b:s7+s3] =	stream.indirect_vreg.scatter [tilespmem:s0], [sflag:$0x3], $0x80, v3, vm0, $0xb8;
	[tilespmem:$0x18200] =	vst v63  }
0x8b: {  	v3 =	vld [tilespmem:$0x50];
	_ =	sdelay $0x4  }
0x8c: {  	v53 =	vshrl.u32 v3, $0x3  }
0x8d: {  	v4 =	vmul.u32 $0x30, v53  }
0x8e: {  	v3 =	vand.u32 $0x7, v3  }
0x8f: {  	v3 =	vor.u32 v3, v4  }
0x90: {  	v4 =	vperm.xlane v3, v0;
	_ =	sdelay $0x1  }
0x91: {  	v4 =	vadd.s32 v1, v4;
	_ =	sdelay $0x3  }
0x92: {  	s0 =	simm.s32 $0xF200;
	v3 =	vperm.xlane v3, v2  }
0x93: {  	[hbm4b:s5+s3] =	stream.indirect_vreg.scatter [tilespmem:s0], [sflag:$0x3], $0x80, v4, vm0, $0xb8;
	[tilespmem:$0x18200] =	vst v63  }
0x94: {  	v3 =	vadd.s32 v1, v3;
	s0 =	simm.s32 $0xFA00  }
0x95: {  	[hbm4b:s6+s3] =	stream.indirect_vreg.scatter [tilespmem:s0], [sflag:$0x3], $0x80, v4, vm0, $0xb8;
	[tilespmem:$0x18200] =	vst v63  }
0x96: {  	s0 =	simm.s32 $0x10200  }
0x97: {  	[hbm4b:s7+s3] =	stream.indirect_vreg.scatter [tilespmem:s0], [sflag:$0x3], $0x80, v4, vm0, $0xb8;
	[tilespmem:$0x18200] =	vst v63  }
0x98: {  	s0 =	simm.s32 $0x10A00  }
0x99: {  	[hbm4b:s5+s3] =	stream.indirect_vreg.scatter [tilespmem:s0], [sflag:$0x3], $0x80, v3, vm0, $0xb8;
	[tilespmem:$0x18200] =	vst v63  }
0x9a: {  	s0 =	simm.s32 $0x11200  }
0x9b: {  	[hbm4b:s6+s3] =	stream.indirect_vreg.scatter [tilespmem:s0], [sflag:$0x3], $0x80, v3, vm0, $0xb8;
	[tilespmem:$0x18200] =	vst v63  }
0x9c: {  	s0 =	simm.s32 $0x11A00  }
0x9d: {  	[hbm4b:s7+s3] =	stream.indirect_vreg.scatter [tilespmem:s0], [sflag:$0x3], $0x80, v3, vm0, $0xb8;
	[tilespmem:$0x18200] =	vst v63  }
0x9e: {  	v3 =	vld [tilespmem:$0x60];
	_ =	sdelay $0x4  }
0x9f: {  	v54 =	vshrl.u32 v3, $0x3  }
0xa0: {  	v4 =	vmul.u32 $0x30, v54  }
0xa1: {  	v3 =	vand.u32 $0x7, v3  }
0xa2: {  	v3 =	vor.u32 v3, v4  }
0xa3: {  	v4 =	vperm.xlane v3, v0;
	_ =	sdelay $0x1  }
0xa4: {  	v4 =	vadd.s32 v1, v4;
	_ =	sdelay $0x3  }
0xa5: {  	s0 =	simm.s32 $0x12200;
	v3 =	vperm.xlane v3, v2  }
0xa6: {  	[hbm4b:s5+s3] =	stream.indirect_vreg.scatter [tilespmem:s0], [sflag:$0x3], $0x80, v4, vm0, $0xb8;
	[tilespmem:$0x18200] =	vst v63  }
0xa7: {  	v3 =	vadd.s32 v1, v3;
	s0 =	simm.s32 $0x12A00  }
0xa8: {  	[hbm4b:s6+s3] =	stream.indirect_vreg.scatter [tilespmem:s0], [sflag:$0x3], $0x80, v4, vm0, $0xb8;
	[tilespmem:$0x18200] =	vst v63  }
0xa9: {  	s0 =	simm.s32 $0x13200  }
0xaa: {  	[hbm4b:s7+s3] =	stream.indirect_vreg.scatter [tilespmem:s0], [sflag:$0x3], $0x80, v4, vm0, $0xb8;
	[tilespmem:$0x18200] =	vst v63  }
0xab: {  	s0 =	simm.s32 $0x13A00  }
0xac: {  	[hbm4b:s5+s3] =	stream.indirect_vreg.scatter [tilespmem:s0], [sflag:$0x3], $0x80, v3, vm0, $0xb8;
	[tilespmem:$0x18200] =	vst v63  }
0xad: {  	s0 =	simm.s32 $0x14200  }
0xae: {  	[hbm4b:s6+s3] =	stream.indirect_vreg.scatter [tilespmem:s0], [sflag:$0x3], $0x80, v3, vm0, $0xb8;
	[tilespmem:$0x18200] =	vst v63  }
0xaf: {  	s0 =	simm.s32 $0x14A00  }
0xb0: {  	[hbm4b:s7+s3] =	stream.indirect_vreg.scatter [tilespmem:s0], [sflag:$0x3], $0x80, v3, vm0, $0xb8;
	[tilespmem:$0x18200] =	vst v63  }
0xb1: {  	v3 =	vld [tilespmem:$0x70];
	_ =	sdelay $0x4  }
0xb2: {  	v55 =	vshrl.u32 v3, $0x3  }
0xb3: {  	v4 =	vmul.u32 $0x30, v55  }
0xb4: {  	v3 =	vand.u32 $0x7, v3  }
0xb5: {  	v3 =	vor.u32 v3, v4  }
0xb6: {  	v4 =	vperm.xlane v3, v0;
	_ =	sdelay $0x1  }
0xb7: {  	v4 =	vadd.s32 v1, v4;
	_ =	sdelay $0x3  }
0xb8: {  	s0 =	simm.s32 $0x15200;
	v3 =	vperm.xlane v3, v2  }
0xb9: {  	[hbm4b:s5+s3] =	stream.indirect_vreg.scatter [tilespmem:s0], [sflag:$0x3], $0x80, v4, vm0, $0xb8;
	[tilespmem:$0x18200] =	vst v63  }
0xba: {  	v3 =	vadd.s32 v1, v3;
	s0 =	simm.s32 $0x15A00  }
0xbb: {  	[hbm4b:s6+s3] =	stream.indirect_vreg.scatter [tilespmem:s0], [sflag:$0x3], $0x80, v4, vm0, $0xb8;
	[tilespmem:$0x18200] =	vst v63  }
0xbc: {  	s0 =	simm.s32 $0x16200  }
0xbd: {  	[hbm4b:s7+s3] =	stream.indirect_vreg.scatter [tilespmem:s0], [sflag:$0x3], $0x80, v4, vm0, $0xb8;
	[tilespmem:$0x18200] =	vst v63  }
0xbe: {  	s0 =	simm.s32 $0x16A00  }
0xbf: {  	[hbm4b:s5+s3] =	stream.indirect_vreg.scatter [tilespmem:s0], [sflag:$0x3], $0x80, v3, vm0, $0xb8;
	[tilespmem:$0x18200] =	vst v63  }
0xc0: {  	s0 =	simm.s32 $0x17200  }
0xc1: {  	[hbm4b:s6+s3] =	stream.indirect_vreg.scatter [tilespmem:s0], [sflag:$0x3], $0x80, v3, vm0, $0xb8;
	[tilespmem:$0x18200] =	vst v63  }
0xc2: {  	s0 =	simm.s32 $0x17A00  }
0xc3: {  	[hbm4b:s7+s3] =	stream.indirect_vreg.scatter [tilespmem:s0], [sflag:$0x3], $0x80, v3, vm0, $0xb8;
	[tilespmem:$0x18200] =	vst v63  }
0xc4: {  	v3 =	vld [tilespmem:$0x80];
	_ =	sdelay $0x4  }
0xc5: {  	v56 =	vshrl.u32 v3, $0x3  }
0xc6: {  	v4 =	vmul.u32 $0x30, v56  }
0xc7: {  	v3 =	vand.u32 $0x7, v3  }
0xc8: {  	v3 =	vor.u32 v3, v4  }
0xc9: {  	v4 =	vperm.xlane v3, v0;
	_ =	sdelay $0x1  }
0xca: {  	v4 =	vadd.s32 v1, v4;
	_ =	sdelay $0x3  }
0xcb: {  	v3 =	vperm.xlane v3, v2  }
0xcc: {  	[hbm4b:s5+s3] =	stream.indirect_vreg.scatter [tilespmem:s14], [sflag:$0x3], $0x80, v4, vm0, $0xb8;
	[tilespmem:$0x18200] =	vst v63  }
0xcd: {  	v3 =	vadd.s32 v1, v3  }
0xce: {  	[hbm4b:s6+s3] =	stream.indirect_vreg.scatter [tilespmem:s20], [sflag:$0x3], $0x80, v4, vm0, $0xb8;
	[tilespmem:$0x18200] =	vst v63  }
0xcf: {  	_ = 	snop  }
0xd0: {  	[hbm4b:s7+s3] =	stream.indirect_vreg.scatter [tilespmem:s21], [sflag:$0x3], $0x80, v4, vm0, $0xb8;
	[tilespmem:$0x18200] =	vst v63  }
0xd1: {  	_ = 	snop  }
0xd2: {  	[hbm4b:s5+s3] =	stream.indirect_vreg.scatter [tilespmem:s24], [sflag:$0x3], $0x80, v3, vm0, $0xb8;
	[tilespmem:$0x18200] =	vst v63  }
0xd3: {  	_ = 	snop  }
0xd4: {  	[hbm4b:s6+s3] =	stream.indirect_vreg.scatter [tilespmem:s25], [sflag:$0x3], $0x80, v3, vm0, $0xb8;
	[tilespmem:$0x18200] =	vst v63  }
0xd5: {  	_ = 	snop  }
0xd6: {  	[hbm4b:s7+s3] =	stream.indirect_vreg.scatter [tilespmem:s26], [sflag:$0x3], $0x80, v3, vm0, $0xb8;
	[tilespmem:$0x18200] =	vst v63  }
0xd7: {  	v3 =	vld [tilespmem:$0x90];
	_ =	sdelay $0x4  }
0xd8: {  	v57 =	vshrl.u32 v3, $0x3  }
0xd9: {  	v4 =	vmul.u32 $0x30, v57  }
0xda: {  	v3 =	vand.u32 $0x7, v3  }
0xdb: {  	v3 =	vor.u32 v3, v4  }
0xdc: {  	v4 =	vperm.xlane v3, v0;
	_ =	sdelay $0x1  }
0xdd: {  	v4 =	vadd.s32 v1, v4;
	_ =	sdelay $0x3  }
0xde: {  	v3 =	vperm.xlane v3, v2  }
0xdf: {  	[hbm4b:s5+s3] =	stream.indirect_vreg.scatter [tilespmem:s28], [sflag:$0x3], $0x80, v4, vm0, $0xb8;
	[tilespmem:$0x18200] =	vst v63  }
0xe0: {  	v3 =	vadd.s32 v1, v3  }
0xe1: {  	[hbm4b:s6+s3] =	stream.indirect_vreg.scatter [tilespmem:s29], [sflag:$0x3], $0x80, v4, vm0, $0xb8;
	[tilespmem:$0x18200] =	vst v63  }
0xe2: {  	_ = 	snop  }
0xe3: {  	[hbm4b:s7+s3] =	stream.indirect_vreg.scatter [tilespmem:s4], [sflag:$0x3], $0x80, v4, vm0, $0xb8;
	[tilespmem:$0x18200] =	vst v63  }
0xe4: {  	_ = 	snop  }
0xe5: {  	[hbm4b:s5+s3] =	stream.indirect_vreg.scatter [tilespmem:s30], [sflag:$0x3], $0x80, v3, vm0, $0xb8;
	[tilespmem:$0x18200] =	vst v63  }
0xe6: {  	_ = 	snop  }
0xe7: {  	[hbm4b:s6+s3] =	stream.indirect_vreg.scatter [tilespmem:s31], [sflag:$0x3], $0x80, v3, vm0, $0xb8;
	[tilespmem:$0x18200] =	vst v63  }
0xe8: {  	_ = 	snop  }
0xe9: {  	[hbm4b:s7+s3] =	stream.indirect_vreg.scatter [tilespmem:s1], [sflag:$0x3], $0x80, v3, vm0, $0xb8;
	[tilespmem:$0x18200] =	vst v63  }
0xea: {  	v3 =	vld [tilespmem:$0xA0];
	_ =	sdelay $0x4  }
0xeb: {  	v58 =	vshrl.u32 v3, $0x3  }
0xec: {  	v4 =	vmul.u32 $0x30, v58  }
0xed: {  	v3 =	vand.u32 $0x7, v3  }
0xee: {  	v3 =	vor.u32 v3, v4  }
0xef: {  	v4 =	vperm.xlane v3, v0;
	_ =	sdelay $0x1  }
0xf0: {  	v4 =	vadd.s32 v1, v4;
	_ =	sdelay $0x3  }
0xf1: {  	s21 =	simm.s32 $0x6200;
	v3 =	vperm.xlane v3, v2  }
0xf2: {  	[hbm4b:s5+s3] =	stream.indirect_vreg.scatter [tilespmem:s21], [sflag:$0x3], $0x80, v4, vm0, $0xb8;
	[tilespmem:$0x18200] =	vst v63  }
0xf3: {  	v3 =	vadd.s32 v1, v3  }
0xf4: {  	[hbm4b:s6+s3] =	stream.indirect_vreg.scatter [tilespmem:s2], [sflag:$0x3], $0x80, v4, vm0, $0xb8;
	[tilespmem:$0x18200] =	vst v63  }
0xf5: {  	_ = 	snop  }
0xf6: {  	[hbm4b:s7+s3] =	stream.indirect_vreg.scatter [tilespmem:s10], [sflag:$0x3], $0x80, v4, vm0, $0xb8;
	[tilespmem:$0x18200] =	vst v63  }
0xf7: {  	_ = 	snop  }
0xf8: {  	[hbm4b:s5+s3] =	stream.indirect_vreg.scatter [tilespmem:s11], [sflag:$0x3], $0x80, v3, vm0, $0xb8;
	[tilespmem:$0x18200] =	vst v63  }
0xf9: {  	_ = 	snop  }
0xfa: {  	[hbm4b:s6+s3] =	stream.indirect_vreg.scatter [tilespmem:s15], [sflag:$0x3], $0x80, v3, vm0, $0xb8;
	[tilespmem:$0x18200] =	vst v63  }
0xfb: {  	_ = 	snop  }
0xfc: {  	[hbm4b:s7+s3] =	stream.indirect_vreg.scatter [tilespmem:s16], [sflag:$0x3], $0x80, v3, vm0, $0xb8;
	[tilespmem:$0x18200] =	vst v63  }
0xfd: {  	v3 =	vld [tilespmem:$0xB0];
	_ =	sdelay $0x4  }
0xfe: {  	v59 =	vshrl.u32 v3, $0x3  }
0xff: {  	v4 =	vmul.u32 $0x30, v59  }
0x100: {  	v3 =	vand.u32 $0x7, v3  }
0x101: {  	v3 =	vor.u32 v3, v4  }
0x102: {  	v4 =	vperm.xlane v3, v0;
	_ =	sdelay $0x1  }
0x103: {  	v4 =	vadd.s32 v1, v4;
	_ =	sdelay $0x3  }
0x104: {  	v3 =	vperm.xlane v3, v2  }
0x105: {  	[hbm4b:s5+s3] =	stream.indirect_vreg.scatter [tilespmem:s17], [sflag:$0x3], $0x80, v4, vm0, $0xb8;
	[tilespmem:$0x18200] =	vst v63  }
0x106: {  	v3 =	vadd.s32 v1, v3  }
0x107: {  	[hbm4b:s6+s3] =	stream.indirect_vreg.scatter [tilespmem:s18], [sflag:$0x3], $0x80, v4, vm0, $0xb8;
	[tilespmem:$0x18200] =	vst v63  }
0x108: {  	_ = 	snop  }
0x109: {  	[hbm4b:s7+s3] =	stream.indirect_vreg.scatter [tilespmem:s9], [sflag:$0x3], $0x80, v4, vm0, $0xb8;
	[tilespmem:$0x18200] =	vst v63  }
0x10a: {  	_ = 	snop  }
0x10b: {  	[hbm4b:s5+s3] =	stream.indirect_vreg.scatter [tilespmem:s12], [sflag:$0x3], $0x80, v3, vm0, $0xb8;
	[tilespmem:$0x18200] =	vst v63  }
0x10c: {  	_ = 	snop  }
0x10d: {  	[hbm4b:s6+s3] =	stream.indirect_vreg.scatter [tilespmem:s22], [sflag:$0x3], $0x80, v3, vm0, $0xb8;
	[tilespmem:$0x18200] =	vst v63  }
0x10e: {  	_ = 	snop  }
0x10f: {  	[hbm4b:s7+s3] =	stream.indirect_vreg.scatter [tilespmem:s23], [sflag:$0x3], $0x80, v3, vm0, $0xb8;
	[tilespmem:$0x18200] =	vst v63  }
0x110: {  	v3 =	vld [tilespmem:$0xC0];
	_ =	sdelay $0x4  }
0x111: {  	v60 =	vshrl.u32 v3, $0x3  }
0x112: {  	v4 =	vmul.u32 $0x30, v60  }
0x113: {  	v3 =	vand.u32 $0x7, v3  }
0x114: {  	v3 =	vor.u32 v3, v4  }
0x115: {  	v4 =	vperm.xlane v3, v0;
	_ =	sdelay $0x1  }
0x116: {  	v4 =	vadd.s32 v1, v4;
	_ =	sdelay $0x3  }
0x117: {  	s20 =	simm.s32 $0xC200;
	v3 =	vperm.xlane v3, v2  }
0x118: {  	[hbm4b:s5+s3] =	stream.indirect_vreg.scatter [tilespmem:s20], [sflag:$0x3], $0x80, v4, vm0, $0xb8;
	[tilespmem:$0x18200] =	vst v63  }
0x119: {  	s21 =	simm.s32 $0xCA00;
	v3 =	vadd.s32 v1, v3  }
0x11a: {  	[hbm4b:s6+s3] =	stream.indirect_vreg.scatter [tilespmem:s21], [sflag:$0x3], $0x80, v4, vm0, $0xb8;
	[tilespmem:$0x18200] =	vst v63  }
0x11b: {  	s20 =	simm.s32 $0xD200  }
0x11c: {  	[hbm4b:s7+s3] =	stream.indirect_vreg.scatter [tilespmem:s20], [sflag:$0x3], $0x80, v4, vm0, $0xb8;
	[tilespmem:$0x18200] =	vst v63  }
0x11d: {  	s21 =	simm.s32 $0xDA00  }
0x11e: {  	[hbm4b:s5+s3] =	stream.indirect_vreg.scatter [tilespmem:s21], [sflag:$0x3], $0x80, v3, vm0, $0xb8;
	[tilespmem:$0x18200] =	vst v63  }
0x11f: {  	s20 =	simm.s32 $0xE200  }
0x120: {  	[hbm4b:s6+s3] =	stream.indirect_vreg.scatter [tilespmem:s20], [sflag:$0x3], $0x80, v3, vm0, $0xb8;
	[tilespmem:$0x18200] =	vst v63  }
0x121: {  	s21 =	simm.s32 $0xEA00  }
0x122: {  	[hbm4b:s7+s3] =	stream.indirect_vreg.scatter [tilespmem:s21], [sflag:$0x3], $0x80, v3, vm0, $0xb8;
	[tilespmem:$0x18200] =	vst v63  }
0x123: {  	v3 =	vld [tilespmem:$0xD0];
	_ =	sdelay $0x4  }
0x124: {  	v61 =	vshrl.u32 v3, $0x3  }
0x125: {  	v4 =	vmul.u32 $0x30, v61  }
0x126: {  	v3 =	vand.u32 $0x7, v3  }
0x127: {  	v3 =	vor.u32 v3, v4  }
0x128: {  	v4 =	vperm.xlane v3, v0;
	_ =	sdelay $0x1  }
0x129: {  	v4 =	vadd.s32 v1, v4;
	_ =	sdelay $0x3  }
0x12a: {  	s20 =	simm.s32 $0xF200;
	v3 =	vperm.xlane v3, v2  }
0x12b: {  	[hbm4b:s5+s3] =	stream.indirect_vreg.scatter [tilespmem:s20], [sflag:$0x3], $0x80, v4, vm0, $0xb8;
	[tilespmem:$0x18200] =	vst v63  }
0x12c: {  	s21 =	simm.s32 $0xFA00;
	v3 =	vadd.s32 v1, v3  }
0x12d: {  	[hbm4b:s6+s3] =	stream.indirect_vreg.scatter [tilespmem:s21], [sflag:$0x3], $0x80, v4, vm0, $0xb8;
	[tilespmem:$0x18200] =	vst v63  }
0x12e: {  	s20 =	simm.s32 $0x10200  }
0x12f: {  	[hbm4b:s7+s3] =	stream.indirect_vreg.scatter [tilespmem:s20], [sflag:$0x3], $0x80, v4, vm0, $0xb8;
	[tilespmem:$0x18200] =	vst v63  }
0x130: {  	s21 =	simm.s32 $0x10A00  }
0x131: {  	[hbm4b:s5+s3] =	stream.indirect_vreg.scatter [tilespmem:s21], [sflag:$0x3], $0x80, v3, vm0, $0xb8;
	[tilespmem:$0x18200] =	vst v63  }
0x132: {  	s20 =	simm.s32 $0x11200  }
0x133: {  	[hbm4b:s6+s3] =	stream.indirect_vreg.scatter [tilespmem:s20], [sflag:$0x3], $0x80, v3, vm0, $0xb8;
	[tilespmem:$0x18200] =	vst v63  }
0x134: {  	s21 =	simm.s32 $0x11A00  }
0x135: {  	[hbm4b:s7+s3] =	stream.indirect_vreg.scatter [tilespmem:s21], [sflag:$0x3], $0x80, v3, vm0, $0xb8;
	[tilespmem:$0x18200] =	vst v63  }
0x136: {  	v3 =	vld [tilespmem:$0xE0];
	_ =	sdelay $0x4  }
0x137: {  	v62 =	vshrl.u32 v3, $0x3  }
0x138: {  	v4 =	vmul.u32 $0x30, v62  }
0x139: {  	v3 =	vand.u32 $0x7, v3  }
0x13a: {  	v3 =	vor.u32 v3, v4  }
0x13b: {  	v4 =	vperm.xlane v3, v0;
	_ =	sdelay $0x1  }
0x13c: {  	v4 =	vadd.s32 v1, v4;
	_ =	sdelay $0x3  }
0x13d: {  	s20 =	simm.s32 $0x12200;
	v3 =	vperm.xlane v3, v2  }
0x13e: {  	[hbm4b:s5+s3] =	stream.indirect_vreg.scatter [tilespmem:s20], [sflag:$0x3], $0x80, v4, vm0, $0xb8;
	[tilespmem:$0x18200] =	vst v63  }
0x13f: {  	s21 =	simm.s32 $0x12A00;
	v3 =	vadd.s32 v1, v3  }
0x140: {  	[hbm4b:s6+s3] =	stream.indirect_vreg.scatter [tilespmem:s21], [sflag:$0x3], $0x80, v4, vm0, $0xb8;
	[tilespmem:$0x18200] =	vst v63  }
0x141: {  	s20 =	simm.s32 $0x13200  }
0x142: {  	[hbm4b:s7+s3] =	stream.indirect_vreg.scatter [tilespmem:s20], [sflag:$0x3], $0x80, v4, vm0, $0xb8;
	[tilespmem:$0x18200] =	vst v63  }
0x143: {  	s21 =	simm.s32 $0x13A00  }
0x144: {  	[hbm4b:s5+s3] =	stream.indirect_vreg.scatter [tilespmem:s21], [sflag:$0x3], $0x80, v3, vm0, $0xb8;
	[tilespmem:$0x18200] =	vst v63  }
0x145: {  	s20 =	simm.s32 $0x14200  }
0x146: {  	[hbm4b:s6+s3] =	stream.indirect_vreg.scatter [tilespmem:s20], [sflag:$0x3], $0x80, v3, vm0, $0xb8;
	[tilespmem:$0x18200] =	vst v63  }
0x147: {  	s21 =	simm.s32 $0x14A00  }
0x148: {  	[hbm4b:s7+s3] =	stream.indirect_vreg.scatter [tilespmem:s21], [sflag:$0x3], $0x80, v3, vm0, $0xb8;
	[tilespmem:$0x18200] =	vst v63  }
0x149: {  	v3 =	vld [tilespmem:$0xF0];
	_ =	sdelay $0x4  }
0x14a: {  	v63 =	vshrl.u32 v3, $0x3  }
0x14b: {  	v4 =	vmul.u32 $0x30, v63  }
0x14c: {  	v3 =	vand.u32 $0x7, v3  }
0x14d: {  	v3 =	vor.u32 v3, v4  }
0x14e: {  	v4 =	vperm.xlane v3, v0;
	_ =	sdelay $0x1  }
0x14f: {  	v4 =	vadd.s32 v1, v4;
	_ =	sdelay $0x3  }
0x150: {  	s20 =	simm.s32 $0x15200;
	v3 =	vperm.xlane v3, v2  }
0x151: {  	[hbm4b:s5+s3] =	stream.indirect_vreg.scatter [tilespmem:s20], [sflag:$0x3], $0x80, v4, vm0, $0xb8;
	[tilespmem:$0x18200] =	vst v63  }
0x152: {  	s21 =	simm.s32 $0x15A00;
	v3 =	vadd.s32 v1, v3  }
0x153: {  	[hbm4b:s6+s3] =	stream.indirect_vreg.scatter [tilespmem:s21], [sflag:$0x3], $0x80, v4, vm0, $0xb8;
	[tilespmem:$0x18200] =	vst v63  }
0x154: {  	s20 =	simm.s32 $0x16200  }
0x155: {  	[hbm4b:s7+s3] =	stream.indirect_vreg.scatter [tilespmem:s20], [sflag:$0x3], $0x80, v4, vm0, $0xb8;
	[tilespmem:$0x18200] =	vst v63  }
0x156: {  	s21 =	simm.s32 $0x16A00  }
0x157: {  	[hbm4b:s5+s3] =	stream.indirect_vreg.scatter [tilespmem:s21], [sflag:$0x3], $0x80, v3, vm0, $0xb8;
	[tilespmem:$0x18200] =	vst v63  }
0x158: {  	s20 =	simm.s32 $0x17200  }
0x159: {  	[hbm4b:s6+s3] =	stream.indirect_vreg.scatter [tilespmem:s20], [sflag:$0x3], $0x80, v3, vm0, $0xb8;
	[tilespmem:$0x18200] =	vst v63  }
0x15a: {  	_ = 	snop  }
0x15b: {  	[hbm4b:s7+s3] =	stream.indirect_vreg.scatter [tilespmem:s0], [sflag:$0x3], $0x80, v3, vm0, $0xb8;
	[tilespmem:$0x18200] =	vst v63  }
0x15c: {  	s21 =	simm.s32 $0x100;
	s20 =	rddreg [dreg:$0x2];
	s0 =	simm.s32 $0x80  }
0x15d: {  	[hbm4b:s20+s0] =	stream.indirect.scatter [tilespmem:s21], [sflag:$0x3], $0x1, s3, s0, $0xb8;
	[tilespmem:$0x18200] =	vst v63  }
0x15e: {  	s21 =	simm.s32 $0x180  }
0x15f: {  	[hbm4b:s20+s0] =	stream.indirect.scatter [tilespmem:s21], [sflag:$0x3], $0x1, s0, s0, $0xb8;
	[tilespmem:$0x18200] =	vst v63  }
0x160: {  	_ =	swait.ge [sflag:s19], $0x18000  }
0x161: {  	[sflag:s19] =	ssyncset.done $0x0  }
0x162: {  	[sflag:s19] =	ssyncadd.s32 $0xFFFE8000  }
0x163: {  	_ =	swait.ge [sflag:s19], $0x18000  }
0x164: {  	[sflag:s19] =	ssyncset.done $0x0  }
0x165: {  	[sflag:s19] =	ssyncadd.s32 $0xFFFE8000  }
0x166: {  	p0 =	sne.s32 s8, $0x1;
	_ =	swait.ge [sflag:s19], $0x80  }
.Ltmp0:
0x167: {  	[sflag:s19] =	ssyncset.done $0x0;
	(pc) =	sbr.rel @p0 .LBB2_1-.Ltmp0, $4  }
0x168: {  	[sflag:s19] =	ssyncadd.s32 $0xFFFFFF80  }
0x169: {  	_ =	swait.ge [sflag:s19], $0x80  }
0x16a: {  	[sflag:s19] =	ssyncset.done $0x0  }
0x16b: {  	s8 =	sadd.s32 $0xFFFFFFFF, s8;
	[sflag:s19] =	ssyncadd.s32 $0xFFFFFF80  }
0x16c: {  	_ =	sfence.sel $0x180000  }
0x16d: {  	[bflag:$0x0] =	sbarrier.arrive $0xFFFF  }
0x16e: {  	_ =	strace $0x90000047  }
0x16f: {  	s0 =	stileid.u32;
	[bflag:$0x2] =	sbarrier.arrive $0xFFFF  }
0x170: {  	p0 =	sne.s32 s0, $0x0;
	s0 =	rddreg [dreg:$0x3]  }
0x171: {  	s0 =	sadd.s32 @!p0 $0x100000, s0  }
0x172: {  	[sflag:s0] =	ssyncadd.tile.s32 @!p0 $0x1;
	_ =	shalt  }
.Lfunc_end2:
_tile_overlayer_lowered:
.L_overlay_start_2:
0x173: {  	(tag) =	ssettag $0x2  }
0x174: {  	s0 =	rddreg [dreg:$0x0];
	s2 =	stileid.u32  }
0x175: {  	s1 =	rddreg [dreg:$0x1];
	p0 =	sne.s32 s2, $0x0  }
0x176: {  	s3 =	rddreg [dreg:$0x2];
	[bflag:$0x3] =	sbarrier.arrive $0xFFFF;
	s2 =	simm.s32 @!p0 $0x1C04  }
0x177: {  	[timem:s3], [sflag:s2] =	dma.local @!p0 [hbm:s0], s1  }
0x178: {  	s0 =	simm.s32 @!p0 $0x4  }
0x179: {  	_ =	swait.ge @!p0 [sflag:s0], s1  }
0x17a: {  	s1 =	ssub.s32 @!p0 $0x0, s1;
	[sflag:s0] =	ssyncset.done @!p0 $0x0  }
0x17b: {  	[sflag:s0] =	ssyncadd.s32 @!p0 s1  }
0x17c: {  	[bflag:$0x3] =	sbarrier.arrive $0xFFFF  }
0x17d: {  	_ =	shalt  }

// kernel: kernel.9.cloned.1.call-start
scs
__scs_entry_jumppad:
0x0: {  	(pc) =	sbr.rel $0x88, $3  }
0x1: {  	(tag) =	ssettag $0x0;
	lr =	simm.s32 $0x1  }
0x2: {  	[smem:$0x3F98] =	sst lr;
	_ =	strace $0xD0000000  }
0x3: {  	_ = 	snop  }
0x4: {  	_ = 	snop  }
0x5: {  	_ = 	snop  }
0x6: {  	_ = 	snop  }
0x7: {  	_ = 	snop  }
__scs_overlays_trampoline_lowered:
0x8: {  	[smem:$0x3FA7] =	sst s0  }
0x9: {  	[smem:$0x3FA8] =	sst s1  }
0xa: {  	[smem:$0x3FA9] =	sst s2  }
0xb: {  	[smem:$0x3FAA] =	sst s3  }
0xc: {  	[smem:$0x3FAB] =	sst s4  }
0xd: {  	[smem:$0x3FAC] =	sst s5  }
0xe: {  	[smem:$0x3FAD] =	sst s6  }
0xf: {  	[smem:$0x3FAE] =	sst s7  }
0x10: {  	[smem:$0x3FAF] =	sst s8  }
0x11: {  	[smem:$0x3FB0] =	sst s9;
	s0 =	simm.s32 @!p0 $0x0  }
0x12: {  	s1 =	sld [smem:$0x3F96];
	s0 =	simm.s32 @p0 $0x1  }
0x13: {  	[smem:$0x3FB1] =	sst s0;
	s0 =	simm.s32 @!p1 $0x0  }
0x14: {  	s2 =	sld [smem:$0x3F95];
	s0 =	simm.s32 @p1 $0x1  }
0x15: {  	[smem:$0x3FB2] =	sst s0;
	s0 =	simm.s32 @!p2 $0x0  }
0x16: {  	s3 =	sld [smem:$0x3FDB];
	s0 =	simm.s32 @p2 $0x1  }
0x17: {  	s4 =	simm.s32 $0x1BF5;
	[smem:$0x3FB4] =	sst s0  }
0x18: {  	s0 =	sld [smem:$0x3F97];
	_ =	swait.ge [sflag:s4], $0x0  }
0x19: {  	s7 =	sld [smem:$0x3F98]  }
0x1a: {  	s8 =	sadd.s32 $0xFFFFE003, lr  }
0x1b: {  	s9 =	sadd.s32 $0xFFFFFEF7, lr;
	s5 =	simm.s32 $0xFFFFFFFF;
	p2 =	slt.u32 s8, $0xFFFFF086  }
0x1c: {  	p1 =	slt.u32 s9, $0xF7A;
	s5 =	simm.s32 @!p2 $0x0  }
0x1d: {  	s5 =	simm.s32 @p1 $0x1;
	p0 =	seq.s32 s7, s2  }
0x1e: {  	s7 =	smul.u32 @!p0 $0xF7A, s2;
	p2 =	seq.s32 @!p0 s5, $0x0  }
0x1f: {  	s9 =	smul.u32 $0xF7A, s1;
	s8 =	simm.s32 @!p0 $0x1BF5;
	p2 =	por !p2, p0  }
0x20: {  	[sflag:s8] =	ssyncset.s32 @!p0 $0xFFFFF086;
	s6 =	sadd.s32 @!p0 s3, s7;
	s7 =	simm.s32 @!p0 $0x108  }
0x21: {  	s3 =	sadd.s32 s3, s9;
	s6 =	sadd.s32 @!p0 $0x88, s6;
	s7 =	simm.s32 @p2 $0x1082  }
0x22: {  	[simem:s7], [sflag:s8] =	dma.local @!p0 [hbm:s6], $0xF7A  }
0x23: {  	s9 =	sor.u32 $0xD0000000, s2;
	s6 =	simm.s32 $0x108;
	_ =	swait.ge @!p0 [sflag:s8], $0x0  }
0x24: {  	s3 =	sadd.s32 $0x88, s3;
	s6 =	simm.s32 @!p1 $0x1082;
	[sflag:s4] =	ssyncset.s32 $0xFFFFF086  }
0x25: {  	[simem:s6], [sflag:s4] =	dma.local [hbm:s3], $0xF7A  }
0x26: {  	[smem:$0x3F98] =	sst s1;
	(tag) =	ssettag s2;
	_ =	strace s9  }
0x27: {  	s1 =	sld [smem:$0x3FA8]  }
0x28: {  	s2 =	sld [smem:$0x3FA9]  }
0x29: {  	s4 =	sld [smem:$0x3FAB]  }
0x2a: {  	p0 =	seq.s32 s5, $0x0;
	s5 =	sld [smem:$0x3FAC]  }
0x2b: {  	s6 =	sld [smem:$0x3FAD]  }
0x2c: {  	s7 =	sld [smem:$0x3FAE]  }
0x2d: {  	s3 =	simm.s32 $0x108;
	s8 =	sld [smem:$0x3FAF]  }
0x2e: {  	s3 =	simm.s32 @!p0 $0x1082;
	s9 =	sld [smem:$0x3FB0]  }
0x2f: {  	lr =	sadd.s32 s0, s3;
	s0 =	sld [smem:$0x3FA7]  }
0x30: {  	s3 =	sld [smem:$0x3FAA]  }
0x31: {  	[smem:$0x3FB3] =	sst s10  }
0x32: {  	s10 =	sld [smem:$0x3FB1];
	_ =	sdelay $0x3  }
0x33: {  	p0 =	seq.s32 s10, $0x1;
	s10 =	sld [smem:$0x3FB3];
	_ =	sdelay $0x3  }
0x34: {  	[smem:$0x3FB3] =	sst s10  }
0x35: {  	s10 =	sld [smem:$0x3FB2];
	_ =	sdelay $0x3  }
0x36: {  	p1 =	seq.s32 s10, $0x1;
	s10 =	sld [smem:$0x3FB3];
	_ =	sdelay $0x3  }
0x37: {  	[smem:$0x3FB3] =	sst s10  }
0x38: {  	s10 =	sld [smem:$0x3FB4]  }
0x39: {  	_ = 	snop;
	(pc) =	sbr.ind lr, $3  }
0x3a: {  	_ = 	snop  }
0x3b: {  	_ = 	snop  }
0x3c: {  	p2 =	seq.s32 s10, $0x1;
	s10 =	sld [smem:$0x3FB3]  }
0x3d: {  	_ =	shalt  }
0x3e: {  	_ =	shalt  }
0x3f: {  	_ =	shalt  }
0x40: {  	_ =	shalt  }
0x41: {  	_ =	shalt  }
0x42: {  	_ =	shalt  }
0x43: {  	_ =	shalt  }
0x44: {  	_ =	shalt  }
0x45: {  	_ =	shalt  }
0x46: {  	_ =	shalt  }
0x47: {  	_ =	shalt  }
0x48: {  	_ =	shalt  }
0x49: {  	_ =	shalt  }
0x4a: {  	_ =	shalt  }
0x4b: {  	_ =	shalt  }
0x4c: {  	_ =	shalt  }
0x4d: {  	_ =	shalt  }
0x4e: {  	_ =	shalt  }
0x4f: {  	_ =	shalt  }
0x50: {  	_ =	shalt  }
0x51: {  	_ =	shalt  }
0x52: {  	_ =	shalt  }
0x53: {  	_ =	shalt  }
0x54: {  	_ =	shalt  }
0x55: {  	_ =	shalt  }
0x56: {  	_ =	shalt  }
0x57: {  	_ =	shalt  }
0x58: {  	_ =	shalt  }
0x59: {  	_ =	shalt  }
0x5a: {  	_ =	shalt  }
0x5b: {  	_ =	shalt  }
0x5c: {  	_ =	shalt  }
0x5d: {  	_ =	shalt  }
0x5e: {  	_ =	shalt  }
0x5f: {  	_ =	shalt  }
0x60: {  	_ =	shalt  }
0x61: {  	_ =	shalt  }
0x62: {  	_ =	shalt  }
0x63: {  	_ =	shalt  }
0x64: {  	_ =	shalt  }
0x65: {  	_ =	shalt  }
0x66: {  	_ =	shalt  }
0x67: {  	_ =	shalt  }
0x68: {  	_ =	shalt  }
0x69: {  	_ =	shalt  }
0x6a: {  	_ =	shalt  }
0x6b: {  	_ =	shalt  }
0x6c: {  	_ =	shalt  }
0x6d: {  	_ =	shalt  }
0x6e: {  	_ =	shalt  }
0x6f: {  	_ =	shalt  }
0x70: {  	_ =	shalt  }
0x71: {  	_ =	shalt  }
0x72: {  	_ =	shalt  }
0x73: {  	_ =	shalt  }
0x74: {  	_ =	shalt  }
0x75: {  	_ =	shalt  }
0x76: {  	_ =	shalt  }
0x77: {  	_ =	shalt  }
0x78: {  	_ =	shalt  }
0x79: {  	_ =	shalt  }
0x7a: {  	_ =	shalt  }
0x7b: {  	_ =	shalt  }
0x7c: {  	_ =	shalt  }
0x7d: {  	_ =	shalt  }
0x7e: {  	_ =	shalt  }
0x7f: {  	_ =	shalt  }
0x80: {  	_ =	shalt  }
0x81: {  	_ =	shalt  }
0x82: {  	_ =	shalt  }
0x83: {  	_ =	shalt  }
0x84: {  	_ =	shalt  }
0x85: {  	_ =	shalt  }
0x86: {  	_ =	shalt  }
0x87: {  	_ =	shalt  }
.Lfunc_end0:
.L_simem_size_0:
called_computation.1_lowered:
.L_overlay_start_0:
0x88: {  	s2 =	sld [smem:$0x3FD9]  }
0x89: {  	s3 =	sld [smem:$0x3FFE];
	_ =	sdelay $0x1  }
0x8a: {  	s1 =	srdreg.scid  }
0x8b: {  	s0 =	sand.u32 $0x1, s1  }
0x8c: {  	s14 =	sshll.u32 s0, $0xA;
	s2 =	sadd.s32 s3, s2  }
0x8d: {  	s2 =	sadd.s32 s2, s14  }
0x8e: {  	[smem:$0x3FBF] =	sst s2  }
0x8f: {  	_ = 	snop  }
0x90: {  	s2 =	sld [smem:$0x3FD0];
	_ =	sdelay $0x2  }
0x91: {  	s15 =	simm.s32 $0xA;
	s4 =	simm.s32 $0x10  }
0x92: {  	[smem:s4], [sflag:s15] =	dma.local [hbm:s2], $0x1  }
0x93: {  	_ =	swait.eq [sflag:s15], $0x1  }
0x94: {  	[sflag:s15] =	ssyncset.done $0x0  }
0x95: {  	[sflag:s15] =	ssyncadd.s32 $0xFFFFFFFF  }
0x96: {  	s16 =	sld [smem:$0x10];
	(tm) =	ssettm $0x1  }
0x97: {  	s17 =	sld [smem:$0x3FFB];
	_ =	sdelay $0x3  }
0x98: {  	_ =	strace s17  }
0x99: {  	s3 =	sld [smem:$0x3FFC];
	_ =	sdelay $0x3  }
0x9a: {  	_ =	strace s3  }
0x9b: {  	s3 =	sld [smem:$0x3FFD];
	_ =	sdelay $0x3  }
0x9c: {  	_ =	strace s3  }
0x9d: {  	_ =	strace $0x8FFFFFFF  }
0x9e: {  	s18 =	sld [smem:$0x3FDB];
	_ =	sdelay $0x1  }
0x9f: {  	s19 =	simm.s32 $_scs_section_size  }
0xa0: {  	s5 =	simm.s32 $_size__tile_overlayer_lowered;
	s6 =	simm.s32 $_tile_overlayer_lowered  }
0xa1: {  	s22 =	simm.s32 $0x1BFF;
	s21 =	sshll.u32 s6, $0x1;
	s3 =	sadd.s32 s19, s18  }
0xa2: {  	s7 =	simm.s32 $0x0;
	s20 =	sshll.u32 s5, $0x1;
	s5 =	sadd.s32 s21, s3  }
0xa3: {  	[timem:s7], [sflag:s22] =	dma.local [hbm:s5], s20  }
0xa4: {  	_ =	swait.ge [sflag:s22], s20  }
0xa5: {  	s4 =	ssub.s32 $0x0, s20;
	[sflag:s22] =	ssyncset.done $0x0  }
0xa6: {  	[sflag:s22] =	ssyncadd.s32 s4;
	_ =	sdelay $0x1  }
0xa7: {  	s23 =	simm.s32 $0x1B8B  }
0xa8: {  	_ =	swait.ge [sflag:s23], $0x1  }
0xa9: {  	[sflag:s23] =	ssyncset.done $0x0  }
0xaa: {  	s25 =	simm.s32 $0x1B8E;
	s24 =	sld [smem:$0x3FFE];
	[sflag:s23] =	ssyncadd.s32 $0xFFFFFFFF  }
0xab: {  	s26 =	simm.s32 $execute0_lowered;
	[smem:$0x3FD2] =	sst s25  }
0xac: {  	s5 =	sshll.u32 s26, $0x1;
	_ =	strace $0x80000049;
	[dreg:$0x1] =	wrdreg $0xFFFFFFFF  }
0xad: {  	s28 =	simm.s32 $_size_execute0_lowered;
	s3 =	sadd.s32 s3, s5;
	[dreg:$0x0] =	wrdreg $0x0  }
0xae: {  	s5 =	sshll.u32 s28, $0x1;
	[dreg:$0x2] =	wrdreg s3  }
0xaf: {  	[dreg:$0x3] =	wrdreg s5  }
0xb0: {  	[dreg:$0x4] =	wrdreg $0xC0  }
0xb1: {  	_ =	task [dreg:s7], $0x5FFFF  }
0xb2: {  	[dreg:$0x1] =	wrdreg $0xFFFFFFFF  }
0xb3: {  	[dreg:$0x0] =	wrdreg $0x60  }
0xb4: {  	[dreg:$0x2] =	wrdreg s24  }
0xb5: {  	[dreg:$0x3] =	wrdreg s16  }
0xb6: {  	[dreg:$0x4] =	wrdreg $0x9  }
0xb7: {  	_ =	task.clear_ibuf [dreg:s7], $0x5FFFF;
	_ =	strace $0x90000049  }
0xb8: {  	s29 =	simm.s32 $0x9;
	_ =	strace $0x8000004B  }
0xb9: {  	_ =	swait.ge [sflag:s29], $0x1  }
0xba: {  	[sflag:s29] =	ssyncadd.s32 $0xFFFFFFFF  }
0xbb: {  	_ =	strace $0x9000004B  }
0xbc: {  	_ =	sfence  }
0xbd: {  	s30 =	sld [smem:$0x0];
	_ =	sdelay $0x2  }
0xbe: {  	s31 =	sshll.u32 s1, $0xD;
	s1 =	sshrl.u32 s1, $0x2  }
0xbf: {  	s3 =	sand.u32 $0x4000, s31;
	s1 =	sadd.s32 s1, s30  }
0xc0: {  	s0 =	sor.u32 s3, s0;
	s1 =	sshll.u32 s1, $0x11  }
0xc1: {  	s0 =	sor.u32 s1, s0  }
0xc2: {  	s0 =	sadd.s32 $0x8F2B, s0  }
0xc3: {  	[sflag:s0] =	ssyncadd.remote.s32 $0x1  }
0xc4: {  	_ =	sfence.sel $0xFFFF  }
0xc5: {  	[dreg:$0x0] =	wrdreg $0xFFFFFFFF;
	(pc) =	sbr.abs _section_cstart, $3  }
0xc6: {  	[dreg:$0x1] =	wrdreg $0xFFFFFFFF  }
0xc7: {  	_ =	task.clear_ibuf [dreg:s7], $0x2FFFF;
	_ =	strace $0x9FFFFFFF  }
0xc8: {  	(tm) =	ssettm $0x7FFFFFFF  }
0xc9: {  	_ =	shalt  }
tec
execute0_lowered:
.L_overlay_start_1:
0x0: {  	(tag) =	ssettag $0x1  }
0x1: {  	s0 =	rddreg [dreg:$0x0]  }
0x2: {  	s1 =	rddreg [dreg:$0x1];
	s2 =	simm.s32 $0x0  }
0x3: {  	s3 =	srdreg.scid;
	s5 =	stileid.u32;
	s16 =	simm.s32 $0x1  }
0x4: {  	s17 =	simm.s32 $0x200;
	s31 =	simm.s32 $0xFA00;
	s13 =	simm.s32 $0x11200  }
0x5: {  	s14 =	simm.s32 $0x11A00;
	s15 =	simm.s32 $0x12200;
	s18 =	simm.s32 $0x12A00  }
0x6: {  	s19 =	simm.s32 $0x13A00;
	s20 =	simm.s32 $0x14A00;
	s21 =	simm.s32 $0x15200  }
0x7: {  	s28 =	simm.s32 $0x0;
	[smem:$0x7FF] =	sst s2;
	s3 =	sand.u32 $0x1, s3  }
0x8: {  	s5 =	sshll.u32 s5, $0x5;
	s6 =	sadd.s32 $0x200, s0;
	s9 =	sadd.s32 $0x240A00, s0  }
0x9: {  	_ =	strace $0x8000004A;
	s4 =	ssub.s32 $0x2, s3;
	s3 =	sshll.u32 s3, $0x4  }
0xa: {  	s7 =	sshrl.u32 s4, $0x1;
	s5 =	sor.u32 s3, s5;
	s3 =	sadd.s32 $0x240800, s0  }
0xb: {  	s4 =	ssub.s32 s4, s7;
	s22 =	sadd.s32 s0, s5;
	s23 =	sadd.s32 s6, s5  }
0xc: {  	s24 =	sor.u32 $0x8, s5;
	s5 =	smul.u32 $0x300, s5;
	[dreg:$0x3] =	wrdreg s22  }
0xd: {  	s7 =	simm.s32 $0x17200;
	[dreg:$0x4] =	wrdreg s23;
	s8 =	sadd.s32 s0, s24  }
0xe: {  	s6 =	sadd.s32 s6, s24;
	s25 =	smul.u32 $0x300, s24;
	s30 =	smax.u32 s4, $0x1  }
0xf: {  	s4 =	simm.s32 $0x13200;
	s22 =	simm.s32 $0x15A00;
	[dreg:$0x5] =	wrdreg s8  }
0x10: {  	s23 =	simm.s32 $0x16A00;
	s24 =	simm.s32 $0x17A00;
	[dreg:$0x6] =	wrdreg s6  }
0x11: {  	s8 =	sadd.s32 $0x240900, s0;
	s26 =	sadd.s32 s1, s5;
	[dreg:$0x9] =	wrdreg s30  }
0x12: {  	v2 =	vlaneseq.u32;
	s0 =	simm.s32 $0x10200;
	s5 =	simm.s32 $0x14200;
	s6 =	simm.s32 $0x16200  }
0x13: {  	vm0 =	vmmov $0xffff;
	v1 =	vshrl.u32 v2, $0x3;
	[dreg:$0x7] =	wrdreg s26;
	s29 =	sadd.s32 s1, s25;
	s1 =	simm.s32 $0x10A00  }
0x14: {  	v0 =	vand.u32 $0x7, v2;
	v2 =	vor.u32 $0x8, v2;
	v1 =	vmul.u32 $0x8, v1;
	s25 =	simm.s32 $0x2;
	s26 =	simm.s32 $0x3;
	[dreg:$0x8] =	wrdreg s29  }
.LBB2_1:
0x15: {  	s10 =	rddreg [dreg:$0x3]  }
0x16: {  	[tilespmem:s2], [sflag:$0x1] =	stream.linear.gather [hbm4b:s10+s2], $0x40, $0x38;
	[tilespmem:$0x18200] =	vst v63  }
0x17: {  	s30 =	rddreg [dreg:$0x4];
	s11 =	simm.s32 $0x100  }
0x18: {  	[tilespmem:s11], [sflag:$0x1] =	stream.linear.gather [hbm4b:s30+s2], $0x40, $0x38;
	[tilespmem:$0x18200] =	vst v63  }
0x19: {  	s12 =	rddreg [dreg:$0x5];
	s30 =	simm.s32 $0x80  }
0x1a: {  	[tilespmem:s30], [sflag:$0x1] =	stream.linear.gather [hbm4b:s12+s2], $0x40, $0x38;
	[tilespmem:$0x18200] =	vst v63  }
0x1b: {  	s12 =	rddreg [dreg:$0x6];
	s30 =	simm.s32 $0x180  }
0x1c: {  	[tilespmem:s30], [sflag:$0x1] =	stream.linear.gather [hbm4b:s12+s2], $0x40, $0x38;
	[tilespmem:$0x18200] =	vst v63  }
0x1d: {  	_ =	swait.ge [sflag:s16], $0x40  }
0x1e: {  	[sflag:s16] =	ssyncset.done $0x0  }
0x1f: {  	[sflag:s16] =	ssyncadd.s32 $0xFFFFFFC0  }
0x20: {  	_ =	swait.ge [sflag:s16], $0x40  }
0x21: {  	[sflag:s16] =	ssyncset.done $0x0  }
0x22: {  	[sflag:s16] =	ssyncadd.s32 $0xFFFFFFC0  }
0x23: {  	_ =	swait.ge [sflag:s16], $0x40  }
0x24: {  	[sflag:s16] =	ssyncset.done $0x0  }
0x25: {  	[sflag:s16] =	ssyncadd.s32 $0xFFFFFFC0  }
0x26: {  	_ =	swait.ge [sflag:s16], $0x40  }
0x27: {  	[sflag:s16] =	ssyncset.done $0x0  }
0x28: {  	[sflag:s16] =	ssyncadd.s32 $0xFFFFFFC0  }
0x29: {  	v3 =	vld [tilespmem:$0x0];
	_ =	sdelay $0x4  }
0x2a: {  	v4 =	vshrl.u32 v3, $0x3  }
0x2b: {  	v4 =	vmul.u32 $0x30, v4  }
0x2c: {  	v3 =	vand.u32 $0x7, v3  }
0x2d: {  	v3 =	vor.u32 v3, v4  }
0x2e: {  	v4 =	vperm.xlane v3, v0;
	_ =	sdelay $0x1  }
0x2f: {  	v4 =	vadd.s32 v1, v4;
	_ =	sdelay $0x3  }
0x30: {  	v3 =	vperm.xlane v3, v2  }
0x31: {  	[tilespmem:s17], [sflag:$0x2] =	stream.indirect_vreg.gather [hbm4b:s3+s2], $0x80, v4, vm0, $0xb8;
	[tilespmem:$0x18200] =	vst v63  }
0x32: {  	s12 =	simm.s32 $0xA00;
	v3 =	vadd.s32 v1, v3  }
0x33: {  	[tilespmem:s12], [sflag:$0x2] =	stream.indirect_vreg.gather [hbm4b:s8+s2], $0x80, v4, vm0, $0xb8;
	[tilespmem:$0x18200] =	vst v63  }
0x34: {  	s30 =	simm.s32 $0x1200  }
0x35: {  	[tilespmem:s30], [sflag:$0x2] =	stream.indirect_vreg.gather [hbm4b:s9+s2], $0x80, v4, vm0, $0xb8;
	[tilespmem:$0x18200] =	vst v63  }
0x36: {  	s11 =	simm.s32 $0x1A00  }
0x37: {  	[tilespmem:s11], [sflag:$0x2] =	stream.indirect_vreg.gather [hbm4b:s3+s2], $0x80, v3, vm0, $0xb8;
	[tilespmem:$0x18200] =	vst v63  }
0x38: {  	s12 =	simm.s32 $0x2200  }
0x39: {  	[tilespmem:s12], [sflag:$0x2] =	stream.indirect_vreg.gather [hbm4b:s8+s2], $0x80, v3, vm0, $0xb8;
	[tilespmem:$0x18200] =	vst v63  }
0x3a: {  	s30 =	simm.s32 $0x2A00  }
0x3b: {  	[tilespmem:s30], [sflag:$0x2] =	stream.indirect_vreg.gather [hbm4b:s9+s2], $0x80, v3, vm0, $0xb8;
	[tilespmem:$0x18200] =	vst v63  }
0x3c: {  	v3 =	vld [tilespmem:$0x10];
	_ =	sdelay $0x4  }
0x3d: {  	v4 =	vshrl.u32 v3, $0x3  }
0x3e: {  	v4 =	vmul.u32 $0x30, v4  }
0x3f: {  	v3 =	vand.u32 $0x7, v3  }
0x40: {  	v3 =	vor.u32 v3, v4  }
0x41: {  	v4 =	vperm.xlane v3, v0;
	_ =	sdelay $0x1  }
0x42: {  	v4 =	vadd.s32 v1, v4;
	_ =	sdelay $0x3  }
0x43: {  	s11 =	simm.s32 $0x3200;
	v3 =	vperm.xlane v3, v2  }
0x44: {  	[tilespmem:s11], [sflag:$0x2] =	stream.indirect_vreg.gather [hbm4b:s3+s2], $0x80, v4, vm0, $0xb8;
	[tilespmem:$0x18200] =	vst v63  }
0x45: {  	s12 =	simm.s32 $0x3A00;
	v3 =	vadd.s32 v1, v3  }
0x46: {  	[tilespmem:s12], [sflag:$0x2] =	stream.indirect_vreg.gather [hbm4b:s8+s2], $0x80, v4, vm0, $0xb8;
	[tilespmem:$0x18200] =	vst v63  }
0x47: {  	s30 =	simm.s32 $0x4200  }
0x48: {  	[tilespmem:s30], [sflag:$0x2] =	stream.indirect_vreg.gather [hbm4b:s9+s2], $0x80, v4, vm0, $0xb8;
	[tilespmem:$0x18200] =	vst v63  }
0x49: {  	s11 =	simm.s32 $0x4A00  }
0x4a: {  	[tilespmem:s11], [sflag:$0x2] =	stream.indirect_vreg.gather [hbm4b:s3+s2], $0x80, v3, vm0, $0xb8;
	[tilespmem:$0x18200] =	vst v63  }
0x4b: {  	s12 =	simm.s32 $0x5200  }
0x4c: {  	[tilespmem:s12], [sflag:$0x2] =	stream.indirect_vreg.gather [hbm4b:s8+s2], $0x80, v3, vm0, $0xb8;
	[tilespmem:$0x18200] =	vst v63  }
0x4d: {  	s30 =	simm.s32 $0x5A00  }
0x4e: {  	[tilespmem:s30], [sflag:$0x2] =	stream.indirect_vreg.gather [hbm4b:s9+s2], $0x80, v3, vm0, $0xb8;
	[tilespmem:$0x18200] =	vst v63  }
0x4f: {  	v3 =	vld [tilespmem:$0x20];
	_ =	sdelay $0x4  }
0x50: {  	v4 =	vshrl.u32 v3, $0x3  }
0x51: {  	v4 =	vmul.u32 $0x30, v4  }
0x52: {  	v3 =	vand.u32 $0x7, v3  }
0x53: {  	v3 =	vor.u32 v3, v4  }
0x54: {  	v4 =	vperm.xlane v3, v0;
	_ =	sdelay $0x1  }
0x55: {  	v4 =	vadd.s32 v1, v4;
	_ =	sdelay $0x3  }
0x56: {  	s11 =	simm.s32 $0x6200;
	v3 =	vperm.xlane v3, v2  }
0x57: {  	[tilespmem:s11], [sflag:$0x2] =	stream.indirect_vreg.gather [hbm4b:s3+s2], $0x80, v4, vm0, $0xb8;
	[tilespmem:$0x18200] =	vst v63  }
0x58: {  	s12 =	simm.s32 $0x6A00;
	v3 =	vadd.s32 v1, v3  }
0x59: {  	[tilespmem:s12], [sflag:$0x2] =	stream.indirect_vreg.gather [hbm4b:s8+s2], $0x80, v4, vm0, $0xb8;
	[tilespmem:$0x18200] =	vst v63  }
0x5a: {  	s30 =	simm.s32 $0x7200  }
0x5b: {  	[tilespmem:s30], [sflag:$0x2] =	stream.indirect_vreg.gather [hbm4b:s9+s2], $0x80, v4, vm0, $0xb8;
	[tilespmem:$0x18200] =	vst v63  }
0x5c: {  	s11 =	simm.s32 $0x7A00  }
0x5d: {  	[tilespmem:s11], [sflag:$0x2] =	stream.indirect_vreg.gather [hbm4b:s3+s2], $0x80, v3, vm0, $0xb8;
	[tilespmem:$0x18200] =	vst v63  }
0x5e: {  	s12 =	simm.s32 $0x8200  }
0x5f: {  	[tilespmem:s12], [sflag:$0x2] =	stream.indirect_vreg.gather [hbm4b:s8+s2], $0x80, v3, vm0, $0xb8;
	[tilespmem:$0x18200] =	vst v63  }
0x60: {  	s30 =	simm.s32 $0x8A00  }
0x61: {  	[tilespmem:s30], [sflag:$0x2] =	stream.indirect_vreg.gather [hbm4b:s9+s2], $0x80, v3, vm0, $0xb8;
	[tilespmem:$0x18200] =	vst v63  }
0x62: {  	v3 =	vld [tilespmem:$0x30];
	_ =	sdelay $0x4  }
0x63: {  	v4 =	vshrl.u32 v3, $0x3  }
0x64: {  	v4 =	vmul.u32 $0x30, v4  }
0x65: {  	v3 =	vand.u32 $0x7, v3  }
0x66: {  	v3 =	vor.u32 v3, v4  }
0x67: {  	v4 =	vperm.xlane v3, v0;
	_ =	sdelay $0x1  }
0x68: {  	v4 =	vadd.s32 v1, v4;
	_ =	sdelay $0x3  }
0x69: {  	s11 =	simm.s32 $0x9200;
	v3 =	vperm.xlane v3, v2  }
0x6a: {  	[tilespmem:s11], [sflag:$0x2] =	stream.indirect_vreg.gather [hbm4b:s3+s2], $0x80, v4, vm0, $0xb8;
	[tilespmem:$0x18200] =	vst v63  }
0x6b: {  	s12 =	simm.s32 $0x9A00;
	v3 =	vadd.s32 v1, v3  }
0x6c: {  	[tilespmem:s12], [sflag:$0x2] =	stream.indirect_vreg.gather [hbm4b:s8+s2], $0x80, v4, vm0, $0xb8;
	[tilespmem:$0x18200] =	vst v63  }
0x6d: {  	s30 =	simm.s32 $0xA200  }
0x6e: {  	[tilespmem:s30], [sflag:$0x2] =	stream.indirect_vreg.gather [hbm4b:s9+s2], $0x80, v4, vm0, $0xb8;
	[tilespmem:$0x18200] =	vst v63  }
0x6f: {  	s11 =	simm.s32 $0xAA00  }
0x70: {  	[tilespmem:s11], [sflag:$0x2] =	stream.indirect_vreg.gather [hbm4b:s3+s2], $0x80, v3, vm0, $0xb8;
	[tilespmem:$0x18200] =	vst v63  }
0x71: {  	s12 =	simm.s32 $0xB200  }
0x72: {  	[tilespmem:s12], [sflag:$0x2] =	stream.indirect_vreg.gather [hbm4b:s8+s2], $0x80, v3, vm0, $0xb8;
	[tilespmem:$0x18200] =	vst v63  }
0x73: {  	s30 =	simm.s32 $0xBA00  }
0x74: {  	[tilespmem:s30], [sflag:$0x2] =	stream.indirect_vreg.gather [hbm4b:s9+s2], $0x80, v3, vm0, $0xb8;
	[tilespmem:$0x18200] =	vst v63  }
0x75: {  	v3 =	vld [tilespmem:$0x100];
	_ =	sdelay $0x4  }
0x76: {  	v4 =	vshrl.u32 v3, $0x3  }
0x77: {  	v4 =	vmul.u32 $0x30, v4  }
0x78: {  	v3 =	vand.u32 $0x7, v3  }
0x79: {  	v3 =	vor.u32 v3, v4  }
0x7a: {  	v4 =	vperm.xlane v3, v0;
	_ =	sdelay $0x1  }
0x7b: {  	v4 =	vadd.s32 v1, v4;
	_ =	sdelay $0x3  }
0x7c: {  	s11 =	simm.s32 $0xC200;
	v3 =	vperm.xlane v3, v2  }
0x7d: {  	[tilespmem:s11], [sflag:$0x2] =	stream.indirect_vreg.gather [hbm4b:s3+s2], $0x80, v4, vm0, $0xb8;
	[tilespmem:$0x18200] =	vst v63  }
0x7e: {  	s12 =	simm.s32 $0xCA00;
	v3 =	vadd.s32 v1, v3  }
0x7f: {  	[tilespmem:s12], [sflag:$0x2] =	stream.indirect_vreg.gather [hbm4b:s8+s2], $0x80, v4, vm0, $0xb8;
	[tilespmem:$0x18200] =	vst v63  }
0x80: {  	s30 =	simm.s32 $0xD200  }
0x81: {  	[tilespmem:s30], [sflag:$0x2] =	stream.indirect_vreg.gather [hbm4b:s9+s2], $0x80, v4, vm0, $0xb8;
	[tilespmem:$0x18200] =	vst v63  }
0x82: {  	s11 =	simm.s32 $0xDA00  }
0x83: {  	[tilespmem:s11], [sflag:$0x2] =	stream.indirect_vreg.gather [hbm4b:s3+s2], $0x80, v3, vm0, $0xb8;
	[tilespmem:$0x18200] =	vst v63  }
0x84: {  	s12 =	simm.s32 $0xE200  }
0x85: {  	[tilespmem:s12], [sflag:$0x2] =	stream.indirect_vreg.gather [hbm4b:s8+s2], $0x80, v3, vm0, $0xb8;
	[tilespmem:$0x18200] =	vst v63  }
0x86: {  	s30 =	simm.s32 $0xEA00  }
0x87: {  	[tilespmem:s30], [sflag:$0x2] =	stream.indirect_vreg.gather [hbm4b:s9+s2], $0x80, v3, vm0, $0xb8;
	[tilespmem:$0x18200] =	vst v63  }
0x88: {  	v3 =	vld [tilespmem:$0x110];
	_ =	sdelay $0x4  }
0x89: {  	v4 =	vshrl.u32 v3, $0x3  }
0x8a: {  	v4 =	vmul.u32 $0x30, v4  }
0x8b: {  	v3 =	vand.u32 $0x7, v3  }
0x8c: {  	v3 =	vor.u32 v3, v4  }
0x8d: {  	v4 =	vperm.xlane v3, v0;
	_ =	sdelay $0x1  }
0x8e: {  	v4 =	vadd.s32 v1, v4;
	_ =	sdelay $0x3  }
0x8f: {  	s11 =	simm.s32 $0xF200;
	v3 =	vperm.xlane v3, v2  }
0x90: {  	[tilespmem:s11], [sflag:$0x2] =	stream.indirect_vreg.gather [hbm4b:s3+s2], $0x80, v4, vm0, $0xb8;
	[tilespmem:$0x18200] =	vst v63  }
0x91: {  	v3 =	vadd.s32 v1, v3  }
0x92: {  	[tilespmem:s31], [sflag:$0x2] =	stream.indirect_vreg.gather [hbm4b:s8+s2], $0x80, v4, vm0, $0xb8;
	[tilespmem:$0x18200] =	vst v63  }
0x93: {  	_ = 	snop  }
0x94: {  	[tilespmem:s0], [sflag:$0x2] =	stream.indirect_vreg.gather [hbm4b:s9+s2], $0x80, v4, vm0, $0xb8;
	[tilespmem:$0x18200] =	vst v63  }
0x95: {  	_ = 	snop  }
0x96: {  	[tilespmem:s1], [sflag:$0x2] =	stream.indirect_vreg.gather [hbm4b:s3+s2], $0x80, v3, vm0, $0xb8;
	[tilespmem:$0x18200] =	vst v63  }
0x97: {  	_ = 	snop  }
0x98: {  	[tilespmem:s13], [sflag:$0x2] =	stream.indirect_vreg.gather [hbm4b:s8+s2], $0x80, v3, vm0, $0xb8;
	[tilespmem:$0x18200] =	vst v63  }
0x99: {  	_ = 	snop  }
0x9a: {  	[tilespmem:s14], [sflag:$0x2] =	stream.indirect_vreg.gather [hbm4b:s9+s2], $0x80, v3, vm0, $0xb8;
	[tilespmem:$0x18200] =	vst v63  }
0x9b: {  	v3 =	vld [tilespmem:$0x120];
	_ =	sdelay $0x4  }
0x9c: {  	v4 =	vshrl.u32 v3, $0x3  }
0x9d: {  	v4 =	vmul.u32 $0x30, v4  }
0x9e: {  	v3 =	vand.u32 $0x7, v3  }
0x9f: {  	v3 =	vor.u32 v3, v4  }
0xa0: {  	v4 =	vperm.xlane v3, v0;
	_ =	sdelay $0x1  }
0xa1: {  	v4 =	vadd.s32 v1, v4;
	_ =	sdelay $0x3  }
0xa2: {  	v3 =	vperm.xlane v3, v2  }
0xa3: {  	[tilespmem:s15], [sflag:$0x2] =	stream.indirect_vreg.gather [hbm4b:s3+s2], $0x80, v4, vm0, $0xb8;
	[tilespmem:$0x18200] =	vst v63  }
0xa4: {  	v3 =	vadd.s32 v1, v3  }
0xa5: {  	[tilespmem:s18], [sflag:$0x2] =	stream.indirect_vreg.gather [hbm4b:s8+s2], $0x80, v4, vm0, $0xb8;
	[tilespmem:$0x18200] =	vst v63  }
0xa6: {  	_ = 	snop  }
0xa7: {  	[tilespmem:s4], [sflag:$0x2] =	stream.indirect_vreg.gather [hbm4b:s9+s2], $0x80, v4, vm0, $0xb8;
	[tilespmem:$0x18200] =	vst v63  }
0xa8: {  	_ = 	snop  }
0xa9: {  	[tilespmem:s19], [sflag:$0x2] =	stream.indirect_vreg.gather [hbm4b:s3+s2], $0x80, v3, vm0, $0xb8;
	[tilespmem:$0x18200] =	vst v63  }
0xaa: {  	_ = 	snop  }
0xab: {  	[tilespmem:s5], [sflag:$0x2] =	stream.indirect_vreg.gather [hbm4b:s8+s2], $0x80, v3, vm0, $0xb8;
	[tilespmem:$0x18200] =	vst v63  }
0xac: {  	_ = 	snop  }
0xad: {  	[tilespmem:s20], [sflag:$0x2] =	stream.indirect_vreg.gather [hbm4b:s9+s2], $0x80, v3, vm0, $0xb8;
	[tilespmem:$0x18200] =	vst v63  }
0xae: {  	v3 =	vld [tilespmem:$0x130];
	_ =	sdelay $0x4  }
0xaf: {  	v4 =	vshrl.u32 v3, $0x3  }
0xb0: {  	v4 =	vmul.u32 $0x30, v4  }
0xb1: {  	v3 =	vand.u32 $0x7, v3  }
0xb2: {  	v3 =	vor.u32 v3, v4  }
0xb3: {  	v4 =	vperm.xlane v3, v0;
	_ =	sdelay $0x1  }
0xb4: {  	v4 =	vadd.s32 v1, v4;
	_ =	sdelay $0x3  }
0xb5: {  	v3 =	vperm.xlane v3, v2  }
0xb6: {  	[tilespmem:s21], [sflag:$0x2] =	stream.indirect_vreg.gather [hbm4b:s3+s2], $0x80, v4, vm0, $0xb8;
	[tilespmem:$0x18200] =	vst v63  }
0xb7: {  	v3 =	vadd.s32 v1, v3  }
0xb8: {  	[tilespmem:s22], [sflag:$0x2] =	stream.indirect_vreg.gather [hbm4b:s8+s2], $0x80, v4, vm0, $0xb8;
	[tilespmem:$0x18200] =	vst v63  }
0xb9: {  	_ = 	snop  }
0xba: {  	[tilespmem:s6], [sflag:$0x2] =	stream.indirect_vreg.gather [hbm4b:s9+s2], $0x80, v4, vm0, $0xb8;
	[tilespmem:$0x18200] =	vst v63  }
0xbb: {  	_ = 	snop  }
0xbc: {  	[tilespmem:s23], [sflag:$0x2] =	stream.indirect_vreg.gather [hbm4b:s3+s2], $0x80, v3, vm0, $0xb8;
	[tilespmem:$0x18200] =	vst v63  }
0xbd: {  	_ = 	snop  }
0xbe: {  	[tilespmem:s7], [sflag:$0x2] =	stream.indirect_vreg.gather [hbm4b:s8+s2], $0x80, v3, vm0, $0xb8;
	[tilespmem:$0x18200] =	vst v63  }
0xbf: {  	_ = 	snop  }
0xc0: {  	[tilespmem:s24], [sflag:$0x2] =	stream.indirect_vreg.gather [hbm4b:s9+s2], $0x80, v3, vm0, $0xb8;
	[tilespmem:$0x18200] =	vst v63  }
0xc1: {  	_ =	swait.ge [sflag:s25], $0xC000  }
0xc2: {  	[sflag:s25] =	ssyncset.done $0x0  }
0xc3: {  	s12 =	simm.s32 $0x0;
	[sflag:s25] =	ssyncadd.s32 $0xFFFF4000  }
0xc4: {  	s10 =	smul.u32 $0x1800, s12;
	_ =	swait.ge [sflag:s25], $0xC000  }
0xc5: {  	s30 =	sand.u32 $0x380, s2;
	[sflag:s25] =	ssyncset.done $0x0  }
0xc6: {  	s10 =	sor.u32 s30, s10;
	[sflag:s25] =	ssyncadd.s32 $0xFFFF4000  }
0xc7: {  	v12 =	vld [tilespmem:s10+$0xC200]  }
0xc8: {  	v13 =	vld [tilespmem:s10+$0xC210]  }
0xc9: {  	v14 =	vld [tilespmem:s10+$0xC220]  }
0xca: {  	v15 =	vld [tilespmem:s10+$0xC230]  }
0xcb: {  	v16 =	vld [tilespmem:s10+$0xC240]  }
0xcc: {  	v17 =	vld [tilespmem:s10+$0xC250]  }
0xcd: {  	v18 =	vld [tilespmem:s10+$0xC260]  }
0xce: {  	v19 =	vld [tilespmem:s10+$0xC270]  }
0xcf: {  	v20 =	vld [tilespmem:s10+$0xC600]  }
0xd0: {  	v21 =	vld [tilespmem:s10+$0xC610]  }
0xd1: {  	v22 =	vld [tilespmem:s10+$0xC620]  }
0xd2: {  	v23 =	vld [tilespmem:s10+$0xC630]  }
0xd3: {  	v24 =	vld [tilespmem:s10+$0xC640]  }
0xd4: {  	v25 =	vld [tilespmem:s10+$0xC650]  }
0xd5: {  	v26 =	vld [tilespmem:s10+$0xC660]  }
0xd6: {  	v27 =	vld [tilespmem:s10+$0xC670]  }
0xd7: {  	v28 =	vld [tilespmem:s10+$0xCA00]  }
0xd8: {  	v29 =	vld [tilespmem:s10+$0xCA10]  }
0xd9: {  	v30 =	vld [tilespmem:s10+$0xCA20]  }
0xda: {  	v31 =	vld [tilespmem:s10+$0xCA30]  }
0xdb: {  	v32 =	vld [tilespmem:s10+$0xCA40]  }
0xdc: {  	v33 =	vld [tilespmem:s10+$0xCA50]  }
0xdd: {  	v34 =	vld [tilespmem:s10+$0xCA60]  }
0xde: {  	v35 =	vld [tilespmem:s10+$0xCA70]  }
0xdf: {  	v36 =	vld [tilespmem:s10+$0xCE00]  }
0xe0: {  	v37 =	vld [tilespmem:s10+$0xCE10]  }
0xe1: {  	v38 =	vld [tilespmem:s10+$0xCE20]  }
0xe2: {  	v39 =	vld [tilespmem:s10+$0xCE30]  }
0xe3: {  	v40 =	vld [tilespmem:s10+$0xCE40]  }
0xe4: {  	v41 =	vld [tilespmem:s10+$0xCE50]  }
0xe5: {  	v42 =	vld [tilespmem:s10+$0xCE60]  }
0xe6: {  	v43 =	vld [tilespmem:s10+$0xCE70]  }
0xe7: {  	v44 =	vld [tilespmem:s10+$0xD200]  }
0xe8: {  	v45 =	vld [tilespmem:s10+$0xD210]  }
0xe9: {  	v46 =	vld [tilespmem:s10+$0xD220]  }
0xea: {  	v47 =	vld [tilespmem:s10+$0xD230]  }
0xeb: {  	v48 =	vld [tilespmem:s10+$0xD240]  }
0xec: {  	v49 =	vld [tilespmem:s10+$0xD250]  }
0xed: {  	v50 =	vld [tilespmem:s10+$0xD260]  }
0xee: {  	v11 =	vld [tilespmem:s10+$0xD270]  }
0xef: {  	v10 =	vld [tilespmem:s10+$0xD600]  }
0xf0: {  	v9 =	vld [tilespmem:s10+$0xD610]  }
0xf1: {  	v8 =	vld [tilespmem:s10+$0xD620]  }
0xf2: {  	v7 =	vld [tilespmem:s10+$0xD630]  }
0xf3: {  	v6 =	vld [tilespmem:s10+$0xD640]  }
0xf4: {  	v51 =	vld [tilespmem:s10+$0x200]  }
0xf5: {  	v52 =	vld [tilespmem:s10+$0x210]  }
0xf6: {  	v53 =	vld [tilespmem:s10+$0x220]  }
0xf7: {  	v54 =	vld [tilespmem:s10+$0x230]  }
0xf8: {  	v55 =	vld [tilespmem:s10+$0x240]  }
0xf9: {  	v62 =	vld [tilespmem:s10+$0x250];
	v12 =	vadd.f32 v12, v51  }
0xfa: {  	v63 =	vld [tilespmem:s10+$0x260];
	v13 =	vadd.f32 v13, v52  }
0xfb: {  	[tilespmem:s10+$0x200] =	vst v12;
	v12 =	vadd.f32 v14, v53;
	v14 =	vld [tilespmem:s10+$0x270]  }
0xfc: {  	[tilespmem:s10+$0x210] =	vst v13;
	v13 =	vadd.f32 v15, v54;
	v15 =	vld [tilespmem:s10+$0x600]  }
0xfd: {  	[tilespmem:s10+$0x220] =	vst v12;
	v12 =	vadd.f32 v16, v55;
	v16 =	vld [tilespmem:s10+$0x610]  }
0xfe: {  	[tilespmem:s10+$0x230] =	vst v13;
	v13 =	vadd.f32 v17, v62;
	v17 =	vld [tilespmem:s10+$0x620]  }
0xff: {  	v5 =	vld [tilespmem:s10+$0xD650]  }
0x100: {  	[tilespmem:s10+$0x240] =	vst v12;
	v12 =	vadd.f32 v18, v63;
	v18 =	vld [tilespmem:s10+$0x670]  }
0x101: {  	[tilespmem:s10+$0x250] =	vst v13;
	v13 =	vadd.f32 v19, v14;
	v14 =	vld [tilespmem:s10+$0x630]  }
0x102: {  	[tilespmem:s10+$0x260] =	vst v12;
	v12 =	vadd.f32 v20, v15;
	v15 =	vld [tilespmem:s10+$0x640]  }
0x103: {  	[tilespmem:s10+$0x270] =	vst v13;
	v13 =	vadd.f32 v21, v16;
	v16 =	vadd.f32 v22, v17;
	v17 =	vld [tilespmem:s10+$0x660]  }
0x104: {  	[tilespmem:s10+$0x600] =	vst v12;
	v12 =	vld [tilespmem:s10+$0x650]  }
0x105: {  	[tilespmem:s10+$0x610] =	vst v13;
	v13 =	vld [tilespmem:s10+$0xA00];
	v18 =	vadd.f32 v27, v18  }
0x106: {  	[tilespmem:s10+$0x620] =	vst v16;
	v16 =	vld [tilespmem:s10+$0xA10];
	v14 =	vadd.f32 v23, v14  }
0x107: {  	v4 =	vld [tilespmem:s10+$0xD660];
	v15 =	vadd.f32 v24, v15;
	[tilespmem:s10+$0x670] =	vst v18  }
0x108: {  	[tilespmem:s10+$0x630] =	vst v14;
	v14 =	vld [tilespmem:s10+$0xA20];
	v17 =	vadd.f32 v26, v17  }
0x109: {  	v12 =	vadd.f32 v25, v12;
	[tilespmem:s10+$0x640] =	vst v15;
	v15 =	vld [tilespmem:s10+$0xA30]  }
0x10a: {  	v18 =	vld [tilespmem:s10+$0xA70];
	[tilespmem:s10+$0x660] =	vst v17;
	v13 =	vadd.f32 v28, v13  }
0x10b: {  	v16 =	vadd.f32 v29, v16;
	[tilespmem:s10+$0x650] =	vst v12;
	v12 =	vld [tilespmem:s10+$0xA40]  }
0x10c: {  	v17 =	vld [tilespmem:s10+$0xA50];
	[tilespmem:s10+$0xA00] =	vst v13  }
0x10d: {  	[tilespmem:s10+$0xA10] =	vst v16;
	v16 =	vld [tilespmem:s10+$0xA60];
	v13 =	vadd.f32 v30, v14  }
0x10e: {  	v14 =	vld [tilespmem:s10+$0xE00];
	v15 =	vadd.f32 v31, v15  }
0x10f: {  	[tilespmem:s10+$0xA20] =	vst v13;
	v13 =	vld [tilespmem:s10+$0xE10]  }
0x110: {  	v12 =	vadd.f32 v32, v12;
	[tilespmem:s10+$0xA30] =	vst v15;
	v15 =	vld [tilespmem:s10+$0xE20]  }
0x111: {  	v3 =	vld [tilespmem:s10+$0xD670];
	v17 =	vadd.f32 v33, v17  }
0x112: {  	v16 =	vadd.f32 v34, v16;
	[tilespmem:s10+$0xA40] =	vst v12;
	v12 =	vld [tilespmem:s10+$0xE30]  }
0x113: {  	[tilespmem:s10+$0xA50] =	vst v17;
	v17 =	vld [tilespmem:s10+$0xE40];
	v14 =	vadd.f32 v36, v14  }
0x114: {  	v18 =	vadd.f32 v35, v18;
	[tilespmem:s10+$0xA60] =	vst v16;
	v16 =	vld [tilespmem:s10+$0xE50]  }
0x115: {  	v13 =	vadd.f32 v37, v13;
	[tilespmem:s10+$0xE00] =	vst v14;
	v14 =	vadd.f32 v38, v15;
	v15 =	vld [tilespmem:s10+$0xE60]  }
0x116: {  	[tilespmem:s10+$0xA70] =	vst v18;
	v18 =	vld [tilespmem:s10+$0xE70]  }
0x117: {  	[tilespmem:s10+$0xE10] =	vst v13;
	v13 =	vld [tilespmem:s10+$0x1200];
	v12 =	vadd.f32 v39, v12  }
0x118: {  	v17 =	vadd.f32 v40, v17;
	[tilespmem:s10+$0xE20] =	vst v14;
	v14 =	vld [tilespmem:s10+$0x1210]  }
0x119: {  	v16 =	vadd.f32 v41, v16;
	[tilespmem:s10+$0xE30] =	vst v12;
	v12 =	vld [tilespmem:s10+$0x1220]  }
0x11a: {  	[tilespmem:s10+$0xE40] =	vst v17;
	v17 =	vld [tilespmem:s10+$0x1230];
	v15 =	vadd.f32 v42, v15  }
0x11b: {  	v19 =	vld [tilespmem:s10+$0x1240];
	[tilespmem:s10+$0xE50] =	vst v16;
	v16 =	vadd.f32 v43, v18  }
0x11c: {  	v18 =	vld [tilespmem:s10+$0x1250];
	v13 =	vadd.f32 v44, v13;
	[tilespmem:s10+$0xE60] =	vst v15  }
0x11d: {  	v20 =	vld [tilespmem:s10+$0x1260];
	[tilespmem:s10+$0xE70] =	vst v16;
	v14 =	vadd.f32 v45, v14  }
0x11e: {  	v16 =	vld [tilespmem:s10+$0x1270];
	[tilespmem:s10+$0x1200] =	vst v13;
	v12 =	vadd.f32 v46, v12  }
0x11f: {  	v15 =	vld [tilespmem:s10+$0x1600];
	v13 =	vadd.f32 v47, v17;
	[tilespmem:s10+$0x1210] =	vst v14  }
0x120: {  	v14 =	vld [tilespmem:s10+$0x1610];
	[tilespmem:s10+$0x1220] =	vst v12;
	v12 =	vadd.f32 v48, v19  }
0x121: {  	[tilespmem:s10+$0x1230] =	vst v13;
	v13 =	vld [tilespmem:s10+$0x1620];
	v18 =	vadd.f32 v49, v18  }
0x122: {  	s29 =	simm.s32 $0x0;
	s11 =	simm.s32 $0x1;
	v17 =	vadd.f32 v50, v20;
	[tilespmem:s10+$0x1240] =	vst v12;
	v12 =	vld [tilespmem:s10+$0x1630]  }
.LBB2_2:
0x123: {  	s30 =	sshrl.u32 s11, $0x3;
	p0 =	sne.s32 s11, $0x1F;
	[tilespmem:s10+$0x1250] =	vst v18;
	v11 =	vadd.f32 v11, v16;
	v16 =	vld [tilespmem:s10+$0x1640]  }
0x124: {  	s29 =	sadd.s32 $0x80, s29;
	s30 =	smul.u32 $0x1800, s30;
	[tilespmem:s10+$0x1260] =	vst v17;
	v10 =	vadd.f32 v10, v15;
	v15 =	vld [tilespmem:s10+$0x1650]  }
0x125: {  	s12 =	sand.u32 $0x380, s29;
	[tilespmem:s10+$0x1270] =	vst v11;
	v9 =	vadd.f32 v9, v14;
	v11 =	vld [tilespmem:s10+$0x1660]  }
0x126: {  	s12 =	sor.u32 s12, s30;
	[tilespmem:s10+$0x1600] =	vst v10;
	v8 =	vadd.f32 v8, v13;
	v10 =	vld [tilespmem:s10+$0x1670]  }
0x127: {  	v39 =	vld [tilespmem:s12+$0xC200];
	[tilespmem:s10+$0x1610] =	vst v9;
	v7 =	vadd.f32 v7, v12  }
0x128: {  	v40 =	vld [tilespmem:s12+$0xC210];
	[tilespmem:s10+$0x1620] =	vst v8;
	v6 =	vadd.f32 v6, v16  }
0x129: {  	v41 =	vld [tilespmem:s12+$0xC220];
	[tilespmem:s10+$0x1630] =	vst v7;
	v5 =	vadd.f32 v5, v15  }
0x12a: {  	v42 =	vld [tilespmem:s12+$0xC230];
	[tilespmem:s10+$0x1640] =	vst v6;
	v4 =	vadd.f32 v4, v11  }
0x12b: {  	v43 =	vld [tilespmem:s12+$0xC240];
	[tilespmem:s10+$0x1650] =	vst v5;
	v3 =	vadd.f32 v3, v10  }
0x12c: {  	v44 =	vld [tilespmem:s12+$0xC250];
	[tilespmem:s10+$0x1660] =	vst v4  }
0x12d: {  	v45 =	vld [tilespmem:s12+$0xC260];
	[tilespmem:s10+$0x1670] =	vst v3;
	s10 =	smov.u32 s12  }
0x12e: {  	v46 =	vld [tilespmem:s10+$0xC270]  }
0x12f: {  	v47 =	vld [tilespmem:s10+$0xC600]  }
0x130: {  	v48 =	vld [tilespmem:s10+$0xC610]  }
0x131: {  	v49 =	vld [tilespmem:s10+$0xC620]  }
0x132: {  	v50 =	vld [tilespmem:s10+$0xC630]  }
0x133: {  	v38 =	vld [tilespmem:s10+$0xC640]  }
0x134: {  	v37 =	vld [tilespmem:s10+$0xC650]  }
0x135: {  	v36 =	vld [tilespmem:s10+$0xC660]  }
0x136: {  	v35 =	vld [tilespmem:s10+$0xC670]  }
0x137: {  	v34 =	vld [tilespmem:s10+$0xCA00]  }
0x138: {  	v33 =	vld [tilespmem:s10+$0xCA10]  }
0x139: {  	v32 =	vld [tilespmem:s10+$0xCA20]  }
0x13a: {  	v31 =	vld [tilespmem:s10+$0xCA30]  }
0x13b: {  	v30 =	vld [tilespmem:s10+$0xCA40]  }
0x13c: {  	v29 =	vld [tilespmem:s10+$0xCA50]  }
0x13d: {  	v28 =	vld [tilespmem:s10+$0xCA60]  }
0x13e: {  	v27 =	vld [tilespmem:s10+$0xCA70]  }
0x13f: {  	v26 =	vld [tilespmem:s10+$0xCE00]  }
0x140: {  	v25 =	vld [tilespmem:s10+$0xCE10]  }
0x141: {  	v24 =	vld [tilespmem:s10+$0xCE20]  }
0x142: {  	v23 =	vld [tilespmem:s10+$0xCE30]  }
0x143: {  	v22 =	vld [tilespmem:s10+$0xCE40]  }
0x144: {  	v21 =	vld [tilespmem:s10+$0xCE50]  }
0x145: {  	v20 =	vld [tilespmem:s10+$0xCE60]  }
0x146: {  	v19 =	vld [tilespmem:s10+$0xCE70]  }
0x147: {  	v18 =	vld [tilespmem:s10+$0xD200]  }
0x148: {  	v17 =	vld [tilespmem:s10+$0xD210]  }
0x149: {  	v16 =	vld [tilespmem:s10+$0xD220]  }
0x14a: {  	v15 =	vld [tilespmem:s10+$0xD230]  }
0x14b: {  	v14 =	vld [tilespmem:s10+$0xD240]  }
0x14c: {  	v13 =	vld [tilespmem:s10+$0xD250]  }
0x14d: {  	v12 =	vld [tilespmem:s10+$0xD260]  }
0x14e: {  	v11 =	vld [tilespmem:s10+$0xD270]  }
0x14f: {  	v10 =	vld [tilespmem:s10+$0xD600]  }
0x150: {  	v9 =	vld [tilespmem:s10+$0xD610]  }
0x151: {  	v8 =	vld [tilespmem:s10+$0xD620]  }
0x152: {  	v7 =	vld [tilespmem:s10+$0xD630]  }
0x153: {  	v6 =	vld [tilespmem:s10+$0xD640]  }
0x154: {  	v5 =	vld [tilespmem:s10+$0xD650]  }
0x155: {  	v4 =	vld [tilespmem:s10+$0xD660]  }
0x156: {  	v3 =	vld [tilespmem:s10+$0xD670]  }
0x157: {  	v51 =	vld [tilespmem:s10+$0x200]  }
0x158: {  	v52 =	vld [tilespmem:s10+$0x210]  }
0x159: {  	v53 =	vld [tilespmem:s10+$0x220]  }
0x15a: {  	v54 =	vld [tilespmem:s10+$0x230]  }
0x15b: {  	v55 =	vld [tilespmem:s10+$0x240]  }
0x15c: {  	v39 =	vadd.f32 v39, v51;
	v51 =	vld [tilespmem:s10+$0x250]  }
0x15d: {  	v40 =	vadd.f32 v40, v52;
	v52 =	vld [tilespmem:s10+$0x260]  }
0x15e: {  	[tilespmem:s10+$0x200] =	vst v39;
	v39 =	vadd.f32 v41, v53;
	v41 =	vld [tilespmem:s10+$0x270]  }
0x15f: {  	[tilespmem:s10+$0x210] =	vst v40;
	v40 =	vadd.f32 v42, v54;
	v42 =	vld [tilespmem:s10+$0x600]  }
0x160: {  	[tilespmem:s10+$0x220] =	vst v39;
	v39 =	vadd.f32 v43, v55;
	v43 =	vld [tilespmem:s10+$0x610]  }
0x161: {  	[tilespmem:s10+$0x230] =	vst v40;
	v40 =	vadd.f32 v44, v51;
	v44 =	vld [tilespmem:s10+$0x620]  }
0x162: {  	[tilespmem:s10+$0x240] =	vst v39;
	v39 =	vadd.f32 v45, v52;
	v45 =	vld [tilespmem:s10+$0x630]  }
0x163: {  	[tilespmem:s10+$0x250] =	vst v40;
	v40 =	vadd.f32 v46, v41;
	v41 =	vld [tilespmem:s10+$0x640]  }
0x164: {  	[tilespmem:s10+$0x260] =	vst v39;
	v39 =	vadd.f32 v47, v42;
	v42 =	vld [tilespmem:s10+$0x650]  }
0x165: {  	[tilespmem:s10+$0x270] =	vst v40;
	v40 =	vadd.f32 v48, v43;
	v43 =	vld [tilespmem:s10+$0x660]  }
0x166: {  	[tilespmem:s10+$0x600] =	vst v39;
	v39 =	vadd.f32 v49, v44;
	v44 =	vld [tilespmem:s10+$0x670]  }
0x167: {  	[tilespmem:s10+$0x610] =	vst v40;
	v40 =	vadd.f32 v50, v45;
	v45 =	vld [tilespmem:s10+$0xA00]  }
0x168: {  	[tilespmem:s10+$0x620] =	vst v39;
	v38 =	vadd.f32 v38, v41;
	v39 =	vld [tilespmem:s10+$0xA10]  }
0x169: {  	[tilespmem:s10+$0x630] =	vst v40;
	v37 =	vadd.f32 v37, v42;
	v40 =	vld [tilespmem:s10+$0xA20]  }
0x16a: {  	[tilespmem:s10+$0x640] =	vst v38;
	v36 =	vadd.f32 v36, v43;
	v38 =	vld [tilespmem:s10+$0xA30]  }
0x16b: {  	[tilespmem:s10+$0x650] =	vst v37;
	v35 =	vadd.f32 v35, v44;
	v37 =	vld [tilespmem:s10+$0xA40]  }
0x16c: {  	[tilespmem:s10+$0x660] =	vst v36;
	v34 =	vadd.f32 v34, v45;
	v36 =	vld [tilespmem:s10+$0xA50]  }
0x16d: {  	[tilespmem:s10+$0x670] =	vst v35;
	v33 =	vadd.f32 v33, v39;
	v35 =	vld [tilespmem:s10+$0xA60]  }
0x16e: {  	[tilespmem:s10+$0xA00] =	vst v34;
	v32 =	vadd.f32 v32, v40;
	v34 =	vld [tilespmem:s10+$0xA70]  }
0x16f: {  	[tilespmem:s10+$0xA10] =	vst v33;
	v31 =	vadd.f32 v31, v38;
	v33 =	vld [tilespmem:s10+$0xE00]  }
0x170: {  	[tilespmem:s10+$0xA20] =	vst v32;
	v30 =	vadd.f32 v30, v37;
	v32 =	vld [tilespmem:s10+$0xE10]  }
0x171: {  	[tilespmem:s10+$0xA30] =	vst v31;
	v29 =	vadd.f32 v29, v36;
	v31 =	vld [tilespmem:s10+$0xE20]  }
0x172: {  	[tilespmem:s10+$0xA40] =	vst v30;
	v28 =	vadd.f32 v28, v35;
	v30 =	vld [tilespmem:s10+$0xE30]  }
0x173: {  	[tilespmem:s10+$0xA50] =	vst v29;
	v27 =	vadd.f32 v27, v34;
	v29 =	vld [tilespmem:s10+$0xE40]  }
0x174: {  	[tilespmem:s10+$0xA60] =	vst v28;
	v26 =	vadd.f32 v26, v33;
	v28 =	vld [tilespmem:s10+$0xE50]  }
0x175: {  	[tilespmem:s10+$0xA70] =	vst v27;
	v25 =	vadd.f32 v25, v32;
	v27 =	vld [tilespmem:s10+$0xE60]  }
0x176: {  	[tilespmem:s10+$0xE00] =	vst v26;
	v24 =	vadd.f32 v24, v31;
	v26 =	vld [tilespmem:s10+$0xE70]  }
0x177: {  	[tilespmem:s10+$0xE10] =	vst v25;
	v23 =	vadd.f32 v23, v30;
	v25 =	vld [tilespmem:s10+$0x1200]  }
0x178: {  	[tilespmem:s10+$0xE20] =	vst v24;
	v22 =	vadd.f32 v22, v29;
	v24 =	vld [tilespmem:s10+$0x1210]  }
0x179: {  	[tilespmem:s10+$0xE30] =	vst v23;
	v21 =	vadd.f32 v21, v28;
	v23 =	vld [tilespmem:s10+$0x1220]  }
0x17a: {  	[tilespmem:s10+$0xE40] =	vst v22;
	v20 =	vadd.f32 v20, v27;
	v22 =	vld [tilespmem:s10+$0x1230]  }
0x17b: {  	[tilespmem:s10+$0xE50] =	vst v21;
	v19 =	vadd.f32 v19, v26;
	v21 =	vld [tilespmem:s10+$0x1240]  }
0x17c: {  	[tilespmem:s10+$0xE60] =	vst v20;
	v18 =	vadd.f32 v18, v25;
	v20 =	vld [tilespmem:s10+$0x1250]  }
0x17d: {  	[tilespmem:s10+$0xE70] =	vst v19;
	v17 =	vadd.f32 v17, v24;
	v19 =	vld [tilespmem:s10+$0x1260]  }
.Ltmp0:
0x17e: {  	[tilespmem:s10+$0x1200] =	vst v18;
	v18 =	vadd.f32 v16, v23;
	v16 =	vld [tilespmem:s10+$0x1270];
	(pc) =	sbr.rel @p0 .LBB2_2-.Ltmp0, $4  }
0x17f: {  	[tilespmem:s10+$0x1210] =	vst v17;
	v17 =	vadd.f32 v15, v22;
	v15 =	vld [tilespmem:s10+$0x1600]  }
0x180: {  	[tilespmem:s10+$0x1220] =	vst v18;
	v21 =	vadd.f32 v14, v21;
	v14 =	vld [tilespmem:s10+$0x1610]  }
0x181: {  	[tilespmem:s10+$0x1230] =	vst v17;
	v18 =	vadd.f32 v13, v20;
	v13 =	vld [tilespmem:s10+$0x1620]  }
0x182: {  	s11 =	sadd.s32 $0x1, s11;
	[tilespmem:s10+$0x1240] =	vst v21;
	v17 =	vadd.f32 v12, v19;
	v12 =	vld [tilespmem:s10+$0x1630]  }
0x183: {  	[tilespmem:s10+$0x1250] =	vst v18;
	v18 =	vld [tilespmem:s10+$0x1640];
	v11 =	vadd.f32 v11, v16  }
0x184: {  	v16 =	vld [tilespmem:s10+$0x1650];
	[tilespmem:s10+$0x1260] =	vst v17;
	v10 =	vadd.f32 v10, v15  }
0x185: {  	[tilespmem:s10+$0x1270] =	vst v11;
	v9 =	vadd.f32 v9, v14;
	v11 =	vld [tilespmem:s10+$0x1660]  }
0x186: {  	[tilespmem:s10+$0x1600] =	vst v10;
	v8 =	vadd.f32 v8, v13;
	v10 =	vld [tilespmem:s10+$0x1670]  }
0x187: {  	[tilespmem:s10+$0x1610] =	vst v9;
	v7 =	vadd.f32 v7, v12  }
0x188: {  	[tilespmem:s10+$0x1620] =	vst v8;
	v6 =	vadd.f32 v6, v18  }
0x189: {  	v5 =	vadd.f32 v5, v16;
	[tilespmem:s10+$0x1630] =	vst v7  }
0x18a: {  	s11 =	simm.s32 $0x4;
	[tilespmem:s10+$0x1640] =	vst v6;
	v4 =	vadd.f32 v4, v11  }
0x18b: {  	s29 =	simm.s32 $0x1000;
	s11 =	smul.u32 $0x1800, s11;
	[tilespmem:s10+$0x1650] =	vst v5;
	v3 =	vadd.f32 v3, v10  }
0x18c: {  	s12 =	sand.u32 $0x380, s29;
	[tilespmem:s10+$0x1660] =	vst v4  }
0x18d: {  	[tilespmem:s10+$0x1670] =	vst v3;
	s10 =	sor.u32 s12, s11  }
0x18e: {  	v12 =	vld [tilespmem:s10+$0xC200]  }
0x18f: {  	v13 =	vld [tilespmem:s10+$0xC210]  }
0x190: {  	v14 =	vld [tilespmem:s10+$0xC220]  }
0x191: {  	v15 =	vld [tilespmem:s10+$0xC230]  }
0x192: {  	v16 =	vld [tilespmem:s10+$0xC240]  }
0x193: {  	v17 =	vld [tilespmem:s10+$0xC250]  }
0x194: {  	v18 =	vld [tilespmem:s10+$0xC260]  }
0x195: {  	v19 =	vld [tilespmem:s10+$0xC270]  }
0x196: {  	v20 =	vld [tilespmem:s10+$0xC600]  }
0x197: {  	v21 =	vld [tilespmem:s10+$0xC610]  }
0x198: {  	v22 =	vld [tilespmem:s10+$0xC620]  }
0x199: {  	v23 =	vld [tilespmem:s10+$0xC630]  }
0x19a: {  	v24 =	vld [tilespmem:s10+$0xC640]  }
0x19b: {  	v25 =	vld [tilespmem:s10+$0xC650]  }
0x19c: {  	v26 =	vld [tilespmem:s10+$0xC660]  }
0x19d: {  	v27 =	vld [tilespmem:s10+$0xC670]  }
0x19e: {  	v28 =	vld [tilespmem:s10+$0xCA00]  }
0x19f: {  	v29 =	vld [tilespmem:s10+$0xCA10]  }
0x1a0: {  	v30 =	vld [tilespmem:s10+$0xCA20]  }
0x1a1: {  	v31 =	vld [tilespmem:s10+$0xCA30]  }
0x1a2: {  	v32 =	vld [tilespmem:s10+$0xCA40]  }
0x1a3: {  	v33 =	vld [tilespmem:s10+$0xCA50]  }
0x1a4: {  	v34 =	vld [tilespmem:s10+$0xCA60]  }
0x1a5: {  	v35 =	vld [tilespmem:s10+$0xCA70]  }
0x1a6: {  	v36 =	vld [tilespmem:s10+$0xCE00]  }
0x1a7: {  	v37 =	vld [tilespmem:s10+$0xCE10]  }
0x1a8: {  	v38 =	vld [tilespmem:s10+$0xCE20]  }
0x1a9: {  	v39 =	vld [tilespmem:s10+$0xCE30]  }
0x1aa: {  	v40 =	vld [tilespmem:s10+$0xCE40]  }
0x1ab: {  	v41 =	vld [tilespmem:s10+$0xCE50]  }
0x1ac: {  	v42 =	vld [tilespmem:s10+$0xCE60]  }
0x1ad: {  	v43 =	vld [tilespmem:s10+$0xCE70]  }
0x1ae: {  	v44 =	vld [tilespmem:s10+$0xD200]  }
0x1af: {  	v45 =	vld [tilespmem:s10+$0xD210]  }
0x1b0: {  	v46 =	vld [tilespmem:s10+$0xD220]  }
0x1b1: {  	v47 =	vld [tilespmem:s10+$0xD230]  }
0x1b2: {  	v48 =	vld [tilespmem:s10+$0xD240]  }
0x1b3: {  	v49 =	vld [tilespmem:s10+$0xD250]  }
0x1b4: {  	v50 =	vld [tilespmem:s10+$0xD260]  }
0x1b5: {  	v11 =	vld [tilespmem:s10+$0xD270]  }
0x1b6: {  	v10 =	vld [tilespmem:s10+$0xD600]  }
0x1b7: {  	v9 =	vld [tilespmem:s10+$0xD610]  }
0x1b8: {  	v8 =	vld [tilespmem:s10+$0xD620]  }
0x1b9: {  	v7 =	vld [tilespmem:s10+$0xD630]  }
0x1ba: {  	v6 =	vld [tilespmem:s10+$0xD640]  }
0x1bb: {  	v51 =	vld [tilespmem:s10+$0x200]  }
0x1bc: {  	v52 =	vld [tilespmem:s10+$0x210]  }
0x1bd: {  	v53 =	vld [tilespmem:s10+$0x220]  }
0x1be: {  	v54 =	vld [tilespmem:s10+$0x230]  }
0x1bf: {  	v55 =	vld [tilespmem:s10+$0x240]  }
0x1c0: {  	v62 =	vld [tilespmem:s10+$0x250];
	v12 =	vadd.f32 v12, v51  }
0x1c1: {  	v63 =	vld [tilespmem:s10+$0x260];
	v13 =	vadd.f32 v13, v52  }
0x1c2: {  	[tilespmem:s10+$0x200] =	vst v12;
	v12 =	vadd.f32 v14, v53;
	v14 =	vld [tilespmem:s10+$0x270]  }
0x1c3: {  	[tilespmem:s10+$0x210] =	vst v13;
	v13 =	vadd.f32 v15, v54;
	v15 =	vld [tilespmem:s10+$0x600]  }
0x1c4: {  	[tilespmem:s10+$0x220] =	vst v12;
	v12 =	vadd.f32 v16, v55;
	v16 =	vld [tilespmem:s10+$0x610]  }
0x1c5: {  	[tilespmem:s10+$0x230] =	vst v13;
	v13 =	vadd.f32 v17, v62;
	v17 =	vld [tilespmem:s10+$0x620]  }
0x1c6: {  	v5 =	vld [tilespmem:s10+$0xD650]  }
0x1c7: {  	[tilespmem:s10+$0x240] =	vst v12;
	v12 =	vadd.f32 v18, v63;
	v18 =	vld [tilespmem:s10+$0x670]  }
0x1c8: {  	[tilespmem:s10+$0x250] =	vst v13;
	v13 =	vadd.f32 v19, v14;
	v14 =	vld [tilespmem:s10+$0x630]  }
0x1c9: {  	[tilespmem:s10+$0x260] =	vst v12;
	v12 =	vadd.f32 v20, v15;
	v15 =	vld [tilespmem:s10+$0x640]  }
0x1ca: {  	[tilespmem:s10+$0x270] =	vst v13;
	v13 =	vadd.f32 v21, v16;
	v16 =	vadd.f32 v22, v17;
	v17 =	vld [tilespmem:s10+$0x660]  }
0x1cb: {  	[tilespmem:s10+$0x600] =	vst v12;
	v12 =	vld [tilespmem:s10+$0x650]  }
0x1cc: {  	[tilespmem:s10+$0x610] =	vst v13;
	v13 =	vld [tilespmem:s10+$0xA00];
	v18 =	vadd.f32 v27, v18  }
0x1cd: {  	[tilespmem:s10+$0x620] =	vst v16;
	v16 =	vld [tilespmem:s10+$0xA10];
	v14 =	vadd.f32 v23, v14  }
0x1ce: {  	v4 =	vld [tilespmem:s10+$0xD660];
	v15 =	vadd.f32 v24, v15;
	[tilespmem:s10+$0x670] =	vst v18  }
0x1cf: {  	[tilespmem:s10+$0x630] =	vst v14;
	v14 =	vld [tilespmem:s10+$0xA20];
	v17 =	vadd.f32 v26, v17  }
0x1d0: {  	v12 =	vadd.f32 v25, v12;
	[tilespmem:s10+$0x640] =	vst v15;
	v15 =	vld [tilespmem:s10+$0xA30]  }
0x1d1: {  	v18 =	vld [tilespmem:s10+$0xA70];
	[tilespmem:s10+$0x660] =	vst v17;
	v13 =	vadd.f32 v28, v13  }
0x1d2: {  	v16 =	vadd.f32 v29, v16;
	[tilespmem:s10+$0x650] =	vst v12;
	v12 =	vld [tilespmem:s10+$0xA40]  }
0x1d3: {  	v17 =	vld [tilespmem:s10+$0xA50];
	[tilespmem:s10+$0xA00] =	vst v13  }
0x1d4: {  	[tilespmem:s10+$0xA10] =	vst v16;
	v16 =	vld [tilespmem:s10+$0xA60];
	v13 =	vadd.f32 v30, v14  }
0x1d5: {  	v14 =	vld [tilespmem:s10+$0xE00];
	v15 =	vadd.f32 v31, v15  }
0x1d6: {  	[tilespmem:s10+$0xA20] =	vst v13;
	v13 =	vld [tilespmem:s10+$0xE10]  }
0x1d7: {  	v12 =	vadd.f32 v32, v12;
	[tilespmem:s10+$0xA30] =	vst v15;
	v15 =	vld [tilespmem:s10+$0xE20]  }
0x1d8: {  	v3 =	vld [tilespmem:s10+$0xD670];
	v17 =	vadd.f32 v33, v17  }
0x1d9: {  	v16 =	vadd.f32 v34, v16;
	[tilespmem:s10+$0xA40] =	vst v12;
	v12 =	vld [tilespmem:s10+$0xE30]  }
0x1da: {  	[tilespmem:s10+$0xA50] =	vst v17;
	v17 =	vld [tilespmem:s10+$0xE40];
	v14 =	vadd.f32 v36, v14  }
0x1db: {  	v18 =	vadd.f32 v35, v18;
	[tilespmem:s10+$0xA60] =	vst v16;
	v16 =	vld [tilespmem:s10+$0xE50]  }
0x1dc: {  	v13 =	vadd.f32 v37, v13;
	[tilespmem:s10+$0xE00] =	vst v14;
	v14 =	vadd.f32 v38, v15;
	v15 =	vld [tilespmem:s10+$0xE60]  }
0x1dd: {  	[tilespmem:s10+$0xA70] =	vst v18;
	v18 =	vld [tilespmem:s10+$0xE70]  }
0x1de: {  	[tilespmem:s10+$0xE10] =	vst v13;
	v13 =	vld [tilespmem:s10+$0x1200];
	v12 =	vadd.f32 v39, v12  }
0x1df: {  	v17 =	vadd.f32 v40, v17;
	[tilespmem:s10+$0xE20] =	vst v14;
	v14 =	vld [tilespmem:s10+$0x1210]  }
0x1e0: {  	v16 =	vadd.f32 v41, v16;
	[tilespmem:s10+$0xE30] =	vst v12;
	v12 =	vld [tilespmem:s10+$0x1220]  }
0x1e1: {  	[tilespmem:s10+$0xE40] =	vst v17;
	v17 =	vld [tilespmem:s10+$0x1230];
	v15 =	vadd.f32 v42, v15  }
0x1e2: {  	v19 =	vld [tilespmem:s10+$0x1240];
	[tilespmem:s10+$0xE50] =	vst v16;
	v16 =	vadd.f32 v43, v18  }
0x1e3: {  	v18 =	vld [tilespmem:s10+$0x1250];
	v13 =	vadd.f32 v44, v13;
	[tilespmem:s10+$0xE60] =	vst v15  }
0x1e4: {  	v20 =	vld [tilespmem:s10+$0x1260];
	[tilespmem:s10+$0xE70] =	vst v16;
	v14 =	vadd.f32 v45, v14  }
0x1e5: {  	v16 =	vld [tilespmem:s10+$0x1270];
	[tilespmem:s10+$0x1200] =	vst v13;
	v12 =	vadd.f32 v46, v12  }
0x1e6: {  	v15 =	vld [tilespmem:s10+$0x1600];
	v13 =	vadd.f32 v47, v17;
	[tilespmem:s10+$0x1210] =	vst v14  }
0x1e7: {  	v14 =	vld [tilespmem:s10+$0x1610];
	[tilespmem:s10+$0x1220] =	vst v12;
	v12 =	vadd.f32 v48, v19  }
0x1e8: {  	[tilespmem:s10+$0x1230] =	vst v13;
	v13 =	vld [tilespmem:s10+$0x1620];
	v18 =	vadd.f32 v49, v18  }
0x1e9: {  	s11 =	simm.s32 $0x21;
	v17 =	vadd.f32 v50, v20;
	[tilespmem:s10+$0x1240] =	vst v12;
	v12 =	vld [tilespmem:s10+$0x1630]  }
.LBB2_4:
0x1ea: {  	s12 =	sshrl.u32 s11, $0x3;
	p0 =	sne.s32 s11, $0x3F;
	[tilespmem:s10+$0x1250] =	vst v18;
	v11 =	vadd.f32 v11, v16;
	v16 =	vld [tilespmem:s10+$0x1640]  }
0x1eb: {  	s29 =	sadd.s32 $0x80, s29;
	s12 =	smul.u32 $0x1800, s12;
	[tilespmem:s10+$0x1260] =	vst v17;
	v10 =	vadd.f32 v10, v15;
	v15 =	vld [tilespmem:s10+$0x1650]  }
0x1ec: {  	s30 =	sand.u32 $0x380, s29;
	[tilespmem:s10+$0x1270] =	vst v11;
	v9 =	vadd.f32 v9, v14;
	v11 =	vld [tilespmem:s10+$0x1660]  }
0x1ed: {  	s12 =	sor.u32 s30, s12;
	[tilespmem:s10+$0x1600] =	vst v10;
	v8 =	vadd.f32 v8, v13;
	v10 =	vld [tilespmem:s10+$0x1670]  }
0x1ee: {  	v39 =	vld [tilespmem:s12+$0xC200];
	[tilespmem:s10+$0x1610] =	vst v9;
	v7 =	vadd.f32 v7, v12  }
0x1ef: {  	v40 =	vld [tilespmem:s12+$0xC210];
	[tilespmem:s10+$0x1620] =	vst v8;
	v6 =	vadd.f32 v6, v16  }
0x1f0: {  	v41 =	vld [tilespmem:s12+$0xC220];
	[tilespmem:s10+$0x1630] =	vst v7;
	v5 =	vadd.f32 v5, v15  }
0x1f1: {  	v42 =	vld [tilespmem:s12+$0xC230];
	[tilespmem:s10+$0x1640] =	vst v6;
	v4 =	vadd.f32 v4, v11  }
0x1f2: {  	v43 =	vld [tilespmem:s12+$0xC240];
	[tilespmem:s10+$0x1650] =	vst v5;
	v3 =	vadd.f32 v3, v10  }
0x1f3: {  	v44 =	vld [tilespmem:s12+$0xC250];
	[tilespmem:s10+$0x1660] =	vst v4  }
0x1f4: {  	v45 =	vld [tilespmem:s12+$0xC260];
	[tilespmem:s10+$0x1670] =	vst v3;
	s10 =	smov.u32 s12  }
0x1f5: {  	v46 =	vld [tilespmem:s10+$0xC270]  }
0x1f6: {  	v47 =	vld [tilespmem:s10+$0xC600]  }
0x1f7: {  	v48 =	vld [tilespmem:s10+$0xC610]  }
0x1f8: {  	v49 =	vld [tilespmem:s10+$0xC620]  }
0x1f9: {  	v50 =	vld [tilespmem:s10+$0xC630]  }
0x1fa: {  	v38 =	vld [tilespmem:s10+$0xC640]  }
0x1fb: {  	v37 =	vld [tilespmem:s10+$0xC650]  }
0x1fc: {  	v36 =	vld [tilespmem:s10+$0xC660]  }
0x1fd: {  	v35 =	vld [tilespmem:s10+$0xC670]  }
0x1fe: {  	v34 =	vld [tilespmem:s10+$0xCA00]  }
0x1ff: {  	v33 =	vld [tilespmem:s10+$0xCA10]  }
0x200: {  	v32 =	vld [tilespmem:s10+$0xCA20]  }
0x201: {  	v31 =	vld [tilespmem:s10+$0xCA30]  }
0x202: {  	v30 =	vld [tilespmem:s10+$0xCA40]  }
0x203: {  	v29 =	vld [tilespmem:s10+$0xCA50]  }
0x204: {  	v28 =	vld [tilespmem:s10+$0xCA60]  }
0x205: {  	v27 =	vld [tilespmem:s10+$0xCA70]  }
0x206: {  	v26 =	vld [tilespmem:s10+$0xCE00]  }
0x207: {  	v25 =	vld [tilespmem:s10+$0xCE10]  }
0x208: {  	v24 =	vld [tilespmem:s10+$0xCE20]  }
0x209: {  	v23 =	vld [tilespmem:s10+$0xCE30]  }
0x20a: {  	v22 =	vld [tilespmem:s10+$0xCE40]  }
0x20b: {  	v21 =	vld [tilespmem:s10+$0xCE50]  }
0x20c: {  	v20 =	vld [tilespmem:s10+$0xCE60]  }
0x20d: {  	v19 =	vld [tilespmem:s10+$0xCE70]  }
0x20e: {  	v18 =	vld [tilespmem:s10+$0xD200]  }
0x20f: {  	v17 =	vld [tilespmem:s10+$0xD210]  }
0x210: {  	v16 =	vld [tilespmem:s10+$0xD220]  }
0x211: {  	v15 =	vld [tilespmem:s10+$0xD230]  }
0x212: {  	v14 =	vld [tilespmem:s10+$0xD240]  }
0x213: {  	v13 =	vld [tilespmem:s10+$0xD250]  }
0x214: {  	v12 =	vld [tilespmem:s10+$0xD260]  }
0x215: {  	v11 =	vld [tilespmem:s10+$0xD270]  }
0x216: {  	v10 =	vld [tilespmem:s10+$0xD600]  }
0x217: {  	v9 =	vld [tilespmem:s10+$0xD610]  }
0x218: {  	v8 =	vld [tilespmem:s10+$0xD620]  }
0x219: {  	v7 =	vld [tilespmem:s10+$0xD630]  }
0x21a: {  	v6 =	vld [tilespmem:s10+$0xD640]  }
0x21b: {  	v5 =	vld [tilespmem:s10+$0xD650]  }
0x21c: {  	v4 =	vld [tilespmem:s10+$0xD660]  }
0x21d: {  	v3 =	vld [tilespmem:s10+$0xD670]  }
0x21e: {  	v51 =	vld [tilespmem:s10+$0x200]  }
0x21f: {  	v52 =	vld [tilespmem:s10+$0x210]  }
0x220: {  	v53 =	vld [tilespmem:s10+$0x220]  }
0x221: {  	v54 =	vld [tilespmem:s10+$0x230]  }
0x222: {  	v55 =	vld [tilespmem:s10+$0x240]  }
0x223: {  	v39 =	vadd.f32 v39, v51;
	v51 =	vld [tilespmem:s10+$0x250]  }
0x224: {  	v40 =	vadd.f32 v40, v52;
	v52 =	vld [tilespmem:s10+$0x260]  }
0x225: {  	[tilespmem:s10+$0x200] =	vst v39;
	v39 =	vadd.f32 v41, v53;
	v41 =	vld [tilespmem:s10+$0x270]  }
0x226: {  	[tilespmem:s10+$0x210] =	vst v40;
	v40 =	vadd.f32 v42, v54;
	v42 =	vld [tilespmem:s10+$0x600]  }
0x227: {  	[tilespmem:s10+$0x220] =	vst v39;
	v39 =	vadd.f32 v43, v55;
	v43 =	vld [tilespmem:s10+$0x610]  }
0x228: {  	[tilespmem:s10+$0x230] =	vst v40;
	v40 =	vadd.f32 v44, v51;
	v44 =	vld [tilespmem:s10+$0x620]  }
0x229: {  	[tilespmem:s10+$0x240] =	vst v39;
	v39 =	vadd.f32 v45, v52;
	v45 =	vld [tilespmem:s10+$0x630]  }
0x22a: {  	[tilespmem:s10+$0x250] =	vst v40;
	v40 =	vadd.f32 v46, v41;
	v41 =	vld [tilespmem:s10+$0x640]  }
0x22b: {  	[tilespmem:s10+$0x260] =	vst v39;
	v39 =	vadd.f32 v47, v42;
	v42 =	vld [tilespmem:s10+$0x650]  }
0x22c: {  	[tilespmem:s10+$0x270] =	vst v40;
	v40 =	vadd.f32 v48, v43;
	v43 =	vld [tilespmem:s10+$0x660]  }
0x22d: {  	[tilespmem:s10+$0x600] =	vst v39;
	v39 =	vadd.f32 v49, v44;
	v44 =	vld [tilespmem:s10+$0x670]  }
0x22e: {  	[tilespmem:s10+$0x610] =	vst v40;
	v40 =	vadd.f32 v50, v45;
	v45 =	vld [tilespmem:s10+$0xA00]  }
0x22f: {  	[tilespmem:s10+$0x620] =	vst v39;
	v38 =	vadd.f32 v38, v41;
	v39 =	vld [tilespmem:s10+$0xA10]  }
0x230: {  	[tilespmem:s10+$0x630] =	vst v40;
	v37 =	vadd.f32 v37, v42;
	v40 =	vld [tilespmem:s10+$0xA20]  }
0x231: {  	[tilespmem:s10+$0x640] =	vst v38;
	v36 =	vadd.f32 v36, v43;
	v38 =	vld [tilespmem:s10+$0xA30]  }
0x232: {  	[tilespmem:s10+$0x650] =	vst v37;
	v35 =	vadd.f32 v35, v44;
	v37 =	vld [tilespmem:s10+$0xA40]  }
0x233: {  	[tilespmem:s10+$0x660] =	vst v36;
	v34 =	vadd.f32 v34, v45;
	v36 =	vld [tilespmem:s10+$0xA50]  }
0x234: {  	[tilespmem:s10+$0x670] =	vst v35;
	v33 =	vadd.f32 v33, v39;
	v35 =	vld [tilespmem:s10+$0xA60]  }
0x235: {  	[tilespmem:s10+$0xA00] =	vst v34;
	v32 =	vadd.f32 v32, v40;
	v34 =	vld [tilespmem:s10+$0xA70]  }
0x236: {  	[tilespmem:s10+$0xA10] =	vst v33;
	v31 =	vadd.f32 v31, v38;
	v33 =	vld [tilespmem:s10+$0xE00]  }
0x237: {  	[tilespmem:s10+$0xA20] =	vst v32;
	v30 =	vadd.f32 v30, v37;
	v32 =	vld [tilespmem:s10+$0xE10]  }
0x238: {  	[tilespmem:s10+$0xA30] =	vst v31;
	v29 =	vadd.f32 v29, v36;
	v31 =	vld [tilespmem:s10+$0xE20]  }
0x239: {  	[tilespmem:s10+$0xA40] =	vst v30;
	v28 =	vadd.f32 v28, v35;
	v30 =	vld [tilespmem:s10+$0xE30]  }
0x23a: {  	[tilespmem:s10+$0xA50] =	vst v29;
	v27 =	vadd.f32 v27, v34;
	v29 =	vld [tilespmem:s10+$0xE40]  }
0x23b: {  	[tilespmem:s10+$0xA60] =	vst v28;
	v26 =	vadd.f32 v26, v33;
	v28 =	vld [tilespmem:s10+$0xE50]  }
0x23c: {  	[tilespmem:s10+$0xA70] =	vst v27;
	v25 =	vadd.f32 v25, v32;
	v27 =	vld [tilespmem:s10+$0xE60]  }
0x23d: {  	[tilespmem:s10+$0xE00] =	vst v26;
	v24 =	vadd.f32 v24, v31;
	v26 =	vld [tilespmem:s10+$0xE70]  }
0x23e: {  	[tilespmem:s10+$0xE10] =	vst v25;
	v23 =	vadd.f32 v23, v30;
	v25 =	vld [tilespmem:s10+$0x1200]  }
0x23f: {  	[tilespmem:s10+$0xE20] =	vst v24;
	v22 =	vadd.f32 v22, v29;
	v24 =	vld [tilespmem:s10+$0x1210]  }
0x240: {  	[tilespmem:s10+$0xE30] =	vst v23;
	v21 =	vadd.f32 v21, v28;
	v23 =	vld [tilespmem:s10+$0x1220]  }
0x241: {  	[tilespmem:s10+$0xE40] =	vst v22;
	v20 =	vadd.f32 v20, v27;
	v22 =	vld [tilespmem:s10+$0x1230]  }
0x242: {  	[tilespmem:s10+$0xE50] =	vst v21;
	v19 =	vadd.f32 v19, v26;
	v21 =	vld [tilespmem:s10+$0x1240]  }
0x243: {  	[tilespmem:s10+$0xE60] =	vst v20;
	v18 =	vadd.f32 v18, v25;
	v20 =	vld [tilespmem:s10+$0x1250]  }
0x244: {  	[tilespmem:s10+$0xE70] =	vst v19;
	v17 =	vadd.f32 v17, v24;
	v19 =	vld [tilespmem:s10+$0x1260]  }
.Ltmp1:
0x245: {  	[tilespmem:s10+$0x1200] =	vst v18;
	v18 =	vadd.f32 v16, v23;
	v16 =	vld [tilespmem:s10+$0x1270];
	(pc) =	sbr.rel @p0 .LBB2_4-.Ltmp1, $4  }
0x246: {  	[tilespmem:s10+$0x1210] =	vst v17;
	v17 =	vadd.f32 v15, v22;
	v15 =	vld [tilespmem:s10+$0x1600]  }
0x247: {  	[tilespmem:s10+$0x1220] =	vst v18;
	v21 =	vadd.f32 v14, v21;
	v14 =	vld [tilespmem:s10+$0x1610]  }
0x248: {  	[tilespmem:s10+$0x1230] =	vst v17;
	v18 =	vadd.f32 v13, v20;
	v13 =	vld [tilespmem:s10+$0x1620]  }
0x249: {  	s11 =	sadd.s32 $0x1, s11;
	[tilespmem:s10+$0x1240] =	vst v21;
	v17 =	vadd.f32 v12, v19;
	v12 =	vld [tilespmem:s10+$0x1630]  }
0x24a: {  	[tilespmem:s10+$0x1250] =	vst v18;
	v18 =	vld [tilespmem:s10+$0x1640];
	v11 =	vadd.f32 v11, v16  }
0x24b: {  	v16 =	vld [tilespmem:s10+$0x1650];
	[tilespmem:s10+$0x1260] =	vst v17;
	v10 =	vadd.f32 v10, v15  }
0x24c: {  	[tilespmem:s10+$0x1270] =	vst v11;
	v9 =	vadd.f32 v9, v14;
	v11 =	vld [tilespmem:s10+$0x1660]  }
0x24d: {  	[tilespmem:s10+$0x1600] =	vst v10;
	v8 =	vadd.f32 v8, v13;
	v10 =	vld [tilespmem:s10+$0x1670]  }
0x24e: {  	[tilespmem:s10+$0x1610] =	vst v9;
	v7 =	vadd.f32 v7, v12  }
0x24f: {  	[tilespmem:s10+$0x1620] =	vst v8;
	v6 =	vadd.f32 v6, v18  }
0x250: {  	v5 =	vadd.f32 v5, v16;
	[tilespmem:s10+$0x1630] =	vst v7  }
0x251: {  	[tilespmem:s10+$0x1640] =	vst v6;
	v4 =	vadd.f32 v4, v11  }
0x252: {  	[tilespmem:s10+$0x1650] =	vst v5;
	v3 =	vadd.f32 v3, v10  }
0x253: {  	[tilespmem:s10+$0x1660] =	vst v4  }
0x254: {  	s11 =	rddreg [dreg:$0x7];
	[tilespmem:s10+$0x1670] =	vst v3;
	s10 =	simm.s32 $0x0  }
0x255: {  	[hbm4b:s11+s10] =	stream.linear.scatter [tilespmem:s17], [sflag:$0x3], $0xC000, $0x38;
	[tilespmem:$0x18200] =	vst v63  }
0x256: {  	_ =	swait.ge [sflag:s26], $0xC000  }
0x257: {  	[sflag:s26] =	ssyncset.done $0x0  }
0x258: {  	[sflag:s26] =	ssyncadd.s32 $0xFFFF4000  }
0x259: {  	v3 =	vld [tilespmem:$0x80];
	_ =	sdelay $0x4  }
0x25a: {  	v4 =	vshrl.u32 v3, $0x3  }
0x25b: {  	v4 =	vmul.u32 $0x30, v4  }
0x25c: {  	v3 =	vand.u32 $0x7, v3  }
0x25d: {  	v3 =	vor.u32 v3, v4  }
0x25e: {  	v4 =	vperm.xlane v3, v0;
	_ =	sdelay $0x1  }
0x25f: {  	v4 =	vadd.s32 v1, v4;
	_ =	sdelay $0x3  }
0x260: {  	v3 =	vperm.xlane v3, v2  }
0x261: {  	[tilespmem:s17], [sflag:$0x2] =	stream.indirect_vreg.gather [hbm4b:s3+s10], $0x80, v4, vm0, $0xb8;
	[tilespmem:$0x18200] =	vst v63  }
0x262: {  	s30 =	simm.s32 $0xA00;
	v3 =	vadd.s32 v1, v3  }
0x263: {  	[tilespmem:s30], [sflag:$0x2] =	stream.indirect_vreg.gather [hbm4b:s8+s10], $0x80, v4, vm0, $0xb8;
	[tilespmem:$0x18200] =	vst v63  }
0x264: {  	s12 =	simm.s32 $0x1200  }
0x265: {  	[tilespmem:s12], [sflag:$0x2] =	stream.indirect_vreg.gather [hbm4b:s9+s10], $0x80, v4, vm0, $0xb8;
	[tilespmem:$0x18200] =	vst v63  }
0x266: {  	s30 =	simm.s32 $0x1A00  }
0x267: {  	[tilespmem:s30], [sflag:$0x2] =	stream.indirect_vreg.gather [hbm4b:s3+s10], $0x80, v3, vm0, $0xb8;
	[tilespmem:$0x18200] =	vst v63  }
0x268: {  	s12 =	simm.s32 $0x2200  }
0x269: {  	[tilespmem:s12], [sflag:$0x2] =	stream.indirect_vreg.gather [hbm4b:s8+s10], $0x80, v3, vm0, $0xb8;
	[tilespmem:$0x18200] =	vst v63  }
0x26a: {  	s30 =	simm.s32 $0x2A00  }
0x26b: {  	[tilespmem:s30], [sflag:$0x2] =	stream.indirect_vreg.gather [hbm4b:s9+s10], $0x80, v3, vm0, $0xb8;
	[tilespmem:$0x18200] =	vst v63  }
0x26c: {  	v3 =	vld [tilespmem:$0x90];
	_ =	sdelay $0x4  }
0x26d: {  	v4 =	vshrl.u32 v3, $0x3  }
0x26e: {  	v4 =	vmul.u32 $0x30, v4  }
0x26f: {  	v3 =	vand.u32 $0x7, v3  }
0x270: {  	v3 =	vor.u32 v3, v4  }
0x271: {  	v4 =	vperm.xlane v3, v0;
	_ =	sdelay $0x1  }
0x272: {  	v4 =	vadd.s32 v1, v4;
	_ =	sdelay $0x3  }
0x273: {  	s12 =	simm.s32 $0x3200;
	v3 =	vperm.xlane v3, v2  }
0x274: {  	[tilespmem:s12], [sflag:$0x2] =	stream.indirect_vreg.gather [hbm4b:s3+s10], $0x80, v4, vm0, $0xb8;
	[tilespmem:$0x18200] =	vst v63  }
0x275: {  	s30 =	simm.s32 $0x3A00;
	v3 =	vadd.s32 v1, v3  }
0x276: {  	[tilespmem:s30], [sflag:$0x2] =	stream.indirect_vreg.gather [hbm4b:s8+s10], $0x80, v4, vm0, $0xb8;
	[tilespmem:$0x18200] =	vst v63  }
0x277: {  	s12 =	simm.s32 $0x4200  }
0x278: {  	[tilespmem:s12], [sflag:$0x2] =	stream.indirect_vreg.gather [hbm4b:s9+s10], $0x80, v4, vm0, $0xb8;
	[tilespmem:$0x18200] =	vst v63  }
0x279: {  	s30 =	simm.s32 $0x4A00  }
0x27a: {  	[tilespmem:s30], [sflag:$0x2] =	stream.indirect_vreg.gather [hbm4b:s3+s10], $0x80, v3, vm0, $0xb8;
	[tilespmem:$0x18200] =	vst v63  }
0x27b: {  	s12 =	simm.s32 $0x5200  }
0x27c: {  	[tilespmem:s12], [sflag:$0x2] =	stream.indirect_vreg.gather [hbm4b:s8+s10], $0x80, v3, vm0, $0xb8;
	[tilespmem:$0x18200] =	vst v63  }
0x27d: {  	s30 =	simm.s32 $0x5A00  }
0x27e: {  	[tilespmem:s30], [sflag:$0x2] =	stream.indirect_vreg.gather [hbm4b:s9+s10], $0x80, v3, vm0, $0xb8;
	[tilespmem:$0x18200] =	vst v63  }
0x27f: {  	v3 =	vld [tilespmem:$0xA0];
	_ =	sdelay $0x4  }
0x280: {  	v4 =	vshrl.u32 v3, $0x3  }
0x281: {  	v4 =	vmul.u32 $0x30, v4  }
0x282: {  	v3 =	vand.u32 $0x7, v3  }
0x283: {  	v3 =	vor.u32 v3, v4  }
0x284: {  	v4 =	vperm.xlane v3, v0;
	_ =	sdelay $0x1  }
0x285: {  	v4 =	vadd.s32 v1, v4;
	_ =	sdelay $0x3  }
0x286: {  	s12 =	simm.s32 $0x6200;
	v3 =	vperm.xlane v3, v2  }
0x287: {  	[tilespmem:s12], [sflag:$0x2] =	stream.indirect_vreg.gather [hbm4b:s3+s10], $0x80, v4, vm0, $0xb8;
	[tilespmem:$0x18200] =	vst v63  }
0x288: {  	s30 =	simm.s32 $0x6A00;
	v3 =	vadd.s32 v1, v3  }
0x289: {  	[tilespmem:s30], [sflag:$0x2] =	stream.indirect_vreg.gather [hbm4b:s8+s10], $0x80, v4, vm0, $0xb8;
	[tilespmem:$0x18200] =	vst v63  }
0x28a: {  	s12 =	simm.s32 $0x7200  }
0x28b: {  	[tilespmem:s12], [sflag:$0x2] =	stream.indirect_vreg.gather [hbm4b:s9+s10], $0x80, v4, vm0, $0xb8;
	[tilespmem:$0x18200] =	vst v63  }
0x28c: {  	s30 =	simm.s32 $0x7A00  }
0x28d: {  	[tilespmem:s30], [sflag:$0x2] =	stream.indirect_vreg.gather [hbm4b:s3+s10], $0x80, v3, vm0, $0xb8;
	[tilespmem:$0x18200] =	vst v63  }
0x28e: {  	s12 =	simm.s32 $0x8200  }
0x28f: {  	[tilespmem:s12], [sflag:$0x2] =	stream.indirect_vreg.gather [hbm4b:s8+s10], $0x80, v3, vm0, $0xb8;
	[tilespmem:$0x18200] =	vst v63  }
0x290: {  	s30 =	simm.s32 $0x8A00  }
0x291: {  	[tilespmem:s30], [sflag:$0x2] =	stream.indirect_vreg.gather [hbm4b:s9+s10], $0x80, v3, vm0, $0xb8;
	[tilespmem:$0x18200] =	vst v63  }
0x292: {  	v3 =	vld [tilespmem:$0xB0];
	_ =	sdelay $0x4  }
0x293: {  	v4 =	vshrl.u32 v3, $0x3  }
0x294: {  	v4 =	vmul.u32 $0x30, v4  }
0x295: {  	v3 =	vand.u32 $0x7, v3  }
0x296: {  	v3 =	vor.u32 v3, v4  }
0x297: {  	v4 =	vperm.xlane v3, v0;
	_ =	sdelay $0x1  }
0x298: {  	v4 =	vadd.s32 v1, v4;
	_ =	sdelay $0x3  }
0x299: {  	s12 =	simm.s32 $0x9200;
	v3 =	vperm.xlane v3, v2  }
0x29a: {  	[tilespmem:s12], [sflag:$0x2] =	stream.indirect_vreg.gather [hbm4b:s3+s10], $0x80, v4, vm0, $0xb8;
	[tilespmem:$0x18200] =	vst v63  }
0x29b: {  	s30 =	simm.s32 $0x9A00;
	v3 =	vadd.s32 v1, v3  }
0x29c: {  	[tilespmem:s30], [sflag:$0x2] =	stream.indirect_vreg.gather [hbm4b:s8+s10], $0x80, v4, vm0, $0xb8;
	[tilespmem:$0x18200] =	vst v63  }
0x29d: {  	s12 =	simm.s32 $0xA200  }
0x29e: {  	[tilespmem:s12], [sflag:$0x2] =	stream.indirect_vreg.gather [hbm4b:s9+s10], $0x80, v4, vm0, $0xb8;
	[tilespmem:$0x18200] =	vst v63  }
0x29f: {  	s30 =	simm.s32 $0xAA00  }
0x2a0: {  	[tilespmem:s30], [sflag:$0x2] =	stream.indirect_vreg.gather [hbm4b:s3+s10], $0x80, v3, vm0, $0xb8;
	[tilespmem:$0x18200] =	vst v63  }
0x2a1: {  	s12 =	simm.s32 $0xB200  }
0x2a2: {  	[tilespmem:s12], [sflag:$0x2] =	stream.indirect_vreg.gather [hbm4b:s8+s10], $0x80, v3, vm0, $0xb8;
	[tilespmem:$0x18200] =	vst v63  }
0x2a3: {  	s30 =	simm.s32 $0xBA00  }
0x2a4: {  	[tilespmem:s30], [sflag:$0x2] =	stream.indirect_vreg.gather [hbm4b:s9+s10], $0x80, v3, vm0, $0xb8;
	[tilespmem:$0x18200] =	vst v63  }
0x2a5: {  	v3 =	vld [tilespmem:$0x180];
	_ =	sdelay $0x4  }
0x2a6: {  	v4 =	vshrl.u32 v3, $0x3  }
0x2a7: {  	v4 =	vmul.u32 $0x30, v4  }
0x2a8: {  	v3 =	vand.u32 $0x7, v3  }
0x2a9: {  	v3 =	vor.u32 v3, v4  }
0x2aa: {  	v4 =	vperm.xlane v3, v0;
	_ =	sdelay $0x1  }
0x2ab: {  	v4 =	vadd.s32 v1, v4;
	_ =	sdelay $0x3  }
0x2ac: {  	s12 =	simm.s32 $0xC200;
	v3 =	vperm.xlane v3, v2  }
0x2ad: {  	[tilespmem:s12], [sflag:$0x2] =	stream.indirect_vreg.gather [hbm4b:s3+s10], $0x80, v4, vm0, $0xb8;
	[tilespmem:$0x18200] =	vst v63  }
0x2ae: {  	s30 =	simm.s32 $0xCA00;
	v3 =	vadd.s32 v1, v3  }
0x2af: {  	[tilespmem:s30], [sflag:$0x2] =	stream.indirect_vreg.gather [hbm4b:s8+s10], $0x80, v4, vm0, $0xb8;
	[tilespmem:$0x18200] =	vst v63  }
0x2b0: {  	s12 =	simm.s32 $0xD200  }
0x2b1: {  	[tilespmem:s12], [sflag:$0x2] =	stream.indirect_vreg.gather [hbm4b:s9+s10], $0x80, v4, vm0, $0xb8;
	[tilespmem:$0x18200] =	vst v63  }
0x2b2: {  	s30 =	simm.s32 $0xDA00  }
0x2b3: {  	[tilespmem:s30], [sflag:$0x2] =	stream.indirect_vreg.gather [hbm4b:s3+s10], $0x80, v3, vm0, $0xb8;
	[tilespmem:$0x18200] =	vst v63  }
0x2b4: {  	s12 =	simm.s32 $0xE200  }
0x2b5: {  	[tilespmem:s12], [sflag:$0x2] =	stream.indirect_vreg.gather [hbm4b:s8+s10], $0x80, v3, vm0, $0xb8;
	[tilespmem:$0x18200] =	vst v63  }
0x2b6: {  	s30 =	simm.s32 $0xEA00  }
0x2b7: {  	[tilespmem:s30], [sflag:$0x2] =	stream.indirect_vreg.gather [hbm4b:s9+s10], $0x80, v3, vm0, $0xb8;
	[tilespmem:$0x18200] =	vst v63  }
0x2b8: {  	v3 =	vld [tilespmem:$0x190];
	_ =	sdelay $0x4  }
0x2b9: {  	v4 =	vshrl.u32 v3, $0x3  }
0x2ba: {  	v4 =	vmul.u32 $0x30, v4  }
0x2bb: {  	v3 =	vand.u32 $0x7, v3  }
0x2bc: {  	v3 =	vor.u32 v3, v4  }
0x2bd: {  	v4 =	vperm.xlane v3, v0;
	_ =	sdelay $0x1  }
0x2be: {  	v4 =	vadd.s32 v1, v4;
	_ =	sdelay $0x3  }
0x2bf: {  	s12 =	simm.s32 $0xF200;
	v3 =	vperm.xlane v3, v2  }
0x2c0: {  	[tilespmem:s12], [sflag:$0x2] =	stream.indirect_vreg.gather [hbm4b:s3+s10], $0x80, v4, vm0, $0xb8;
	[tilespmem:$0x18200] =	vst v63  }
0x2c1: {  	v3 =	vadd.s32 v1, v3  }
0x2c2: {  	[tilespmem:s31], [sflag:$0x2] =	stream.indirect_vreg.gather [hbm4b:s8+s10], $0x80, v4, vm0, $0xb8;
	[tilespmem:$0x18200] =	vst v63  }
0x2c3: {  	_ = 	snop  }
0x2c4: {  	[tilespmem:s0], [sflag:$0x2] =	stream.indirect_vreg.gather [hbm4b:s9+s10], $0x80, v4, vm0, $0xb8;
	[tilespmem:$0x18200] =	vst v63  }
0x2c5: {  	_ = 	snop  }
0x2c6: {  	[tilespmem:s1], [sflag:$0x2] =	stream.indirect_vreg.gather [hbm4b:s3+s10], $0x80, v3, vm0, $0xb8;
	[tilespmem:$0x18200] =	vst v63  }
0x2c7: {  	_ = 	snop  }
0x2c8: {  	[tilespmem:s13], [sflag:$0x2] =	stream.indirect_vreg.gather [hbm4b:s8+s10], $0x80, v3, vm0, $0xb8;
	[tilespmem:$0x18200] =	vst v63  }
0x2c9: {  	_ = 	snop  }
0x2ca: {  	[tilespmem:s14], [sflag:$0x2] =	stream.indirect_vreg.gather [hbm4b:s9+s10], $0x80, v3, vm0, $0xb8;
	[tilespmem:$0x18200] =	vst v63  }
0x2cb: {  	v3 =	vld [tilespmem:$0x1A0];
	_ =	sdelay $0x4  }
0x2cc: {  	v4 =	vshrl.u32 v3, $0x3  }
0x2cd: {  	v4 =	vmul.u32 $0x30, v4  }
0x2ce: {  	v3 =	vand.u32 $0x7, v3  }
0x2cf: {  	v3 =	vor.u32 v3, v4  }
0x2d0: {  	v4 =	vperm.xlane v3, v0;
	_ =	sdelay $0x1  }
0x2d1: {  	v4 =	vadd.s32 v1, v4;
	_ =	sdelay $0x3  }
0x2d2: {  	v3 =	vperm.xlane v3, v2  }
0x2d3: {  	[tilespmem:s15], [sflag:$0x2] =	stream.indirect_vreg.gather [hbm4b:s3+s10], $0x80, v4, vm0, $0xb8;
	[tilespmem:$0x18200] =	vst v63  }
0x2d4: {  	v3 =	vadd.s32 v1, v3  }
0x2d5: {  	[tilespmem:s18], [sflag:$0x2] =	stream.indirect_vreg.gather [hbm4b:s8+s10], $0x80, v4, vm0, $0xb8;
	[tilespmem:$0x18200] =	vst v63  }
0x2d6: {  	_ = 	snop  }
0x2d7: {  	[tilespmem:s4], [sflag:$0x2] =	stream.indirect_vreg.gather [hbm4b:s9+s10], $0x80, v4, vm0, $0xb8;
	[tilespmem:$0x18200] =	vst v63  }
0x2d8: {  	_ = 	snop  }
0x2d9: {  	[tilespmem:s19], [sflag:$0x2] =	stream.indirect_vreg.gather [hbm4b:s3+s10], $0x80, v3, vm0, $0xb8;
	[tilespmem:$0x18200] =	vst v63  }
0x2da: {  	_ = 	snop  }
0x2db: {  	[tilespmem:s5], [sflag:$0x2] =	stream.indirect_vreg.gather [hbm4b:s8+s10], $0x80, v3, vm0, $0xb8;
	[tilespmem:$0x18200] =	vst v63  }
0x2dc: {  	_ = 	snop  }
0x2dd: {  	[tilespmem:s20], [sflag:$0x2] =	stream.indirect_vreg.gather [hbm4b:s9+s10], $0x80, v3, vm0, $0xb8;
	[tilespmem:$0x18200] =	vst v63  }
0x2de: {  	v3 =	vld [tilespmem:$0x1B0];
	_ =	sdelay $0x4  }
0x2df: {  	v4 =	vshrl.u32 v3, $0x3  }
0x2e0: {  	v4 =	vmul.u32 $0x30, v4  }
0x2e1: {  	v3 =	vand.u32 $0x7, v3  }
0x2e2: {  	v3 =	vor.u32 v3, v4  }
0x2e3: {  	v4 =	vperm.xlane v3, v0;
	_ =	sdelay $0x1  }
0x2e4: {  	v4 =	vadd.s32 v1, v4;
	_ =	sdelay $0x3  }
0x2e5: {  	v3 =	vperm.xlane v3, v2  }
0x2e6: {  	[tilespmem:s21], [sflag:$0x2] =	stream.indirect_vreg.gather [hbm4b:s3+s10], $0x80, v4, vm0, $0xb8;
	[tilespmem:$0x18200] =	vst v63  }
0x2e7: {  	v3 =	vadd.s32 v1, v3  }
0x2e8: {  	[tilespmem:s22], [sflag:$0x2] =	stream.indirect_vreg.gather [hbm4b:s8+s10], $0x80, v4, vm0, $0xb8;
	[tilespmem:$0x18200] =	vst v63  }
0x2e9: {  	_ = 	snop  }
0x2ea: {  	[tilespmem:s6], [sflag:$0x2] =	stream.indirect_vreg.gather [hbm4b:s9+s10], $0x80, v4, vm0, $0xb8;
	[tilespmem:$0x18200] =	vst v63  }
0x2eb: {  	_ = 	snop  }
0x2ec: {  	[tilespmem:s23], [sflag:$0x2] =	stream.indirect_vreg.gather [hbm4b:s3+s10], $0x80, v3, vm0, $0xb8;
	[tilespmem:$0x18200] =	vst v63  }
0x2ed: {  	_ = 	snop  }
0x2ee: {  	[tilespmem:s7], [sflag:$0x2] =	stream.indirect_vreg.gather [hbm4b:s8+s10], $0x80, v3, vm0, $0xb8;
	[tilespmem:$0x18200] =	vst v63  }
0x2ef: {  	_ = 	snop  }
0x2f0: {  	[tilespmem:s24], [sflag:$0x2] =	stream.indirect_vreg.gather [hbm4b:s9+s10], $0x80, v3, vm0, $0xb8;
	[tilespmem:$0x18200] =	vst v63  }
0x2f1: {  	_ =	swait.ge [sflag:s25], $0xC000  }
0x2f2: {  	[sflag:s25] =	ssyncset.done $0x0  }
0x2f3: {  	s30 =	simm.s32 $0x0;
	[sflag:s25] =	ssyncadd.s32 $0xFFFF4000  }
0x2f4: {  	s11 =	smul.u32 $0x1800, s30;
	_ =	swait.ge [sflag:s25], $0xC000  }
0x2f5: {  	s12 =	sand.u32 $0x380, s10;
	[sflag:s25] =	ssyncset.done $0x0  }
0x2f6: {  	s29 =	sor.u32 s12, s11;
	[sflag:s25] =	ssyncadd.s32 $0xFFFF4000  }
0x2f7: {  	v12 =	vld [tilespmem:s29+$0xC200]  }
0x2f8: {  	v13 =	vld [tilespmem:s29+$0xC210]  }
0x2f9: {  	v14 =	vld [tilespmem:s29+$0xC220]  }
0x2fa: {  	v15 =	vld [tilespmem:s29+$0xC230]  }
0x2fb: {  	v16 =	vld [tilespmem:s29+$0xC240]  }
0x2fc: {  	v17 =	vld [tilespmem:s29+$0xC250]  }
0x2fd: {  	v18 =	vld [tilespmem:s29+$0xC260]  }
0x2fe: {  	v19 =	vld [tilespmem:s29+$0xC270]  }
0x2ff: {  	v20 =	vld [tilespmem:s29+$0xC600]  }
0x300: {  	v21 =	vld [tilespmem:s29+$0xC610]  }
0x301: {  	v22 =	vld [tilespmem:s29+$0xC620]  }
0x302: {  	v23 =	vld [tilespmem:s29+$0xC630]  }
0x303: {  	v24 =	vld [tilespmem:s29+$0xC640]  }
0x304: {  	v25 =	vld [tilespmem:s29+$0xC650]  }
0x305: {  	v26 =	vld [tilespmem:s29+$0xC660]  }
0x306: {  	v27 =	vld [tilespmem:s29+$0xC670]  }
0x307: {  	v28 =	vld [tilespmem:s29+$0xCA00]  }
0x308: {  	v29 =	vld [tilespmem:s29+$0xCA10]  }
0x309: {  	v30 =	vld [tilespmem:s29+$0xCA20]  }
0x30a: {  	v31 =	vld [tilespmem:s29+$0xCA30]  }
0x30b: {  	v32 =	vld [tilespmem:s29+$0xCA40]  }
0x30c: {  	v33 =	vld [tilespmem:s29+$0xCA50]  }
0x30d: {  	v34 =	vld [tilespmem:s29+$0xCA60]  }
0x30e: {  	v35 =	vld [tilespmem:s29+$0xCA70]  }
0x30f: {  	v36 =	vld [tilespmem:s29+$0xCE00]  }
0x310: {  	v37 =	vld [tilespmem:s29+$0xCE10]  }
0x311: {  	v38 =	vld [tilespmem:s29+$0xCE20]  }
0x312: {  	v39 =	vld [tilespmem:s29+$0xCE30]  }
0x313: {  	v40 =	vld [tilespmem:s29+$0xCE40]  }
0x314: {  	v41 =	vld [tilespmem:s29+$0xCE50]  }
0x315: {  	v42 =	vld [tilespmem:s29+$0xCE60]  }
0x316: {  	v43 =	vld [tilespmem:s29+$0xCE70]  }
0x317: {  	v44 =	vld [tilespmem:s29+$0xD200]  }
0x318: {  	v45 =	vld [tilespmem:s29+$0xD210]  }
0x319: {  	v46 =	vld [tilespmem:s29+$0xD220]  }
0x31a: {  	v47 =	vld [tilespmem:s29+$0xD230]  }
0x31b: {  	v48 =	vld [tilespmem:s29+$0xD240]  }
0x31c: {  	v49 =	vld [tilespmem:s29+$0xD250]  }
0x31d: {  	v50 =	vld [tilespmem:s29+$0xD260]  }
0x31e: {  	v11 =	vld [tilespmem:s29+$0xD270]  }
0x31f: {  	v10 =	vld [tilespmem:s29+$0xD600]  }
0x320: {  	v9 =	vld [tilespmem:s29+$0xD610]  }
0x321: {  	v8 =	vld [tilespmem:s29+$0xD620]  }
0x322: {  	v7 =	vld [tilespmem:s29+$0xD630]  }
0x323: {  	v6 =	vld [tilespmem:s29+$0xD640]  }
0x324: {  	v51 =	vld [tilespmem:s29+$0x200]  }
0x325: {  	v52 =	vld [tilespmem:s29+$0x210]  }
0x326: {  	v53 =	vld [tilespmem:s29+$0x220]  }
0x327: {  	v54 =	vld [tilespmem:s29+$0x230]  }
0x328: {  	v55 =	vld [tilespmem:s29+$0x240]  }
0x329: {  	v62 =	vld [tilespmem:s29+$0x250];
	v12 =	vadd.f32 v12, v51  }
0x32a: {  	v63 =	vld [tilespmem:s29+$0x260];
	v13 =	vadd.f32 v13, v52  }
0x32b: {  	[tilespmem:s29+$0x200] =	vst v12;
	v12 =	vadd.f32 v14, v53;
	v14 =	vld [tilespmem:s29+$0x270]  }
0x32c: {  	[tilespmem:s29+$0x210] =	vst v13;
	v13 =	vadd.f32 v15, v54;
	v15 =	vld [tilespmem:s29+$0x600]  }
0x32d: {  	[tilespmem:s29+$0x220] =	vst v12;
	v12 =	vadd.f32 v16, v55;
	v16 =	vld [tilespmem:s29+$0x610]  }
0x32e: {  	[tilespmem:s29+$0x230] =	vst v13;
	v13 =	vadd.f32 v17, v62;
	v17 =	vld [tilespmem:s29+$0x620]  }
0x32f: {  	v5 =	vld [tilespmem:s29+$0xD650]  }
0x330: {  	[tilespmem:s29+$0x240] =	vst v12;
	v12 =	vadd.f32 v18, v63;
	v18 =	vld [tilespmem:s29+$0x670]  }
0x331: {  	[tilespmem:s29+$0x250] =	vst v13;
	v13 =	vadd.f32 v19, v14;
	v14 =	vld [tilespmem:s29+$0x630]  }
0x332: {  	[tilespmem:s29+$0x260] =	vst v12;
	v12 =	vadd.f32 v20, v15;
	v15 =	vld [tilespmem:s29+$0x640]  }
0x333: {  	[tilespmem:s29+$0x270] =	vst v13;
	v13 =	vadd.f32 v21, v16;
	v16 =	vadd.f32 v22, v17;
	v17 =	vld [tilespmem:s29+$0x660]  }
0x334: {  	[tilespmem:s29+$0x600] =	vst v12;
	v12 =	vld [tilespmem:s29+$0x650]  }
0x335: {  	[tilespmem:s29+$0x610] =	vst v13;
	v13 =	vld [tilespmem:s29+$0xA00];
	v18 =	vadd.f32 v27, v18  }
0x336: {  	[tilespmem:s29+$0x620] =	vst v16;
	v16 =	vld [tilespmem:s29+$0xA10];
	v14 =	vadd.f32 v23, v14  }
0x337: {  	v4 =	vld [tilespmem:s29+$0xD660];
	v15 =	vadd.f32 v24, v15;
	[tilespmem:s29+$0x670] =	vst v18  }
0x338: {  	[tilespmem:s29+$0x630] =	vst v14;
	v14 =	vld [tilespmem:s29+$0xA20];
	v17 =	vadd.f32 v26, v17  }
0x339: {  	v12 =	vadd.f32 v25, v12;
	[tilespmem:s29+$0x640] =	vst v15;
	v15 =	vld [tilespmem:s29+$0xA30]  }
0x33a: {  	v18 =	vld [tilespmem:s29+$0xA70];
	[tilespmem:s29+$0x660] =	vst v17;
	v13 =	vadd.f32 v28, v13  }
0x33b: {  	v16 =	vadd.f32 v29, v16;
	[tilespmem:s29+$0x650] =	vst v12;
	v12 =	vld [tilespmem:s29+$0xA40]  }
0x33c: {  	v17 =	vld [tilespmem:s29+$0xA50];
	[tilespmem:s29+$0xA00] =	vst v13  }
0x33d: {  	[tilespmem:s29+$0xA10] =	vst v16;
	v16 =	vld [tilespmem:s29+$0xA60];
	v13 =	vadd.f32 v30, v14  }
0x33e: {  	v14 =	vld [tilespmem:s29+$0xE00];
	v15 =	vadd.f32 v31, v15  }
0x33f: {  	[tilespmem:s29+$0xA20] =	vst v13;
	v13 =	vld [tilespmem:s29+$0xE10]  }
0x340: {  	v12 =	vadd.f32 v32, v12;
	[tilespmem:s29+$0xA30] =	vst v15;
	v15 =	vld [tilespmem:s29+$0xE20]  }
0x341: {  	v3 =	vld [tilespmem:s29+$0xD670];
	v17 =	vadd.f32 v33, v17  }
0x342: {  	v16 =	vadd.f32 v34, v16;
	[tilespmem:s29+$0xA40] =	vst v12;
	v12 =	vld [tilespmem:s29+$0xE30]  }
0x343: {  	[tilespmem:s29+$0xA50] =	vst v17;
	v17 =	vld [tilespmem:s29+$0xE40];
	v14 =	vadd.f32 v36, v14  }
0x344: {  	v18 =	vadd.f32 v35, v18;
	[tilespmem:s29+$0xA60] =	vst v16;
	v16 =	vld [tilespmem:s29+$0xE50]  }
0x345: {  	v13 =	vadd.f32 v37, v13;
	[tilespmem:s29+$0xE00] =	vst v14;
	v14 =	vadd.f32 v38, v15;
	v15 =	vld [tilespmem:s29+$0xE60]  }
0x346: {  	[tilespmem:s29+$0xA70] =	vst v18;
	v18 =	vld [tilespmem:s29+$0xE70]  }
0x347: {  	[tilespmem:s29+$0xE10] =	vst v13;
	v13 =	vld [tilespmem:s29+$0x1200];
	v12 =	vadd.f32 v39, v12  }
0x348: {  	v17 =	vadd.f32 v40, v17;
	[tilespmem:s29+$0xE20] =	vst v14;
	v14 =	vld [tilespmem:s29+$0x1210]  }
0x349: {  	v16 =	vadd.f32 v41, v16;
	[tilespmem:s29+$0xE30] =	vst v12;
	v12 =	vld [tilespmem:s29+$0x1220]  }
0x34a: {  	[tilespmem:s29+$0xE40] =	vst v17;
	v17 =	vld [tilespmem:s29+$0x1230];
	v15 =	vadd.f32 v42, v15  }
0x34b: {  	v19 =	vld [tilespmem:s29+$0x1240];
	[tilespmem:s29+$0xE50] =	vst v16;
	v16 =	vadd.f32 v43, v18  }
0x34c: {  	v18 =	vld [tilespmem:s29+$0x1250];
	v13 =	vadd.f32 v44, v13;
	[tilespmem:s29+$0xE60] =	vst v15  }
0x34d: {  	v20 =	vld [tilespmem:s29+$0x1260];
	[tilespmem:s29+$0xE70] =	vst v16;
	v14 =	vadd.f32 v45, v14  }
0x34e: {  	v16 =	vld [tilespmem:s29+$0x1270];
	[tilespmem:s29+$0x1200] =	vst v13;
	v12 =	vadd.f32 v46, v12  }
0x34f: {  	v15 =	vld [tilespmem:s29+$0x1600];
	v13 =	vadd.f32 v47, v17;
	[tilespmem:s29+$0x1210] =	vst v14  }
0x350: {  	v14 =	vld [tilespmem:s29+$0x1610];
	[tilespmem:s29+$0x1220] =	vst v12;
	v12 =	vadd.f32 v48, v19  }
0x351: {  	[tilespmem:s29+$0x1230] =	vst v13;
	v13 =	vld [tilespmem:s29+$0x1620];
	v18 =	vadd.f32 v49, v18  }
0x352: {  	s11 =	simm.s32 $0x1;
	v17 =	vadd.f32 v50, v20;
	[tilespmem:s29+$0x1240] =	vst v12;
	v12 =	vld [tilespmem:s29+$0x1630]  }
.LBB2_6:
0x353: {  	s12 =	sshrl.u32 s11, $0x3;
	p0 =	sne.s32 s11, $0x1F;
	[tilespmem:s29+$0x1250] =	vst v18;
	v11 =	vadd.f32 v11, v16;
	v16 =	vld [tilespmem:s29+$0x1640]  }
0x354: {  	s10 =	sadd.s32 $0x80, s10;
	s12 =	smul.u32 $0x1800, s12;
	[tilespmem:s29+$0x1260] =	vst v17;
	v10 =	vadd.f32 v10, v15;
	v15 =	vld [tilespmem:s29+$0x1650]  }
0x355: {  	s30 =	sand.u32 $0x380, s10;
	[tilespmem:s29+$0x1270] =	vst v11;
	v9 =	vadd.f32 v9, v14;
	v11 =	vld [tilespmem:s29+$0x1660]  }
0x356: {  	s12 =	sor.u32 s30, s12;
	[tilespmem:s29+$0x1600] =	vst v10;
	v8 =	vadd.f32 v8, v13;
	v10 =	vld [tilespmem:s29+$0x1670]  }
0x357: {  	v39 =	vld [tilespmem:s12+$0xC200];
	[tilespmem:s29+$0x1610] =	vst v9;
	v7 =	vadd.f32 v7, v12  }
0x358: {  	v40 =	vld [tilespmem:s12+$0xC210];
	[tilespmem:s29+$0x1620] =	vst v8;
	v6 =	vadd.f32 v6, v16  }
0x359: {  	v41 =	vld [tilespmem:s12+$0xC220];
	[tilespmem:s29+$0x1630] =	vst v7;
	v5 =	vadd.f32 v5, v15  }
0x35a: {  	v42 =	vld [tilespmem:s12+$0xC230];
	[tilespmem:s29+$0x1640] =	vst v6;
	v4 =	vadd.f32 v4, v11  }
0x35b: {  	v43 =	vld [tilespmem:s12+$0xC240];
	[tilespmem:s29+$0x1650] =	vst v5;
	v3 =	vadd.f32 v3, v10  }
0x35c: {  	v44 =	vld [tilespmem:s12+$0xC250];
	[tilespmem:s29+$0x1660] =	vst v4  }
0x35d: {  	v45 =	vld [tilespmem:s12+$0xC260];
	[tilespmem:s29+$0x1670] =	vst v3;
	s29 =	smov.u32 s12  }
0x35e: {  	v46 =	vld [tilespmem:s29+$0xC270]  }
0x35f: {  	v47 =	vld [tilespmem:s29+$0xC600]  }
0x360: {  	v48 =	vld [tilespmem:s29+$0xC610]  }
0x361: {  	v49 =	vld [tilespmem:s29+$0xC620]  }
0x362: {  	v50 =	vld [tilespmem:s29+$0xC630]  }
0x363: {  	v38 =	vld [tilespmem:s29+$0xC640]  }
0x364: {  	v37 =	vld [tilespmem:s29+$0xC650]  }
0x365: {  	v36 =	vld [tilespmem:s29+$0xC660]  }
0x366: {  	v35 =	vld [tilespmem:s29+$0xC670]  }
0x367: {  	v34 =	vld [tilespmem:s29+$0xCA00]  }
0x368: {  	v33 =	vld [tilespmem:s29+$0xCA10]  }
0x369: {  	v32 =	vld [tilespmem:s29+$0xCA20]  }
0x36a: {  	v31 =	vld [tilespmem:s29+$0xCA30]  }
0x36b: {  	v30 =	vld [tilespmem:s29+$0xCA40]  }
0x36c: {  	v29 =	vld [tilespmem:s29+$0xCA50]  }
0x36d: {  	v28 =	vld [tilespmem:s29+$0xCA60]  }
0x36e: {  	v27 =	vld [tilespmem:s29+$0xCA70]  }
0x36f: {  	v26 =	vld [tilespmem:s29+$0xCE00]  }
0x370: {  	v25 =	vld [tilespmem:s29+$0xCE10]  }
0x371: {  	v24 =	vld [tilespmem:s29+$0xCE20]  }
0x372: {  	v23 =	vld [tilespmem:s29+$0xCE30]  }
0x373: {  	v22 =	vld [tilespmem:s29+$0xCE40]  }
0x374: {  	v21 =	vld [tilespmem:s29+$0xCE50]  }
0x375: {  	v20 =	vld [tilespmem:s29+$0xCE60]  }
0x376: {  	v19 =	vld [tilespmem:s29+$0xCE70]  }
0x377: {  	v18 =	vld [tilespmem:s29+$0xD200]  }
0x378: {  	v17 =	vld [tilespmem:s29+$0xD210]  }
0x379: {  	v16 =	vld [tilespmem:s29+$0xD220]  }
0x37a: {  	v15 =	vld [tilespmem:s29+$0xD230]  }
0x37b: {  	v14 =	vld [tilespmem:s29+$0xD240]  }
0x37c: {  	v13 =	vld [tilespmem:s29+$0xD250]  }
0x37d: {  	v12 =	vld [tilespmem:s29+$0xD260]  }
0x37e: {  	v11 =	vld [tilespmem:s29+$0xD270]  }
0x37f: {  	v10 =	vld [tilespmem:s29+$0xD600]  }
0x380: {  	v9 =	vld [tilespmem:s29+$0xD610]  }
0x381: {  	v8 =	vld [tilespmem:s29+$0xD620]  }
0x382: {  	v7 =	vld [tilespmem:s29+$0xD630]  }
0x383: {  	v6 =	vld [tilespmem:s29+$0xD640]  }
0x384: {  	v5 =	vld [tilespmem:s29+$0xD650]  }
0x385: {  	v4 =	vld [tilespmem:s29+$0xD660]  }
0x386: {  	v3 =	vld [tilespmem:s29+$0xD670]  }
0x387: {  	v51 =	vld [tilespmem:s29+$0x200]  }
0x388: {  	v52 =	vld [tilespmem:s29+$0x210]  }
0x389: {  	v53 =	vld [tilespmem:s29+$0x220]  }
0x38a: {  	v54 =	vld [tilespmem:s29+$0x230]  }
0x38b: {  	v55 =	vld [tilespmem:s29+$0x240]  }
0x38c: {  	v39 =	vadd.f32 v39, v51;
	v51 =	vld [tilespmem:s29+$0x250]  }
0x38d: {  	v40 =	vadd.f32 v40, v52;
	v52 =	vld [tilespmem:s29+$0x260]  }
0x38e: {  	[tilespmem:s29+$0x200] =	vst v39;
	v39 =	vadd.f32 v41, v53;
	v41 =	vld [tilespmem:s29+$0x270]  }
0x38f: {  	[tilespmem:s29+$0x210] =	vst v40;
	v40 =	vadd.f32 v42, v54;
	v42 =	vld [tilespmem:s29+$0x600]  }
0x390: {  	[tilespmem:s29+$0x220] =	vst v39;
	v39 =	vadd.f32 v43, v55;
	v43 =	vld [tilespmem:s29+$0x610]  }
0x391: {  	[tilespmem:s29+$0x230] =	vst v40;
	v40 =	vadd.f32 v44, v51;
	v44 =	vld [tilespmem:s29+$0x620]  }
0x392: {  	[tilespmem:s29+$0x240] =	vst v39;
	v39 =	vadd.f32 v45, v52;
	v45 =	vld [tilespmem:s29+$0x630]  }
0x393: {  	[tilespmem:s29+$0x250] =	vst v40;
	v40 =	vadd.f32 v46, v41;
	v41 =	vld [tilespmem:s29+$0x640]  }
0x394: {  	[tilespmem:s29+$0x260] =	vst v39;
	v39 =	vadd.f32 v47, v42;
	v42 =	vld [tilespmem:s29+$0x650]  }
0x395: {  	[tilespmem:s29+$0x270] =	vst v40;
	v40 =	vadd.f32 v48, v43;
	v43 =	vld [tilespmem:s29+$0x660]  }
0x396: {  	[tilespmem:s29+$0x600] =	vst v39;
	v39 =	vadd.f32 v49, v44;
	v44 =	vld [tilespmem:s29+$0x670]  }
0x397: {  	[tilespmem:s29+$0x610] =	vst v40;
	v40 =	vadd.f32 v50, v45;
	v45 =	vld [tilespmem:s29+$0xA00]  }
0x398: {  	[tilespmem:s29+$0x620] =	vst v39;
	v38 =	vadd.f32 v38, v41;
	v39 =	vld [tilespmem:s29+$0xA10]  }
0x399: {  	[tilespmem:s29+$0x630] =	vst v40;
	v37 =	vadd.f32 v37, v42;
	v40 =	vld [tilespmem:s29+$0xA20]  }
0x39a: {  	[tilespmem:s29+$0x640] =	vst v38;
	v36 =	vadd.f32 v36, v43;
	v38 =	vld [tilespmem:s29+$0xA30]  }
0x39b: {  	[tilespmem:s29+$0x650] =	vst v37;
	v35 =	vadd.f32 v35, v44;
	v37 =	vld [tilespmem:s29+$0xA40]  }
0x39c: {  	[tilespmem:s29+$0x660] =	vst v36;
	v34 =	vadd.f32 v34, v45;
	v36 =	vld [tilespmem:s29+$0xA50]  }
0x39d: {  	[tilespmem:s29+$0x670] =	vst v35;
	v33 =	vadd.f32 v33, v39;
	v35 =	vld [tilespmem:s29+$0xA60]  }
0x39e: {  	[tilespmem:s29+$0xA00] =	vst v34;
	v32 =	vadd.f32 v32, v40;
	v34 =	vld [tilespmem:s29+$0xA70]  }
0x39f: {  	[tilespmem:s29+$0xA10] =	vst v33;
	v31 =	vadd.f32 v31, v38;
	v33 =	vld [tilespmem:s29+$0xE00]  }
0x3a0: {  	[tilespmem:s29+$0xA20] =	vst v32;
	v30 =	vadd.f32 v30, v37;
	v32 =	vld [tilespmem:s29+$0xE10]  }
0x3a1: {  	[tilespmem:s29+$0xA30] =	vst v31;
	v29 =	vadd.f32 v29, v36;
	v31 =	vld [tilespmem:s29+$0xE20]  }
0x3a2: {  	[tilespmem:s29+$0xA40] =	vst v30;
	v28 =	vadd.f32 v28, v35;
	v30 =	vld [tilespmem:s29+$0xE30]  }
0x3a3: {  	[tilespmem:s29+$0xA50] =	vst v29;
	v27 =	vadd.f32 v27, v34;
	v29 =	vld [tilespmem:s29+$0xE40]  }
0x3a4: {  	[tilespmem:s29+$0xA60] =	vst v28;
	v26 =	vadd.f32 v26, v33;
	v28 =	vld [tilespmem:s29+$0xE50]  }
0x3a5: {  	[tilespmem:s29+$0xA70] =	vst v27;
	v25 =	vadd.f32 v25, v32;
	v27 =	vld [tilespmem:s29+$0xE60]  }
0x3a6: {  	[tilespmem:s29+$0xE00] =	vst v26;
	v24 =	vadd.f32 v24, v31;
	v26 =	vld [tilespmem:s29+$0xE70]  }
0x3a7: {  	[tilespmem:s29+$0xE10] =	vst v25;
	v23 =	vadd.f32 v23, v30;
	v25 =	vld [tilespmem:s29+$0x1200]  }
0x3a8: {  	[tilespmem:s29+$0xE20] =	vst v24;
	v22 =	vadd.f32 v22, v29;
	v24 =	vld [tilespmem:s29+$0x1210]  }
0x3a9: {  	[tilespmem:s29+$0xE30] =	vst v23;
	v21 =	vadd.f32 v21, v28;
	v23 =	vld [tilespmem:s29+$0x1220]  }
0x3aa: {  	[tilespmem:s29+$0xE40] =	vst v22;
	v20 =	vadd.f32 v20, v27;
	v22 =	vld [tilespmem:s29+$0x1230]  }
0x3ab: {  	[tilespmem:s29+$0xE50] =	vst v21;
	v19 =	vadd.f32 v19, v26;
	v21 =	vld [tilespmem:s29+$0x1240]  }
0x3ac: {  	[tilespmem:s29+$0xE60] =	vst v20;
	v18 =	vadd.f32 v18, v25;
	v20 =	vld [tilespmem:s29+$0x1250]  }
0x3ad: {  	[tilespmem:s29+$0xE70] =	vst v19;
	v17 =	vadd.f32 v17, v24;
	v19 =	vld [tilespmem:s29+$0x1260]  }
.Ltmp2:
0x3ae: {  	[tilespmem:s29+$0x1200] =	vst v18;
	v18 =	vadd.f32 v16, v23;
	v16 =	vld [tilespmem:s29+$0x1270];
	(pc) =	sbr.rel @p0 .LBB2_6-.Ltmp2, $4  }
0x3af: {  	[tilespmem:s29+$0x1210] =	vst v17;
	v17 =	vadd.f32 v15, v22;
	v15 =	vld [tilespmem:s29+$0x1600]  }
0x3b0: {  	[tilespmem:s29+$0x1220] =	vst v18;
	v21 =	vadd.f32 v14, v21;
	v14 =	vld [tilespmem:s29+$0x1610]  }
0x3b1: {  	[tilespmem:s29+$0x1230] =	vst v17;
	v18 =	vadd.f32 v13, v20;
	v13 =	vld [tilespmem:s29+$0x1620]  }
0x3b2: {  	s11 =	sadd.s32 $0x1, s11;
	[tilespmem:s29+$0x1240] =	vst v21;
	v17 =	vadd.f32 v12, v19;
	v12 =	vld [tilespmem:s29+$0x1630]  }
0x3b3: {  	[tilespmem:s29+$0x1250] =	vst v18;
	v18 =	vld [tilespmem:s29+$0x1640];
	v11 =	vadd.f32 v11, v16  }
0x3b4: {  	v16 =	vld [tilespmem:s29+$0x1650];
	[tilespmem:s29+$0x1260] =	vst v17;
	v10 =	vadd.f32 v10, v15  }
0x3b5: {  	[tilespmem:s29+$0x1270] =	vst v11;
	v9 =	vadd.f32 v9, v14;
	v11 =	vld [tilespmem:s29+$0x1660]  }
0x3b6: {  	[tilespmem:s29+$0x1600] =	vst v10;
	v8 =	vadd.f32 v8, v13;
	v10 =	vld [tilespmem:s29+$0x1670]  }
0x3b7: {  	[tilespmem:s29+$0x1610] =	vst v9;
	v7 =	vadd.f32 v7, v12  }
0x3b8: {  	[tilespmem:s29+$0x1620] =	vst v8;
	v6 =	vadd.f32 v6, v18  }
0x3b9: {  	s10 =	simm.s32 $0x4;
	v5 =	vadd.f32 v5, v16;
	[tilespmem:s29+$0x1630] =	vst v7  }
0x3ba: {  	s11 =	simm.s32 $0x1000;
	s10 =	smul.u32 $0x1800, s10;
	[tilespmem:s29+$0x1640] =	vst v6;
	v4 =	vadd.f32 v4, v11  }
0x3bb: {  	s12 =	sand.u32 $0x380, s11;
	[tilespmem:s29+$0x1650] =	vst v5;
	v3 =	vadd.f32 v3, v10  }
0x3bc: {  	s10 =	sor.u32 s12, s10;
	[tilespmem:s29+$0x1660] =	vst v4  }
0x3bd: {  	[tilespmem:s29+$0x1670] =	vst v3;
	v54 =	vld [tilespmem:s10+$0x230]  }
0x3be: {  	v12 =	vld [tilespmem:s10+$0xC200]  }
0x3bf: {  	v13 =	vld [tilespmem:s10+$0xC210]  }
0x3c0: {  	v14 =	vld [tilespmem:s10+$0xC220]  }
0x3c1: {  	v15 =	vld [tilespmem:s10+$0xC230]  }
0x3c2: {  	v16 =	vld [tilespmem:s10+$0xC240]  }
0x3c3: {  	v17 =	vld [tilespmem:s10+$0xC250]  }
0x3c4: {  	v18 =	vld [tilespmem:s10+$0xC260]  }
0x3c5: {  	v19 =	vld [tilespmem:s10+$0xC270]  }
0x3c6: {  	v20 =	vld [tilespmem:s10+$0xC600]  }
0x3c7: {  	v21 =	vld [tilespmem:s10+$0xC610]  }
0x3c8: {  	v22 =	vld [tilespmem:s10+$0xC620]  }
0x3c9: {  	v23 =	vld [tilespmem:s10+$0xC630]  }
0x3ca: {  	v24 =	vld [tilespmem:s10+$0xC640]  }
0x3cb: {  	v25 =	vld [tilespmem:s10+$0xC650]  }
0x3cc: {  	v26 =	vld [tilespmem:s10+$0xC660]  }
0x3cd: {  	v27 =	vld [tilespmem:s10+$0xC670]  }
0x3ce: {  	v28 =	vld [tilespmem:s10+$0xCA00]  }
0x3cf: {  	v29 =	vld [tilespmem:s10+$0xCA10]  }
0x3d0: {  	v30 =	vld [tilespmem:s10+$0xCA20]  }
0x3d1: {  	v31 =	vld [tilespmem:s10+$0xCA30]  }
0x3d2: {  	v32 =	vld [tilespmem:s10+$0xCA40]  }
0x3d3: {  	v33 =	vld [tilespmem:s10+$0xCA50]  }
0x3d4: {  	v34 =	vld [tilespmem:s10+$0xCA60]  }
0x3d5: {  	v35 =	vld [tilespmem:s10+$0xCA70]  }
0x3d6: {  	v36 =	vld [tilespmem:s10+$0xCE00]  }
0x3d7: {  	v37 =	vld [tilespmem:s10+$0xCE10]  }
0x3d8: {  	v38 =	vld [tilespmem:s10+$0xCE20]  }
0x3d9: {  	v39 =	vld [tilespmem:s10+$0xCE30]  }
0x3da: {  	v40 =	vld [tilespmem:s10+$0xCE40]  }
0x3db: {  	v41 =	vld [tilespmem:s10+$0xCE50]  }
0x3dc: {  	v42 =	vld [tilespmem:s10+$0xCE60]  }
0x3dd: {  	v43 =	vld [tilespmem:s10+$0xCE70]  }
0x3de: {  	v44 =	vld [tilespmem:s10+$0xD200]  }
0x3df: {  	v45 =	vld [tilespmem:s10+$0xD210]  }
0x3e0: {  	v46 =	vld [tilespmem:s10+$0xD220]  }
0x3e1: {  	v47 =	vld [tilespmem:s10+$0xD230]  }
0x3e2: {  	v48 =	vld [tilespmem:s10+$0xD240]  }
0x3e3: {  	v49 =	vld [tilespmem:s10+$0xD250]  }
0x3e4: {  	v50 =	vld [tilespmem:s10+$0xD260]  }
0x3e5: {  	v11 =	vld [tilespmem:s10+$0xD270]  }
0x3e6: {  	v10 =	vld [tilespmem:s10+$0xD600]  }
0x3e7: {  	v9 =	vld [tilespmem:s10+$0xD610]  }
0x3e8: {  	v8 =	vld [tilespmem:s10+$0xD620]  }
0x3e9: {  	v7 =	vld [tilespmem:s10+$0xD630]  }
0x3ea: {  	v51 =	vld [tilespmem:s10+$0x200]  }
0x3eb: {  	v52 =	vld [tilespmem:s10+$0x210]  }
0x3ec: {  	v53 =	vld [tilespmem:s10+$0x220]  }
0x3ed: {  	v6 =	vld [tilespmem:s10+$0xD640]  }
0x3ee: {  	v55 =	vld [tilespmem:s10+$0x240]  }
0x3ef: {  	v62 =	vld [tilespmem:s10+$0x250];
	v12 =	vadd.f32 v12, v51  }
0x3f0: {  	v63 =	vld [tilespmem:s10+$0x260];
	v13 =	vadd.f32 v13, v52  }
0x3f1: {  	[tilespmem:s10+$0x200] =	vst v12;
	v12 =	vadd.f32 v14, v53;
	v14 =	vld [tilespmem:s10+$0x270]  }
0x3f2: {  	[tilespmem:s10+$0x210] =	vst v13;
	v13 =	vadd.f32 v15, v54;
	v15 =	vld [tilespmem:s10+$0x600]  }
0x3f3: {  	[tilespmem:s10+$0x220] =	vst v12;
	v12 =	vadd.f32 v16, v55;
	v16 =	vld [tilespmem:s10+$0x610]  }
0x3f4: {  	[tilespmem:s10+$0x230] =	vst v13;
	v13 =	vadd.f32 v17, v62;
	v17 =	vld [tilespmem:s10+$0x620]  }
0x3f5: {  	v5 =	vld [tilespmem:s10+$0xD650]  }
0x3f6: {  	[tilespmem:s10+$0x240] =	vst v12;
	v12 =	vadd.f32 v18, v63;
	v18 =	vld [tilespmem:s10+$0x670]  }
0x3f7: {  	[tilespmem:s10+$0x250] =	vst v13;
	v13 =	vadd.f32 v19, v14;
	v14 =	vld [tilespmem:s10+$0x630]  }
0x3f8: {  	[tilespmem:s10+$0x260] =	vst v12;
	v12 =	vadd.f32 v20, v15;
	v15 =	vld [tilespmem:s10+$0x640]  }
0x3f9: {  	[tilespmem:s10+$0x270] =	vst v13;
	v13 =	vadd.f32 v21, v16;
	v16 =	vadd.f32 v22, v17;
	v17 =	vld [tilespmem:s10+$0x660]  }
0x3fa: {  	[tilespmem:s10+$0x600] =	vst v12;
	v12 =	vld [tilespmem:s10+$0x650]  }
0x3fb: {  	[tilespmem:s10+$0x610] =	vst v13;
	v13 =	vld [tilespmem:s10+$0xA00];
	v18 =	vadd.f32 v27, v18  }
0x3fc: {  	[tilespmem:s10+$0x620] =	vst v16;
	v16 =	vld [tilespmem:s10+$0xA10];
	v14 =	vadd.f32 v23, v14  }
0x3fd: {  	v4 =	vld [tilespmem:s10+$0xD660];
	v15 =	vadd.f32 v24, v15;
	[tilespmem:s10+$0x670] =	vst v18  }
0x3fe: {  	[tilespmem:s10+$0x630] =	vst v14;
	v14 =	vld [tilespmem:s10+$0xA20];
	v17 =	vadd.f32 v26, v17  }
0x3ff: {  	v12 =	vadd.f32 v25, v12;
	[tilespmem:s10+$0x640] =	vst v15;
	v15 =	vld [tilespmem:s10+$0xA30]  }
0x400: {  	v18 =	vld [tilespmem:s10+$0xA70];
	[tilespmem:s10+$0x660] =	vst v17;
	v13 =	vadd.f32 v28, v13  }
0x401: {  	v16 =	vadd.f32 v29, v16;
	[tilespmem:s10+$0x650] =	vst v12;
	v12 =	vld [tilespmem:s10+$0xA40]  }
0x402: {  	v17 =	vld [tilespmem:s10+$0xA50];
	[tilespmem:s10+$0xA00] =	vst v13  }
0x403: {  	[tilespmem:s10+$0xA10] =	vst v16;
	v16 =	vld [tilespmem:s10+$0xA60];
	v13 =	vadd.f32 v30, v14  }
0x404: {  	v14 =	vld [tilespmem:s10+$0xE00];
	v15 =	vadd.f32 v31, v15  }
0x405: {  	[tilespmem:s10+$0xA20] =	vst v13;
	v13 =	vld [tilespmem:s10+$0xE10]  }
0x406: {  	v12 =	vadd.f32 v32, v12;
	[tilespmem:s10+$0xA30] =	vst v15;
	v15 =	vld [tilespmem:s10+$0xE20]  }
0x407: {  	v3 =	vld [tilespmem:s10+$0xD670];
	v17 =	vadd.f32 v33, v17  }
0x408: {  	v16 =	vadd.f32 v34, v16;
	[tilespmem:s10+$0xA40] =	vst v12;
	v12 =	vld [tilespmem:s10+$0xE30]  }
0x409: {  	[tilespmem:s10+$0xA50] =	vst v17;
	v17 =	vld [tilespmem:s10+$0xE40];
	v14 =	vadd.f32 v36, v14  }
0x40a: {  	v18 =	vadd.f32 v35, v18;
	[tilespmem:s10+$0xA60] =	vst v16;
	v16 =	vld [tilespmem:s10+$0xE50]  }
0x40b: {  	v13 =	vadd.f32 v37, v13;
	[tilespmem:s10+$0xE00] =	vst v14;
	v14 =	vadd.f32 v38, v15;
	v15 =	vld [tilespmem:s10+$0xE60]  }
0x40c: {  	[tilespmem:s10+$0xA70] =	vst v18;
	v18 =	vld [tilespmem:s10+$0xE70]  }
0x40d: {  	[tilespmem:s10+$0xE10] =	vst v13;
	v13 =	vld [tilespmem:s10+$0x1200];
	v12 =	vadd.f32 v39, v12  }
0x40e: {  	v17 =	vadd.f32 v40, v17;
	[tilespmem:s10+$0xE20] =	vst v14;
	v14 =	vld [tilespmem:s10+$0x1210]  }
0x40f: {  	v16 =	vadd.f32 v41, v16;
	[tilespmem:s10+$0xE30] =	vst v12;
	v12 =	vld [tilespmem:s10+$0x1220]  }
0x410: {  	[tilespmem:s10+$0xE40] =	vst v17;
	v17 =	vld [tilespmem:s10+$0x1230];
	v15 =	vadd.f32 v42, v15  }
0x411: {  	v19 =	vld [tilespmem:s10+$0x1240];
	[tilespmem:s10+$0xE50] =	vst v16;
	v16 =	vadd.f32 v43, v18  }
0x412: {  	v18 =	vld [tilespmem:s10+$0x1250];
	v13 =	vadd.f32 v44, v13;
	[tilespmem:s10+$0xE60] =	vst v15  }
0x413: {  	v20 =	vld [tilespmem:s10+$0x1260];
	[tilespmem:s10+$0xE70] =	vst v16;
	v14 =	vadd.f32 v45, v14  }
0x414: {  	v16 =	vld [tilespmem:s10+$0x1270];
	[tilespmem:s10+$0x1200] =	vst v13;
	v12 =	vadd.f32 v46, v12  }
0x415: {  	v15 =	vld [tilespmem:s10+$0x1600];
	v13 =	vadd.f32 v47, v17;
	[tilespmem:s10+$0x1210] =	vst v14  }
0x416: {  	v14 =	vld [tilespmem:s10+$0x1610];
	[tilespmem:s10+$0x1220] =	vst v12;
	v12 =	vadd.f32 v48, v19  }
0x417: {  	[tilespmem:s10+$0x1230] =	vst v13;
	v13 =	vld [tilespmem:s10+$0x1620];
	v18 =	vadd.f32 v49, v18  }
0x418: {  	s29 =	simm.s32 $0x21;
	v17 =	vadd.f32 v50, v20;
	[tilespmem:s10+$0x1240] =	vst v12;
	v12 =	vld [tilespmem:s10+$0x1630]  }
.LBB2_8:
0x419: {  	s12 =	sshrl.u32 s29, $0x3;
	p0 =	sne.s32 s29, $0x3F;
	[tilespmem:s10+$0x1250] =	vst v18;
	v11 =	vadd.f32 v11, v16;
	v16 =	vld [tilespmem:s10+$0x1640]  }
0x41a: {  	s11 =	sadd.s32 $0x80, s11;
	s12 =	smul.u32 $0x1800, s12;
	[tilespmem:s10+$0x1260] =	vst v17;
	v10 =	vadd.f32 v10, v15;
	v15 =	vld [tilespmem:s10+$0x1650]  }
0x41b: {  	s30 =	sand.u32 $0x380, s11;
	[tilespmem:s10+$0x1270] =	vst v11;
	v9 =	vadd.f32 v9, v14;
	v11 =	vld [tilespmem:s10+$0x1660]  }
0x41c: {  	s12 =	sor.u32 s30, s12;
	[tilespmem:s10+$0x1600] =	vst v10;
	v8 =	vadd.f32 v8, v13;
	v10 =	vld [tilespmem:s10+$0x1670]  }
0x41d: {  	v39 =	vld [tilespmem:s12+$0xC200];
	[tilespmem:s10+$0x1610] =	vst v9;
	v7 =	vadd.f32 v7, v12  }
0x41e: {  	v40 =	vld [tilespmem:s12+$0xC210];
	[tilespmem:s10+$0x1620] =	vst v8;
	v6 =	vadd.f32 v6, v16  }
0x41f: {  	v41 =	vld [tilespmem:s12+$0xC220];
	[tilespmem:s10+$0x1630] =	vst v7;
	v5 =	vadd.f32 v5, v15  }
0x420: {  	v42 =	vld [tilespmem:s12+$0xC230];
	[tilespmem:s10+$0x1640] =	vst v6;
	v4 =	vadd.f32 v4, v11  }
0x421: {  	v43 =	vld [tilespmem:s12+$0xC240];
	[tilespmem:s10+$0x1650] =	vst v5;
	v3 =	vadd.f32 v3, v10  }
0x422: {  	v44 =	vld [tilespmem:s12+$0xC250];
	[tilespmem:s10+$0x1660] =	vst v4  }
0x423: {  	v45 =	vld [tilespmem:s12+$0xC260];
	[tilespmem:s10+$0x1670] =	vst v3;
	s10 =	smov.u32 s12  }
0x424: {  	v46 =	vld [tilespmem:s10+$0xC270]  }
0x425: {  	v47 =	vld [tilespmem:s10+$0xC600]  }
0x426: {  	v48 =	vld [tilespmem:s10+$0xC610]  }
0x427: {  	v49 =	vld [tilespmem:s10+$0xC620]  }
0x428: {  	v50 =	vld [tilespmem:s10+$0xC630]  }
0x429: {  	v38 =	vld [tilespmem:s10+$0xC640]  }
0x42a: {  	v37 =	vld [tilespmem:s10+$0xC650]  }
0x42b: {  	v36 =	vld [tilespmem:s10+$0xC660]  }
0x42c: {  	v35 =	vld [tilespmem:s10+$0xC670]  }
0x42d: {  	v34 =	vld [tilespmem:s10+$0xCA00]  }
0x42e: {  	v33 =	vld [tilespmem:s10+$0xCA10]  }
0x42f: {  	v32 =	vld [tilespmem:s10+$0xCA20]  }
0x430: {  	v31 =	vld [tilespmem:s10+$0xCA30]  }
0x431: {  	v30 =	vld [tilespmem:s10+$0xCA40]  }
0x432: {  	v29 =	vld [tilespmem:s10+$0xCA50]  }
0x433: {  	v28 =	vld [tilespmem:s10+$0xCA60]  }
0x434: {  	v27 =	vld [tilespmem:s10+$0xCA70]  }
0x435: {  	v26 =	vld [tilespmem:s10+$0xCE00]  }
0x436: {  	v25 =	vld [tilespmem:s10+$0xCE10]  }
0x437: {  	v24 =	vld [tilespmem:s10+$0xCE20]  }
0x438: {  	v23 =	vld [tilespmem:s10+$0xCE30]  }
0x439: {  	v22 =	vld [tilespmem:s10+$0xCE40]  }
0x43a: {  	v21 =	vld [tilespmem:s10+$0xCE50]  }
0x43b: {  	v20 =	vld [tilespmem:s10+$0xCE60]  }
0x43c: {  	v19 =	vld [tilespmem:s10+$0xCE70]  }
0x43d: {  	v18 =	vld [tilespmem:s10+$0xD200]  }
0x43e: {  	v17 =	vld [tilespmem:s10+$0xD210]  }
0x43f: {  	v16 =	vld [tilespmem:s10+$0xD220]  }
0x440: {  	v15 =	vld [tilespmem:s10+$0xD230]  }
0x441: {  	v14 =	vld [tilespmem:s10+$0xD240]  }
0x442: {  	v13 =	vld [tilespmem:s10+$0xD250]  }
0x443: {  	v12 =	vld [tilespmem:s10+$0xD260]  }
0x444: {  	v11 =	vld [tilespmem:s10+$0xD270]  }
0x445: {  	v10 =	vld [tilespmem:s10+$0xD600]  }
0x446: {  	v9 =	vld [tilespmem:s10+$0xD610]  }
0x447: {  	v8 =	vld [tilespmem:s10+$0xD620]  }
0x448: {  	v7 =	vld [tilespmem:s10+$0xD630]  }
0x449: {  	v6 =	vld [tilespmem:s10+$0xD640]  }
0x44a: {  	v5 =	vld [tilespmem:s10+$0xD650]  }
0x44b: {  	v4 =	vld [tilespmem:s10+$0xD660]  }
0x44c: {  	v3 =	vld [tilespmem:s10+$0xD670]  }
0x44d: {  	v51 =	vld [tilespmem:s10+$0x200]  }
0x44e: {  	v52 =	vld [tilespmem:s10+$0x210]  }
0x44f: {  	v53 =	vld [tilespmem:s10+$0x220]  }
0x450: {  	v54 =	vld [tilespmem:s10+$0x230]  }
0x451: {  	v55 =	vld [tilespmem:s10+$0x240]  }
0x452: {  	v39 =	vadd.f32 v39, v51;
	v51 =	vld [tilespmem:s10+$0x250]  }
0x453: {  	v40 =	vadd.f32 v40, v52;
	v52 =	vld [tilespmem:s10+$0x260]  }
0x454: {  	[tilespmem:s10+$0x200] =	vst v39;
	v39 =	vadd.f32 v41, v53;
	v41 =	vld [tilespmem:s10+$0x270]  }
0x455: {  	[tilespmem:s10+$0x210] =	vst v40;
	v40 =	vadd.f32 v42, v54;
	v42 =	vld [tilespmem:s10+$0x600]  }
0x456: {  	[tilespmem:s10+$0x220] =	vst v39;
	v39 =	vadd.f32 v43, v55;
	v43 =	vld [tilespmem:s10+$0x610]  }
0x457: {  	[tilespmem:s10+$0x230] =	vst v40;
	v40 =	vadd.f32 v44, v51;
	v44 =	vld [tilespmem:s10+$0x620]  }
0x458: {  	[tilespmem:s10+$0x240] =	vst v39;
	v39 =	vadd.f32 v45, v52;
	v45 =	vld [tilespmem:s10+$0x630]  }
0x459: {  	[tilespmem:s10+$0x250] =	vst v40;
	v40 =	vadd.f32 v46, v41;
	v41 =	vld [tilespmem:s10+$0x640]  }
0x45a: {  	[tilespmem:s10+$0x260] =	vst v39;
	v39 =	vadd.f32 v47, v42;
	v42 =	vld [tilespmem:s10+$0x650]  }
0x45b: {  	[tilespmem:s10+$0x270] =	vst v40;
	v40 =	vadd.f32 v48, v43;
	v43 =	vld [tilespmem:s10+$0x660]  }
0x45c: {  	[tilespmem:s10+$0x600] =	vst v39;
	v39 =	vadd.f32 v49, v44;
	v44 =	vld [tilespmem:s10+$0x670]  }
0x45d: {  	[tilespmem:s10+$0x610] =	vst v40;
	v40 =	vadd.f32 v50, v45;
	v45 =	vld [tilespmem:s10+$0xA00]  }
0x45e: {  	[tilespmem:s10+$0x620] =	vst v39;
	v38 =	vadd.f32 v38, v41;
	v39 =	vld [tilespmem:s10+$0xA10]  }
0x45f: {  	[tilespmem:s10+$0x630] =	vst v40;
	v37 =	vadd.f32 v37, v42;
	v40 =	vld [tilespmem:s10+$0xA20]  }
0x460: {  	[tilespmem:s10+$0x640] =	vst v38;
	v36 =	vadd.f32 v36, v43;
	v38 =	vld [tilespmem:s10+$0xA30]  }
0x461: {  	[tilespmem:s10+$0x650] =	vst v37;
	v35 =	vadd.f32 v35, v44;
	v37 =	vld [tilespmem:s10+$0xA40]  }
0x462: {  	[tilespmem:s10+$0x660] =	vst v36;
	v34 =	vadd.f32 v34, v45;
	v36 =	vld [tilespmem:s10+$0xA50]  }
0x463: {  	[tilespmem:s10+$0x670] =	vst v35;
	v33 =	vadd.f32 v33, v39;
	v35 =	vld [tilespmem:s10+$0xA60]  }
0x464: {  	[tilespmem:s10+$0xA00] =	vst v34;
	v32 =	vadd.f32 v32, v40;
	v34 =	vld [tilespmem:s10+$0xA70]  }
0x465: {  	[tilespmem:s10+$0xA10] =	vst v33;
	v31 =	vadd.f32 v31, v38;
	v33 =	vld [tilespmem:s10+$0xE00]  }
0x466: {  	[tilespmem:s10+$0xA20] =	vst v32;
	v30 =	vadd.f32 v30, v37;
	v32 =	vld [tilespmem:s10+$0xE10]  }
0x467: {  	[tilespmem:s10+$0xA30] =	vst v31;
	v29 =	vadd.f32 v29, v36;
	v31 =	vld [tilespmem:s10+$0xE20]  }
0x468: {  	[tilespmem:s10+$0xA40] =	vst v30;
	v28 =	vadd.f32 v28, v35;
	v30 =	vld [tilespmem:s10+$0xE30]  }
0x469: {  	[tilespmem:s10+$0xA50] =	vst v29;
	v27 =	vadd.f32 v27, v34;
	v29 =	vld [tilespmem:s10+$0xE40]  }
0x46a: {  	[tilespmem:s10+$0xA60] =	vst v28;
	v26 =	vadd.f32 v26, v33;
	v28 =	vld [tilespmem:s10+$0xE50]  }
0x46b: {  	[tilespmem:s10+$0xA70] =	vst v27;
	v25 =	vadd.f32 v25, v32;
	v27 =	vld [tilespmem:s10+$0xE60]  }
0x46c: {  	[tilespmem:s10+$0xE00] =	vst v26;
	v24 =	vadd.f32 v24, v31;
	v26 =	vld [tilespmem:s10+$0xE70]  }
0x46d: {  	[tilespmem:s10+$0xE10] =	vst v25;
	v23 =	vadd.f32 v23, v30;
	v25 =	vld [tilespmem:s10+$0x1200]  }
0x46e: {  	[tilespmem:s10+$0xE20] =	vst v24;
	v22 =	vadd.f32 v22, v29;
	v24 =	vld [tilespmem:s10+$0x1210]  }
0x46f: {  	[tilespmem:s10+$0xE30] =	vst v23;
	v21 =	vadd.f32 v21, v28;
	v23 =	vld [tilespmem:s10+$0x1220]  }
0x470: {  	[tilespmem:s10+$0xE40] =	vst v22;
	v20 =	vadd.f32 v20, v27;
	v22 =	vld [tilespmem:s10+$0x1230]  }
0x471: {  	[tilespmem:s10+$0xE50] =	vst v21;
	v19 =	vadd.f32 v19, v26;
	v21 =	vld [tilespmem:s10+$0x1240]  }
0x472: {  	[tilespmem:s10+$0xE60] =	vst v20;
	v18 =	vadd.f32 v18, v25;
	v20 =	vld [tilespmem:s10+$0x1250]  }
0x473: {  	[tilespmem:s10+$0xE70] =	vst v19;
	v17 =	vadd.f32 v17, v24;
	v19 =	vld [tilespmem:s10+$0x1260]  }
.Ltmp3:
0x474: {  	[tilespmem:s10+$0x1200] =	vst v18;
	v18 =	vadd.f32 v16, v23;
	v16 =	vld [tilespmem:s10+$0x1270];
	(pc) =	sbr.rel @p0 .LBB2_8-.Ltmp3, $4  }
0x475: {  	[tilespmem:s10+$0x1210] =	vst v17;
	v17 =	vadd.f32 v15, v22;
	v15 =	vld [tilespmem:s10+$0x1600]  }
0x476: {  	[tilespmem:s10+$0x1220] =	vst v18;
	v21 =	vadd.f32 v14, v21;
	v14 =	vld [tilespmem:s10+$0x1610]  }
0x477: {  	[tilespmem:s10+$0x1230] =	vst v17;
	v18 =	vadd.f32 v13, v20;
	v13 =	vld [tilespmem:s10+$0x1620]  }
0x478: {  	s29 =	sadd.s32 $0x1, s29;
	[tilespmem:s10+$0x1240] =	vst v21;
	v17 =	vadd.f32 v12, v19;
	v12 =	vld [tilespmem:s10+$0x1630]  }
0x479: {  	[tilespmem:s10+$0x1250] =	vst v18;
	v60 =	vld [tilespmem:s10+$0x1640];
	v11 =	vadd.f32 v11, v16  }
0x47a: {  	v61 =	vld [tilespmem:s10+$0x1650];
	[tilespmem:s10+$0x1260] =	vst v17;
	v10 =	vadd.f32 v10, v15  }
0x47b: {  	v62 =	vld [tilespmem:s10+$0x1660];
	[tilespmem:s10+$0x1270] =	vst v11;
	v9 =	vadd.f32 v9, v14  }
0x47c: {  	v63 =	vld [tilespmem:s10+$0x1670];
	[tilespmem:s10+$0x1600] =	vst v10;
	v8 =	vadd.f32 v8, v13  }
0x47d: {  	[tilespmem:s10+$0x1610] =	vst v9;
	v7 =	vadd.f32 v7, v12  }
0x47e: {  	[tilespmem:s10+$0x1620] =	vst v8;
	v6 =	vadd.f32 v6, v60  }
0x47f: {  	v5 =	vadd.f32 v5, v61;
	[tilespmem:s10+$0x1630] =	vst v7  }
0x480: {  	v4 =	vadd.f32 v4, v62;
	[tilespmem:s10+$0x1640] =	vst v6  }
0x481: {  	v3 =	vadd.f32 v3, v63;
	[tilespmem:s10+$0x1650] =	vst v5  }
0x482: {  	[tilespmem:s10+$0x1660] =	vst v4  }
0x483: {  	s29 =	rddreg [dreg:$0x8];
	[tilespmem:s10+$0x1670] =	vst v3  }
0x484: {  	[hbm4b:s29+s2] =	stream.linear.scatter [tilespmem:s17], [sflag:$0x3], $0xC000, $0x38;
	[tilespmem:$0x18200] =	vst v63  }
0x485: {  	_ =	swait.ge [sflag:s26], $0xC000  }
0x486: {  	s28 =	sadd.s32 $0x1, s28;
	s30 =	rddreg [dreg:$0x9]  }
0x487: {  	p0 =	sne.s32 s28, s30  }
.Ltmp4:
0x488: {  	_ = 	snop;
	(pc) =	sbr.rel @p0 .LBB2_1-.Ltmp4, $3  }
0x489: {  	_ =	sdelay $0x1  }
0x48a: {  	[sflag:s26] =	ssyncset.done $0x0  }
0x48b: {  	[sflag:s26] =	ssyncadd.s32 $0xFFFF4000  }
0x48c: {  	_ =	sfence.sel $0x180000  }
0x48d: {  	[bflag:$0x0] =	sbarrier.arrive $0xFFFF  }
0x48e: {  	_ =	strace $0x9000004A  }
0x48f: {  	s0 =	stileid.u32;
	[bflag:$0x2] =	sbarrier.arrive $0xFFFF  }
0x490: {  	p0 =	sne.s32 s0, $0x0;
	s0 =	rddreg [dreg:$0x2]  }
0x491: {  	s0 =	sadd.s32 @!p0 $0x100000, s0  }
0x492: {  	[sflag:s0] =	ssyncadd.tile.s32 @!p0 $0x1;
	_ =	shalt  }
.Lfunc_end2:
_tile_overlayer_lowered:
.L_overlay_start_2:
0x493: {  	(tag) =	ssettag $0x2  }
0x494: {  	s0 =	rddreg [dreg:$0x0];
	s2 =	stileid.u32  }
0x495: {  	s1 =	rddreg [dreg:$0x1];
	p0 =	sne.s32 s2, $0x0  }
0x496: {  	s3 =	rddreg [dreg:$0x2];
	[bflag:$0x3] =	sbarrier.arrive $0xFFFF;
	s2 =	simm.s32 @!p0 $0x1C04  }
0x497: {  	[timem:s3], [sflag:s2] =	dma.local @!p0 [hbm:s0], s1  }
0x498: {  	s0 =	simm.s32 @!p0 $0x4  }
0x499: {  	_ =	swait.ge @!p0 [sflag:s0], s1  }
0x49a: {  	s1 =	ssub.s32 @!p0 $0x0, s1;
	[sflag:s0] =	ssyncset.done @!p0 $0x0  }
0x49b: {  	[sflag:s0] =	ssyncadd.s32 @!p0 s1  }
0x49c: {  	[bflag:$0x3] =	sbarrier.arrive $0xFFFF  }
0x49d: {  	_ =	shalt  }

</sc_bundles>
